<compile_context>
chip_gen: v7x
topology: tpu7x:2x2x1
jax: 0.10.2.dev20260603
libtpu: 0.0.44.dev20260713+nightly
codegen_flags: <defaults>
</compile_context>

<pallas_src>
import functools

import jax
import jax.numpy as jnp
from jax import lax
from jax.experimental import pallas as pl
from jax.experimental.pallas import tpu as pltpu
from jax.experimental.pallas import tpu_sc as plsc

_N = 10000
_E = 320000
_H = 128
_NG = 16
_OUT = 10

_NTILES = 32
_EPAD = 327680
_CHUNK = 128
_HH = 64
_CPT = _EPAD // 16
_CR = 128
_NSC = _CPT // _CR
_NB = 8
_NGRP = _NSC // _NB
_IPG = _NB
_NP = 10240
_STRIPE = _NP // 16

_BLK = 1000
_NBLK = _N // _BLK


def _sc_body(x_hbm, src2_hbm, dst2_hbm, zeros_hbm, out_hbm,
             sidx0, sidx1, didx0, didx1, rows, acc,
             sg0, sg1, sg2, sg3, sg5, sg6, sg7, sg8,
             ss0, ss1, ss2, ss3, ss5, ss6, ss7, ss8,
             sis0, sid0, sis1, sid1):
  c = lax.axis_index("c")
  s = lax.axis_index("s")
  base = s * _NSC
  sem_g = (sg0, sg1, sg2, sg3, sg5, sg6, sg7, sg8)
  sem_s = (ss0, ss1, ss2, ss3, ss5, ss6, ss7, ss8)

  pltpu.sync_copy(zeros_hbm, rows.at[0, pl.ds(0, _CHUNK)])
  for j in range(_STRIPE // _CHUNK):
    pltpu.sync_copy(rows.at[0, pl.ds(0, _CHUNK)],
                    acc.at[pl.ds(s * _STRIPE + j * _CHUNK, _CHUNK)])
  plsc.subcore_barrier()

  pltpu.async_copy(src2_hbm.at[c, pl.ds(base, _IPG)], sidx0, sis0)
  pltpu.async_copy(dst2_hbm.at[pl.ds(base, _IPG)], didx0, sid0)
  pltpu.make_async_copy(src2_hbm.at[c, pl.ds(base, _IPG)], sidx0, sis0).wait()
  pltpu.make_async_copy(dst2_hbm.at[pl.ds(base, _IPG)], didx0, sid0).wait()
  for b in range(_NB):
    pltpu.async_copy(x_hbm.at[sidx0.at[b]], rows.at[b], sem_g[b])

  def _half(g, sidx_c, didx_c, sidx_n, didx_n, sis_n, sid_n, last):
    for b in range(_NB):
      pltpu.make_async_copy(x_hbm.at[sidx_c.at[0]],
                            rows.at[b], sem_g[b]).wait()
      pltpu.async_copy(rows.at[b], acc.at[didx_c.at[b]],
                       sem_s[b], add=True)

    @pl.when(jnp.logical_not(last))
    def _():
      pltpu.async_copy(src2_hbm.at[c, pl.ds(base + (g + 1) * _IPG, _IPG)],
                       sidx_n, sis_n)
      pltpu.async_copy(dst2_hbm.at[pl.ds(base + (g + 1) * _IPG, _IPG)],
                       didx_n, sid_n)

    for b in range(_NB):
      pltpu.make_async_copy(rows.at[b], acc.at[didx_c.at[0]],
                            sem_s[b]).wait()
      if b == 0:
        @pl.when(jnp.logical_not(last))
        def _():
          pltpu.make_async_copy(
              src2_hbm.at[c, pl.ds(base, _IPG)], sidx_n, sis_n).wait()
          pltpu.make_async_copy(
              dst2_hbm.at[pl.ds(base, _IPG)], didx_n, sid_n).wait()

      @pl.when(jnp.logical_not(last))
      def _():
        pltpu.async_copy(x_hbm.at[sidx_n.at[b]],
                         rows.at[b], sem_g[b])

  def body(t, carry):
    g0 = 2 * t
    _half(g0, sidx0, didx0, sidx1, didx1, sis1, sid1, g0 >= _NGRP - 1)
    _half(g0 + 1, sidx1, didx1, sidx0, didx0, sis0, sid0, g0 + 1 >= _NGRP - 1)
    return carry

  lax.fori_loop(0, _NGRP // 2, body, 0)
  plsc.subcore_barrier()

  pltpu.sync_copy(acc.at[pl.ds(s * _STRIPE, _STRIPE)],
                  out_hbm.at[c, pl.ds(s * _STRIPE, _STRIPE)])


def _sc_scatter(xs, src2, dst2, zeros_blk):
  k = pl.kernel(
      _sc_body,
      out_type=jax.ShapeDtypeStruct((2, _NP, _HH), jnp.float32),
      mesh=plsc.VectorSubcoreMesh(core_axis_name="c", subcore_axis_name="s"),
      scratch_types=[
          pltpu.VMEM((_IPG, _CR), jnp.int32),
          pltpu.VMEM((_IPG, _CR), jnp.int32),
          pltpu.VMEM((_IPG, _CR), jnp.int32),
          pltpu.VMEM((_IPG, _CR), jnp.int32),
          pltpu.VMEM((_NB, _CR, _HH), jnp.float32),
          pltpu.VMEM_SHARED((_NP, _HH), jnp.float32),
      ] + [pltpu.SemaphoreType.DMA] * 20,
      compiler_params=pltpu.CompilerParams(use_tc_tiling_on_sc=False),
  )
  return k(xs, src2, dst2, zeros_blk)


def _elu(y):
  return jnp.where(y > 0.0, y, jnp.exp(jnp.minimum(y, 0.0)) - 1.0)


def _split_store(o_ref, y):
  o_ref[0] = y[:, :_HH]
  o_ref[1] = y[:, _HH:]


def _mlp_in_kernel(x_ref, w_ref, b_ref, o_ref):
  y = jnp.dot(x_ref[...], w_ref[...], preferred_element_type=jnp.float32)
  _split_store(o_ref, _elu(y + b_ref[...]))


def _gin_kernel(x_ref, p_ref, wa_ref, ba_ref, wb_ref, bb_ref,
                y_ref, s_ref, q_ref):
  x = jnp.concatenate([x_ref[0], x_ref[1]], axis=1)
  p = jnp.concatenate([p_ref[0], p_ref[1]], axis=1)
  h = 2.0 * x + p
  t = jnp.maximum(jnp.dot(h, wa_ref[...], preferred_element_type=jnp.float32)
                  + ba_ref[...], 0.0)
  y = jnp.dot(t, wb_ref[...], preferred_element_type=jnp.float32) + bb_ref[...]
  y = _elu(y)
  _split_store(y_ref, y)
  s_ref[...] = jnp.sum(y, axis=0, keepdims=True).reshape(1, 1, _H)
  q_ref[...] = jnp.sum(y * y, axis=0, keepdims=True).reshape(1, 1, _H)


def _ln_apply_kernel(y_ref, m_ref, s_ref, o_ref):
  o_ref[...] = (y_ref[...] - m_ref[0, 0]) * s_ref[0, 0]


def _readout_kernel(x1_ref, x2_ref, y3_ref, m3_ref, s3_ref, bc_ref, br_ref,
                    wo_ref, bo_ref, wdf_ref, bdr_ref, wc_ref, bc2_ref,
                    logits_ref, emb_ref, ssl_ref,
                    sums_ref, mx_ref, cnt_ref):
  i = pl.program_id(0)
  m3 = m3_ref[0, 0]
  s3 = s3_ref[0, 0]
  g = jnp.concatenate(
      [x1_ref[0], x1_ref[1], x2_ref[0], x2_ref[1],
       (y3_ref[0] - m3) * s3, (y3_ref[1] - m3) * s3], axis=1)
  bcol = bc_ref[0]
  brow = br_ref[0]

  seg_iota = lax.broadcasted_iota(jnp.int32, (_NG, _BLK), 0).astype(jnp.float32)
  mask = (seg_iota == brow).astype(jnp.float32)
  s_new = jnp.dot(mask, g, preferred_element_type=jnp.float32)
  c_new = jnp.sum(mask, axis=1, keepdims=True)

  @pl.when(i == 0)
  def _():
    sums_ref[...] = jnp.zeros((_NG, 3 * _H), jnp.float32)
    mx_ref[...] = jnp.full((_NG, 3 * _H), -3.0e38, jnp.float32)
    cnt_ref[...] = jnp.zeros((_NG, 1), jnp.float32)

  sums_ref[...] += s_new
  cnt_ref[...] += c_new

  bmin = jnp.min(bcol)
  bmax = jnp.max(bcol)
  for sg in range(_NG):
    @pl.when((jnp.float32(sg) >= bmin) & (jnp.float32(sg) <= bmax))
    def _():
      gx = jnp.where(bcol == jnp.float32(sg), g, -3.0e38)
      mx_ref[sg:sg + 1, :] = jnp.maximum(
          mx_ref[sg:sg + 1, :], jnp.max(gx, axis=0, keepdims=True))

  @pl.when(i == _NBLK - 1)
  def _():
    mean = sums_ref[...] / jnp.maximum(cnt_ref[...], 1.0)
    r = jnp.concatenate([mean, mx_ref[...]], axis=1)
    x5 = _elu(jnp.dot(r, wo_ref[...], preferred_element_type=jnp.float32)
              + bo_ref[...])
    emb_ref[...] = x5
    sp = jnp.dot(x5, wdf_ref[...], preferred_element_type=jnp.float32) \
        + bdr_ref[...]
    ssl_ref[...] = 0.05 + 0.35 / (1.0 + jnp.exp(-sp))
    l = jnp.dot(x5, wc_ref[...], preferred_element_type=jnp.float32) \
        + bc2_ref[...]
    lmax = jnp.max(l, axis=1, keepdims=True)
    lse = jnp.log(jnp.sum(jnp.exp(l - lmax), axis=1, keepdims=True)) + lmax
    logits_ref[...] = l - lse


def _row_spec():
  return pl.BlockSpec((_BLK, _H), lambda i: (i, 0))


def _half_spec():
  return pl.BlockSpec((2, _BLK, _HH), lambda i: (0, i, 0))


def _full_spec(shape):
  return pl.BlockSpec(shape, lambda i: tuple(0 for _ in shape))


def _smem_spec():
  return pl.BlockSpec(memory_space=pltpu.SMEM)


def _mlp_in(x, w, b):
  return pl.pallas_call(
      _mlp_in_kernel,
      grid=(_NBLK,),
      in_specs=[_row_spec(), _full_spec((_H, _H)), _full_spec((1, _H))],
      out_specs=_half_spec(),
      out_shape=jax.ShapeDtypeStruct((2, _N, _HH), jnp.float32),
  )(x, w, b)


def _gin_dense(xs, parts, wa, ba, wb, bb):
  stat = pl.BlockSpec((1, 1, _H), lambda i: (i, 0, 0))
  y, s, q = pl.pallas_call(
      _gin_kernel,
      grid=(_NBLK,),
      in_specs=[_half_spec(), _half_spec(),
                _full_spec((_H, _H)), _full_spec((1, _H)),
                _full_spec((_H, _H)), _full_spec((1, _H))],
      out_specs=[_half_spec(), stat, stat],
      out_shape=[jax.ShapeDtypeStruct((2, _N, _HH), jnp.float32),
                 jax.ShapeDtypeStruct((_NBLK, 1, _H), jnp.float32),
                 jax.ShapeDtypeStruct((_NBLK, 1, _H), jnp.float32)],
  )(xs, parts, wa, ba, wb, bb)
  tot = jnp.sum(s)
  totq = jnp.sum(q)
  cnt = jnp.float32(_N * _H)
  m = tot / cnt
  v = totq / cnt - m * m
  sc = lax.rsqrt(v + 1e-5)
  return y, m.reshape(1, 1), sc.reshape(1, 1)


def _ln_apply(ys, m, s):
  blk = pl.BlockSpec((1, _BLK, _HH), lambda i, j: (j, i, 0))
  return pl.pallas_call(
      _ln_apply_kernel,
      grid=(_NBLK, 2),
      in_specs=[blk, _smem_spec(), _smem_spec()],
      out_specs=blk,
      out_shape=jax.ShapeDtypeStruct((2, _N, _HH), jnp.float32),
  )(ys, m, s)


def _readout(x1s, x2s, y3s, m3, s3, bcol, brow, wo, bo, wdf, bdr, wc, bc):
  outs = pl.pallas_call(
      _readout_kernel,
      grid=(_NBLK,),
      in_specs=[_half_spec(), _half_spec(), _half_spec(),
                _smem_spec(), _smem_spec(),
                pl.BlockSpec((1, _BLK, 1), lambda i: (i, 0, 0)),
                pl.BlockSpec((1, 1, _BLK), lambda i: (i, 0, 0)),
                _full_spec((3 * _H * 2, _H)), _full_spec((1, _H)),
                _full_spec((_H, 3)), _full_spec((1, 3)),
                _full_spec((_H, _OUT)), _full_spec((1, _OUT))],
      out_specs=[_full_spec((_NG, _OUT)), _full_spec((_NG, _H)),
                 _full_spec((_NG, 3)), _full_spec((_NG, 3 * _H)),
                 _full_spec((_NG, 3 * _H)), _full_spec((_NG, 1))],
      out_shape=[jax.ShapeDtypeStruct((_NG, _OUT), jnp.float32),
                 jax.ShapeDtypeStruct((_NG, _H), jnp.float32),
                 jax.ShapeDtypeStruct((_NG, 3), jnp.float32),
                 jax.ShapeDtypeStruct((_NG, 3 * _H), jnp.float32),
                 jax.ShapeDtypeStruct((_NG, 3 * _H), jnp.float32),
                 jax.ShapeDtypeStruct((_NG, 1), jnp.float32)],
  )(x1s, x2s, y3s, m3, s3, bcol, brow, wo, bo, wdf, bdr, wc, bc)
  return outs[0], outs[1], outs[2]


def _block_diag4(w):
  z = jnp.zeros((_H, _H), jnp.float32)
  for k in range(4):
    z = z.at[32 * k:32 * (k + 1), 32 * k:32 * (k + 1)].set(w[k])
  return z


def kernel(x, edge_index, batch, W1, b1, g0Wa, g0ba, g0Wb, g0bb,
           g1Wa, g1ba, g1Wb, g1bb, Wo, bo, Wd, bd, Wc, bc):
  f32 = jnp.float32
  src = edge_index[0]
  dst = edge_index[1]
  pad = _EPAD - _E
  srcp = jnp.concatenate([src, jnp.zeros((pad,), jnp.int32)]).reshape(
      _EPAD // _CR, _CR)
  src2 = jnp.stack([srcp, srcp + _N])
  dstp = jnp.concatenate([dst, jnp.full((pad,), _N, jnp.int32)]).reshape(
      _EPAD // _CR, _CR)
  zeros_blk = jnp.zeros((_CHUNK, _HH), f32)

  b1r = b1.reshape(1, _H)
  g0bar = g0ba.reshape(1, _H)
  g0bbr = g0bb.reshape(1, _H)
  bwa = _block_diag4(g1Wa)
  bwb = _block_diag4(g1Wb)
  g1bar = g1ba.reshape(1, _H)
  g1bbr = g1bb.reshape(1, _H)
  bor = bo.reshape(1, _H)
  wdf = jnp.zeros((_H, 3), f32)
  for k in range(3):
    wdf = wdf.at[32 * k:32 * (k + 1), k].set(Wd[k, :, 0])
  bdr = bd.reshape(1, 3)
  bcr = bc.reshape(1, _OUT)
  bcol = batch.astype(f32).reshape(_NBLK, _BLK, 1)
  brow = batch.astype(f32).reshape(_NBLK, 1, _BLK)

  x1s = _mlp_in(x, W1, b1r)

  parts1 = _sc_scatter(x1s.reshape(2 * _N, _HH), src2, dstp, zeros_blk)

  y2s, m2, s2 = _gin_dense(x1s, parts1, g0Wa, g0bar, g0Wb, g0bbr)
  x2s = _ln_apply(y2s, m2, s2)

  parts2 = _sc_scatter(x2s.reshape(2 * _N, _HH), src2, dstp, zeros_blk)

  y3s, m3, s3 = _gin_dense(x2s, parts2, bwa, g1bar, bwb, g1bbr)

  logits, emb, ssl = _readout(x1s, x2s, y3s, m3, s3, bcol, brow,
                              Wo, bor, wdf, bdr, Wc, bcr)
  return (logits, emb, ssl)

# --- scband reference (transcript-rebuilt; emitter-appended) ---
"""Pipeline reference for scband-gencoder-3959959847494 (READ-ONLY COPY).

The authoritative reference and input builder live on the scoring server;
editing this copy changes nothing except your own understanding.
"""

import jax, jax.numpy as jnp
import numpy as np

N = 10000
E = 320000
D = 128
H = 128
K = 4
NG = 16
OUT = 10

def _p(key, shape):
    return jax.random.normal(key, shape, dtype=jnp.float32) * 0.05

def setup_inputs(seed: int = 0):
    key = jax.random.key(seed)
    ks = jax.random.split(key, 24)
    inp = {}
    inp['x'] = jax.random.normal(ks[0], (N, D), dtype=jnp.float32)
    inp['edge_index'] = jax.random.randint(ks[1], (2, E), 0, N, dtype=jnp.int32)
    inp['batch'] = jnp.sort(jax.random.randint(ks[2], (N,), 0, NG, dtype=jnp.int32))
    inp['W1'] = _p(ks[3], (D, H)); inp['b1'] = jnp.zeros((H,), jnp.float32)
    inp['g0Wa'] = _p(ks[4], (H, H)); inp['g0ba'] = jnp.zeros((H,), jnp.float32)
    inp['g0Wb'] = _p(ks[5], (H, H)); inp['g0bb'] = jnp.zeros((H,), jnp.float32)
    hk = H // K
    inp['g1Wa'] = _p(ks[6], (K, hk, hk)); inp['g1ba'] = jnp.zeros((K, hk), jnp.float32)
    inp['g1Wb'] = _p(ks[7], (K, hk, hk)); inp['g1bb'] = jnp.zeros((K, hk), jnp.float32)
    inp['Wo'] = _p(ks[8], (H * 2 * 3, H)); inp['bo'] = jnp.zeros((H,), jnp.float32)
    inp['Wd'] = _p(ks[9], (3, hk, 1)); inp['bd'] = jnp.zeros((3, 1), jnp.float32)
    inp['Wc'] = _p(ks[10], (H, OUT)); inp['bc'] = jnp.zeros((OUT,), jnp.float32)
    return inp

def _ln_all(x):
    m = jnp.mean(x); v = jnp.var(x)
    return (x - m) / jnp.sqrt(v + 1e-5)

def _gin(x, src, dst, Wa, ba, Wb, bb):
    agg = jax.ops.segment_sum(x[src], dst, num_segments=x.shape[0])
    h = x + agg
    h = jax.nn.relu(h @ Wa + ba)
    return h @ Wb + bb

def _forward(x, edge_index, batch, W1, b1, g0Wa, g0ba, g0Wb, g0bb, g1Wa, g1ba, g1Wb, g1bb, Wo, bo, Wd, bd, Wc, bc):
    n = x.shape[0]
    loops = jnp.arange(n, dtype=edge_index.dtype)
    src = jnp.concatenate([edge_index[0], loops])
    dst = jnp.concatenate([edge_index[1], loops])
    x = jax.nn.elu(x @ W1 + b1)
    gr = [x]
    x = _gin(x, src, dst, g0Wa, g0ba, g0Wb, g0bb)
    x = jax.nn.elu(x)
    x = _ln_all(x)
    gr.append(x)
    xs = jnp.split(x, K, axis=1)
    outs = [_gin(xs[i], src, dst, g1Wa[i], g1ba[i], g1Wb[i], g1bb[i]) for i in range(K)]
    x = jnp.concatenate(outs, axis=1)
    x = jax.nn.elu(x)
    x = _ln_all(x)
    gr.append(x)
    g = jnp.concatenate(gr, axis=1)
    sums = jax.ops.segment_sum(g, batch, num_segments=NG)
    cnt = jax.ops.segment_sum(jnp.ones((n, 1), jnp.float32), batch, num_segments=NG)
    mean = sums / jnp.maximum(cnt, 1.0)
    mx = jax.ops.segment_max(g, batch, num_segments=NG)
    r = jnp.concatenate([mean, mx], axis=1)
    x5 = jax.nn.elu(r @ Wo + bo)
    x_emb = x5
    es = jnp.split(x_emb, K, axis=1)
    ssl = [0.05 + 0.35 * jax.nn.sigmoid(es[i] @ Wd[i] + bd[i]) for i in range(3)]
    ssl = jnp.concatenate(ssl, axis=1)
    logits = jax.nn.log_softmax(x5 @ Wc + bc, axis=-1)
    return (logits, x_emb, ssl)

def reference(x, edge_index, batch, W1, b1, g0Wa, g0ba, g0Wb, g0bb, g1Wa, g1ba, g1Wb, g1bb, Wo, bo, Wd, bd, Wc, bc):
    return _forward(x, edge_index, batch, W1, b1, g0Wa, g0ba, g0Wb, g0bb, g1Wa, g1ba, g1Wb, g1bb, Wo, bo, Wd, bd, Wc, bc)

if __name__ == "__main__":
    import jax
    _d = setup_inputs()
    print(jax.jit(kernel)(*tuple(_d.values())))

</pallas_src>

<mosaic_0001>
#map = affine_map<(d0, d1) -> (0, 0)>
#map1 = affine_map<(d0, d1) -> (0, 0, 0)>
module attributes {stable_mosaic.version = 14 : i64} {
  func.func @_sc_body(%arg0: i32, %arg1: i32, %arg2: memref<20000x64xf32, #tpu.memory_space<hbm>>, %arg3: memref<2x2560x128xi32, #tpu.memory_space<hbm>>, %arg4: memref<2560x128xi32, #tpu.memory_space<hbm>>, %arg5: memref<128x64xf32, #tpu.memory_space<hbm>>, %arg6: memref<2x10240x64xf32, #tpu.memory_space<hbm>>, %arg7: memref<8x128xi32, #tpu.memory_space<vmem>>, %arg8: memref<8x128xi32, #tpu.memory_space<vmem>>, %arg9: memref<8x128xi32, #tpu.memory_space<vmem>>, %arg10: memref<8x128xi32, #tpu.memory_space<vmem>>, %arg11: memref<8x128x64xf32, #tpu.memory_space<vmem>>, %arg12: memref<10240x64xf32, #tpu.memory_space<vmem_shared>>, %arg13: memref<!tpu.dma_semaphore, #tpu.memory_space<semaphore_mem>>, %arg14: memref<!tpu.dma_semaphore, #tpu.memory_space<semaphore_mem>>, %arg15: memref<!tpu.dma_semaphore, #tpu.memory_space<semaphore_mem>>, %arg16: memref<!tpu.dma_semaphore, #tpu.memory_space<semaphore_mem>>, %arg17: memref<!tpu.dma_semaphore, #tpu.memory_space<semaphore_mem>>, %arg18: memref<!tpu.dma_semaphore, #tpu.memory_space<semaphore_mem>>, %arg19: memref<!tpu.dma_semaphore, #tpu.memory_space<semaphore_mem>>, %arg20: memref<!tpu.dma_semaphore, #tpu.memory_space<semaphore_mem>>, %arg21: memref<!tpu.dma_semaphore, #tpu.memory_space<semaphore_mem>>, %arg22: memref<!tpu.dma_semaphore, #tpu.memory_space<semaphore_mem>>, %arg23: memref<!tpu.dma_semaphore, #tpu.memory_space<semaphore_mem>>, %arg24: memref<!tpu.dma_semaphore, #tpu.memory_space<semaphore_mem>>, %arg25: memref<!tpu.dma_semaphore, #tpu.memory_space<semaphore_mem>>, %arg26: memref<!tpu.dma_semaphore, #tpu.memory_space<semaphore_mem>>, %arg27: memref<!tpu.dma_semaphore, #tpu.memory_space<semaphore_mem>>, %arg28: memref<!tpu.dma_semaphore, #tpu.memory_space<semaphore_mem>>, %arg29: memref<!tpu.dma_semaphore, #tpu.memory_space<semaphore_mem>>, %arg30: memref<!tpu.dma_semaphore, #tpu.memory_space<semaphore_mem>>, %arg31: memref<!tpu.dma_semaphore, #tpu.memory_space<semaphore_mem>>, %arg32: memref<!tpu.dma_semaphore, #tpu.memory_space<semaphore_mem>>) attributes {dimension_semantics = [#tpu.dimension_semantics<core_parallel>, #tpu.dimension_semantics<subcore_parallel>], iteration_bounds = array<i64: 2, 16>, scalar_prefetch = 0 : i64, scratch_operands = 26 : i64, tpu.core_type = #tpu.core_type<sc_vector_subcore>, window_params = [{transform_indices = #map}, {transform_indices = #map1}, {transform_indices = #map}, {transform_indices = #map}, {transform_indices = #map1}]} {
    %mul3A = arith.constant 160 : i32
    %mul3A_0 = arith.muli %arg1, %mul3A : i32
    %run_scoped3A = arith.constant 0 : i32
    "tpu.region"() ({
      %run_scoped3A_149 = tpu.sem_alloc : memref<!tpu.dma_semaphore, #tpu.memory_space<semaphore_mem>>
      %dma_start3A_150 = arith.constant 0 : i32
      %dma_start3A_151 = arith.constant 0 : i32
      %dma_start3A_152 = tpu.memref_slice %arg11[%run_scoped3A, %dma_start3A_150, %dma_start3A_151] : memref<8x128x64xf32, #tpu.memory_space<vmem>> -> memref<1x128x64xf32, #tpu.memory_space<vmem>>
      %dma_start3A_153 = tpu.memref_squeeze %dma_start3A_152 : memref<1x128x64xf32, #tpu.memory_space<vmem>> -> memref<128x64xf32, #tpu.memory_space<vmem>>
      %dma_start3A_154 = arith.constant 0 : i32
      %dma_start3A_155 = arith.constant 0 : i32
      %dma_start3A_156 = tpu.memref_slice %arg11[%run_scoped3A, %dma_start3A_154, %dma_start3A_155] : memref<8x128x64xf32, #tpu.memory_space<vmem>> -> memref<1x128x64xf32, #tpu.memory_space<vmem>>
      %dma_start3A_157 = tpu.memref_squeeze %dma_start3A_156 : memref<1x128x64xf32, #tpu.memory_space<vmem>> -> memref<128x64xf32, #tpu.memory_space<vmem>>
      tpu.enqueue_dma source(%arg5 : memref<128x64xf32, #tpu.memory_space<hbm>>) target(%dma_start3A_157 : memref<128x64xf32, #tpu.memory_space<vmem>>) target_semaphore(%run_scoped3A_149 : memref<!tpu.dma_semaphore, #tpu.memory_space<semaphore_mem>>)
      %dma_wait3A_158 = arith.constant 0 : i32
      %dma_wait3A_159 = arith.constant 0 : i32
      %dma_wait3A_160 = tpu.memref_slice %arg11[%run_scoped3A, %dma_wait3A_158, %dma_wait3A_159] : memref<8x128x64xf32, #tpu.memory_space<vmem>> -> memref<1x128x64xf32, #tpu.memory_space<vmem>>
      %dma_wait3A_161 = tpu.memref_squeeze %dma_wait3A_160 : memref<1x128x64xf32, #tpu.memory_space<vmem>> -> memref<128x64xf32, #tpu.memory_space<vmem>>
      %dma_wait3A_162 = arith.constant 0 : i32
      %dma_wait3A_163 = arith.constant 0 : i32
      %dma_wait3A_164 = tpu.memref_slice %arg11[%run_scoped3A, %dma_wait3A_162, %dma_wait3A_163] : memref<8x128x64xf32, #tpu.memory_space<vmem>> -> memref<1x128x64xf32, #tpu.memory_space<vmem>>
      %dma_wait3A_165 = tpu.memref_squeeze %dma_wait3A_164 : memref<1x128x64xf32, #tpu.memory_space<vmem>> -> memref<128x64xf32, #tpu.memory_space<vmem>>
      tpu.wait_dma2 semaphore(%run_scoped3A_149 : memref<!tpu.dma_semaphore, #tpu.memory_space<semaphore_mem>>) src(%arg5 : memref<128x64xf32, #tpu.memory_space<hbm>>) dst(%dma_wait3A_165 : memref<128x64xf32, #tpu.memory_space<vmem>>)
      tpu.yield
    }) : () -> ()
    %mul3A_1 = arith.constant 640 : i32
    %mul3A_2 = arith.muli %arg1, %mul3A_1 : i32
    %add3A = arith.constant 0 : i32
    %add3A_3 = arith.addi %mul3A_2, %add3A : i32
    %run_scoped3A_4 = arith.constant 0 : i32
    "tpu.region"() ({
      %run_scoped3A_149 = tpu.sem_alloc : memref<!tpu.dma_semaphore, #tpu.memory_space<semaphore_mem>>
      %dma_start3A_150 = arith.constant 0 : i32
      %dma_start3A_151 = arith.constant 0 : i32
      %dma_start3A_152 = tpu.memref_slice %arg11[%run_scoped3A_4, %dma_start3A_150, %dma_start3A_151] : memref<8x128x64xf32, #tpu.memory_space<vmem>> -> memref<1x128x64xf32, #tpu.memory_space<vmem>>
      %dma_start3A_153 = tpu.memref_squeeze %dma_start3A_152 : memref<1x128x64xf32, #tpu.memory_space<vmem>> -> memref<128x64xf32, #tpu.memory_space<vmem>>
      %dma_start3A_154 = arith.constant 0 : i32
      %dma_start3A_155 = tpu.memref_slice %arg12[%add3A_3, %dma_start3A_154] : memref<10240x64xf32, #tpu.memory_space<vmem_shared>> -> memref<128x64xf32, #tpu.memory_space<vmem_shared>>
      %dma_start3A_156 = arith.constant 0 : i32
      %dma_start3A_157 = tpu.memref_slice %arg12[%add3A_3, %dma_start3A_156] : memref<10240x64xf32, #tpu.memory_space<vmem_shared>> -> memref<128x64xf32, #tpu.memory_space<vmem_shared>>
      %dma_start3A_158 = arith.constant 0 : i32
      %dma_start3A_159 = arith.constant 0 : i32
      %dma_start3A_160 = tpu.memref_slice %arg11[%run_scoped3A_4, %dma_start3A_158, %dma_start3A_159] : memref<8x128x64xf32, #tpu.memory_space<vmem>> -> memref<1x128x64xf32, #tpu.memory_space<vmem>>
      %dma_start3A_161 = tpu.memref_squeeze %dma_start3A_160 : memref<1x128x64xf32, #tpu.memory_space<vmem>> -> memref<128x64xf32, #tpu.memory_space<vmem>>
      tpu.enqueue_dma source(%dma_start3A_161 : memref<128x64xf32, #tpu.memory_space<vmem>>) target(%dma_start3A_157 : memref<128x64xf32, #tpu.memory_space<vmem_shared>>) target_semaphore(%run_scoped3A_149 : memref<!tpu.dma_semaphore, #tpu.memory_space<semaphore_mem>>)
      %dma_wait3A_162 = arith.constant 0 : i32
      %dma_wait3A_163 = arith.constant 0 : i32
      %dma_wait3A_164 = tpu.memref_slice %arg11[%run_scoped3A_4, %dma_wait3A_162, %dma_wait3A_163] : memref<8x128x64xf32, #tpu.memory_space<vmem>> -> memref<1x128x64xf32, #tpu.memory_space<vmem>>
      %dma_wait3A_165 = tpu.memref_squeeze %dma_wait3A_164 : memref<1x128x64xf32, #tpu.memory_space<vmem>> -> memref<128x64xf32, #tpu.memory_space<vmem>>
      %dma_wait3A_166 = arith.constant 0 : i32
      %dma_wait3A_167 = tpu.memref_slice %arg12[%add3A_3, %dma_wait3A_166] : memref<10240x64xf32, #tpu.memory_space<vmem_shared>> -> memref<128x64xf32, #tpu.memory_space<vmem_shared>>
      %dma_wait3A_168 = arith.constant 0 : i32
      %dma_wait3A_169 = tpu.memref_slice %arg12[%add3A_3, %dma_wait3A_168] : memref<10240x64xf32, #tpu.memory_space<vmem_shared>> -> memref<128x64xf32, #tpu.memory_space<vmem_shared>>
      %dma_wait3A_170 = arith.constant 0 : i32
      %dma_wait3A_171 = arith.constant 0 : i32
      %dma_wait3A_172 = tpu.memref_slice %arg11[%run_scoped3A_4, %dma_wait3A_170, %dma_wait3A_171] : memref<8x128x64xf32, #tpu.memory_space<vmem>> -> memref<1x128x64xf32, #tpu.memory_space<vmem>>
      %dma_wait3A_173 = tpu.memref_squeeze %dma_wait3A_172 : memref<1x128x64xf32, #tpu.memory_space<vmem>> -> memref<128x64xf32, #tpu.memory_space<vmem>>
      tpu.wait_dma2 semaphore(%run_scoped3A_149 : memref<!tpu.dma_semaphore, #tpu.memory_space<semaphore_mem>>) src(%dma_wait3A_173 : memref<128x64xf32, #tpu.memory_space<vmem>>) dst(%dma_wait3A_169 : memref<128x64xf32, #tpu.memory_space<vmem_shared>>)
      tpu.yield
    }) : () -> ()
    %mul3A_5 = arith.constant 640 : i32
    %mul3A_6 = arith.muli %arg1, %mul3A_5 : i32
    %add3A_7 = arith.constant 128 : i32
    %add3A_8 = arith.addi %mul3A_6, %add3A_7 : i32
    %run_scoped3A_9 = arith.constant 0 : i32
    "tpu.region"() ({
      %run_scoped3A_149 = tpu.sem_alloc : memref<!tpu.dma_semaphore, #tpu.memory_space<semaphore_mem>>
      %dma_start3A_150 = arith.constant 0 : i32
      %dma_start3A_151 = arith.constant 0 : i32
      %dma_start3A_152 = tpu.memref_slice %arg11[%run_scoped3A_9, %dma_start3A_150, %dma_start3A_151] : memref<8x128x64xf32, #tpu.memory_space<vmem>> -> memref<1x128x64xf32, #tpu.memory_space<vmem>>
      %dma_start3A_153 = tpu.memref_squeeze %dma_start3A_152 : memref<1x128x64xf32, #tpu.memory_space<vmem>> -> memref<128x64xf32, #tpu.memory_space<vmem>>
      %dma_start3A_154 = arith.constant 0 : i32
      %dma_start3A_155 = tpu.memref_slice %arg12[%add3A_8, %dma_start3A_154] : memref<10240x64xf32, #tpu.memory_space<vmem_shared>> -> memref<128x64xf32, #tpu.memory_space<vmem_shared>>
      %dma_start3A_156 = arith.constant 0 : i32
      %dma_start3A_157 = tpu.memref_slice %arg12[%add3A_8, %dma_start3A_156] : memref<10240x64xf32, #tpu.memory_space<vmem_shared>> -> memref<128x64xf32, #tpu.memory_space<vmem_shared>>
      %dma_start3A_158 = arith.constant 0 : i32
      %dma_start3A_159 = arith.constant 0 : i32
      %dma_start3A_160 = tpu.memref_slice %arg11[%run_scoped3A_9, %dma_start3A_158, %dma_start3A_159] : memref<8x128x64xf32, #tpu.memory_space<vmem>> -> memref<1x128x64xf32, #tpu.memory_space<vmem>>
      %dma_start3A_161 = tpu.memref_squeeze %dma_start3A_160 : memref<1x128x64xf32, #tpu.memory_space<vmem>> -> memref<128x64xf32, #tpu.memory_space<vmem>>
      tpu.enqueue_dma source(%dma_start3A_161 : memref<128x64xf32, #tpu.memory_space<vmem>>) target(%dma_start3A_157 : memref<128x64xf32, #tpu.memory_space<vmem_shared>>) target_semaphore(%run_scoped3A_149 : memref<!tpu.dma_semaphore, #tpu.memory_space<semaphore_mem>>)
      %dma_wait3A_162 = arith.constant 0 : i32
      %dma_wait3A_163 = arith.constant 0 : i32
      %dma_wait3A_164 = tpu.memref_slice %arg11[%run_scoped3A_9, %dma_wait3A_162, %dma_wait3A_163] : memref<8x128x64xf32, #tpu.memory_space<vmem>> -> memref<1x128x64xf32, #tpu.memory_space<vmem>>
      %dma_wait3A_165 = tpu.memref_squeeze %dma_wait3A_164 : memref<1x128x64xf32, #tpu.memory_space<vmem>> -> memref<128x64xf32, #tpu.memory_space<vmem>>
      %dma_wait3A_166 = arith.constant 0 : i32
      %dma_wait3A_167 = tpu.memref_slice %arg12[%add3A_8, %dma_wait3A_166] : memref<10240x64xf32, #tpu.memory_space<vmem_shared>> -> memref<128x64xf32, #tpu.memory_space<vmem_shared>>
      %dma_wait3A_168 = arith.constant 0 : i32
      %dma_wait3A_169 = tpu.memref_slice %arg12[%add3A_8, %dma_wait3A_168] : memref<10240x64xf32, #tpu.memory_space<vmem_shared>> -> memref<128x64xf32, #tpu.memory_space<vmem_shared>>
      %dma_wait3A_170 = arith.constant 0 : i32
      %dma_wait3A_171 = arith.constant 0 : i32
      %dma_wait3A_172 = tpu.memref_slice %arg11[%run_scoped3A_9, %dma_wait3A_170, %dma_wait3A_171] : memref<8x128x64xf32, #tpu.memory_space<vmem>> -> memref<1x128x64xf32, #tpu.memory_space<vmem>>
      %dma_wait3A_173 = tpu.memref_squeeze %dma_wait3A_172 : memref<1x128x64xf32, #tpu.memory_space<vmem>> -> memref<128x64xf32, #tpu.memory_space<vmem>>
      tpu.wait_dma2 semaphore(%run_scoped3A_149 : memref<!tpu.dma_semaphore, #tpu.memory_space<semaphore_mem>>) src(%dma_wait3A_173 : memref<128x64xf32, #tpu.memory_space<vmem>>) dst(%dma_wait3A_169 : memref<128x64xf32, #tpu.memory_space<vmem_shared>>)
      tpu.yield
    }) : () -> ()
    %mul3A_10 = arith.constant 640 : i32
    %mul3A_11 = arith.muli %arg1, %mul3A_10 : i32
    %add3A_12 = arith.constant 256 : i32
    %add3A_13 = arith.addi %mul3A_11, %add3A_12 : i32
    %run_scoped3A_14 = arith.constant 0 : i32
    "tpu.region"() ({
      %run_scoped3A_149 = tpu.sem_alloc : memref<!tpu.dma_semaphore, #tpu.memory_space<semaphore_mem>>
      %dma_start3A_150 = arith.constant 0 : i32
      %dma_start3A_151 = arith.constant 0 : i32
      %dma_start3A_152 = tpu.memref_slice %arg11[%run_scoped3A_14, %dma_start3A_150, %dma_start3A_151] : memref<8x128x64xf32, #tpu.memory_space<vmem>> -> memref<1x128x64xf32, #tpu.memory_space<vmem>>
      %dma_start3A_153 = tpu.memref_squeeze %dma_start3A_152 : memref<1x128x64xf32, #tpu.memory_space<vmem>> -> memref<128x64xf32, #tpu.memory_space<vmem>>
      %dma_start3A_154 = arith.constant 0 : i32
      %dma_start3A_155 = tpu.memref_slice %arg12[%add3A_13, %dma_start3A_154] : memref<10240x64xf32, #tpu.memory_space<vmem_shared>> -> memref<128x64xf32, #tpu.memory_space<vmem_shared>>
      %dma_start3A_156 = arith.constant 0 : i32
      %dma_start3A_157 = tpu.memref_slice %arg12[%add3A_13, %dma_start3A_156] : memref<10240x64xf32, #tpu.memory_space<vmem_shared>> -> memref<128x64xf32, #tpu.memory_space<vmem_shared>>
      %dma_start3A_158 = arith.constant 0 : i32
      %dma_start3A_159 = arith.constant 0 : i32
      %dma_start3A_160 = tpu.memref_slice %arg11[%run_scoped3A_14, %dma_start3A_158, %dma_start3A_159] : memref<8x128x64xf32, #tpu.memory_space<vmem>> -> memref<1x128x64xf32, #tpu.memory_space<vmem>>
      %dma_start3A_161 = tpu.memref_squeeze %dma_start3A_160 : memref<1x128x64xf32, #tpu.memory_space<vmem>> -> memref<128x64xf32, #tpu.memory_space<vmem>>
      tpu.enqueue_dma source(%dma_start3A_161 : memref<128x64xf32, #tpu.memory_space<vmem>>) target(%dma_start3A_157 : memref<128x64xf32, #tpu.memory_space<vmem_shared>>) target_semaphore(%run_scoped3A_149 : memref<!tpu.dma_semaphore, #tpu.memory_space<semaphore_mem>>)
      %dma_wait3A_162 = arith.constant 0 : i32
      %dma_wait3A_163 = arith.constant 0 : i32
      %dma_wait3A_164 = tpu.memref_slice %arg11[%run_scoped3A_14, %dma_wait3A_162, %dma_wait3A_163] : memref<8x128x64xf32, #tpu.memory_space<vmem>> -> memref<1x128x64xf32, #tpu.memory_space<vmem>>
      %dma_wait3A_165 = tpu.memref_squeeze %dma_wait3A_164 : memref<1x128x64xf32, #tpu.memory_space<vmem>> -> memref<128x64xf32, #tpu.memory_space<vmem>>
      %dma_wait3A_166 = arith.constant 0 : i32
      %dma_wait3A_167 = tpu.memref_slice %arg12[%add3A_13, %dma_wait3A_166] : memref<10240x64xf32, #tpu.memory_space<vmem_shared>> -> memref<128x64xf32, #tpu.memory_space<vmem_shared>>
      %dma_wait3A_168 = arith.constant 0 : i32
      %dma_wait3A_169 = tpu.memref_slice %arg12[%add3A_13, %dma_wait3A_168] : memref<10240x64xf32, #tpu.memory_space<vmem_shared>> -> memref<128x64xf32, #tpu.memory_space<vmem_shared>>
      %dma_wait3A_170 = arith.constant 0 : i32
      %dma_wait3A_171 = arith.constant 0 : i32
      %dma_wait3A_172 = tpu.memref_slice %arg11[%run_scoped3A_14, %dma_wait3A_170, %dma_wait3A_171] : memref<8x128x64xf32, #tpu.memory_space<vmem>> -> memref<1x128x64xf32, #tpu.memory_space<vmem>>
      %dma_wait3A_173 = tpu.memref_squeeze %dma_wait3A_172 : memref<1x128x64xf32, #tpu.memory_space<vmem>> -> memref<128x64xf32, #tpu.memory_space<vmem>>
      tpu.wait_dma2 semaphore(%run_scoped3A_149 : memref<!tpu.dma_semaphore, #tpu.memory_space<semaphore_mem>>) src(%dma_wait3A_173 : memref<128x64xf32, #tpu.memory_space<vmem>>) dst(%dma_wait3A_169 : memref<128x64xf32, #tpu.memory_space<vmem_shared>>)
      tpu.yield
    }) : () -> ()
    %mul3A_15 = arith.constant 640 : i32
    %mul3A_16 = arith.muli %arg1, %mul3A_15 : i32
    %add3A_17 = arith.constant 384 : i32
    %add3A_18 = arith.addi %mul3A_16, %add3A_17 : i32
    %run_scoped3A_19 = arith.constant 0 : i32
    "tpu.region"() ({
      %run_scoped3A_149 = tpu.sem_alloc : memref<!tpu.dma_semaphore, #tpu.memory_space<semaphore_mem>>
      %dma_start3A_150 = arith.constant 0 : i32
      %dma_start3A_151 = arith.constant 0 : i32
      %dma_start3A_152 = tpu.memref_slice %arg11[%run_scoped3A_19, %dma_start3A_150, %dma_start3A_151] : memref<8x128x64xf32, #tpu.memory_space<vmem>> -> memref<1x128x64xf32, #tpu.memory_space<vmem>>
      %dma_start3A_153 = tpu.memref_squeeze %dma_start3A_152 : memref<1x128x64xf32, #tpu.memory_space<vmem>> -> memref<128x64xf32, #tpu.memory_space<vmem>>
      %dma_start3A_154 = arith.constant 0 : i32
      %dma_start3A_155 = tpu.memref_slice %arg12[%add3A_18, %dma_start3A_154] : memref<10240x64xf32, #tpu.memory_space<vmem_shared>> -> memref<128x64xf32, #tpu.memory_space<vmem_shared>>
      %dma_start3A_156 = arith.constant 0 : i32
      %dma_start3A_157 = tpu.memref_slice %arg12[%add3A_18, %dma_start3A_156] : memref<10240x64xf32, #tpu.memory_space<vmem_shared>> -> memref<128x64xf32, #tpu.memory_space<vmem_shared>>
      %dma_start3A_158 = arith.constant 0 : i32
      %dma_start3A_159 = arith.constant 0 : i32
      %dma_start3A_160 = tpu.memref_slice %arg11[%run_scoped3A_19, %dma_start3A_158, %dma_start3A_159] : memref<8x128x64xf32, #tpu.memory_space<vmem>> -> memref<1x128x64xf32, #tpu.memory_space<vmem>>
      %dma_start3A_161 = tpu.memref_squeeze %dma_start3A_160 : memref<1x128x64xf32, #tpu.memory_space<vmem>> -> memref<128x64xf32, #tpu.memory_space<vmem>>
      tpu.enqueue_dma source(%dma_start3A_161 : memref<128x64xf32, #tpu.memory_space<vmem>>) target(%dma_start3A_157 : memref<128x64xf32, #tpu.memory_space<vmem_shared>>) target_semaphore(%run_scoped3A_149 : memref<!tpu.dma_semaphore, #tpu.memory_space<semaphore_mem>>)
      %dma_wait3A_162 = arith.constant 0 : i32
      %dma_wait3A_163 = arith.constant 0 : i32
      %dma_wait3A_164 = tpu.memref_slice %arg11[%run_scoped3A_19, %dma_wait3A_162, %dma_wait3A_163] : memref<8x128x64xf32, #tpu.memory_space<vmem>> -> memref<1x128x64xf32, #tpu.memory_space<vmem>>
      %dma_wait3A_165 = tpu.memref_squeeze %dma_wait3A_164 : memref<1x128x64xf32, #tpu.memory_space<vmem>> -> memref<128x64xf32, #tpu.memory_space<vmem>>
      %dma_wait3A_166 = arith.constant 0 : i32
      %dma_wait3A_167 = tpu.memref_slice %arg12[%add3A_18, %dma_wait3A_166] : memref<10240x64xf32, #tpu.memory_space<vmem_shared>> -> memref<128x64xf32, #tpu.memory_space<vmem_shared>>
      %dma_wait3A_168 = arith.constant 0 : i32
      %dma_wait3A_169 = tpu.memref_slice %arg12[%add3A_18, %dma_wait3A_168] : memref<10240x64xf32, #tpu.memory_space<vmem_shared>> -> memref<128x64xf32, #tpu.memory_space<vmem_shared>>
      %dma_wait3A_170 = arith.constant 0 : i32
      %dma_wait3A_171 = arith.constant 0 : i32
      %dma_wait3A_172 = tpu.memref_slice %arg11[%run_scoped3A_19, %dma_wait3A_170, %dma_wait3A_171] : memref<8x128x64xf32, #tpu.memory_space<vmem>> -> memref<1x128x64xf32, #tpu.memory_space<vmem>>
      %dma_wait3A_173 = tpu.memref_squeeze %dma_wait3A_172 : memref<1x128x64xf32, #tpu.memory_space<vmem>> -> memref<128x64xf32, #tpu.memory_space<vmem>>
      tpu.wait_dma2 semaphore(%run_scoped3A_149 : memref<!tpu.dma_semaphore, #tpu.memory_space<semaphore_mem>>) src(%dma_wait3A_173 : memref<128x64xf32, #tpu.memory_space<vmem>>) dst(%dma_wait3A_169 : memref<128x64xf32, #tpu.memory_space<vmem_shared>>)
      tpu.yield
    }) : () -> ()
    %mul3A_20 = arith.constant 640 : i32
    %mul3A_21 = arith.muli %arg1, %mul3A_20 : i32
    %add3A_22 = arith.constant 512 : i32
    %add3A_23 = arith.addi %mul3A_21, %add3A_22 : i32
    %run_scoped3A_24 = arith.constant 0 : i32
    "tpu.region"() ({
      %run_scoped3A_149 = tpu.sem_alloc : memref<!tpu.dma_semaphore, #tpu.memory_space<semaphore_mem>>
      %dma_start3A_150 = arith.constant 0 : i32
      %dma_start3A_151 = arith.constant 0 : i32
      %dma_start3A_152 = tpu.memref_slice %arg11[%run_scoped3A_24, %dma_start3A_150, %dma_start3A_151] : memref<8x128x64xf32, #tpu.memory_space<vmem>> -> memref<1x128x64xf32, #tpu.memory_space<vmem>>
      %dma_start3A_153 = tpu.memref_squeeze %dma_start3A_152 : memref<1x128x64xf32, #tpu.memory_space<vmem>> -> memref<128x64xf32, #tpu.memory_space<vmem>>
      %dma_start3A_154 = arith.constant 0 : i32
      %dma_start3A_155 = tpu.memref_slice %arg12[%add3A_23, %dma_start3A_154] : memref<10240x64xf32, #tpu.memory_space<vmem_shared>> -> memref<128x64xf32, #tpu.memory_space<vmem_shared>>
      %dma_start3A_156 = arith.constant 0 : i32
      %dma_start3A_157 = tpu.memref_slice %arg12[%add3A_23, %dma_start3A_156] : memref<10240x64xf32, #tpu.memory_space<vmem_shared>> -> memref<128x64xf32, #tpu.memory_space<vmem_shared>>
      %dma_start3A_158 = arith.constant 0 : i32
      %dma_start3A_159 = arith.constant 0 : i32
      %dma_start3A_160 = tpu.memref_slice %arg11[%run_scoped3A_24, %dma_start3A_158, %dma_start3A_159] : memref<8x128x64xf32, #tpu.memory_space<vmem>> -> memref<1x128x64xf32, #tpu.memory_space<vmem>>
      %dma_start3A_161 = tpu.memref_squeeze %dma_start3A_160 : memref<1x128x64xf32, #tpu.memory_space<vmem>> -> memref<128x64xf32, #tpu.memory_space<vmem>>
      tpu.enqueue_dma source(%dma_start3A_161 : memref<128x64xf32, #tpu.memory_space<vmem>>) target(%dma_start3A_157 : memref<128x64xf32, #tpu.memory_space<vmem_shared>>) target_semaphore(%run_scoped3A_149 : memref<!tpu.dma_semaphore, #tpu.memory_space<semaphore_mem>>)
      %dma_wait3A_162 = arith.constant 0 : i32
      %dma_wait3A_163 = arith.constant 0 : i32
      %dma_wait3A_164 = tpu.memref_slice %arg11[%run_scoped3A_24, %dma_wait3A_162, %dma_wait3A_163] : memref<8x128x64xf32, #tpu.memory_space<vmem>> -> memref<1x128x64xf32, #tpu.memory_space<vmem>>
      %dma_wait3A_165 = tpu.memref_squeeze %dma_wait3A_164 : memref<1x128x64xf32, #tpu.memory_space<vmem>> -> memref<128x64xf32, #tpu.memory_space<vmem>>
      %dma_wait3A_166 = arith.constant 0 : i32
      %dma_wait3A_167 = tpu.memref_slice %arg12[%add3A_23, %dma_wait3A_166] : memref<10240x64xf32, #tpu.memory_space<vmem_shared>> -> memref<128x64xf32, #tpu.memory_space<vmem_shared>>
      %dma_wait3A_168 = arith.constant 0 : i32
      %dma_wait3A_169 = tpu.memref_slice %arg12[%add3A_23, %dma_wait3A_168] : memref<10240x64xf32, #tpu.memory_space<vmem_shared>> -> memref<128x64xf32, #tpu.memory_space<vmem_shared>>
      %dma_wait3A_170 = arith.constant 0 : i32
      %dma_wait3A_171 = arith.constant 0 : i32
      %dma_wait3A_172 = tpu.memref_slice %arg11[%run_scoped3A_24, %dma_wait3A_170, %dma_wait3A_171] : memref<8x128x64xf32, #tpu.memory_space<vmem>> -> memref<1x128x64xf32, #tpu.memory_space<vmem>>
      %dma_wait3A_173 = tpu.memref_squeeze %dma_wait3A_172 : memref<1x128x64xf32, #tpu.memory_space<vmem>> -> memref<128x64xf32, #tpu.memory_space<vmem>>
      tpu.wait_dma2 semaphore(%run_scoped3A_149 : memref<!tpu.dma_semaphore, #tpu.memory_space<semaphore_mem>>) src(%dma_wait3A_173 : memref<128x64xf32, #tpu.memory_space<vmem>>) dst(%dma_wait3A_169 : memref<128x64xf32, #tpu.memory_space<vmem_shared>>)
      tpu.yield
    }) : () -> ()
    %barrier3A = arith.constant 0 : index
    tpu.barrier barrier_id(%barrier3A)
    %dma_start3A = arith.constant 0 : i32
    %dma_start3A_25 = tpu.memref_slice %arg3[%arg0, %mul3A_0, %dma_start3A] : memref<2x2560x128xi32, #tpu.memory_space<hbm>> -> memref<1x8x128xi32, #tpu.memory_space<hbm>>
    %dma_start3A_26 = tpu.memref_squeeze %dma_start3A_25 : memref<1x8x128xi32, #tpu.memory_space<hbm>> -> memref<8x128xi32, #tpu.memory_space<hbm>>
    %dma_start3A_27 = arith.constant 0 : i32
    %dma_start3A_28 = tpu.memref_slice %arg3[%arg0, %mul3A_0, %dma_start3A_27] : memref<2x2560x128xi32, #tpu.memory_space<hbm>> -> memref<1x8x128xi32, #tpu.memory_space<hbm>>
    %dma_start3A_29 = tpu.memref_squeeze %dma_start3A_28 : memref<1x8x128xi32, #tpu.memory_space<hbm>> -> memref<8x128xi32, #tpu.memory_space<hbm>>
    tpu.enqueue_dma source(%dma_start3A_29 : memref<8x128xi32, #tpu.memory_space<hbm>>) target(%arg7 : memref<8x128xi32, #tpu.memory_space<vmem>>) target_semaphore(%arg29 : memref<!tpu.dma_semaphore, #tpu.memory_space<semaphore_mem>>)
    %dma_start3A_30 = arith.constant 0 : i32
    %dma_start3A_31 = tpu.memref_slice %arg4[%mul3A_0, %dma_start3A_30] : memref<2560x128xi32, #tpu.memory_space<hbm>> -> memref<8x128xi32, #tpu.memory_space<hbm>>
    %dma_start3A_32 = arith.constant 0 : i32
    %dma_start3A_33 = tpu.memref_slice %arg4[%mul3A_0, %dma_start3A_32] : memref<2560x128xi32, #tpu.memory_space<hbm>> -> memref<8x128xi32, #tpu.memory_space<hbm>>
    tpu.enqueue_dma source(%dma_start3A_33 : memref<8x128xi32, #tpu.memory_space<hbm>>) target(%arg9 : memref<8x128xi32, #tpu.memory_space<vmem>>) target_semaphore(%arg30 : memref<!tpu.dma_semaphore, #tpu.memory_space<semaphore_mem>>)
    %dma_wait3A = arith.constant 0 : i32
    %dma_wait3A_34 = tpu.memref_slice %arg3[%arg0, %mul3A_0, %dma_wait3A] : memref<2x2560x128xi32, #tpu.memory_space<hbm>> -> memref<1x8x128xi32, #tpu.memory_space<hbm>>
    %dma_wait3A_35 = tpu.memref_squeeze %dma_wait3A_34 : memref<1x8x128xi32, #tpu.memory_space<hbm>> -> memref<8x128xi32, #tpu.memory_space<hbm>>
    %dma_wait3A_36 = arith.constant 0 : i32
    %dma_wait3A_37 = tpu.memref_slice %arg3[%arg0, %mul3A_0, %dma_wait3A_36] : memref<2x2560x128xi32, #tpu.memory_space<hbm>> -> memref<1x8x128xi32, #tpu.memory_space<hbm>>
    %dma_wait3A_38 = tpu.memref_squeeze %dma_wait3A_37 : memref<1x8x128xi32, #tpu.memory_space<hbm>> -> memref<8x128xi32, #tpu.memory_space<hbm>>
    tpu.wait_dma2 semaphore(%arg29 : memref<!tpu.dma_semaphore, #tpu.memory_space<semaphore_mem>>) src(%dma_wait3A_38 : memref<8x128xi32, #tpu.memory_space<hbm>>) dst(%arg7 : memref<8x128xi32, #tpu.memory_space<vmem>>)
    %dma_wait3A_39 = arith.constant 0 : i32
    %dma_wait3A_40 = tpu.memref_slice %arg4[%mul3A_0, %dma_wait3A_39] : memref<2560x128xi32, #tpu.memory_space<hbm>> -> memref<8x128xi32, #tpu.memory_space<hbm>>
    %dma_wait3A_41 = arith.constant 0 : i32
    %dma_wait3A_42 = tpu.memref_slice %arg4[%mul3A_0, %dma_wait3A_41] : memref<2560x128xi32, #tpu.memory_space<hbm>> -> memref<8x128xi32, #tpu.memory_space<hbm>>
    tpu.wait_dma2 semaphore(%arg30 : memref<!tpu.dma_semaphore, #tpu.memory_space<semaphore_mem>>) src(%dma_wait3A_42 : memref<8x128xi32, #tpu.memory_space<hbm>>) dst(%arg9 : memref<8x128xi32, #tpu.memory_space<vmem>>)
    %dma_start3A_43 = arith.constant 0 : i32
    %dma_start3A_44 = arith.constant 0 : i32
    %dma_start3A_45 = arith.constant 0 : i32
    %dma_start3A_46 = arith.constant 0 : i32
    %dma_start3A_47 = tpu.memref_slice %arg11[%dma_start3A_44, %dma_start3A_45, %dma_start3A_46] : memref<8x128x64xf32, #tpu.memory_space<vmem>> -> memref<1x128x64xf32, #tpu.memory_space<vmem>>
    %dma_start3A_48 = tpu.memref_squeeze %dma_start3A_47 : memref<1x128x64xf32, #tpu.memory_space<vmem>> -> memref<128x64xf32, #tpu.memory_space<vmem>>
    %dma_start3A_49 = arith.constant 0 : i32
    %dma_start3A_50 = tpu.memref_slice %arg7[%dma_start3A_43, %dma_start3A_49] : memref<8x128xi32, #tpu.memory_space<vmem>> -> memref<1x128xi32, #tpu.memory_space<vmem>>
    %dma_start3A_51 = tpu.memref_squeeze %dma_start3A_50 : memref<1x128xi32, #tpu.memory_space<vmem>> -> memref<128xi32, #tpu.memory_space<vmem>>
    %dma_start3A_52 = arith.constant 0 : i32
    %dma_start3A_53 = arith.constant 0 : i32
    %dma_start3A_54 = tpu.memref_slice %arg2[%dma_start3A_52, %dma_start3A_53] : memref<20000x64xf32, #tpu.memory_space<hbm>> -> memref<20000x64xf32, #tpu.memory_space<hbm>>
    tpu.enqueue_indirect_dma source(%dma_start3A_54 : memref<20000x64xf32, #tpu.memory_space<hbm>>) target(%dma_start3A_48 : memref<128x64xf32, #tpu.memory_space<vmem>>) offsets(%dma_start3A_51 : memref<128xi32, #tpu.memory_space<vmem>>) semaphore(%arg13 : memref<!tpu.dma_semaphore, #tpu.memory_space<semaphore_mem>>)
    %dma_start3A_55 = arith.constant 1 : i32
    %dma_start3A_56 = arith.constant 1 : i32
    %dma_start3A_57 = arith.constant 0 : i32
    %dma_start3A_58 = arith.constant 0 : i32
    %dma_start3A_59 = tpu.memref_slice %arg11[%dma_start3A_56, %dma_start3A_57, %dma_start3A_58] : memref<8x128x64xf32, #tpu.memory_space<vmem>> -> memref<1x128x64xf32, #tpu.memory_space<vmem>>
    %dma_start3A_60 = tpu.memref_squeeze %dma_start3A_59 : memref<1x128x64xf32, #tpu.memory_space<vmem>> -> memref<128x64xf32, #tpu.memory_space<vmem>>
    %dma_start3A_61 = arith.constant 0 : i32
    %dma_start3A_62 = tpu.memref_slice %arg7[%dma_start3A_55, %dma_start3A_61] : memref<8x128xi32, #tpu.memory_space<vmem>> -> memref<1x128xi32, #tpu.memory_space<vmem>>
    %dma_start3A_63 = tpu.memref_squeeze %dma_start3A_62 : memref<1x128xi32, #tpu.memory_space<vmem>> -> memref<128xi32, #tpu.memory_space<vmem>>
    %dma_start3A_64 = arith.constant 0 : i32
    %dma_start3A_65 = arith.constant 0 : i32
    %dma_start3A_66 = tpu.memref_slice %arg2[%dma_start3A_64, %dma_start3A_65] : memref<20000x64xf32, #tpu.memory_space<hbm>> -> memref<20000x64xf32, #tpu.memory_space<hbm>>
    tpu.enqueue_indirect_dma source(%dma_start3A_66 : memref<20000x64xf32, #tpu.memory_space<hbm>>) target(%dma_start3A_60 : memref<128x64xf32, #tpu.memory_space<vmem>>) offsets(%dma_start3A_63 : memref<128xi32, #tpu.memory_space<vmem>>) semaphore(%arg14 : memref<!tpu.dma_semaphore, #tpu.memory_space<semaphore_mem>>)
    %dma_start3A_67 = arith.constant 2 : i32
    %dma_start3A_68 = arith.constant 2 : i32
    %dma_start3A_69 = arith.constant 0 : i32
    %dma_start3A_70 = arith.constant 0 : i32
    %dma_start3A_71 = tpu.memref_slice %arg11[%dma_start3A_68, %dma_start3A_69, %dma_start3A_70] : memref<8x128x64xf32, #tpu.memory_space<vmem>> -> memref<1x128x64xf32, #tpu.memory_space<vmem>>
    %dma_start3A_72 = tpu.memref_squeeze %dma_start3A_71 : memref<1x128x64xf32, #tpu.memory_space<vmem>> -> memref<128x64xf32, #tpu.memory_space<vmem>>
    %dma_start3A_73 = arith.constant 0 : i32
    %dma_start3A_74 = tpu.memref_slice %arg7[%dma_start3A_67, %dma_start3A_73] : memref<8x128xi32, #tpu.memory_space<vmem>> -> memref<1x128xi32, #tpu.memory_space<vmem>>
    %dma_start3A_75 = tpu.memref_squeeze %dma_start3A_74 : memref<1x128xi32, #tpu.memory_space<vmem>> -> memref<128xi32, #tpu.memory_space<vmem>>
    %dma_start3A_76 = arith.constant 0 : i32
    %dma_start3A_77 = arith.constant 0 : i32
    %dma_start3A_78 = tpu.memref_slice %arg2[%dma_start3A_76, %dma_start3A_77] : memref<20000x64xf32, #tpu.memory_space<hbm>> -> memref<20000x64xf32, #tpu.memory_space<hbm>>
    tpu.enqueue_indirect_dma source(%dma_start3A_78 : memref<20000x64xf32, #tpu.memory_space<hbm>>) target(%dma_start3A_72 : memref<128x64xf32, #tpu.memory_space<vmem>>) offsets(%dma_start3A_75 : memref<128xi32, #tpu.memory_space<vmem>>) semaphore(%arg15 : memref<!tpu.dma_semaphore, #tpu.memory_space<semaphore_mem>>)
    %dma_start3A_79 = arith.constant 3 : i32
    %dma_start3A_80 = arith.constant 3 : i32
    %dma_start3A_81 = arith.constant 0 : i32
    %dma_start3A_82 = arith.constant 0 : i32
    %dma_start3A_83 = tpu.memref_slice %arg11[%dma_start3A_80, %dma_start3A_81, %dma_start3A_82] : memref<8x128x64xf32, #tpu.memory_space<vmem>> -> memref<1x128x64xf32, #tpu.memory_space<vmem>>
    %dma_start3A_84 = tpu.memref_squeeze %dma_start3A_83 : memref<1x128x64xf32, #tpu.memory_space<vmem>> -> memref<128x64xf32, #tpu.memory_space<vmem>>
    %dma_start3A_85 = arith.constant 0 : i32
    %dma_start3A_86 = tpu.memref_slice %arg7[%dma_start3A_79, %dma_start3A_85] : memref<8x128xi32, #tpu.memory_space<vmem>> -> memref<1x128xi32, #tpu.memory_space<vmem>>
    %dma_start3A_87 = tpu.memref_squeeze %dma_start3A_86 : memref<1x128xi32, #tpu.memory_space<vmem>> -> memref<128xi32, #tpu.memory_space<vmem>>
    %dma_start3A_88 = arith.constant 0 : i32
    %dma_start3A_89 = arith.constant 0 : i32
    %dma_start3A_90 = tpu.memref_slice %arg2[%dma_start3A_88, %dma_start3A_89] : memref<20000x64xf32, #tpu.memory_space<hbm>> -> memref<20000x64xf32, #tpu.memory_space<hbm>>
    tpu.enqueue_indirect_dma source(%dma_start3A_90 : memref<20000x64xf32, #tpu.memory_space<hbm>>) target(%dma_start3A_84 : memref<128x64xf32, #tpu.memory_space<vmem>>) offsets(%dma_start3A_87 : memref<128xi32, #tpu.memory_space<vmem>>) semaphore(%arg16 : memref<!tpu.dma_semaphore, #tpu.memory_space<semaphore_mem>>)
    %dma_start3A_91 = arith.constant 4 : i32
    %dma_start3A_92 = arith.constant 4 : i32
    %dma_start3A_93 = arith.constant 0 : i32
    %dma_start3A_94 = arith.constant 0 : i32
    %dma_start3A_95 = tpu.memref_slice %arg11[%dma_start3A_92, %dma_start3A_93, %dma_start3A_94] : memref<8x128x64xf32, #tpu.memory_space<vmem>> -> memref<1x128x64xf32, #tpu.memory_space<vmem>>
    %dma_start3A_96 = tpu.memref_squeeze %dma_start3A_95 : memref<1x128x64xf32, #tpu.memory_space<vmem>> -> memref<128x64xf32, #tpu.memory_space<vmem>>
    %dma_start3A_97 = arith.constant 0 : i32
    %dma_start3A_98 = tpu.memref_slice %arg7[%dma_start3A_91, %dma_start3A_97] : memref<8x128xi32, #tpu.memory_space<vmem>> -> memref<1x128xi32, #tpu.memory_space<vmem>>
    %dma_start3A_99 = tpu.memref_squeeze %dma_start3A_98 : memref<1x128xi32, #tpu.memory_space<vmem>> -> memref<128xi32, #tpu.memory_space<vmem>>
    %dma_start3A_100 = arith.constant 0 : i32
    %dma_start3A_101 = arith.constant 0 : i32
    %dma_start3A_102 = tpu.memref_slice %arg2[%dma_start3A_100, %dma_start3A_101] : memref<20000x64xf32, #tpu.memory_space<hbm>> -> memref<20000x64xf32, #tpu.memory_space<hbm>>
    tpu.enqueue_indirect_dma source(%dma_start3A_102 : memref<20000x64xf32, #tpu.memory_space<hbm>>) target(%dma_start3A_96 : memref<128x64xf32, #tpu.memory_space<vmem>>) offsets(%dma_start3A_99 : memref<128xi32, #tpu.memory_space<vmem>>) semaphore(%arg17 : memref<!tpu.dma_semaphore, #tpu.memory_space<semaphore_mem>>)
    %dma_start3A_103 = arith.constant 5 : i32
    %dma_start3A_104 = arith.constant 5 : i32
    %dma_start3A_105 = arith.constant 0 : i32
    %dma_start3A_106 = arith.constant 0 : i32
    %dma_start3A_107 = tpu.memref_slice %arg11[%dma_start3A_104, %dma_start3A_105, %dma_start3A_106] : memref<8x128x64xf32, #tpu.memory_space<vmem>> -> memref<1x128x64xf32, #tpu.memory_space<vmem>>
    %dma_start3A_108 = tpu.memref_squeeze %dma_start3A_107 : memref<1x128x64xf32, #tpu.memory_space<vmem>> -> memref<128x64xf32, #tpu.memory_space<vmem>>
    %dma_start3A_109 = arith.constant 0 : i32
    %dma_start3A_110 = tpu.memref_slice %arg7[%dma_start3A_103, %dma_start3A_109] : memref<8x128xi32, #tpu.memory_space<vmem>> -> memref<1x128xi32, #tpu.memory_space<vmem>>
    %dma_start3A_111 = tpu.memref_squeeze %dma_start3A_110 : memref<1x128xi32, #tpu.memory_space<vmem>> -> memref<128xi32, #tpu.memory_space<vmem>>
    %dma_start3A_112 = arith.constant 0 : i32
    %dma_start3A_113 = arith.constant 0 : i32
    %dma_start3A_114 = tpu.memref_slice %arg2[%dma_start3A_112, %dma_start3A_113] : memref<20000x64xf32, #tpu.memory_space<hbm>> -> memref<20000x64xf32, #tpu.memory_space<hbm>>
    tpu.enqueue_indirect_dma source(%dma_start3A_114 : memref<20000x64xf32, #tpu.memory_space<hbm>>) target(%dma_start3A_108 : memref<128x64xf32, #tpu.memory_space<vmem>>) offsets(%dma_start3A_111 : memref<128xi32, #tpu.memory_space<vmem>>) semaphore(%arg18 : memref<!tpu.dma_semaphore, #tpu.memory_space<semaphore_mem>>)
    %dma_start3A_115 = arith.constant 6 : i32
    %dma_start3A_116 = arith.constant 6 : i32
    %dma_start3A_117 = arith.constant 0 : i32
    %dma_start3A_118 = arith.constant 0 : i32
    %dma_start3A_119 = tpu.memref_slice %arg11[%dma_start3A_116, %dma_start3A_117, %dma_start3A_118] : memref<8x128x64xf32, #tpu.memory_space<vmem>> -> memref<1x128x64xf32, #tpu.memory_space<vmem>>
    %dma_start3A_120 = tpu.memref_squeeze %dma_start3A_119 : memref<1x128x64xf32, #tpu.memory_space<vmem>> -> memref<128x64xf32, #tpu.memory_space<vmem>>
    %dma_start3A_121 = arith.constant 0 : i32
    %dma_start3A_122 = tpu.memref_slice %arg7[%dma_start3A_115, %dma_start3A_121] : memref<8x128xi32, #tpu.memory_space<vmem>> -> memref<1x128xi32, #tpu.memory_space<vmem>>
    %dma_start3A_123 = tpu.memref_squeeze %dma_start3A_122 : memref<1x128xi32, #tpu.memory_space<vmem>> -> memref<128xi32, #tpu.memory_space<vmem>>
    %dma_start3A_124 = arith.constant 0 : i32
    %dma_start3A_125 = arith.constant 0 : i32
    %dma_start3A_126 = tpu.memref_slice %arg2[%dma_start3A_124, %dma_start3A_125] : memref<20000x64xf32, #tpu.memory_space<hbm>> -> memref<20000x64xf32, #tpu.memory_space<hbm>>
    tpu.enqueue_indirect_dma source(%dma_start3A_126 : memref<20000x64xf32, #tpu.memory_space<hbm>>) target(%dma_start3A_120 : memref<128x64xf32, #tpu.memory_space<vmem>>) offsets(%dma_start3A_123 : memref<128xi32, #tpu.memory_space<vmem>>) semaphore(%arg19 : memref<!tpu.dma_semaphore, #tpu.memory_space<semaphore_mem>>)
    %dma_start3A_127 = arith.constant 7 : i32
    %dma_start3A_128 = arith.constant 7 : i32
    %dma_start3A_129 = arith.constant 0 : i32
    %dma_start3A_130 = arith.constant 0 : i32
    %dma_start3A_131 = tpu.memref_slice %arg11[%dma_start3A_128, %dma_start3A_129, %dma_start3A_130] : memref<8x128x64xf32, #tpu.memory_space<vmem>> -> memref<1x128x64xf32, #tpu.memory_space<vmem>>
    %dma_start3A_132 = tpu.memref_squeeze %dma_start3A_131 : memref<1x128x64xf32, #tpu.memory_space<vmem>> -> memref<128x64xf32, #tpu.memory_space<vmem>>
    %dma_start3A_133 = arith.constant 0 : i32
    %dma_start3A_134 = tpu.memref_slice %arg7[%dma_start3A_127, %dma_start3A_133] : memref<8x128xi32, #tpu.memory_space<vmem>> -> memref<1x128xi32, #tpu.memory_space<vmem>>
    %dma_start3A_135 = tpu.memref_squeeze %dma_start3A_134 : memref<1x128xi32, #tpu.memory_space<vmem>> -> memref<128xi32, #tpu.memory_space<vmem>>
    %dma_start3A_136 = arith.constant 0 : i32
    %dma_start3A_137 = arith.constant 0 : i32
    %dma_start3A_138 = tpu.memref_slice %arg2[%dma_start3A_136, %dma_start3A_137] : memref<20000x64xf32, #tpu.memory_space<hbm>> -> memref<20000x64xf32, #tpu.memory_space<hbm>>
    tpu.enqueue_indirect_dma source(%dma_start3A_138 : memref<20000x64xf32, #tpu.memory_space<hbm>>) target(%dma_start3A_132 : memref<128x64xf32, #tpu.memory_space<vmem>>) offsets(%dma_start3A_135 : memref<128xi32, #tpu.memory_space<vmem>>) semaphore(%arg20 : memref<!tpu.dma_semaphore, #tpu.memory_space<semaphore_mem>>)
    %scan3A = arith.constant 0 : i32
    %scan3A_139 = arith.constant 0 : i32
    %scan3A_140 = arith.constant 10 : i32
    %scan3A_141 = arith.addi %scan3A_139, %scan3A_140 : i32
    %scan3A_142 = arith.constant 1 : i32
    scf.for %scan3A_149 = %scan3A_139 to %scan3A_141 step %scan3A_142  : i32 {
      %mul3A_150 = arith.constant 2 : i32
      %mul3A_151 = arith.muli %mul3A_150, %scan3A_149 : i32
      %ge3A = arith.constant 19 : i32
      %ge3A_152 = arith.cmpi sge, %mul3A_151, %ge3A : i32
      %dma_wait3A_153 = arith.constant 0 : i32
      %dma_wait3A_154 = arith.constant 0 : i32
      %dma_wait3A_155 = arith.constant 0 : i32
      %dma_wait3A_156 = arith.constant 0 : i32
      %dma_wait3A_157 = tpu.memref_slice %arg11[%dma_wait3A_154, %dma_wait3A_155, %dma_wait3A_156] : memref<8x128x64xf32, #tpu.memory_space<vmem>> -> memref<1x128x64xf32, #tpu.memory_space<vmem>>
      %dma_wait3A_158 = tpu.memref_squeeze %dma_wait3A_157 : memref<1x128x64xf32, #tpu.memory_space<vmem>> -> memref<128x64xf32, #tpu.memory_space<vmem>>
      %dma_wait3A_159 = arith.constant 0 : i32
      %dma_wait3A_160 = tpu.memref_slice %arg7[%dma_wait3A_153, %dma_wait3A_159] : memref<8x128xi32, #tpu.memory_space<vmem>> -> memref<1x128xi32, #tpu.memory_space<vmem>>
      %dma_wait3A_161 = tpu.memref_squeeze %dma_wait3A_160 : memref<1x128xi32, #tpu.memory_space<vmem>> -> memref<128xi32, #tpu.memory_space<vmem>>
      %dma_wait3A_162 = arith.constant 0 : i32
      %dma_wait3A_163 = arith.constant 0 : i32
      %dma_wait3A_164 = tpu.memref_slice %arg2[%dma_wait3A_162, %dma_wait3A_163] : memref<20000x64xf32, #tpu.memory_space<hbm>> -> memref<20000x64xf32, #tpu.memory_space<hbm>>
      tpu.wait_indirect_dma semaphore(%arg13 : memref<!tpu.dma_semaphore, #tpu.memory_space<semaphore_mem>>) src(%dma_wait3A_164 : memref<20000x64xf32, #tpu.memory_space<hbm>>) dst(%dma_wait3A_158 : memref<128x64xf32, #tpu.memory_space<vmem>>)
      %dma_start3A_165 = arith.constant 0 : i32
      %dma_start3A_166 = arith.constant 0 : i32
      %dma_start3A_167 = arith.constant 0 : i32
      %dma_start3A_168 = arith.constant 0 : i32
      %dma_start3A_169 = tpu.memref_slice %arg11[%dma_start3A_165, %dma_start3A_167, %dma_start3A_168] : memref<8x128x64xf32, #tpu.memory_space<vmem>> -> memref<1x128x64xf32, #tpu.memory_space<vmem>>
      %dma_start3A_170 = tpu.memref_squeeze %dma_start3A_169 : memref<1x128x64xf32, #tpu.memory_space<vmem>> -> memref<128x64xf32, #tpu.memory_space<vmem>>
      %dma_start3A_171 = arith.constant 0 : i32
      %dma_start3A_172 = tpu.memref_slice %arg9[%dma_start3A_166, %dma_start3A_171] : memref<8x128xi32, #tpu.memory_space<vmem>> -> memref<1x128xi32, #tpu.memory_space<vmem>>
      %dma_start3A_173 = tpu.memref_squeeze %dma_start3A_172 : memref<1x128xi32, #tpu.memory_space<vmem>> -> memref<128xi32, #tpu.memory_space<vmem>>
      %dma_start3A_174 = arith.constant 0 : i32
      %dma_start3A_175 = arith.constant 0 : i32
      %dma_start3A_176 = tpu.memref_slice %arg12[%dma_start3A_174, %dma_start3A_175] : memref<10240x64xf32, #tpu.memory_space<vmem_shared>> -> memref<10240x64xf32, #tpu.memory_space<vmem_shared>>
      tpu.enqueue_indirect_dma source(%dma_start3A_170 : memref<128x64xf32, #tpu.memory_space<vmem>>) target(%dma_start3A_176 : memref<10240x64xf32, #tpu.memory_space<vmem_shared>>) offsets(%dma_start3A_173 : memref<128xi32, #tpu.memory_space<vmem>>) semaphore(%arg21 : memref<!tpu.dma_semaphore, #tpu.memory_space<semaphore_mem>>) {add = true}
      %dma_wait3A_177 = arith.constant 0 : i32
      %dma_wait3A_178 = arith.constant 1 : i32
      %dma_wait3A_179 = arith.constant 0 : i32
      %dma_wait3A_180 = arith.constant 0 : i32
      %dma_wait3A_181 = tpu.memref_slice %arg11[%dma_wait3A_178, %dma_wait3A_179, %dma_wait3A_180] : memref<8x128x64xf32, #tpu.memory_space<vmem>> -> memref<1x128x64xf32, #tpu.memory_space<vmem>>
      %dma_wait3A_182 = tpu.memref_squeeze %dma_wait3A_181 : memref<1x128x64xf32, #tpu.memory_space<vmem>> -> memref<128x64xf32, #tpu.memory_space<vmem>>
      %dma_wait3A_183 = arith.constant 0 : i32
      %dma_wait3A_184 = tpu.memref_slice %arg7[%dma_wait3A_177, %dma_wait3A_183] : memref<8x128xi32, #tpu.memory_space<vmem>> -> memref<1x128xi32, #tpu.memory_space<vmem>>
      %dma_wait3A_185 = tpu.memref_squeeze %dma_wait3A_184 : memref<1x128xi32, #tpu.memory_space<vmem>> -> memref<128xi32, #tpu.memory_space<vmem>>
      %dma_wait3A_186 = arith.constant 0 : i32
      %dma_wait3A_187 = arith.constant 0 : i32
      %dma_wait3A_188 = tpu.memref_slice %arg2[%dma_wait3A_186, %dma_wait3A_187] : memref<20000x64xf32, #tpu.memory_space<hbm>> -> memref<20000x64xf32, #tpu.memory_space<hbm>>
      tpu.wait_indirect_dma semaphore(%arg14 : memref<!tpu.dma_semaphore, #tpu.memory_space<semaphore_mem>>) src(%dma_wait3A_188 : memref<20000x64xf32, #tpu.memory_space<hbm>>) dst(%dma_wait3A_182 : memref<128x64xf32, #tpu.memory_space<vmem>>)
      %dma_start3A_189 = arith.constant 1 : i32
      %dma_start3A_190 = arith.constant 1 : i32
      %dma_start3A_191 = arith.constant 0 : i32
      %dma_start3A_192 = arith.constant 0 : i32
      %dma_start3A_193 = tpu.memref_slice %arg11[%dma_start3A_189, %dma_start3A_191, %dma_start3A_192] : memref<8x128x64xf32, #tpu.memory_space<vmem>> -> memref<1x128x64xf32, #tpu.memory_space<vmem>>
      %dma_start3A_194 = tpu.memref_squeeze %dma_start3A_193 : memref<1x128x64xf32, #tpu.memory_space<vmem>> -> memref<128x64xf32, #tpu.memory_space<vmem>>
      %dma_start3A_195 = arith.constant 0 : i32
      %dma_start3A_196 = tpu.memref_slice %arg9[%dma_start3A_190, %dma_start3A_195] : memref<8x128xi32, #tpu.memory_space<vmem>> -> memref<1x128xi32, #tpu.memory_space<vmem>>
      %dma_start3A_197 = tpu.memref_squeeze %dma_start3A_196 : memref<1x128xi32, #tpu.memory_space<vmem>> -> memref<128xi32, #tpu.memory_space<vmem>>
      %dma_start3A_198 = arith.constant 0 : i32
      %dma_start3A_199 = arith.constant 0 : i32
      %dma_start3A_200 = tpu.memref_slice %arg12[%dma_start3A_198, %dma_start3A_199] : memref<10240x64xf32, #tpu.memory_space<vmem_shared>> -> memref<10240x64xf32, #tpu.memory_space<vmem_shared>>
      tpu.enqueue_indirect_dma source(%dma_start3A_194 : memref<128x64xf32, #tpu.memory_space<vmem>>) target(%dma_start3A_200 : memref<10240x64xf32, #tpu.memory_space<vmem_shared>>) offsets(%dma_start3A_197 : memref<128xi32, #tpu.memory_space<vmem>>) semaphore(%arg22 : memref<!tpu.dma_semaphore, #tpu.memory_space<semaphore_mem>>) {add = true}
      %dma_wait3A_201 = arith.constant 0 : i32
      %dma_wait3A_202 = arith.constant 2 : i32
      %dma_wait3A_203 = arith.constant 0 : i32
      %dma_wait3A_204 = arith.constant 0 : i32
      %dma_wait3A_205 = tpu.memref_slice %arg11[%dma_wait3A_202, %dma_wait3A_203, %dma_wait3A_204] : memref<8x128x64xf32, #tpu.memory_space<vmem>> -> memref<1x128x64xf32, #tpu.memory_space<vmem>>
      %dma_wait3A_206 = tpu.memref_squeeze %dma_wait3A_205 : memref<1x128x64xf32, #tpu.memory_space<vmem>> -> memref<128x64xf32, #tpu.memory_space<vmem>>
      %dma_wait3A_207 = arith.constant 0 : i32
      %dma_wait3A_208 = tpu.memref_slice %arg7[%dma_wait3A_201, %dma_wait3A_207] : memref<8x128xi32, #tpu.memory_space<vmem>> -> memref<1x128xi32, #tpu.memory_space<vmem>>
      %dma_wait3A_209 = tpu.memref_squeeze %dma_wait3A_208 : memref<1x128xi32, #tpu.memory_space<vmem>> -> memref<128xi32, #tpu.memory_space<vmem>>
      %dma_wait3A_210 = arith.constant 0 : i32
      %dma_wait3A_211 = arith.constant 0 : i32
      %dma_wait3A_212 = tpu.memref_slice %arg2[%dma_wait3A_210, %dma_wait3A_211] : memref<20000x64xf32, #tpu.memory_space<hbm>> -> memref<20000x64xf32, #tpu.memory_space<hbm>>
      tpu.wait_indirect_dma semaphore(%arg15 : memref<!tpu.dma_semaphore, #tpu.memory_space<semaphore_mem>>) src(%dma_wait3A_212 : memref<20000x64xf32, #tpu.memory_space<hbm>>) dst(%dma_wait3A_206 : memref<128x64xf32, #tpu.memory_space<vmem>>)
      %dma_start3A_213 = arith.constant 2 : i32
      %dma_start3A_214 = arith.constant 2 : i32
      %dma_start3A_215 = arith.constant 0 : i32
      %dma_start3A_216 = arith.constant 0 : i32
      %dma_start3A_217 = tpu.memref_slice %arg11[%dma_start3A_213, %dma_start3A_215, %dma_start3A_216] : memref<8x128x64xf32, #tpu.memory_space<vmem>> -> memref<1x128x64xf32, #tpu.memory_space<vmem>>
      %dma_start3A_218 = tpu.memref_squeeze %dma_start3A_217 : memref<1x128x64xf32, #tpu.memory_space<vmem>> -> memref<128x64xf32, #tpu.memory_space<vmem>>
      %dma_start3A_219 = arith.constant 0 : i32
      %dma_start3A_220 = tpu.memref_slice %arg9[%dma_start3A_214, %dma_start3A_219] : memref<8x128xi32, #tpu.memory_space<vmem>> -> memref<1x128xi32, #tpu.memory_space<vmem>>
      %dma_start3A_221 = tpu.memref_squeeze %dma_start3A_220 : memref<1x128xi32, #tpu.memory_space<vmem>> -> memref<128xi32, #tpu.memory_space<vmem>>
      %dma_start3A_222 = arith.constant 0 : i32
      %dma_start3A_223 = arith.constant 0 : i32
      %dma_start3A_224 = tpu.memref_slice %arg12[%dma_start3A_222, %dma_start3A_223] : memref<10240x64xf32, #tpu.memory_space<vmem_shared>> -> memref<10240x64xf32, #tpu.memory_space<vmem_shared>>
      tpu.enqueue_indirect_dma source(%dma_start3A_218 : memref<128x64xf32, #tpu.memory_space<vmem>>) target(%dma_start3A_224 : memref<10240x64xf32, #tpu.memory_space<vmem_shared>>) offsets(%dma_start3A_221 : memref<128xi32, #tpu.memory_space<vmem>>) semaphore(%arg23 : memref<!tpu.dma_semaphore, #tpu.memory_space<semaphore_mem>>) {add = true}
      %dma_wait3A_225 = arith.constant 0 : i32
      %dma_wait3A_226 = arith.constant 3 : i32
      %dma_wait3A_227 = arith.constant 0 : i32
      %dma_wait3A_228 = arith.constant 0 : i32
      %dma_wait3A_229 = tpu.memref_slice %arg11[%dma_wait3A_226, %dma_wait3A_227, %dma_wait3A_228] : memref<8x128x64xf32, #tpu.memory_space<vmem>> -> memref<1x128x64xf32, #tpu.memory_space<vmem>>
      %dma_wait3A_230 = tpu.memref_squeeze %dma_wait3A_229 : memref<1x128x64xf32, #tpu.memory_space<vmem>> -> memref<128x64xf32, #tpu.memory_space<vmem>>
      %dma_wait3A_231 = arith.constant 0 : i32
      %dma_wait3A_232 = tpu.memref_slice %arg7[%dma_wait3A_225, %dma_wait3A_231] : memref<8x128xi32, #tpu.memory_space<vmem>> -> memref<1x128xi32, #tpu.memory_space<vmem>>
      %dma_wait3A_233 = tpu.memref_squeeze %dma_wait3A_232 : memref<1x128xi32, #tpu.memory_space<vmem>> -> memref<128xi32, #tpu.memory_space<vmem>>
      %dma_wait3A_234 = arith.constant 0 : i32
      %dma_wait3A_235 = arith.constant 0 : i32
      %dma_wait3A_236 = tpu.memref_slice %arg2[%dma_wait3A_234, %dma_wait3A_235] : memref<20000x64xf32, #tpu.memory_space<hbm>> -> memref<20000x64xf32, #tpu.memory_space<hbm>>
      tpu.wait_indirect_dma semaphore(%arg16 : memref<!tpu.dma_semaphore, #tpu.memory_space<semaphore_mem>>) src(%dma_wait3A_236 : memref<20000x64xf32, #tpu.memory_space<hbm>>) dst(%dma_wait3A_230 : memref<128x64xf32, #tpu.memory_space<vmem>>)
      %dma_start3A_237 = arith.constant 3 : i32
      %dma_start3A_238 = arith.constant 3 : i32
      %dma_start3A_239 = arith.constant 0 : i32
      %dma_start3A_240 = arith.constant 0 : i32
      %dma_start3A_241 = tpu.memref_slice %arg11[%dma_start3A_237, %dma_start3A_239, %dma_start3A_240] : memref<8x128x64xf32, #tpu.memory_space<vmem>> -> memref<1x128x64xf32, #tpu.memory_space<vmem>>
      %dma_start3A_242 = tpu.memref_squeeze %dma_start3A_241 : memref<1x128x64xf32, #tpu.memory_space<vmem>> -> memref<128x64xf32, #tpu.memory_space<vmem>>
      %dma_start3A_243 = arith.constant 0 : i32
      %dma_start3A_244 = tpu.memref_slice %arg9[%dma_start3A_238, %dma_start3A_243] : memref<8x128xi32, #tpu.memory_space<vmem>> -> memref<1x128xi32, #tpu.memory_space<vmem>>
      %dma_start3A_245 = tpu.memref_squeeze %dma_start3A_244 : memref<1x128xi32, #tpu.memory_space<vmem>> -> memref<128xi32, #tpu.memory_space<vmem>>
      %dma_start3A_246 = arith.constant 0 : i32
      %dma_start3A_247 = arith.constant 0 : i32
      %dma_start3A_248 = tpu.memref_slice %arg12[%dma_start3A_246, %dma_start3A_247] : memref<10240x64xf32, #tpu.memory_space<vmem_shared>> -> memref<10240x64xf32, #tpu.memory_space<vmem_shared>>
      tpu.enqueue_indirect_dma source(%dma_start3A_242 : memref<128x64xf32, #tpu.memory_space<vmem>>) target(%dma_start3A_248 : memref<10240x64xf32, #tpu.memory_space<vmem_shared>>) offsets(%dma_start3A_245 : memref<128xi32, #tpu.memory_space<vmem>>) semaphore(%arg24 : memref<!tpu.dma_semaphore, #tpu.memory_space<semaphore_mem>>) {add = true}
      %dma_wait3A_249 = arith.constant 0 : i32
      %dma_wait3A_250 = arith.constant 4 : i32
      %dma_wait3A_251 = arith.constant 0 : i32
      %dma_wait3A_252 = arith.constant 0 : i32
      %dma_wait3A_253 = tpu.memref_slice %arg11[%dma_wait3A_250, %dma_wait3A_251, %dma_wait3A_252] : memref<8x128x64xf32, #tpu.memory_space<vmem>> -> memref<1x128x64xf32, #tpu.memory_space<vmem>>
      %dma_wait3A_254 = tpu.memref_squeeze %dma_wait3A_253 : memref<1x128x64xf32, #tpu.memory_space<vmem>> -> memref<128x64xf32, #tpu.memory_space<vmem>>
      %dma_wait3A_255 = arith.constant 0 : i32
      %dma_wait3A_256 = tpu.memref_slice %arg7[%dma_wait3A_249, %dma_wait3A_255] : memref<8x128xi32, #tpu.memory_space<vmem>> -> memref<1x128xi32, #tpu.memory_space<vmem>>
      %dma_wait3A_257 = tpu.memref_squeeze %dma_wait3A_256 : memref<1x128xi32, #tpu.memory_space<vmem>> -> memref<128xi32, #tpu.memory_space<vmem>>
      %dma_wait3A_258 = arith.constant 0 : i32
      %dma_wait3A_259 = arith.constant 0 : i32
      %dma_wait3A_260 = tpu.memref_slice %arg2[%dma_wait3A_258, %dma_wait3A_259] : memref<20000x64xf32, #tpu.memory_space<hbm>> -> memref<20000x64xf32, #tpu.memory_space<hbm>>
      tpu.wait_indirect_dma semaphore(%arg17 : memref<!tpu.dma_semaphore, #tpu.memory_space<semaphore_mem>>) src(%dma_wait3A_260 : memref<20000x64xf32, #tpu.memory_space<hbm>>) dst(%dma_wait3A_254 : memref<128x64xf32, #tpu.memory_space<vmem>>)
      %dma_start3A_261 = arith.constant 4 : i32
      %dma_start3A_262 = arith.constant 4 : i32
      %dma_start3A_263 = arith.constant 0 : i32
      %dma_start3A_264 = arith.constant 0 : i32
      %dma_start3A_265 = tpu.memref_slice %arg11[%dma_start3A_261, %dma_start3A_263, %dma_start3A_264] : memref<8x128x64xf32, #tpu.memory_space<vmem>> -> memref<1x128x64xf32, #tpu.memory_space<vmem>>
      %dma_start3A_266 = tpu.memref_squeeze %dma_start3A_265 : memref<1x128x64xf32, #tpu.memory_space<vmem>> -> memref<128x64xf32, #tpu.memory_space<vmem>>
      %dma_start3A_267 = arith.constant 0 : i32
      %dma_start3A_268 = tpu.memref_slice %arg9[%dma_start3A_262, %dma_start3A_267] : memref<8x128xi32, #tpu.memory_space<vmem>> -> memref<1x128xi32, #tpu.memory_space<vmem>>
      %dma_start3A_269 = tpu.memref_squeeze %dma_start3A_268 : memref<1x128xi32, #tpu.memory_space<vmem>> -> memref<128xi32, #tpu.memory_space<vmem>>
      %dma_start3A_270 = arith.constant 0 : i32
      %dma_start3A_271 = arith.constant 0 : i32
      %dma_start3A_272 = tpu.memref_slice %arg12[%dma_start3A_270, %dma_start3A_271] : memref<10240x64xf32, #tpu.memory_space<vmem_shared>> -> memref<10240x64xf32, #tpu.memory_space<vmem_shared>>
      tpu.enqueue_indirect_dma source(%dma_start3A_266 : memref<128x64xf32, #tpu.memory_space<vmem>>) target(%dma_start3A_272 : memref<10240x64xf32, #tpu.memory_space<vmem_shared>>) offsets(%dma_start3A_269 : memref<128xi32, #tpu.memory_space<vmem>>) semaphore(%arg25 : memref<!tpu.dma_semaphore, #tpu.memory_space<semaphore_mem>>) {add = true}
      %dma_wait3A_273 = arith.constant 0 : i32
      %dma_wait3A_274 = arith.constant 5 : i32
      %dma_wait3A_275 = arith.constant 0 : i32
      %dma_wait3A_276 = arith.constant 0 : i32
      %dma_wait3A_277 = tpu.memref_slice %arg11[%dma_wait3A_274, %dma_wait3A_275, %dma_wait3A_276] : memref<8x128x64xf32, #tpu.memory_space<vmem>> -> memref<1x128x64xf32, #tpu.memory_space<vmem>>
      %dma_wait3A_278 = tpu.memref_squeeze %dma_wait3A_277 : memref<1x128x64xf32, #tpu.memory_space<vmem>> -> memref<128x64xf32, #tpu.memory_space<vmem>>
      %dma_wait3A_279 = arith.constant 0 : i32
      %dma_wait3A_280 = tpu.memref_slice %arg7[%dma_wait3A_273, %dma_wait3A_279] : memref<8x128xi32, #tpu.memory_space<vmem>> -> memref<1x128xi32, #tpu.memory_space<vmem>>
      %dma_wait3A_281 = tpu.memref_squeeze %dma_wait3A_280 : memref<1x128xi32, #tpu.memory_space<vmem>> -> memref<128xi32, #tpu.memory_space<vmem>>
      %dma_wait3A_282 = arith.constant 0 : i32
      %dma_wait3A_283 = arith.constant 0 : i32
      %dma_wait3A_284 = tpu.memref_slice %arg2[%dma_wait3A_282, %dma_wait3A_283] : memref<20000x64xf32, #tpu.memory_space<hbm>> -> memref<20000x64xf32, #tpu.memory_space<hbm>>
      tpu.wait_indirect_dma semaphore(%arg18 : memref<!tpu.dma_semaphore, #tpu.memory_space<semaphore_mem>>) src(%dma_wait3A_284 : memref<20000x64xf32, #tpu.memory_space<hbm>>) dst(%dma_wait3A_278 : memref<128x64xf32, #tpu.memory_space<vmem>>)
      %dma_start3A_285 = arith.constant 5 : i32
      %dma_start3A_286 = arith.constant 5 : i32
      %dma_start3A_287 = arith.constant 0 : i32
      %dma_start3A_288 = arith.constant 0 : i32
      %dma_start3A_289 = tpu.memref_slice %arg11[%dma_start3A_285, %dma_start3A_287, %dma_start3A_288] : memref<8x128x64xf32, #tpu.memory_space<vmem>> -> memref<1x128x64xf32, #tpu.memory_space<vmem>>
      %dma_start3A_290 = tpu.memref_squeeze %dma_start3A_289 : memref<1x128x64xf32, #tpu.memory_space<vmem>> -> memref<128x64xf32, #tpu.memory_space<vmem>>
      %dma_start3A_291 = arith.constant 0 : i32
      %dma_start3A_292 = tpu.memref_slice %arg9[%dma_start3A_286, %dma_start3A_291] : memref<8x128xi32, #tpu.memory_space<vmem>> -> memref<1x128xi32, #tpu.memory_space<vmem>>
      %dma_start3A_293 = tpu.memref_squeeze %dma_start3A_292 : memref<1x128xi32, #tpu.memory_space<vmem>> -> memref<128xi32, #tpu.memory_space<vmem>>
      %dma_start3A_294 = arith.constant 0 : i32
      %dma_start3A_295 = arith.constant 0 : i32
      %dma_start3A_296 = tpu.memref_slice %arg12[%dma_start3A_294, %dma_start3A_295] : memref<10240x64xf32, #tpu.memory_space<vmem_shared>> -> memref<10240x64xf32, #tpu.memory_space<vmem_shared>>
      tpu.enqueue_indirect_dma source(%dma_start3A_290 : memref<128x64xf32, #tpu.memory_space<vmem>>) target(%dma_start3A_296 : memref<10240x64xf32, #tpu.memory_space<vmem_shared>>) offsets(%dma_start3A_293 : memref<128xi32, #tpu.memory_space<vmem>>) semaphore(%arg26 : memref<!tpu.dma_semaphore, #tpu.memory_space<semaphore_mem>>) {add = true}
      %dma_wait3A_297 = arith.constant 0 : i32
      %dma_wait3A_298 = arith.constant 6 : i32
      %dma_wait3A_299 = arith.constant 0 : i32
      %dma_wait3A_300 = arith.constant 0 : i32
      %dma_wait3A_301 = tpu.memref_slice %arg11[%dma_wait3A_298, %dma_wait3A_299, %dma_wait3A_300] : memref<8x128x64xf32, #tpu.memory_space<vmem>> -> memref<1x128x64xf32, #tpu.memory_space<vmem>>
      %dma_wait3A_302 = tpu.memref_squeeze %dma_wait3A_301 : memref<1x128x64xf32, #tpu.memory_space<vmem>> -> memref<128x64xf32, #tpu.memory_space<vmem>>
      %dma_wait3A_303 = arith.constant 0 : i32
      %dma_wait3A_304 = tpu.memref_slice %arg7[%dma_wait3A_297, %dma_wait3A_303] : memref<8x128xi32, #tpu.memory_space<vmem>> -> memref<1x128xi32, #tpu.memory_space<vmem>>
      %dma_wait3A_305 = tpu.memref_squeeze %dma_wait3A_304 : memref<1x128xi32, #tpu.memory_space<vmem>> -> memref<128xi32, #tpu.memory_space<vmem>>
      %dma_wait3A_306 = arith.constant 0 : i32
      %dma_wait3A_307 = arith.constant 0 : i32
      %dma_wait3A_308 = tpu.memref_slice %arg2[%dma_wait3A_306, %dma_wait3A_307] : memref<20000x64xf32, #tpu.memory_space<hbm>> -> memref<20000x64xf32, #tpu.memory_space<hbm>>
      tpu.wait_indirect_dma semaphore(%arg19 : memref<!tpu.dma_semaphore, #tpu.memory_space<semaphore_mem>>) src(%dma_wait3A_308 : memref<20000x64xf32, #tpu.memory_space<hbm>>) dst(%dma_wait3A_302 : memref<128x64xf32, #tpu.memory_space<vmem>>)
      %dma_start3A_309 = arith.constant 6 : i32
      %dma_start3A_310 = arith.constant 6 : i32
      %dma_start3A_311 = arith.constant 0 : i32
      %dma_start3A_312 = arith.constant 0 : i32
      %dma_start3A_313 = tpu.memref_slice %arg11[%dma_start3A_309, %dma_start3A_311, %dma_start3A_312] : memref<8x128x64xf32, #tpu.memory_space<vmem>> -> memref<1x128x64xf32, #tpu.memory_space<vmem>>
      %dma_start3A_314 = tpu.memref_squeeze %dma_start3A_313 : memref<1x128x64xf32, #tpu.memory_space<vmem>> -> memref<128x64xf32, #tpu.memory_space<vmem>>
      %dma_start3A_315 = arith.constant 0 : i32
      %dma_start3A_316 = tpu.memref_slice %arg9[%dma_start3A_310, %dma_start3A_315] : memref<8x128xi32, #tpu.memory_space<vmem>> -> memref<1x128xi32, #tpu.memory_space<vmem>>
      %dma_start3A_317 = tpu.memref_squeeze %dma_start3A_316 : memref<1x128xi32, #tpu.memory_space<vmem>> -> memref<128xi32, #tpu.memory_space<vmem>>
      %dma_start3A_318 = arith.constant 0 : i32
      %dma_start3A_319 = arith.constant 0 : i32
      %dma_start3A_320 = tpu.memref_slice %arg12[%dma_start3A_318, %dma_start3A_319] : memref<10240x64xf32, #tpu.memory_space<vmem_shared>> -> memref<10240x64xf32, #tpu.memory_space<vmem_shared>>
      tpu.enqueue_indirect_dma source(%dma_start3A_314 : memref<128x64xf32, #tpu.memory_space<vmem>>) target(%dma_start3A_320 : memref<10240x64xf32, #tpu.memory_space<vmem_shared>>) offsets(%dma_start3A_317 : memref<128xi32, #tpu.memory_space<vmem>>) semaphore(%arg27 : memref<!tpu.dma_semaphore, #tpu.memory_space<semaphore_mem>>) {add = true}
      %dma_wait3A_321 = arith.constant 0 : i32
      %dma_wait3A_322 = arith.constant 7 : i32
      %dma_wait3A_323 = arith.constant 0 : i32
      %dma_wait3A_324 = arith.constant 0 : i32
      %dma_wait3A_325 = tpu.memref_slice %arg11[%dma_wait3A_322, %dma_wait3A_323, %dma_wait3A_324] : memref<8x128x64xf32, #tpu.memory_space<vmem>> -> memref<1x128x64xf32, #tpu.memory_space<vmem>>
      %dma_wait3A_326 = tpu.memref_squeeze %dma_wait3A_325 : memref<1x128x64xf32, #tpu.memory_space<vmem>> -> memref<128x64xf32, #tpu.memory_space<vmem>>
      %dma_wait3A_327 = arith.constant 0 : i32
      %dma_wait3A_328 = tpu.memref_slice %arg7[%dma_wait3A_321, %dma_wait3A_327] : memref<8x128xi32, #tpu.memory_space<vmem>> -> memref<1x128xi32, #tpu.memory_space<vmem>>
      %dma_wait3A_329 = tpu.memref_squeeze %dma_wait3A_328 : memref<1x128xi32, #tpu.memory_space<vmem>> -> memref<128xi32, #tpu.memory_space<vmem>>
      %dma_wait3A_330 = arith.constant 0 : i32
      %dma_wait3A_331 = arith.constant 0 : i32
      %dma_wait3A_332 = tpu.memref_slice %arg2[%dma_wait3A_330, %dma_wait3A_331] : memref<20000x64xf32, #tpu.memory_space<hbm>> -> memref<20000x64xf32, #tpu.memory_space<hbm>>
      tpu.wait_indirect_dma semaphore(%arg20 : memref<!tpu.dma_semaphore, #tpu.memory_space<semaphore_mem>>) src(%dma_wait3A_332 : memref<20000x64xf32, #tpu.memory_space<hbm>>) dst(%dma_wait3A_326 : memref<128x64xf32, #tpu.memory_space<vmem>>)
      %dma_start3A_333 = arith.constant 7 : i32
      %dma_start3A_334 = arith.constant 7 : i32
      %dma_start3A_335 = arith.constant 0 : i32
      %dma_start3A_336 = arith.constant 0 : i32
      %dma_start3A_337 = tpu.memref_slice %arg11[%dma_start3A_333, %dma_start3A_335, %dma_start3A_336] : memref<8x128x64xf32, #tpu.memory_space<vmem>> -> memref<1x128x64xf32, #tpu.memory_space<vmem>>
      %dma_start3A_338 = tpu.memref_squeeze %dma_start3A_337 : memref<1x128x64xf32, #tpu.memory_space<vmem>> -> memref<128x64xf32, #tpu.memory_space<vmem>>
      %dma_start3A_339 = arith.constant 0 : i32
      %dma_start3A_340 = tpu.memref_slice %arg9[%dma_start3A_334, %dma_start3A_339] : memref<8x128xi32, #tpu.memory_space<vmem>> -> memref<1x128xi32, #tpu.memory_space<vmem>>
      %dma_start3A_341 = tpu.memref_squeeze %dma_start3A_340 : memref<1x128xi32, #tpu.memory_space<vmem>> -> memref<128xi32, #tpu.memory_space<vmem>>
      %dma_start3A_342 = arith.constant 0 : i32
      %dma_start3A_343 = arith.constant 0 : i32
      %dma_start3A_344 = tpu.memref_slice %arg12[%dma_start3A_342, %dma_start3A_343] : memref<10240x64xf32, #tpu.memory_space<vmem_shared>> -> memref<10240x64xf32, #tpu.memory_space<vmem_shared>>
      tpu.enqueue_indirect_dma source(%dma_start3A_338 : memref<128x64xf32, #tpu.memory_space<vmem>>) target(%dma_start3A_344 : memref<10240x64xf32, #tpu.memory_space<vmem_shared>>) offsets(%dma_start3A_341 : memref<128xi32, #tpu.memory_space<vmem>>) semaphore(%arg28 : memref<!tpu.dma_semaphore, #tpu.memory_space<semaphore_mem>>) {add = true}
      %not3A = arith.constant true
      %not3A_345 = arith.xori %ge3A_152, %not3A : i1
      %convert_element_type3A = arith.extui %not3A_345 : i1 to i32
      %cond3A = arith.constant 0 : i32
      %cond3A_346 = arith.cmpi ne, %convert_element_type3A, %cond3A : i32
      scf.if %cond3A_346 {
        %add3A_832 = arith.constant 1 : i32
        %add3A_833 = arith.addi %mul3A_151, %add3A_832 : i32
        %mul3A_834 = arith.constant 8 : i32
        %mul3A_835 = arith.muli %add3A_833, %mul3A_834 : i32
        %add3A_836 = arith.addi %mul3A_0, %mul3A_835 : i32
        %dma_start3A_837 = arith.constant 0 : i32
        %dma_start3A_838 = tpu.memref_slice %arg3[%arg0, %add3A_836, %dma_start3A_837] : memref<2x2560x128xi32, #tpu.memory_space<hbm>> -> memref<1x8x128xi32, #tpu.memory_space<hbm>>
        %dma_start3A_839 = tpu.memref_squeeze %dma_start3A_838 : memref<1x8x128xi32, #tpu.memory_space<hbm>> -> memref<8x128xi32, #tpu.memory_space<hbm>>
        %dma_start3A_840 = arith.constant 0 : i32
        %dma_start3A_841 = tpu.memref_slice %arg3[%arg0, %add3A_836, %dma_start3A_840] : memref<2x2560x128xi32, #tpu.memory_space<hbm>> -> memref<1x8x128xi32, #tpu.memory_space<hbm>>
        %dma_start3A_842 = tpu.memref_squeeze %dma_start3A_841 : memref<1x8x128xi32, #tpu.memory_space<hbm>> -> memref<8x128xi32, #tpu.memory_space<hbm>>
        tpu.enqueue_dma source(%dma_start3A_842 : memref<8x128xi32, #tpu.memory_space<hbm>>) target(%arg8 : memref<8x128xi32, #tpu.memory_space<vmem>>) target_semaphore(%arg31 : memref<!tpu.dma_semaphore, #tpu.memory_space<semaphore_mem>>)
        %add3A_843 = arith.constant 1 : i32
        %add3A_844 = arith.addi %mul3A_151, %add3A_843 : i32
        %mul3A_845 = arith.constant 8 : i32
        %mul3A_846 = arith.muli %add3A_844, %mul3A_845 : i32
        %add3A_847 = arith.addi %mul3A_0, %mul3A_846 : i32
        %dma_start3A_848 = arith.constant 0 : i32
        %dma_start3A_849 = tpu.memref_slice %arg4[%add3A_847, %dma_start3A_848] : memref<2560x128xi32, #tpu.memory_space<hbm>> -> memref<8x128xi32, #tpu.memory_space<hbm>>
        %dma_start3A_850 = arith.constant 0 : i32
        %dma_start3A_851 = tpu.memref_slice %arg4[%add3A_847, %dma_start3A_850] : memref<2560x128xi32, #tpu.memory_space<hbm>> -> memref<8x128xi32, #tpu.memory_space<hbm>>
        tpu.enqueue_dma source(%dma_start3A_851 : memref<8x128xi32, #tpu.memory_space<hbm>>) target(%arg10 : memref<8x128xi32, #tpu.memory_space<vmem>>) target_semaphore(%arg32 : memref<!tpu.dma_semaphore, #tpu.memory_space<semaphore_mem>>)
      } else {
      }
      %dma_wait3A_347 = arith.constant 0 : i32
      %dma_wait3A_348 = arith.constant 0 : i32
      %dma_wait3A_349 = arith.constant 0 : i32
      %dma_wait3A_350 = arith.constant 0 : i32
      %dma_wait3A_351 = tpu.memref_slice %arg11[%dma_wait3A_347, %dma_wait3A_349, %dma_wait3A_350] : memref<8x128x64xf32, #tpu.memory_space<vmem>> -> memref<1x128x64xf32, #tpu.memory_space<vmem>>
      %dma_wait3A_352 = tpu.memref_squeeze %dma_wait3A_351 : memref<1x128x64xf32, #tpu.memory_space<vmem>> -> memref<128x64xf32, #tpu.memory_space<vmem>>
      %dma_wait3A_353 = arith.constant 0 : i32
      %dma_wait3A_354 = tpu.memref_slice %arg9[%dma_wait3A_348, %dma_wait3A_353] : memref<8x128xi32, #tpu.memory_space<vmem>> -> memref<1x128xi32, #tpu.memory_space<vmem>>
      %dma_wait3A_355 = tpu.memref_squeeze %dma_wait3A_354 : memref<1x128xi32, #tpu.memory_space<vmem>> -> memref<128xi32, #tpu.memory_space<vmem>>
      %dma_wait3A_356 = arith.constant 0 : i32
      %dma_wait3A_357 = arith.constant 0 : i32
      %dma_wait3A_358 = tpu.memref_slice %arg12[%dma_wait3A_356, %dma_wait3A_357] : memref<10240x64xf32, #tpu.memory_space<vmem_shared>> -> memref<10240x64xf32, #tpu.memory_space<vmem_shared>>
      tpu.wait_indirect_dma semaphore(%arg21 : memref<!tpu.dma_semaphore, #tpu.memory_space<semaphore_mem>>) src(%dma_wait3A_352 : memref<128x64xf32, #tpu.memory_space<vmem>>) dst(%dma_wait3A_358 : memref<10240x64xf32, #tpu.memory_space<vmem_shared>>)
      %not3A_359 = arith.constant true
      %not3A_360 = arith.xori %ge3A_152, %not3A_359 : i1
      %convert_element_type3A_361 = arith.extui %not3A_360 : i1 to i32
      %cond3A_362 = arith.constant 0 : i32
      %cond3A_363 = arith.cmpi ne, %convert_element_type3A_361, %cond3A_362 : i32
      scf.if %cond3A_363 {
        %dma_wait3A_832 = arith.constant 0 : i32
        %dma_wait3A_833 = tpu.memref_slice %arg3[%arg0, %mul3A_0, %dma_wait3A_832] : memref<2x2560x128xi32, #tpu.memory_space<hbm>> -> memref<1x8x128xi32, #tpu.memory_space<hbm>>
        %dma_wait3A_834 = tpu.memref_squeeze %dma_wait3A_833 : memref<1x8x128xi32, #tpu.memory_space<hbm>> -> memref<8x128xi32, #tpu.memory_space<hbm>>
        %dma_wait3A_835 = arith.constant 0 : i32
        %dma_wait3A_836 = tpu.memref_slice %arg3[%arg0, %mul3A_0, %dma_wait3A_835] : memref<2x2560x128xi32, #tpu.memory_space<hbm>> -> memref<1x8x128xi32, #tpu.memory_space<hbm>>
        %dma_wait3A_837 = tpu.memref_squeeze %dma_wait3A_836 : memref<1x8x128xi32, #tpu.memory_space<hbm>> -> memref<8x128xi32, #tpu.memory_space<hbm>>
        tpu.wait_dma2 semaphore(%arg31 : memref<!tpu.dma_semaphore, #tpu.memory_space<semaphore_mem>>) src(%dma_wait3A_837 : memref<8x128xi32, #tpu.memory_space<hbm>>) dst(%arg8 : memref<8x128xi32, #tpu.memory_space<vmem>>)
        %dma_wait3A_838 = arith.constant 0 : i32
        %dma_wait3A_839 = tpu.memref_slice %arg4[%mul3A_0, %dma_wait3A_838] : memref<2560x128xi32, #tpu.memory_space<hbm>> -> memref<8x128xi32, #tpu.memory_space<hbm>>
        %dma_wait3A_840 = arith.constant 0 : i32
        %dma_wait3A_841 = tpu.memref_slice %arg4[%mul3A_0, %dma_wait3A_840] : memref<2560x128xi32, #tpu.memory_space<hbm>> -> memref<8x128xi32, #tpu.memory_space<hbm>>
        tpu.wait_dma2 semaphore(%arg32 : memref<!tpu.dma_semaphore, #tpu.memory_space<semaphore_mem>>) src(%dma_wait3A_841 : memref<8x128xi32, #tpu.memory_space<hbm>>) dst(%arg10 : memref<8x128xi32, #tpu.memory_space<vmem>>)
      } else {
      }
      %not3A_364 = arith.constant true
      %not3A_365 = arith.xori %ge3A_152, %not3A_364 : i1
      %convert_element_type3A_366 = arith.extui %not3A_365 : i1 to i32
      %cond3A_367 = arith.constant 0 : i32
      %cond3A_368 = arith.cmpi ne, %convert_element_type3A_366, %cond3A_367 : i32
      scf.if %cond3A_368 {
        %dma_start3A_832 = arith.constant 0 : i32
        %dma_start3A_833 = arith.constant 0 : i32
        %dma_start3A_834 = arith.constant 0 : i32
        %dma_start3A_835 = arith.constant 0 : i32
        %dma_start3A_836 = tpu.memref_slice %arg11[%dma_start3A_833, %dma_start3A_834, %dma_start3A_835] : memref<8x128x64xf32, #tpu.memory_space<vmem>> -> memref<1x128x64xf32, #tpu.memory_space<vmem>>
        %dma_start3A_837 = tpu.memref_squeeze %dma_start3A_836 : memref<1x128x64xf32, #tpu.memory_space<vmem>> -> memref<128x64xf32, #tpu.memory_space<vmem>>
        %dma_start3A_838 = arith.constant 0 : i32
        %dma_start3A_839 = tpu.memref_slice %arg8[%dma_start3A_832, %dma_start3A_838] : memref<8x128xi32, #tpu.memory_space<vmem>> -> memref<1x128xi32, #tpu.memory_space<vmem>>
        %dma_start3A_840 = tpu.memref_squeeze %dma_start3A_839 : memref<1x128xi32, #tpu.memory_space<vmem>> -> memref<128xi32, #tpu.memory_space<vmem>>
        %dma_start3A_841 = arith.constant 0 : i32
        %dma_start3A_842 = arith.constant 0 : i32
        %dma_start3A_843 = tpu.memref_slice %arg2[%dma_start3A_841, %dma_start3A_842] : memref<20000x64xf32, #tpu.memory_space<hbm>> -> memref<20000x64xf32, #tpu.memory_space<hbm>>
        tpu.enqueue_indirect_dma source(%dma_start3A_843 : memref<20000x64xf32, #tpu.memory_space<hbm>>) target(%dma_start3A_837 : memref<128x64xf32, #tpu.memory_space<vmem>>) offsets(%dma_start3A_840 : memref<128xi32, #tpu.memory_space<vmem>>) semaphore(%arg13 : memref<!tpu.dma_semaphore, #tpu.memory_space<semaphore_mem>>)
      } else {
      }
      %dma_wait3A_369 = arith.constant 1 : i32
      %dma_wait3A_370 = arith.constant 0 : i32
      %dma_wait3A_371 = arith.constant 0 : i32
      %dma_wait3A_372 = arith.constant 0 : i32
      %dma_wait3A_373 = tpu.memref_slice %arg11[%dma_wait3A_369, %dma_wait3A_371, %dma_wait3A_372] : memref<8x128x64xf32, #tpu.memory_space<vmem>> -> memref<1x128x64xf32, #tpu.memory_space<vmem>>
      %dma_wait3A_374 = tpu.memref_squeeze %dma_wait3A_373 : memref<1x128x64xf32, #tpu.memory_space<vmem>> -> memref<128x64xf32, #tpu.memory_space<vmem>>
      %dma_wait3A_375 = arith.constant 0 : i32
      %dma_wait3A_376 = tpu.memref_slice %arg9[%dma_wait3A_370, %dma_wait3A_375] : memref<8x128xi32, #tpu.memory_space<vmem>> -> memref<1x128xi32, #tpu.memory_space<vmem>>
      %dma_wait3A_377 = tpu.memref_squeeze %dma_wait3A_376 : memref<1x128xi32, #tpu.memory_space<vmem>> -> memref<128xi32, #tpu.memory_space<vmem>>
      %dma_wait3A_378 = arith.constant 0 : i32
      %dma_wait3A_379 = arith.constant 0 : i32
      %dma_wait3A_380 = tpu.memref_slice %arg12[%dma_wait3A_378, %dma_wait3A_379] : memref<10240x64xf32, #tpu.memory_space<vmem_shared>> -> memref<10240x64xf32, #tpu.memory_space<vmem_shared>>
      tpu.wait_indirect_dma semaphore(%arg22 : memref<!tpu.dma_semaphore, #tpu.memory_space<semaphore_mem>>) src(%dma_wait3A_374 : memref<128x64xf32, #tpu.memory_space<vmem>>) dst(%dma_wait3A_380 : memref<10240x64xf32, #tpu.memory_space<vmem_shared>>)
      %not3A_381 = arith.constant true
      %not3A_382 = arith.xori %ge3A_152, %not3A_381 : i1
      %convert_element_type3A_383 = arith.extui %not3A_382 : i1 to i32
      %cond3A_384 = arith.constant 0 : i32
      %cond3A_385 = arith.cmpi ne, %convert_element_type3A_383, %cond3A_384 : i32
      scf.if %cond3A_385 {
        %dma_start3A_832 = arith.constant 1 : i32
        %dma_start3A_833 = arith.constant 1 : i32
        %dma_start3A_834 = arith.constant 0 : i32
        %dma_start3A_835 = arith.constant 0 : i32
        %dma_start3A_836 = tpu.memref_slice %arg11[%dma_start3A_833, %dma_start3A_834, %dma_start3A_835] : memref<8x128x64xf32, #tpu.memory_space<vmem>> -> memref<1x128x64xf32, #tpu.memory_space<vmem>>
        %dma_start3A_837 = tpu.memref_squeeze %dma_start3A_836 : memref<1x128x64xf32, #tpu.memory_space<vmem>> -> memref<128x64xf32, #tpu.memory_space<vmem>>
        %dma_start3A_838 = arith.constant 0 : i32
        %dma_start3A_839 = tpu.memref_slice %arg8[%dma_start3A_832, %dma_start3A_838] : memref<8x128xi32, #tpu.memory_space<vmem>> -> memref<1x128xi32, #tpu.memory_space<vmem>>
        %dma_start3A_840 = tpu.memref_squeeze %dma_start3A_839 : memref<1x128xi32, #tpu.memory_space<vmem>> -> memref<128xi32, #tpu.memory_space<vmem>>
        %dma_start3A_841 = arith.constant 0 : i32
        %dma_start3A_842 = arith.constant 0 : i32
        %dma_start3A_843 = tpu.memref_slice %arg2[%dma_start3A_841, %dma_start3A_842] : memref<20000x64xf32, #tpu.memory_space<hbm>> -> memref<20000x64xf32, #tpu.memory_space<hbm>>
        tpu.enqueue_indirect_dma source(%dma_start3A_843 : memref<20000x64xf32, #tpu.memory_space<hbm>>) target(%dma_start3A_837 : memref<128x64xf32, #tpu.memory_space<vmem>>) offsets(%dma_start3A_840 : memref<128xi32, #tpu.memory_space<vmem>>) semaphore(%arg14 : memref<!tpu.dma_semaphore, #tpu.memory_space<semaphore_mem>>)
      } else {
      }
      %dma_wait3A_386 = arith.constant 2 : i32
      %dma_wait3A_387 = arith.constant 0 : i32
      %dma_wait3A_388 = arith.constant 0 : i32
      %dma_wait3A_389 = arith.constant 0 : i32
      %dma_wait3A_390 = tpu.memref_slice %arg11[%dma_wait3A_386, %dma_wait3A_388, %dma_wait3A_389] : memref<8x128x64xf32, #tpu.memory_space<vmem>> -> memref<1x128x64xf32, #tpu.memory_space<vmem>>
      %dma_wait3A_391 = tpu.memref_squeeze %dma_wait3A_390 : memref<1x128x64xf32, #tpu.memory_space<vmem>> -> memref<128x64xf32, #tpu.memory_space<vmem>>
      %dma_wait3A_392 = arith.constant 0 : i32
      %dma_wait3A_393 = tpu.memref_slice %arg9[%dma_wait3A_387, %dma_wait3A_392] : memref<8x128xi32, #tpu.memory_space<vmem>> -> memref<1x128xi32, #tpu.memory_space<vmem>>
      %dma_wait3A_394 = tpu.memref_squeeze %dma_wait3A_393 : memref<1x128xi32, #tpu.memory_space<vmem>> -> memref<128xi32, #tpu.memory_space<vmem>>
      %dma_wait3A_395 = arith.constant 0 : i32
      %dma_wait3A_396 = arith.constant 0 : i32
      %dma_wait3A_397 = tpu.memref_slice %arg12[%dma_wait3A_395, %dma_wait3A_396] : memref<10240x64xf32, #tpu.memory_space<vmem_shared>> -> memref<10240x64xf32, #tpu.memory_space<vmem_shared>>
      tpu.wait_indirect_dma semaphore(%arg23 : memref<!tpu.dma_semaphore, #tpu.memory_space<semaphore_mem>>) src(%dma_wait3A_391 : memref<128x64xf32, #tpu.memory_space<vmem>>) dst(%dma_wait3A_397 : memref<10240x64xf32, #tpu.memory_space<vmem_shared>>)
      %not3A_398 = arith.constant true
      %not3A_399 = arith.xori %ge3A_152, %not3A_398 : i1
      %convert_element_type3A_400 = arith.extui %not3A_399 : i1 to i32
      %cond3A_401 = arith.constant 0 : i32
      %cond3A_402 = arith.cmpi ne, %convert_element_type3A_400, %cond3A_401 : i32
      scf.if %cond3A_402 {
        %dma_start3A_832 = arith.constant 2 : i32
        %dma_start3A_833 = arith.constant 2 : i32
        %dma_start3A_834 = arith.constant 0 : i32
        %dma_start3A_835 = arith.constant 0 : i32
        %dma_start3A_836 = tpu.memref_slice %arg11[%dma_start3A_833, %dma_start3A_834, %dma_start3A_835] : memref<8x128x64xf32, #tpu.memory_space<vmem>> -> memref<1x128x64xf32, #tpu.memory_space<vmem>>
        %dma_start3A_837 = tpu.memref_squeeze %dma_start3A_836 : memref<1x128x64xf32, #tpu.memory_space<vmem>> -> memref<128x64xf32, #tpu.memory_space<vmem>>
        %dma_start3A_838 = arith.constant 0 : i32
        %dma_start3A_839 = tpu.memref_slice %arg8[%dma_start3A_832, %dma_start3A_838] : memref<8x128xi32, #tpu.memory_space<vmem>> -> memref<1x128xi32, #tpu.memory_space<vmem>>
        %dma_start3A_840 = tpu.memref_squeeze %dma_start3A_839 : memref<1x128xi32, #tpu.memory_space<vmem>> -> memref<128xi32, #tpu.memory_space<vmem>>
        %dma_start3A_841 = arith.constant 0 : i32
        %dma_start3A_842 = arith.constant 0 : i32
        %dma_start3A_843 = tpu.memref_slice %arg2[%dma_start3A_841, %dma_start3A_842] : memref<20000x64xf32, #tpu.memory_space<hbm>> -> memref<20000x64xf32, #tpu.memory_space<hbm>>
        tpu.enqueue_indirect_dma source(%dma_start3A_843 : memref<20000x64xf32, #tpu.memory_space<hbm>>) target(%dma_start3A_837 : memref<128x64xf32, #tpu.memory_space<vmem>>) offsets(%dma_start3A_840 : memref<128xi32, #tpu.memory_space<vmem>>) semaphore(%arg15 : memref<!tpu.dma_semaphore, #tpu.memory_space<semaphore_mem>>)
      } else {
      }
      %dma_wait3A_403 = arith.constant 3 : i32
      %dma_wait3A_404 = arith.constant 0 : i32
      %dma_wait3A_405 = arith.constant 0 : i32
      %dma_wait3A_406 = arith.constant 0 : i32
      %dma_wait3A_407 = tpu.memref_slice %arg11[%dma_wait3A_403, %dma_wait3A_405, %dma_wait3A_406] : memref<8x128x64xf32, #tpu.memory_space<vmem>> -> memref<1x128x64xf32, #tpu.memory_space<vmem>>
      %dma_wait3A_408 = tpu.memref_squeeze %dma_wait3A_407 : memref<1x128x64xf32, #tpu.memory_space<vmem>> -> memref<128x64xf32, #tpu.memory_space<vmem>>
      %dma_wait3A_409 = arith.constant 0 : i32
      %dma_wait3A_410 = tpu.memref_slice %arg9[%dma_wait3A_404, %dma_wait3A_409] : memref<8x128xi32, #tpu.memory_space<vmem>> -> memref<1x128xi32, #tpu.memory_space<vmem>>
      %dma_wait3A_411 = tpu.memref_squeeze %dma_wait3A_410 : memref<1x128xi32, #tpu.memory_space<vmem>> -> memref<128xi32, #tpu.memory_space<vmem>>
      %dma_wait3A_412 = arith.constant 0 : i32
      %dma_wait3A_413 = arith.constant 0 : i32
      %dma_wait3A_414 = tpu.memref_slice %arg12[%dma_wait3A_412, %dma_wait3A_413] : memref<10240x64xf32, #tpu.memory_space<vmem_shared>> -> memref<10240x64xf32, #tpu.memory_space<vmem_shared>>
      tpu.wait_indirect_dma semaphore(%arg24 : memref<!tpu.dma_semaphore, #tpu.memory_space<semaphore_mem>>) src(%dma_wait3A_408 : memref<128x64xf32, #tpu.memory_space<vmem>>) dst(%dma_wait3A_414 : memref<10240x64xf32, #tpu.memory_space<vmem_shared>>)
      %not3A_415 = arith.constant true
      %not3A_416 = arith.xori %ge3A_152, %not3A_415 : i1
      %convert_element_type3A_417 = arith.extui %not3A_416 : i1 to i32
      %cond3A_418 = arith.constant 0 : i32
      %cond3A_419 = arith.cmpi ne, %convert_element_type3A_417, %cond3A_418 : i32
      scf.if %cond3A_419 {
        %dma_start3A_832 = arith.constant 3 : i32
        %dma_start3A_833 = arith.constant 3 : i32
        %dma_start3A_834 = arith.constant 0 : i32
        %dma_start3A_835 = arith.constant 0 : i32
        %dma_start3A_836 = tpu.memref_slice %arg11[%dma_start3A_833, %dma_start3A_834, %dma_start3A_835] : memref<8x128x64xf32, #tpu.memory_space<vmem>> -> memref<1x128x64xf32, #tpu.memory_space<vmem>>
        %dma_start3A_837 = tpu.memref_squeeze %dma_start3A_836 : memref<1x128x64xf32, #tpu.memory_space<vmem>> -> memref<128x64xf32, #tpu.memory_space<vmem>>
        %dma_start3A_838 = arith.constant 0 : i32
        %dma_start3A_839 = tpu.memref_slice %arg8[%dma_start3A_832, %dma_start3A_838] : memref<8x128xi32, #tpu.memory_space<vmem>> -> memref<1x128xi32, #tpu.memory_space<vmem>>
        %dma_start3A_840 = tpu.memref_squeeze %dma_start3A_839 : memref<1x128xi32, #tpu.memory_space<vmem>> -> memref<128xi32, #tpu.memory_space<vmem>>
        %dma_start3A_841 = arith.constant 0 : i32
        %dma_start3A_842 = arith.constant 0 : i32
        %dma_start3A_843 = tpu.memref_slice %arg2[%dma_start3A_841, %dma_start3A_842] : memref<20000x64xf32, #tpu.memory_space<hbm>> -> memref<20000x64xf32, #tpu.memory_space<hbm>>
        tpu.enqueue_indirect_dma source(%dma_start3A_843 : memref<20000x64xf32, #tpu.memory_space<hbm>>) target(%dma_start3A_837 : memref<128x64xf32, #tpu.memory_space<vmem>>) offsets(%dma_start3A_840 : memref<128xi32, #tpu.memory_space<vmem>>) semaphore(%arg16 : memref<!tpu.dma_semaphore, #tpu.memory_space<semaphore_mem>>)
      } else {
      }
      %dma_wait3A_420 = arith.constant 4 : i32
      %dma_wait3A_421 = arith.constant 0 : i32
      %dma_wait3A_422 = arith.constant 0 : i32
      %dma_wait3A_423 = arith.constant 0 : i32
      %dma_wait3A_424 = tpu.memref_slice %arg11[%dma_wait3A_420, %dma_wait3A_422, %dma_wait3A_423] : memref<8x128x64xf32, #tpu.memory_space<vmem>> -> memref<1x128x64xf32, #tpu.memory_space<vmem>>
      %dma_wait3A_425 = tpu.memref_squeeze %dma_wait3A_424 : memref<1x128x64xf32, #tpu.memory_space<vmem>> -> memref<128x64xf32, #tpu.memory_space<vmem>>
      %dma_wait3A_426 = arith.constant 0 : i32
      %dma_wait3A_427 = tpu.memref_slice %arg9[%dma_wait3A_421, %dma_wait3A_426] : memref<8x128xi32, #tpu.memory_space<vmem>> -> memref<1x128xi32, #tpu.memory_space<vmem>>
      %dma_wait3A_428 = tpu.memref_squeeze %dma_wait3A_427 : memref<1x128xi32, #tpu.memory_space<vmem>> -> memref<128xi32, #tpu.memory_space<vmem>>
      %dma_wait3A_429 = arith.constant 0 : i32
      %dma_wait3A_430 = arith.constant 0 : i32
      %dma_wait3A_431 = tpu.memref_slice %arg12[%dma_wait3A_429, %dma_wait3A_430] : memref<10240x64xf32, #tpu.memory_space<vmem_shared>> -> memref<10240x64xf32, #tpu.memory_space<vmem_shared>>
      tpu.wait_indirect_dma semaphore(%arg25 : memref<!tpu.dma_semaphore, #tpu.memory_space<semaphore_mem>>) src(%dma_wait3A_425 : memref<128x64xf32, #tpu.memory_space<vmem>>) dst(%dma_wait3A_431 : memref<10240x64xf32, #tpu.memory_space<vmem_shared>>)
      %not3A_432 = arith.constant true
      %not3A_433 = arith.xori %ge3A_152, %not3A_432 : i1
      %convert_element_type3A_434 = arith.extui %not3A_433 : i1 to i32
      %cond3A_435 = arith.constant 0 : i32
      %cond3A_436 = arith.cmpi ne, %convert_element_type3A_434, %cond3A_435 : i32
      scf.if %cond3A_436 {
        %dma_start3A_832 = arith.constant 4 : i32
        %dma_start3A_833 = arith.constant 4 : i32
        %dma_start3A_834 = arith.constant 0 : i32
        %dma_start3A_835 = arith.constant 0 : i32
        %dma_start3A_836 = tpu.memref_slice %arg11[%dma_start3A_833, %dma_start3A_834, %dma_start3A_835] : memref<8x128x64xf32, #tpu.memory_space<vmem>> -> memref<1x128x64xf32, #tpu.memory_space<vmem>>
        %dma_start3A_837 = tpu.memref_squeeze %dma_start3A_836 : memref<1x128x64xf32, #tpu.memory_space<vmem>> -> memref<128x64xf32, #tpu.memory_space<vmem>>
        %dma_start3A_838 = arith.constant 0 : i32
        %dma_start3A_839 = tpu.memref_slice %arg8[%dma_start3A_832, %dma_start3A_838] : memref<8x128xi32, #tpu.memory_space<vmem>> -> memref<1x128xi32, #tpu.memory_space<vmem>>
        %dma_start3A_840 = tpu.memref_squeeze %dma_start3A_839 : memref<1x128xi32, #tpu.memory_space<vmem>> -> memref<128xi32, #tpu.memory_space<vmem>>
        %dma_start3A_841 = arith.constant 0 : i32
        %dma_start3A_842 = arith.constant 0 : i32
        %dma_start3A_843 = tpu.memref_slice %arg2[%dma_start3A_841, %dma_start3A_842] : memref<20000x64xf32, #tpu.memory_space<hbm>> -> memref<20000x64xf32, #tpu.memory_space<hbm>>
        tpu.enqueue_indirect_dma source(%dma_start3A_843 : memref<20000x64xf32, #tpu.memory_space<hbm>>) target(%dma_start3A_837 : memref<128x64xf32, #tpu.memory_space<vmem>>) offsets(%dma_start3A_840 : memref<128xi32, #tpu.memory_space<vmem>>) semaphore(%arg17 : memref<!tpu.dma_semaphore, #tpu.memory_space<semaphore_mem>>)
      } else {
      }
      %dma_wait3A_437 = arith.constant 5 : i32
      %dma_wait3A_438 = arith.constant 0 : i32
      %dma_wait3A_439 = arith.constant 0 : i32
      %dma_wait3A_440 = arith.constant 0 : i32
      %dma_wait3A_441 = tpu.memref_slice %arg11[%dma_wait3A_437, %dma_wait3A_439, %dma_wait3A_440] : memref<8x128x64xf32, #tpu.memory_space<vmem>> -> memref<1x128x64xf32, #tpu.memory_space<vmem>>
      %dma_wait3A_442 = tpu.memref_squeeze %dma_wait3A_441 : memref<1x128x64xf32, #tpu.memory_space<vmem>> -> memref<128x64xf32, #tpu.memory_space<vmem>>
      %dma_wait3A_443 = arith.constant 0 : i32
      %dma_wait3A_444 = tpu.memref_slice %arg9[%dma_wait3A_438, %dma_wait3A_443] : memref<8x128xi32, #tpu.memory_space<vmem>> -> memref<1x128xi32, #tpu.memory_space<vmem>>
      %dma_wait3A_445 = tpu.memref_squeeze %dma_wait3A_444 : memref<1x128xi32, #tpu.memory_space<vmem>> -> memref<128xi32, #tpu.memory_space<vmem>>
      %dma_wait3A_446 = arith.constant 0 : i32
      %dma_wait3A_447 = arith.constant 0 : i32
      %dma_wait3A_448 = tpu.memref_slice %arg12[%dma_wait3A_446, %dma_wait3A_447] : memref<10240x64xf32, #tpu.memory_space<vmem_shared>> -> memref<10240x64xf32, #tpu.memory_space<vmem_shared>>
      tpu.wait_indirect_dma semaphore(%arg26 : memref<!tpu.dma_semaphore, #tpu.memory_space<semaphore_mem>>) src(%dma_wait3A_442 : memref<128x64xf32, #tpu.memory_space<vmem>>) dst(%dma_wait3A_448 : memref<10240x64xf32, #tpu.memory_space<vmem_shared>>)
      %not3A_449 = arith.constant true
      %not3A_450 = arith.xori %ge3A_152, %not3A_449 : i1
      %convert_element_type3A_451 = arith.extui %not3A_450 : i1 to i32
      %cond3A_452 = arith.constant 0 : i32
      %cond3A_453 = arith.cmpi ne, %convert_element_type3A_451, %cond3A_452 : i32
      scf.if %cond3A_453 {
        %dma_start3A_832 = arith.constant 5 : i32
        %dma_start3A_833 = arith.constant 5 : i32
        %dma_start3A_834 = arith.constant 0 : i32
        %dma_start3A_835 = arith.constant 0 : i32
        %dma_start3A_836 = tpu.memref_slice %arg11[%dma_start3A_833, %dma_start3A_834, %dma_start3A_835] : memref<8x128x64xf32, #tpu.memory_space<vmem>> -> memref<1x128x64xf32, #tpu.memory_space<vmem>>
        %dma_start3A_837 = tpu.memref_squeeze %dma_start3A_836 : memref<1x128x64xf32, #tpu.memory_space<vmem>> -> memref<128x64xf32, #tpu.memory_space<vmem>>
        %dma_start3A_838 = arith.constant 0 : i32
        %dma_start3A_839 = tpu.memref_slice %arg8[%dma_start3A_832, %dma_start3A_838] : memref<8x128xi32, #tpu.memory_space<vmem>> -> memref<1x128xi32, #tpu.memory_space<vmem>>
        %dma_start3A_840 = tpu.memref_squeeze %dma_start3A_839 : memref<1x128xi32, #tpu.memory_space<vmem>> -> memref<128xi32, #tpu.memory_space<vmem>>
        %dma_start3A_841 = arith.constant 0 : i32
        %dma_start3A_842 = arith.constant 0 : i32
        %dma_start3A_843 = tpu.memref_slice %arg2[%dma_start3A_841, %dma_start3A_842] : memref<20000x64xf32, #tpu.memory_space<hbm>> -> memref<20000x64xf32, #tpu.memory_space<hbm>>
        tpu.enqueue_indirect_dma source(%dma_start3A_843 : memref<20000x64xf32, #tpu.memory_space<hbm>>) target(%dma_start3A_837 : memref<128x64xf32, #tpu.memory_space<vmem>>) offsets(%dma_start3A_840 : memref<128xi32, #tpu.memory_space<vmem>>) semaphore(%arg18 : memref<!tpu.dma_semaphore, #tpu.memory_space<semaphore_mem>>)
      } else {
      }
      %dma_wait3A_454 = arith.constant 6 : i32
      %dma_wait3A_455 = arith.constant 0 : i32
      %dma_wait3A_456 = arith.constant 0 : i32
      %dma_wait3A_457 = arith.constant 0 : i32
      %dma_wait3A_458 = tpu.memref_slice %arg11[%dma_wait3A_454, %dma_wait3A_456, %dma_wait3A_457] : memref<8x128x64xf32, #tpu.memory_space<vmem>> -> memref<1x128x64xf32, #tpu.memory_space<vmem>>
      %dma_wait3A_459 = tpu.memref_squeeze %dma_wait3A_458 : memref<1x128x64xf32, #tpu.memory_space<vmem>> -> memref<128x64xf32, #tpu.memory_space<vmem>>
      %dma_wait3A_460 = arith.constant 0 : i32
      %dma_wait3A_461 = tpu.memref_slice %arg9[%dma_wait3A_455, %dma_wait3A_460] : memref<8x128xi32, #tpu.memory_space<vmem>> -> memref<1x128xi32, #tpu.memory_space<vmem>>
      %dma_wait3A_462 = tpu.memref_squeeze %dma_wait3A_461 : memref<1x128xi32, #tpu.memory_space<vmem>> -> memref<128xi32, #tpu.memory_space<vmem>>
      %dma_wait3A_463 = arith.constant 0 : i32
      %dma_wait3A_464 = arith.constant 0 : i32
      %dma_wait3A_465 = tpu.memref_slice %arg12[%dma_wait3A_463, %dma_wait3A_464] : memref<10240x64xf32, #tpu.memory_space<vmem_shared>> -> memref<10240x64xf32, #tpu.memory_space<vmem_shared>>
      tpu.wait_indirect_dma semaphore(%arg27 : memref<!tpu.dma_semaphore, #tpu.memory_space<semaphore_mem>>) src(%dma_wait3A_459 : memref<128x64xf32, #tpu.memory_space<vmem>>) dst(%dma_wait3A_465 : memref<10240x64xf32, #tpu.memory_space<vmem_shared>>)
      %not3A_466 = arith.constant true
      %not3A_467 = arith.xori %ge3A_152, %not3A_466 : i1
      %convert_element_type3A_468 = arith.extui %not3A_467 : i1 to i32
      %cond3A_469 = arith.constant 0 : i32
      %cond3A_470 = arith.cmpi ne, %convert_element_type3A_468, %cond3A_469 : i32
      scf.if %cond3A_470 {
        %dma_start3A_832 = arith.constant 6 : i32
        %dma_start3A_833 = arith.constant 6 : i32
        %dma_start3A_834 = arith.constant 0 : i32
        %dma_start3A_835 = arith.constant 0 : i32
        %dma_start3A_836 = tpu.memref_slice %arg11[%dma_start3A_833, %dma_start3A_834, %dma_start3A_835] : memref<8x128x64xf32, #tpu.memory_space<vmem>> -> memref<1x128x64xf32, #tpu.memory_space<vmem>>
        %dma_start3A_837 = tpu.memref_squeeze %dma_start3A_836 : memref<1x128x64xf32, #tpu.memory_space<vmem>> -> memref<128x64xf32, #tpu.memory_space<vmem>>
        %dma_start3A_838 = arith.constant 0 : i32
        %dma_start3A_839 = tpu.memref_slice %arg8[%dma_start3A_832, %dma_start3A_838] : memref<8x128xi32, #tpu.memory_space<vmem>> -> memref<1x128xi32, #tpu.memory_space<vmem>>
        %dma_start3A_840 = tpu.memref_squeeze %dma_start3A_839 : memref<1x128xi32, #tpu.memory_space<vmem>> -> memref<128xi32, #tpu.memory_space<vmem>>
        %dma_start3A_841 = arith.constant 0 : i32
        %dma_start3A_842 = arith.constant 0 : i32
        %dma_start3A_843 = tpu.memref_slice %arg2[%dma_start3A_841, %dma_start3A_842] : memref<20000x64xf32, #tpu.memory_space<hbm>> -> memref<20000x64xf32, #tpu.memory_space<hbm>>
        tpu.enqueue_indirect_dma source(%dma_start3A_843 : memref<20000x64xf32, #tpu.memory_space<hbm>>) target(%dma_start3A_837 : memref<128x64xf32, #tpu.memory_space<vmem>>) offsets(%dma_start3A_840 : memref<128xi32, #tpu.memory_space<vmem>>) semaphore(%arg19 : memref<!tpu.dma_semaphore, #tpu.memory_space<semaphore_mem>>)
      } else {
      }
      %dma_wait3A_471 = arith.constant 7 : i32
      %dma_wait3A_472 = arith.constant 0 : i32
      %dma_wait3A_473 = arith.constant 0 : i32
      %dma_wait3A_474 = arith.constant 0 : i32
      %dma_wait3A_475 = tpu.memref_slice %arg11[%dma_wait3A_471, %dma_wait3A_473, %dma_wait3A_474] : memref<8x128x64xf32, #tpu.memory_space<vmem>> -> memref<1x128x64xf32, #tpu.memory_space<vmem>>
      %dma_wait3A_476 = tpu.memref_squeeze %dma_wait3A_475 : memref<1x128x64xf32, #tpu.memory_space<vmem>> -> memref<128x64xf32, #tpu.memory_space<vmem>>
      %dma_wait3A_477 = arith.constant 0 : i32
      %dma_wait3A_478 = tpu.memref_slice %arg9[%dma_wait3A_472, %dma_wait3A_477] : memref<8x128xi32, #tpu.memory_space<vmem>> -> memref<1x128xi32, #tpu.memory_space<vmem>>
      %dma_wait3A_479 = tpu.memref_squeeze %dma_wait3A_478 : memref<1x128xi32, #tpu.memory_space<vmem>> -> memref<128xi32, #tpu.memory_space<vmem>>
      %dma_wait3A_480 = arith.constant 0 : i32
      %dma_wait3A_481 = arith.constant 0 : i32
      %dma_wait3A_482 = tpu.memref_slice %arg12[%dma_wait3A_480, %dma_wait3A_481] : memref<10240x64xf32, #tpu.memory_space<vmem_shared>> -> memref<10240x64xf32, #tpu.memory_space<vmem_shared>>
      tpu.wait_indirect_dma semaphore(%arg28 : memref<!tpu.dma_semaphore, #tpu.memory_space<semaphore_mem>>) src(%dma_wait3A_476 : memref<128x64xf32, #tpu.memory_space<vmem>>) dst(%dma_wait3A_482 : memref<10240x64xf32, #tpu.memory_space<vmem_shared>>)
      %not3A_483 = arith.constant true
      %not3A_484 = arith.xori %ge3A_152, %not3A_483 : i1
      %convert_element_type3A_485 = arith.extui %not3A_484 : i1 to i32
      %cond3A_486 = arith.constant 0 : i32
      %cond3A_487 = arith.cmpi ne, %convert_element_type3A_485, %cond3A_486 : i32
      scf.if %cond3A_487 {
        %dma_start3A_832 = arith.constant 7 : i32
        %dma_start3A_833 = arith.constant 7 : i32
        %dma_start3A_834 = arith.constant 0 : i32
        %dma_start3A_835 = arith.constant 0 : i32
        %dma_start3A_836 = tpu.memref_slice %arg11[%dma_start3A_833, %dma_start3A_834, %dma_start3A_835] : memref<8x128x64xf32, #tpu.memory_space<vmem>> -> memref<1x128x64xf32, #tpu.memory_space<vmem>>
        %dma_start3A_837 = tpu.memref_squeeze %dma_start3A_836 : memref<1x128x64xf32, #tpu.memory_space<vmem>> -> memref<128x64xf32, #tpu.memory_space<vmem>>
        %dma_start3A_838 = arith.constant 0 : i32
        %dma_start3A_839 = tpu.memref_slice %arg8[%dma_start3A_832, %dma_start3A_838] : memref<8x128xi32, #tpu.memory_space<vmem>> -> memref<1x128xi32, #tpu.memory_space<vmem>>
        %dma_start3A_840 = tpu.memref_squeeze %dma_start3A_839 : memref<1x128xi32, #tpu.memory_space<vmem>> -> memref<128xi32, #tpu.memory_space<vmem>>
        %dma_start3A_841 = arith.constant 0 : i32
        %dma_start3A_842 = arith.constant 0 : i32
        %dma_start3A_843 = tpu.memref_slice %arg2[%dma_start3A_841, %dma_start3A_842] : memref<20000x64xf32, #tpu.memory_space<hbm>> -> memref<20000x64xf32, #tpu.memory_space<hbm>>
        tpu.enqueue_indirect_dma source(%dma_start3A_843 : memref<20000x64xf32, #tpu.memory_space<hbm>>) target(%dma_start3A_837 : memref<128x64xf32, #tpu.memory_space<vmem>>) offsets(%dma_start3A_840 : memref<128xi32, #tpu.memory_space<vmem>>) semaphore(%arg20 : memref<!tpu.dma_semaphore, #tpu.memory_space<semaphore_mem>>)
      } else {
      }
      %add3A_488 = arith.constant 1 : i32
      %add3A_489 = arith.addi %mul3A_151, %add3A_488 : i32
      %add3A_490 = arith.constant 1 : i32
      %add3A_491 = arith.addi %mul3A_151, %add3A_490 : i32
      %ge3A_492 = arith.constant 19 : i32
      %ge3A_493 = arith.cmpi sge, %add3A_491, %ge3A_492 : i32
      %dma_wait3A_494 = arith.constant 0 : i32
      %dma_wait3A_495 = arith.constant 0 : i32
      %dma_wait3A_496 = arith.constant 0 : i32
      %dma_wait3A_497 = arith.constant 0 : i32
      %dma_wait3A_498 = tpu.memref_slice %arg11[%dma_wait3A_495, %dma_wait3A_496, %dma_wait3A_497] : memref<8x128x64xf32, #tpu.memory_space<vmem>> -> memref<1x128x64xf32, #tpu.memory_space<vmem>>
      %dma_wait3A_499 = tpu.memref_squeeze %dma_wait3A_498 : memref<1x128x64xf32, #tpu.memory_space<vmem>> -> memref<128x64xf32, #tpu.memory_space<vmem>>
      %dma_wait3A_500 = arith.constant 0 : i32
      %dma_wait3A_501 = tpu.memref_slice %arg8[%dma_wait3A_494, %dma_wait3A_500] : memref<8x128xi32, #tpu.memory_space<vmem>> -> memref<1x128xi32, #tpu.memory_space<vmem>>
      %dma_wait3A_502 = tpu.memref_squeeze %dma_wait3A_501 : memref<1x128xi32, #tpu.memory_space<vmem>> -> memref<128xi32, #tpu.memory_space<vmem>>
      %dma_wait3A_503 = arith.constant 0 : i32
      %dma_wait3A_504 = arith.constant 0 : i32
      %dma_wait3A_505 = tpu.memref_slice %arg2[%dma_wait3A_503, %dma_wait3A_504] : memref<20000x64xf32, #tpu.memory_space<hbm>> -> memref<20000x64xf32, #tpu.memory_space<hbm>>
      tpu.wait_indirect_dma semaphore(%arg13 : memref<!tpu.dma_semaphore, #tpu.memory_space<semaphore_mem>>) src(%dma_wait3A_505 : memref<20000x64xf32, #tpu.memory_space<hbm>>) dst(%dma_wait3A_499 : memref<128x64xf32, #tpu.memory_space<vmem>>)
      %dma_start3A_506 = arith.constant 0 : i32
      %dma_start3A_507 = arith.constant 0 : i32
      %dma_start3A_508 = arith.constant 0 : i32
      %dma_start3A_509 = arith.constant 0 : i32
      %dma_start3A_510 = tpu.memref_slice %arg11[%dma_start3A_506, %dma_start3A_508, %dma_start3A_509] : memref<8x128x64xf32, #tpu.memory_space<vmem>> -> memref<1x128x64xf32, #tpu.memory_space<vmem>>
      %dma_start3A_511 = tpu.memref_squeeze %dma_start3A_510 : memref<1x128x64xf32, #tpu.memory_space<vmem>> -> memref<128x64xf32, #tpu.memory_space<vmem>>
      %dma_start3A_512 = arith.constant 0 : i32
      %dma_start3A_513 = tpu.memref_slice %arg10[%dma_start3A_507, %dma_start3A_512] : memref<8x128xi32, #tpu.memory_space<vmem>> -> memref<1x128xi32, #tpu.memory_space<vmem>>
      %dma_start3A_514 = tpu.memref_squeeze %dma_start3A_513 : memref<1x128xi32, #tpu.memory_space<vmem>> -> memref<128xi32, #tpu.memory_space<vmem>>
      %dma_start3A_515 = arith.constant 0 : i32
      %dma_start3A_516 = arith.constant 0 : i32
      %dma_start3A_517 = tpu.memref_slice %arg12[%dma_start3A_515, %dma_start3A_516] : memref<10240x64xf32, #tpu.memory_space<vmem_shared>> -> memref<10240x64xf32, #tpu.memory_space<vmem_shared>>
      tpu.enqueue_indirect_dma source(%dma_start3A_511 : memref<128x64xf32, #tpu.memory_space<vmem>>) target(%dma_start3A_517 : memref<10240x64xf32, #tpu.memory_space<vmem_shared>>) offsets(%dma_start3A_514 : memref<128xi32, #tpu.memory_space<vmem>>) semaphore(%arg21 : memref<!tpu.dma_semaphore, #tpu.memory_space<semaphore_mem>>) {add = true}
      %dma_wait3A_518 = arith.constant 0 : i32
      %dma_wait3A_519 = arith.constant 1 : i32
      %dma_wait3A_520 = arith.constant 0 : i32
      %dma_wait3A_521 = arith.constant 0 : i32
      %dma_wait3A_522 = tpu.memref_slice %arg11[%dma_wait3A_519, %dma_wait3A_520, %dma_wait3A_521] : memref<8x128x64xf32, #tpu.memory_space<vmem>> -> memref<1x128x64xf32, #tpu.memory_space<vmem>>
      %dma_wait3A_523 = tpu.memref_squeeze %dma_wait3A_522 : memref<1x128x64xf32, #tpu.memory_space<vmem>> -> memref<128x64xf32, #tpu.memory_space<vmem>>
      %dma_wait3A_524 = arith.constant 0 : i32
      %dma_wait3A_525 = tpu.memref_slice %arg8[%dma_wait3A_518, %dma_wait3A_524] : memref<8x128xi32, #tpu.memory_space<vmem>> -> memref<1x128xi32, #tpu.memory_space<vmem>>
      %dma_wait3A_526 = tpu.memref_squeeze %dma_wait3A_525 : memref<1x128xi32, #tpu.memory_space<vmem>> -> memref<128xi32, #tpu.memory_space<vmem>>
      %dma_wait3A_527 = arith.constant 0 : i32
      %dma_wait3A_528 = arith.constant 0 : i32
      %dma_wait3A_529 = tpu.memref_slice %arg2[%dma_wait3A_527, %dma_wait3A_528] : memref<20000x64xf32, #tpu.memory_space<hbm>> -> memref<20000x64xf32, #tpu.memory_space<hbm>>
      tpu.wait_indirect_dma semaphore(%arg14 : memref<!tpu.dma_semaphore, #tpu.memory_space<semaphore_mem>>) src(%dma_wait3A_529 : memref<20000x64xf32, #tpu.memory_space<hbm>>) dst(%dma_wait3A_523 : memref<128x64xf32, #tpu.memory_space<vmem>>)
      %dma_start3A_530 = arith.constant 1 : i32
      %dma_start3A_531 = arith.constant 1 : i32
      %dma_start3A_532 = arith.constant 0 : i32
      %dma_start3A_533 = arith.constant 0 : i32
      %dma_start3A_534 = tpu.memref_slice %arg11[%dma_start3A_530, %dma_start3A_532, %dma_start3A_533] : memref<8x128x64xf32, #tpu.memory_space<vmem>> -> memref<1x128x64xf32, #tpu.memory_space<vmem>>
      %dma_start3A_535 = tpu.memref_squeeze %dma_start3A_534 : memref<1x128x64xf32, #tpu.memory_space<vmem>> -> memref<128x64xf32, #tpu.memory_space<vmem>>
      %dma_start3A_536 = arith.constant 0 : i32
      %dma_start3A_537 = tpu.memref_slice %arg10[%dma_start3A_531, %dma_start3A_536] : memref<8x128xi32, #tpu.memory_space<vmem>> -> memref<1x128xi32, #tpu.memory_space<vmem>>
      %dma_start3A_538 = tpu.memref_squeeze %dma_start3A_537 : memref<1x128xi32, #tpu.memory_space<vmem>> -> memref<128xi32, #tpu.memory_space<vmem>>
      %dma_start3A_539 = arith.constant 0 : i32
      %dma_start3A_540 = arith.constant 0 : i32
      %dma_start3A_541 = tpu.memref_slice %arg12[%dma_start3A_539, %dma_start3A_540] : memref<10240x64xf32, #tpu.memory_space<vmem_shared>> -> memref<10240x64xf32, #tpu.memory_space<vmem_shared>>
      tpu.enqueue_indirect_dma source(%dma_start3A_535 : memref<128x64xf32, #tpu.memory_space<vmem>>) target(%dma_start3A_541 : memref<10240x64xf32, #tpu.memory_space<vmem_shared>>) offsets(%dma_start3A_538 : memref<128xi32, #tpu.memory_space<vmem>>) semaphore(%arg22 : memref<!tpu.dma_semaphore, #tpu.memory_space<semaphore_mem>>) {add = true}
      %dma_wait3A_542 = arith.constant 0 : i32
      %dma_wait3A_543 = arith.constant 2 : i32
      %dma_wait3A_544 = arith.constant 0 : i32
      %dma_wait3A_545 = arith.constant 0 : i32
      %dma_wait3A_546 = tpu.memref_slice %arg11[%dma_wait3A_543, %dma_wait3A_544, %dma_wait3A_545] : memref<8x128x64xf32, #tpu.memory_space<vmem>> -> memref<1x128x64xf32, #tpu.memory_space<vmem>>
      %dma_wait3A_547 = tpu.memref_squeeze %dma_wait3A_546 : memref<1x128x64xf32, #tpu.memory_space<vmem>> -> memref<128x64xf32, #tpu.memory_space<vmem>>
      %dma_wait3A_548 = arith.constant 0 : i32
      %dma_wait3A_549 = tpu.memref_slice %arg8[%dma_wait3A_542, %dma_wait3A_548] : memref<8x128xi32, #tpu.memory_space<vmem>> -> memref<1x128xi32, #tpu.memory_space<vmem>>
      %dma_wait3A_550 = tpu.memref_squeeze %dma_wait3A_549 : memref<1x128xi32, #tpu.memory_space<vmem>> -> memref<128xi32, #tpu.memory_space<vmem>>
      %dma_wait3A_551 = arith.constant 0 : i32
      %dma_wait3A_552 = arith.constant 0 : i32
      %dma_wait3A_553 = tpu.memref_slice %arg2[%dma_wait3A_551, %dma_wait3A_552] : memref<20000x64xf32, #tpu.memory_space<hbm>> -> memref<20000x64xf32, #tpu.memory_space<hbm>>
      tpu.wait_indirect_dma semaphore(%arg15 : memref<!tpu.dma_semaphore, #tpu.memory_space<semaphore_mem>>) src(%dma_wait3A_553 : memref<20000x64xf32, #tpu.memory_space<hbm>>) dst(%dma_wait3A_547 : memref<128x64xf32, #tpu.memory_space<vmem>>)
      %dma_start3A_554 = arith.constant 2 : i32
      %dma_start3A_555 = arith.constant 2 : i32
      %dma_start3A_556 = arith.constant 0 : i32
      %dma_start3A_557 = arith.constant 0 : i32
      %dma_start3A_558 = tpu.memref_slice %arg11[%dma_start3A_554, %dma_start3A_556, %dma_start3A_557] : memref<8x128x64xf32, #tpu.memory_space<vmem>> -> memref<1x128x64xf32, #tpu.memory_space<vmem>>
      %dma_start3A_559 = tpu.memref_squeeze %dma_start3A_558 : memref<1x128x64xf32, #tpu.memory_space<vmem>> -> memref<128x64xf32, #tpu.memory_space<vmem>>
      %dma_start3A_560 = arith.constant 0 : i32
      %dma_start3A_561 = tpu.memref_slice %arg10[%dma_start3A_555, %dma_start3A_560] : memref<8x128xi32, #tpu.memory_space<vmem>> -> memref<1x128xi32, #tpu.memory_space<vmem>>
      %dma_start3A_562 = tpu.memref_squeeze %dma_start3A_561 : memref<1x128xi32, #tpu.memory_space<vmem>> -> memref<128xi32, #tpu.memory_space<vmem>>
      %dma_start3A_563 = arith.constant 0 : i32
      %dma_start3A_564 = arith.constant 0 : i32
      %dma_start3A_565 = tpu.memref_slice %arg12[%dma_start3A_563, %dma_start3A_564] : memref<10240x64xf32, #tpu.memory_space<vmem_shared>> -> memref<10240x64xf32, #tpu.memory_space<vmem_shared>>
      tpu.enqueue_indirect_dma source(%dma_start3A_559 : memref<128x64xf32, #tpu.memory_space<vmem>>) target(%dma_start3A_565 : memref<10240x64xf32, #tpu.memory_space<vmem_shared>>) offsets(%dma_start3A_562 : memref<128xi32, #tpu.memory_space<vmem>>) semaphore(%arg23 : memref<!tpu.dma_semaphore, #tpu.memory_space<semaphore_mem>>) {add = true}
      %dma_wait3A_566 = arith.constant 0 : i32
      %dma_wait3A_567 = arith.constant 3 : i32
      %dma_wait3A_568 = arith.constant 0 : i32
      %dma_wait3A_569 = arith.constant 0 : i32
      %dma_wait3A_570 = tpu.memref_slice %arg11[%dma_wait3A_567, %dma_wait3A_568, %dma_wait3A_569] : memref<8x128x64xf32, #tpu.memory_space<vmem>> -> memref<1x128x64xf32, #tpu.memory_space<vmem>>
      %dma_wait3A_571 = tpu.memref_squeeze %dma_wait3A_570 : memref<1x128x64xf32, #tpu.memory_space<vmem>> -> memref<128x64xf32, #tpu.memory_space<vmem>>
      %dma_wait3A_572 = arith.constant 0 : i32
      %dma_wait3A_573 = tpu.memref_slice %arg8[%dma_wait3A_566, %dma_wait3A_572] : memref<8x128xi32, #tpu.memory_space<vmem>> -> memref<1x128xi32, #tpu.memory_space<vmem>>
      %dma_wait3A_574 = tpu.memref_squeeze %dma_wait3A_573 : memref<1x128xi32, #tpu.memory_space<vmem>> -> memref<128xi32, #tpu.memory_space<vmem>>
      %dma_wait3A_575 = arith.constant 0 : i32
      %dma_wait3A_576 = arith.constant 0 : i32
      %dma_wait3A_577 = tpu.memref_slice %arg2[%dma_wait3A_575, %dma_wait3A_576] : memref<20000x64xf32, #tpu.memory_space<hbm>> -> memref<20000x64xf32, #tpu.memory_space<hbm>>
      tpu.wait_indirect_dma semaphore(%arg16 : memref<!tpu.dma_semaphore, #tpu.memory_space<semaphore_mem>>) src(%dma_wait3A_577 : memref<20000x64xf32, #tpu.memory_space<hbm>>) dst(%dma_wait3A_571 : memref<128x64xf32, #tpu.memory_space<vmem>>)
      %dma_start3A_578 = arith.constant 3 : i32
      %dma_start3A_579 = arith.constant 3 : i32
      %dma_start3A_580 = arith.constant 0 : i32
      %dma_start3A_581 = arith.constant 0 : i32
      %dma_start3A_582 = tpu.memref_slice %arg11[%dma_start3A_578, %dma_start3A_580, %dma_start3A_581] : memref<8x128x64xf32, #tpu.memory_space<vmem>> -> memref<1x128x64xf32, #tpu.memory_space<vmem>>
      %dma_start3A_583 = tpu.memref_squeeze %dma_start3A_582 : memref<1x128x64xf32, #tpu.memory_space<vmem>> -> memref<128x64xf32, #tpu.memory_space<vmem>>
      %dma_start3A_584 = arith.constant 0 : i32
      %dma_start3A_585 = tpu.memref_slice %arg10[%dma_start3A_579, %dma_start3A_584] : memref<8x128xi32, #tpu.memory_space<vmem>> -> memref<1x128xi32, #tpu.memory_space<vmem>>
      %dma_start3A_586 = tpu.memref_squeeze %dma_start3A_585 : memref<1x128xi32, #tpu.memory_space<vmem>> -> memref<128xi32, #tpu.memory_space<vmem>>
      %dma_start3A_587 = arith.constant 0 : i32
      %dma_start3A_588 = arith.constant 0 : i32
      %dma_start3A_589 = tpu.memref_slice %arg12[%dma_start3A_587, %dma_start3A_588] : memref<10240x64xf32, #tpu.memory_space<vmem_shared>> -> memref<10240x64xf32, #tpu.memory_space<vmem_shared>>
      tpu.enqueue_indirect_dma source(%dma_start3A_583 : memref<128x64xf32, #tpu.memory_space<vmem>>) target(%dma_start3A_589 : memref<10240x64xf32, #tpu.memory_space<vmem_shared>>) offsets(%dma_start3A_586 : memref<128xi32, #tpu.memory_space<vmem>>) semaphore(%arg24 : memref<!tpu.dma_semaphore, #tpu.memory_space<semaphore_mem>>) {add = true}
      %dma_wait3A_590 = arith.constant 0 : i32
      %dma_wait3A_591 = arith.constant 4 : i32
      %dma_wait3A_592 = arith.constant 0 : i32
      %dma_wait3A_593 = arith.constant 0 : i32
      %dma_wait3A_594 = tpu.memref_slice %arg11[%dma_wait3A_591, %dma_wait3A_592, %dma_wait3A_593] : memref<8x128x64xf32, #tpu.memory_space<vmem>> -> memref<1x128x64xf32, #tpu.memory_space<vmem>>
      %dma_wait3A_595 = tpu.memref_squeeze %dma_wait3A_594 : memref<1x128x64xf32, #tpu.memory_space<vmem>> -> memref<128x64xf32, #tpu.memory_space<vmem>>
      %dma_wait3A_596 = arith.constant 0 : i32
      %dma_wait3A_597 = tpu.memref_slice %arg8[%dma_wait3A_590, %dma_wait3A_596] : memref<8x128xi32, #tpu.memory_space<vmem>> -> memref<1x128xi32, #tpu.memory_space<vmem>>
      %dma_wait3A_598 = tpu.memref_squeeze %dma_wait3A_597 : memref<1x128xi32, #tpu.memory_space<vmem>> -> memref<128xi32, #tpu.memory_space<vmem>>
      %dma_wait3A_599 = arith.constant 0 : i32
      %dma_wait3A_600 = arith.constant 0 : i32
      %dma_wait3A_601 = tpu.memref_slice %arg2[%dma_wait3A_599, %dma_wait3A_600] : memref<20000x64xf32, #tpu.memory_space<hbm>> -> memref<20000x64xf32, #tpu.memory_space<hbm>>
      tpu.wait_indirect_dma semaphore(%arg17 : memref<!tpu.dma_semaphore, #tpu.memory_space<semaphore_mem>>) src(%dma_wait3A_601 : memref<20000x64xf32, #tpu.memory_space<hbm>>) dst(%dma_wait3A_595 : memref<128x64xf32, #tpu.memory_space<vmem>>)
      %dma_start3A_602 = arith.constant 4 : i32
      %dma_start3A_603 = arith.constant 4 : i32
      %dma_start3A_604 = arith.constant 0 : i32
      %dma_start3A_605 = arith.constant 0 : i32
      %dma_start3A_606 = tpu.memref_slice %arg11[%dma_start3A_602, %dma_start3A_604, %dma_start3A_605] : memref<8x128x64xf32, #tpu.memory_space<vmem>> -> memref<1x128x64xf32, #tpu.memory_space<vmem>>
      %dma_start3A_607 = tpu.memref_squeeze %dma_start3A_606 : memref<1x128x64xf32, #tpu.memory_space<vmem>> -> memref<128x64xf32, #tpu.memory_space<vmem>>
      %dma_start3A_608 = arith.constant 0 : i32
      %dma_start3A_609 = tpu.memref_slice %arg10[%dma_start3A_603, %dma_start3A_608] : memref<8x128xi32, #tpu.memory_space<vmem>> -> memref<1x128xi32, #tpu.memory_space<vmem>>
      %dma_start3A_610 = tpu.memref_squeeze %dma_start3A_609 : memref<1x128xi32, #tpu.memory_space<vmem>> -> memref<128xi32, #tpu.memory_space<vmem>>
      %dma_start3A_611 = arith.constant 0 : i32
      %dma_start3A_612 = arith.constant 0 : i32
      %dma_start3A_613 = tpu.memref_slice %arg12[%dma_start3A_611, %dma_start3A_612] : memref<10240x64xf32, #tpu.memory_space<vmem_shared>> -> memref<10240x64xf32, #tpu.memory_space<vmem_shared>>
      tpu.enqueue_indirect_dma source(%dma_start3A_607 : memref<128x64xf32, #tpu.memory_space<vmem>>) target(%dma_start3A_613 : memref<10240x64xf32, #tpu.memory_space<vmem_shared>>) offsets(%dma_start3A_610 : memref<128xi32, #tpu.memory_space<vmem>>) semaphore(%arg25 : memref<!tpu.dma_semaphore, #tpu.memory_space<semaphore_mem>>) {add = true}
      %dma_wait3A_614 = arith.constant 0 : i32
      %dma_wait3A_615 = arith.constant 5 : i32
      %dma_wait3A_616 = arith.constant 0 : i32
      %dma_wait3A_617 = arith.constant 0 : i32
      %dma_wait3A_618 = tpu.memref_slice %arg11[%dma_wait3A_615, %dma_wait3A_616, %dma_wait3A_617] : memref<8x128x64xf32, #tpu.memory_space<vmem>> -> memref<1x128x64xf32, #tpu.memory_space<vmem>>
      %dma_wait3A_619 = tpu.memref_squeeze %dma_wait3A_618 : memref<1x128x64xf32, #tpu.memory_space<vmem>> -> memref<128x64xf32, #tpu.memory_space<vmem>>
      %dma_wait3A_620 = arith.constant 0 : i32
      %dma_wait3A_621 = tpu.memref_slice %arg8[%dma_wait3A_614, %dma_wait3A_620] : memref<8x128xi32, #tpu.memory_space<vmem>> -> memref<1x128xi32, #tpu.memory_space<vmem>>
      %dma_wait3A_622 = tpu.memref_squeeze %dma_wait3A_621 : memref<1x128xi32, #tpu.memory_space<vmem>> -> memref<128xi32, #tpu.memory_space<vmem>>
      %dma_wait3A_623 = arith.constant 0 : i32
      %dma_wait3A_624 = arith.constant 0 : i32
      %dma_wait3A_625 = tpu.memref_slice %arg2[%dma_wait3A_623, %dma_wait3A_624] : memref<20000x64xf32, #tpu.memory_space<hbm>> -> memref<20000x64xf32, #tpu.memory_space<hbm>>
      tpu.wait_indirect_dma semaphore(%arg18 : memref<!tpu.dma_semaphore, #tpu.memory_space<semaphore_mem>>) src(%dma_wait3A_625 : memref<20000x64xf32, #tpu.memory_space<hbm>>) dst(%dma_wait3A_619 : memref<128x64xf32, #tpu.memory_space<vmem>>)
      %dma_start3A_626 = arith.constant 5 : i32
      %dma_start3A_627 = arith.constant 5 : i32
      %dma_start3A_628 = arith.constant 0 : i32
      %dma_start3A_629 = arith.constant 0 : i32
      %dma_start3A_630 = tpu.memref_slice %arg11[%dma_start3A_626, %dma_start3A_628, %dma_start3A_629] : memref<8x128x64xf32, #tpu.memory_space<vmem>> -> memref<1x128x64xf32, #tpu.memory_space<vmem>>
      %dma_start3A_631 = tpu.memref_squeeze %dma_start3A_630 : memref<1x128x64xf32, #tpu.memory_space<vmem>> -> memref<128x64xf32, #tpu.memory_space<vmem>>
      %dma_start3A_632 = arith.constant 0 : i32
      %dma_start3A_633 = tpu.memref_slice %arg10[%dma_start3A_627, %dma_start3A_632] : memref<8x128xi32, #tpu.memory_space<vmem>> -> memref<1x128xi32, #tpu.memory_space<vmem>>
      %dma_start3A_634 = tpu.memref_squeeze %dma_start3A_633 : memref<1x128xi32, #tpu.memory_space<vmem>> -> memref<128xi32, #tpu.memory_space<vmem>>
      %dma_start3A_635 = arith.constant 0 : i32
      %dma_start3A_636 = arith.constant 0 : i32
      %dma_start3A_637 = tpu.memref_slice %arg12[%dma_start3A_635, %dma_start3A_636] : memref<10240x64xf32, #tpu.memory_space<vmem_shared>> -> memref<10240x64xf32, #tpu.memory_space<vmem_shared>>
      tpu.enqueue_indirect_dma source(%dma_start3A_631 : memref<128x64xf32, #tpu.memory_space<vmem>>) target(%dma_start3A_637 : memref<10240x64xf32, #tpu.memory_space<vmem_shared>>) offsets(%dma_start3A_634 : memref<128xi32, #tpu.memory_space<vmem>>) semaphore(%arg26 : memref<!tpu.dma_semaphore, #tpu.memory_space<semaphore_mem>>) {add = true}
      %dma_wait3A_638 = arith.constant 0 : i32
      %dma_wait3A_639 = arith.constant 6 : i32
      %dma_wait3A_640 = arith.constant 0 : i32
      %dma_wait3A_641 = arith.constant 0 : i32
      %dma_wait3A_642 = tpu.memref_slice %arg11[%dma_wait3A_639, %dma_wait3A_640, %dma_wait3A_641] : memref<8x128x64xf32, #tpu.memory_space<vmem>> -> memref<1x128x64xf32, #tpu.memory_space<vmem>>
      %dma_wait3A_643 = tpu.memref_squeeze %dma_wait3A_642 : memref<1x128x64xf32, #tpu.memory_space<vmem>> -> memref<128x64xf32, #tpu.memory_space<vmem>>
      %dma_wait3A_644 = arith.constant 0 : i32
      %dma_wait3A_645 = tpu.memref_slice %arg8[%dma_wait3A_638, %dma_wait3A_644] : memref<8x128xi32, #tpu.memory_space<vmem>> -> memref<1x128xi32, #tpu.memory_space<vmem>>
      %dma_wait3A_646 = tpu.memref_squeeze %dma_wait3A_645 : memref<1x128xi32, #tpu.memory_space<vmem>> -> memref<128xi32, #tpu.memory_space<vmem>>
      %dma_wait3A_647 = arith.constant 0 : i32
      %dma_wait3A_648 = arith.constant 0 : i32
      %dma_wait3A_649 = tpu.memref_slice %arg2[%dma_wait3A_647, %dma_wait3A_648] : memref<20000x64xf32, #tpu.memory_space<hbm>> -> memref<20000x64xf32, #tpu.memory_space<hbm>>
      tpu.wait_indirect_dma semaphore(%arg19 : memref<!tpu.dma_semaphore, #tpu.memory_space<semaphore_mem>>) src(%dma_wait3A_649 : memref<20000x64xf32, #tpu.memory_space<hbm>>) dst(%dma_wait3A_643 : memref<128x64xf32, #tpu.memory_space<vmem>>)
      %dma_start3A_650 = arith.constant 6 : i32
      %dma_start3A_651 = arith.constant 6 : i32
      %dma_start3A_652 = arith.constant 0 : i32
      %dma_start3A_653 = arith.constant 0 : i32
      %dma_start3A_654 = tpu.memref_slice %arg11[%dma_start3A_650, %dma_start3A_652, %dma_start3A_653] : memref<8x128x64xf32, #tpu.memory_space<vmem>> -> memref<1x128x64xf32, #tpu.memory_space<vmem>>
      %dma_start3A_655 = tpu.memref_squeeze %dma_start3A_654 : memref<1x128x64xf32, #tpu.memory_space<vmem>> -> memref<128x64xf32, #tpu.memory_space<vmem>>
      %dma_start3A_656 = arith.constant 0 : i32
      %dma_start3A_657 = tpu.memref_slice %arg10[%dma_start3A_651, %dma_start3A_656] : memref<8x128xi32, #tpu.memory_space<vmem>> -> memref<1x128xi32, #tpu.memory_space<vmem>>
      %dma_start3A_658 = tpu.memref_squeeze %dma_start3A_657 : memref<1x128xi32, #tpu.memory_space<vmem>> -> memref<128xi32, #tpu.memory_space<vmem>>
      %dma_start3A_659 = arith.constant 0 : i32
      %dma_start3A_660 = arith.constant 0 : i32
      %dma_start3A_661 = tpu.memref_slice %arg12[%dma_start3A_659, %dma_start3A_660] : memref<10240x64xf32, #tpu.memory_space<vmem_shared>> -> memref<10240x64xf32, #tpu.memory_space<vmem_shared>>
      tpu.enqueue_indirect_dma source(%dma_start3A_655 : memref<128x64xf32, #tpu.memory_space<vmem>>) target(%dma_start3A_661 : memref<10240x64xf32, #tpu.memory_space<vmem_shared>>) offsets(%dma_start3A_658 : memref<128xi32, #tpu.memory_space<vmem>>) semaphore(%arg27 : memref<!tpu.dma_semaphore, #tpu.memory_space<semaphore_mem>>) {add = true}
      %dma_wait3A_662 = arith.constant 0 : i32
      %dma_wait3A_663 = arith.constant 7 : i32
      %dma_wait3A_664 = arith.constant 0 : i32
      %dma_wait3A_665 = arith.constant 0 : i32
      %dma_wait3A_666 = tpu.memref_slice %arg11[%dma_wait3A_663, %dma_wait3A_664, %dma_wait3A_665] : memref<8x128x64xf32, #tpu.memory_space<vmem>> -> memref<1x128x64xf32, #tpu.memory_space<vmem>>
      %dma_wait3A_667 = tpu.memref_squeeze %dma_wait3A_666 : memref<1x128x64xf32, #tpu.memory_space<vmem>> -> memref<128x64xf32, #tpu.memory_space<vmem>>
      %dma_wait3A_668 = arith.constant 0 : i32
      %dma_wait3A_669 = tpu.memref_slice %arg8[%dma_wait3A_662, %dma_wait3A_668] : memref<8x128xi32, #tpu.memory_space<vmem>> -> memref<1x128xi32, #tpu.memory_space<vmem>>
      %dma_wait3A_670 = tpu.memref_squeeze %dma_wait3A_669 : memref<1x128xi32, #tpu.memory_space<vmem>> -> memref<128xi32, #tpu.memory_space<vmem>>
      %dma_wait3A_671 = arith.constant 0 : i32
      %dma_wait3A_672 = arith.constant 0 : i32
      %dma_wait3A_673 = tpu.memref_slice %arg2[%dma_wait3A_671, %dma_wait3A_672] : memref<20000x64xf32, #tpu.memory_space<hbm>> -> memref<20000x64xf32, #tpu.memory_space<hbm>>
      tpu.wait_indirect_dma semaphore(%arg20 : memref<!tpu.dma_semaphore, #tpu.memory_space<semaphore_mem>>) src(%dma_wait3A_673 : memref<20000x64xf32, #tpu.memory_space<hbm>>) dst(%dma_wait3A_667 : memref<128x64xf32, #tpu.memory_space<vmem>>)
      %dma_start3A_674 = arith.constant 7 : i32
      %dma_start3A_675 = arith.constant 7 : i32
      %dma_start3A_676 = arith.constant 0 : i32
      %dma_start3A_677 = arith.constant 0 : i32
      %dma_start3A_678 = tpu.memref_slice %arg11[%dma_start3A_674, %dma_start3A_676, %dma_start3A_677] : memref<8x128x64xf32, #tpu.memory_space<vmem>> -> memref<1x128x64xf32, #tpu.memory_space<vmem>>
      %dma_start3A_679 = tpu.memref_squeeze %dma_start3A_678 : memref<1x128x64xf32, #tpu.memory_space<vmem>> -> memref<128x64xf32, #tpu.memory_space<vmem>>
      %dma_start3A_680 = arith.constant 0 : i32
      %dma_start3A_681 = tpu.memref_slice %arg10[%dma_start3A_675, %dma_start3A_680] : memref<8x128xi32, #tpu.memory_space<vmem>> -> memref<1x128xi32, #tpu.memory_space<vmem>>
      %dma_start3A_682 = tpu.memref_squeeze %dma_start3A_681 : memref<1x128xi32, #tpu.memory_space<vmem>> -> memref<128xi32, #tpu.memory_space<vmem>>
      %dma_start3A_683 = arith.constant 0 : i32
      %dma_start3A_684 = arith.constant 0 : i32
      %dma_start3A_685 = tpu.memref_slice %arg12[%dma_start3A_683, %dma_start3A_684] : memref<10240x64xf32, #tpu.memory_space<vmem_shared>> -> memref<10240x64xf32, #tpu.memory_space<vmem_shared>>
      tpu.enqueue_indirect_dma source(%dma_start3A_679 : memref<128x64xf32, #tpu.memory_space<vmem>>) target(%dma_start3A_685 : memref<10240x64xf32, #tpu.memory_space<vmem_shared>>) offsets(%dma_start3A_682 : memref<128xi32, #tpu.memory_space<vmem>>) semaphore(%arg28 : memref<!tpu.dma_semaphore, #tpu.memory_space<semaphore_mem>>) {add = true}
      %not3A_686 = arith.constant true
      %not3A_687 = arith.xori %ge3A_493, %not3A_686 : i1
      %convert_element_type3A_688 = arith.extui %not3A_687 : i1 to i32
      %cond3A_689 = arith.constant 0 : i32
      %cond3A_690 = arith.cmpi ne, %convert_element_type3A_688, %cond3A_689 : i32
      scf.if %cond3A_690 {
        %add3A_832 = arith.constant 1 : i32
        %add3A_833 = arith.addi %add3A_489, %add3A_832 : i32
        %mul3A_834 = arith.constant 8 : i32
        %mul3A_835 = arith.muli %add3A_833, %mul3A_834 : i32
        %add3A_836 = arith.addi %mul3A_0, %mul3A_835 : i32
        %dma_start3A_837 = arith.constant 0 : i32
        %dma_start3A_838 = tpu.memref_slice %arg3[%arg0, %add3A_836, %dma_start3A_837] : memref<2x2560x128xi32, #tpu.memory_space<hbm>> -> memref<1x8x128xi32, #tpu.memory_space<hbm>>
        %dma_start3A_839 = tpu.memref_squeeze %dma_start3A_838 : memref<1x8x128xi32, #tpu.memory_space<hbm>> -> memref<8x128xi32, #tpu.memory_space<hbm>>
        %dma_start3A_840 = arith.constant 0 : i32
        %dma_start3A_841 = tpu.memref_slice %arg3[%arg0, %add3A_836, %dma_start3A_840] : memref<2x2560x128xi32, #tpu.memory_space<hbm>> -> memref<1x8x128xi32, #tpu.memory_space<hbm>>
        %dma_start3A_842 = tpu.memref_squeeze %dma_start3A_841 : memref<1x8x128xi32, #tpu.memory_space<hbm>> -> memref<8x128xi32, #tpu.memory_space<hbm>>
        tpu.enqueue_dma source(%dma_start3A_842 : memref<8x128xi32, #tpu.memory_space<hbm>>) target(%arg7 : memref<8x128xi32, #tpu.memory_space<vmem>>) target_semaphore(%arg29 : memref<!tpu.dma_semaphore, #tpu.memory_space<semaphore_mem>>)
        %add3A_843 = arith.constant 1 : i32
        %add3A_844 = arith.addi %add3A_489, %add3A_843 : i32
        %mul3A_845 = arith.constant 8 : i32
        %mul3A_846 = arith.muli %add3A_844, %mul3A_845 : i32
        %add3A_847 = arith.addi %mul3A_0, %mul3A_846 : i32
        %dma_start3A_848 = arith.constant 0 : i32
        %dma_start3A_849 = tpu.memref_slice %arg4[%add3A_847, %dma_start3A_848] : memref<2560x128xi32, #tpu.memory_space<hbm>> -> memref<8x128xi32, #tpu.memory_space<hbm>>
        %dma_start3A_850 = arith.constant 0 : i32
        %dma_start3A_851 = tpu.memref_slice %arg4[%add3A_847, %dma_start3A_850] : memref<2560x128xi32, #tpu.memory_space<hbm>> -> memref<8x128xi32, #tpu.memory_space<hbm>>
        tpu.enqueue_dma source(%dma_start3A_851 : memref<8x128xi32, #tpu.memory_space<hbm>>) target(%arg9 : memref<8x128xi32, #tpu.memory_space<vmem>>) target_semaphore(%arg30 : memref<!tpu.dma_semaphore, #tpu.memory_space<semaphore_mem>>)
      } else {
      }
      %dma_wait3A_691 = arith.constant 0 : i32
      %dma_wait3A_692 = arith.constant 0 : i32
      %dma_wait3A_693 = arith.constant 0 : i32
      %dma_wait3A_694 = arith.constant 0 : i32
      %dma_wait3A_695 = tpu.memref_slice %arg11[%dma_wait3A_691, %dma_wait3A_693, %dma_wait3A_694] : memref<8x128x64xf32, #tpu.memory_space<vmem>> -> memref<1x128x64xf32, #tpu.memory_space<vmem>>
      %dma_wait3A_696 = tpu.memref_squeeze %dma_wait3A_695 : memref<1x128x64xf32, #tpu.memory_space<vmem>> -> memref<128x64xf32, #tpu.memory_space<vmem>>
      %dma_wait3A_697 = arith.constant 0 : i32
      %dma_wait3A_698 = tpu.memref_slice %arg10[%dma_wait3A_692, %dma_wait3A_697] : memref<8x128xi32, #tpu.memory_space<vmem>> -> memref<1x128xi32, #tpu.memory_space<vmem>>
      %dma_wait3A_699 = tpu.memref_squeeze %dma_wait3A_698 : memref<1x128xi32, #tpu.memory_space<vmem>> -> memref<128xi32, #tpu.memory_space<vmem>>
      %dma_wait3A_700 = arith.constant 0 : i32
      %dma_wait3A_701 = arith.constant 0 : i32
      %dma_wait3A_702 = tpu.memref_slice %arg12[%dma_wait3A_700, %dma_wait3A_701] : memref<10240x64xf32, #tpu.memory_space<vmem_shared>> -> memref<10240x64xf32, #tpu.memory_space<vmem_shared>>
      tpu.wait_indirect_dma semaphore(%arg21 : memref<!tpu.dma_semaphore, #tpu.memory_space<semaphore_mem>>) src(%dma_wait3A_696 : memref<128x64xf32, #tpu.memory_space<vmem>>) dst(%dma_wait3A_702 : memref<10240x64xf32, #tpu.memory_space<vmem_shared>>)
      %not3A_703 = arith.constant true
      %not3A_704 = arith.xori %ge3A_493, %not3A_703 : i1
      %convert_element_type3A_705 = arith.extui %not3A_704 : i1 to i32
      %cond3A_706 = arith.constant 0 : i32
      %cond3A_707 = arith.cmpi ne, %convert_element_type3A_705, %cond3A_706 : i32
      scf.if %cond3A_707 {
        %dma_wait3A_832 = arith.constant 0 : i32
        %dma_wait3A_833 = tpu.memref_slice %arg3[%arg0, %mul3A_0, %dma_wait3A_832] : memref<2x2560x128xi32, #tpu.memory_space<hbm>> -> memref<1x8x128xi32, #tpu.memory_space<hbm>>
        %dma_wait3A_834 = tpu.memref_squeeze %dma_wait3A_833 : memref<1x8x128xi32, #tpu.memory_space<hbm>> -> memref<8x128xi32, #tpu.memory_space<hbm>>
        %dma_wait3A_835 = arith.constant 0 : i32
        %dma_wait3A_836 = tpu.memref_slice %arg3[%arg0, %mul3A_0, %dma_wait3A_835] : memref<2x2560x128xi32, #tpu.memory_space<hbm>> -> memref<1x8x128xi32, #tpu.memory_space<hbm>>
        %dma_wait3A_837 = tpu.memref_squeeze %dma_wait3A_836 : memref<1x8x128xi32, #tpu.memory_space<hbm>> -> memref<8x128xi32, #tpu.memory_space<hbm>>
        tpu.wait_dma2 semaphore(%arg29 : memref<!tpu.dma_semaphore, #tpu.memory_space<semaphore_mem>>) src(%dma_wait3A_837 : memref<8x128xi32, #tpu.memory_space<hbm>>) dst(%arg7 : memref<8x128xi32, #tpu.memory_space<vmem>>)
        %dma_wait3A_838 = arith.constant 0 : i32
        %dma_wait3A_839 = tpu.memref_slice %arg4[%mul3A_0, %dma_wait3A_838] : memref<2560x128xi32, #tpu.memory_space<hbm>> -> memref<8x128xi32, #tpu.memory_space<hbm>>
        %dma_wait3A_840 = arith.constant 0 : i32
        %dma_wait3A_841 = tpu.memref_slice %arg4[%mul3A_0, %dma_wait3A_840] : memref<2560x128xi32, #tpu.memory_space<hbm>> -> memref<8x128xi32, #tpu.memory_space<hbm>>
        tpu.wait_dma2 semaphore(%arg30 : memref<!tpu.dma_semaphore, #tpu.memory_space<semaphore_mem>>) src(%dma_wait3A_841 : memref<8x128xi32, #tpu.memory_space<hbm>>) dst(%arg9 : memref<8x128xi32, #tpu.memory_space<vmem>>)
      } else {
      }
      %not3A_708 = arith.constant true
      %not3A_709 = arith.xori %ge3A_493, %not3A_708 : i1
      %convert_element_type3A_710 = arith.extui %not3A_709 : i1 to i32
      %cond3A_711 = arith.constant 0 : i32
      %cond3A_712 = arith.cmpi ne, %convert_element_type3A_710, %cond3A_711 : i32
      scf.if %cond3A_712 {
        %dma_start3A_832 = arith.constant 0 : i32
        %dma_start3A_833 = arith.constant 0 : i32
        %dma_start3A_834 = arith.constant 0 : i32
        %dma_start3A_835 = arith.constant 0 : i32
        %dma_start3A_836 = tpu.memref_slice %arg11[%dma_start3A_833, %dma_start3A_834, %dma_start3A_835] : memref<8x128x64xf32, #tpu.memory_space<vmem>> -> memref<1x128x64xf32, #tpu.memory_space<vmem>>
        %dma_start3A_837 = tpu.memref_squeeze %dma_start3A_836 : memref<1x128x64xf32, #tpu.memory_space<vmem>> -> memref<128x64xf32, #tpu.memory_space<vmem>>
        %dma_start3A_838 = arith.constant 0 : i32
        %dma_start3A_839 = tpu.memref_slice %arg7[%dma_start3A_832, %dma_start3A_838] : memref<8x128xi32, #tpu.memory_space<vmem>> -> memref<1x128xi32, #tpu.memory_space<vmem>>
        %dma_start3A_840 = tpu.memref_squeeze %dma_start3A_839 : memref<1x128xi32, #tpu.memory_space<vmem>> -> memref<128xi32, #tpu.memory_space<vmem>>
        %dma_start3A_841 = arith.constant 0 : i32
        %dma_start3A_842 = arith.constant 0 : i32
        %dma_start3A_843 = tpu.memref_slice %arg2[%dma_start3A_841, %dma_start3A_842] : memref<20000x64xf32, #tpu.memory_space<hbm>> -> memref<20000x64xf32, #tpu.memory_space<hbm>>
        tpu.enqueue_indirect_dma source(%dma_start3A_843 : memref<20000x64xf32, #tpu.memory_space<hbm>>) target(%dma_start3A_837 : memref<128x64xf32, #tpu.memory_space<vmem>>) offsets(%dma_start3A_840 : memref<128xi32, #tpu.memory_space<vmem>>) semaphore(%arg13 : memref<!tpu.dma_semaphore, #tpu.memory_space<semaphore_mem>>)
      } else {
      }
      %dma_wait3A_713 = arith.constant 1 : i32
      %dma_wait3A_714 = arith.constant 0 : i32
      %dma_wait3A_715 = arith.constant 0 : i32
      %dma_wait3A_716 = arith.constant 0 : i32
      %dma_wait3A_717 = tpu.memref_slice %arg11[%dma_wait3A_713, %dma_wait3A_715, %dma_wait3A_716] : memref<8x128x64xf32, #tpu.memory_space<vmem>> -> memref<1x128x64xf32, #tpu.memory_space<vmem>>
      %dma_wait3A_718 = tpu.memref_squeeze %dma_wait3A_717 : memref<1x128x64xf32, #tpu.memory_space<vmem>> -> memref<128x64xf32, #tpu.memory_space<vmem>>
      %dma_wait3A_719 = arith.constant 0 : i32
      %dma_wait3A_720 = tpu.memref_slice %arg10[%dma_wait3A_714, %dma_wait3A_719] : memref<8x128xi32, #tpu.memory_space<vmem>> -> memref<1x128xi32, #tpu.memory_space<vmem>>
      %dma_wait3A_721 = tpu.memref_squeeze %dma_wait3A_720 : memref<1x128xi32, #tpu.memory_space<vmem>> -> memref<128xi32, #tpu.memory_space<vmem>>
      %dma_wait3A_722 = arith.constant 0 : i32
      %dma_wait3A_723 = arith.constant 0 : i32
      %dma_wait3A_724 = tpu.memref_slice %arg12[%dma_wait3A_722, %dma_wait3A_723] : memref<10240x64xf32, #tpu.memory_space<vmem_shared>> -> memref<10240x64xf32, #tpu.memory_space<vmem_shared>>
      tpu.wait_indirect_dma semaphore(%arg22 : memref<!tpu.dma_semaphore, #tpu.memory_space<semaphore_mem>>) src(%dma_wait3A_718 : memref<128x64xf32, #tpu.memory_space<vmem>>) dst(%dma_wait3A_724 : memref<10240x64xf32, #tpu.memory_space<vmem_shared>>)
      %not3A_725 = arith.constant true
      %not3A_726 = arith.xori %ge3A_493, %not3A_725 : i1
      %convert_element_type3A_727 = arith.extui %not3A_726 : i1 to i32
      %cond3A_728 = arith.constant 0 : i32
      %cond3A_729 = arith.cmpi ne, %convert_element_type3A_727, %cond3A_728 : i32
      scf.if %cond3A_729 {
        %dma_start3A_832 = arith.constant 1 : i32
        %dma_start3A_833 = arith.constant 1 : i32
        %dma_start3A_834 = arith.constant 0 : i32
        %dma_start3A_835 = arith.constant 0 : i32
        %dma_start3A_836 = tpu.memref_slice %arg11[%dma_start3A_833, %dma_start3A_834, %dma_start3A_835] : memref<8x128x64xf32, #tpu.memory_space<vmem>> -> memref<1x128x64xf32, #tpu.memory_space<vmem>>
        %dma_start3A_837 = tpu.memref_squeeze %dma_start3A_836 : memref<1x128x64xf32, #tpu.memory_space<vmem>> -> memref<128x64xf32, #tpu.memory_space<vmem>>
        %dma_start3A_838 = arith.constant 0 : i32
        %dma_start3A_839 = tpu.memref_slice %arg7[%dma_start3A_832, %dma_start3A_838] : memref<8x128xi32, #tpu.memory_space<vmem>> -> memref<1x128xi32, #tpu.memory_space<vmem>>
        %dma_start3A_840 = tpu.memref_squeeze %dma_start3A_839 : memref<1x128xi32, #tpu.memory_space<vmem>> -> memref<128xi32, #tpu.memory_space<vmem>>
        %dma_start3A_841 = arith.constant 0 : i32
        %dma_start3A_842 = arith.constant 0 : i32
        %dma_start3A_843 = tpu.memref_slice %arg2[%dma_start3A_841, %dma_start3A_842] : memref<20000x64xf32, #tpu.memory_space<hbm>> -> memref<20000x64xf32, #tpu.memory_space<hbm>>
        tpu.enqueue_indirect_dma source(%dma_start3A_843 : memref<20000x64xf32, #tpu.memory_space<hbm>>) target(%dma_start3A_837 : memref<128x64xf32, #tpu.memory_space<vmem>>) offsets(%dma_start3A_840 : memref<128xi32, #tpu.memory_space<vmem>>) semaphore(%arg14 : memref<!tpu.dma_semaphore, #tpu.memory_space<semaphore_mem>>)
      } else {
      }
      %dma_wait3A_730 = arith.constant 2 : i32
      %dma_wait3A_731 = arith.constant 0 : i32
      %dma_wait3A_732 = arith.constant 0 : i32
      %dma_wait3A_733 = arith.constant 0 : i32
      %dma_wait3A_734 = tpu.memref_slice %arg11[%dma_wait3A_730, %dma_wait3A_732, %dma_wait3A_733] : memref<8x128x64xf32, #tpu.memory_space<vmem>> -> memref<1x128x64xf32, #tpu.memory_space<vmem>>
      %dma_wait3A_735 = tpu.memref_squeeze %dma_wait3A_734 : memref<1x128x64xf32, #tpu.memory_space<vmem>> -> memref<128x64xf32, #tpu.memory_space<vmem>>
      %dma_wait3A_736 = arith.constant 0 : i32
      %dma_wait3A_737 = tpu.memref_slice %arg10[%dma_wait3A_731, %dma_wait3A_736] : memref<8x128xi32, #tpu.memory_space<vmem>> -> memref<1x128xi32, #tpu.memory_space<vmem>>
      %dma_wait3A_738 = tpu.memref_squeeze %dma_wait3A_737 : memref<1x128xi32, #tpu.memory_space<vmem>> -> memref<128xi32, #tpu.memory_space<vmem>>
      %dma_wait3A_739 = arith.constant 0 : i32
      %dma_wait3A_740 = arith.constant 0 : i32
      %dma_wait3A_741 = tpu.memref_slice %arg12[%dma_wait3A_739, %dma_wait3A_740] : memref<10240x64xf32, #tpu.memory_space<vmem_shared>> -> memref<10240x64xf32, #tpu.memory_space<vmem_shared>>
      tpu.wait_indirect_dma semaphore(%arg23 : memref<!tpu.dma_semaphore, #tpu.memory_space<semaphore_mem>>) src(%dma_wait3A_735 : memref<128x64xf32, #tpu.memory_space<vmem>>) dst(%dma_wait3A_741 : memref<10240x64xf32, #tpu.memory_space<vmem_shared>>)
      %not3A_742 = arith.constant true
      %not3A_743 = arith.xori %ge3A_493, %not3A_742 : i1
      %convert_element_type3A_744 = arith.extui %not3A_743 : i1 to i32
      %cond3A_745 = arith.constant 0 : i32
      %cond3A_746 = arith.cmpi ne, %convert_element_type3A_744, %cond3A_745 : i32
      scf.if %cond3A_746 {
        %dma_start3A_832 = arith.constant 2 : i32
        %dma_start3A_833 = arith.constant 2 : i32
        %dma_start3A_834 = arith.constant 0 : i32
        %dma_start3A_835 = arith.constant 0 : i32
        %dma_start3A_836 = tpu.memref_slice %arg11[%dma_start3A_833, %dma_start3A_834, %dma_start3A_835] : memref<8x128x64xf32, #tpu.memory_space<vmem>> -> memref<1x128x64xf32, #tpu.memory_space<vmem>>
        %dma_start3A_837 = tpu.memref_squeeze %dma_start3A_836 : memref<1x128x64xf32, #tpu.memory_space<vmem>> -> memref<128x64xf32, #tpu.memory_space<vmem>>
        %dma_start3A_838 = arith.constant 0 : i32
        %dma_start3A_839 = tpu.memref_slice %arg7[%dma_start3A_832, %dma_start3A_838] : memref<8x128xi32, #tpu.memory_space<vmem>> -> memref<1x128xi32, #tpu.memory_space<vmem>>
        %dma_start3A_840 = tpu.memref_squeeze %dma_start3A_839 : memref<1x128xi32, #tpu.memory_space<vmem>> -> memref<128xi32, #tpu.memory_space<vmem>>
        %dma_start3A_841 = arith.constant 0 : i32
        %dma_start3A_842 = arith.constant 0 : i32
        %dma_start3A_843 = tpu.memref_slice %arg2[%dma_start3A_841, %dma_start3A_842] : memref<20000x64xf32, #tpu.memory_space<hbm>> -> memref<20000x64xf32, #tpu.memory_space<hbm>>
        tpu.enqueue_indirect_dma source(%dma_start3A_843 : memref<20000x64xf32, #tpu.memory_space<hbm>>) target(%dma_start3A_837 : memref<128x64xf32, #tpu.memory_space<vmem>>) offsets(%dma_start3A_840 : memref<128xi32, #tpu.memory_space<vmem>>) semaphore(%arg15 : memref<!tpu.dma_semaphore, #tpu.memory_space<semaphore_mem>>)
      } else {
      }
      %dma_wait3A_747 = arith.constant 3 : i32
      %dma_wait3A_748 = arith.constant 0 : i32
      %dma_wait3A_749 = arith.constant 0 : i32
      %dma_wait3A_750 = arith.constant 0 : i32
      %dma_wait3A_751 = tpu.memref_slice %arg11[%dma_wait3A_747, %dma_wait3A_749, %dma_wait3A_750] : memref<8x128x64xf32, #tpu.memory_space<vmem>> -> memref<1x128x64xf32, #tpu.memory_space<vmem>>
      %dma_wait3A_752 = tpu.memref_squeeze %dma_wait3A_751 : memref<1x128x64xf32, #tpu.memory_space<vmem>> -> memref<128x64xf32, #tpu.memory_space<vmem>>
      %dma_wait3A_753 = arith.constant 0 : i32
      %dma_wait3A_754 = tpu.memref_slice %arg10[%dma_wait3A_748, %dma_wait3A_753] : memref<8x128xi32, #tpu.memory_space<vmem>> -> memref<1x128xi32, #tpu.memory_space<vmem>>
      %dma_wait3A_755 = tpu.memref_squeeze %dma_wait3A_754 : memref<1x128xi32, #tpu.memory_space<vmem>> -> memref<128xi32, #tpu.memory_space<vmem>>
      %dma_wait3A_756 = arith.constant 0 : i32
      %dma_wait3A_757 = arith.constant 0 : i32
      %dma_wait3A_758 = tpu.memref_slice %arg12[%dma_wait3A_756, %dma_wait3A_757] : memref<10240x64xf32, #tpu.memory_space<vmem_shared>> -> memref<10240x64xf32, #tpu.memory_space<vmem_shared>>
      tpu.wait_indirect_dma semaphore(%arg24 : memref<!tpu.dma_semaphore, #tpu.memory_space<semaphore_mem>>) src(%dma_wait3A_752 : memref<128x64xf32, #tpu.memory_space<vmem>>) dst(%dma_wait3A_758 : memref<10240x64xf32, #tpu.memory_space<vmem_shared>>)
      %not3A_759 = arith.constant true
      %not3A_760 = arith.xori %ge3A_493, %not3A_759 : i1
      %convert_element_type3A_761 = arith.extui %not3A_760 : i1 to i32
      %cond3A_762 = arith.constant 0 : i32
      %cond3A_763 = arith.cmpi ne, %convert_element_type3A_761, %cond3A_762 : i32
      scf.if %cond3A_763 {
        %dma_start3A_832 = arith.constant 3 : i32
        %dma_start3A_833 = arith.constant 3 : i32
        %dma_start3A_834 = arith.constant 0 : i32
        %dma_start3A_835 = arith.constant 0 : i32
        %dma_start3A_836 = tpu.memref_slice %arg11[%dma_start3A_833, %dma_start3A_834, %dma_start3A_835] : memref<8x128x64xf32, #tpu.memory_space<vmem>> -> memref<1x128x64xf32, #tpu.memory_space<vmem>>
        %dma_start3A_837 = tpu.memref_squeeze %dma_start3A_836 : memref<1x128x64xf32, #tpu.memory_space<vmem>> -> memref<128x64xf32, #tpu.memory_space<vmem>>
        %dma_start3A_838 = arith.constant 0 : i32
        %dma_start3A_839 = tpu.memref_slice %arg7[%dma_start3A_832, %dma_start3A_838] : memref<8x128xi32, #tpu.memory_space<vmem>> -> memref<1x128xi32, #tpu.memory_space<vmem>>
        %dma_start3A_840 = tpu.memref_squeeze %dma_start3A_839 : memref<1x128xi32, #tpu.memory_space<vmem>> -> memref<128xi32, #tpu.memory_space<vmem>>
        %dma_start3A_841 = arith.constant 0 : i32
        %dma_start3A_842 = arith.constant 0 : i32
        %dma_start3A_843 = tpu.memref_slice %arg2[%dma_start3A_841, %dma_start3A_842] : memref<20000x64xf32, #tpu.memory_space<hbm>> -> memref<20000x64xf32, #tpu.memory_space<hbm>>
        tpu.enqueue_indirect_dma source(%dma_start3A_843 : memref<20000x64xf32, #tpu.memory_space<hbm>>) target(%dma_start3A_837 : memref<128x64xf32, #tpu.memory_space<vmem>>) offsets(%dma_start3A_840 : memref<128xi32, #tpu.memory_space<vmem>>) semaphore(%arg16 : memref<!tpu.dma_semaphore, #tpu.memory_space<semaphore_mem>>)
      } else {
      }
      %dma_wait3A_764 = arith.constant 4 : i32
      %dma_wait3A_765 = arith.constant 0 : i32
      %dma_wait3A_766 = arith.constant 0 : i32
      %dma_wait3A_767 = arith.constant 0 : i32
      %dma_wait3A_768 = tpu.memref_slice %arg11[%dma_wait3A_764, %dma_wait3A_766, %dma_wait3A_767] : memref<8x128x64xf32, #tpu.memory_space<vmem>> -> memref<1x128x64xf32, #tpu.memory_space<vmem>>
      %dma_wait3A_769 = tpu.memref_squeeze %dma_wait3A_768 : memref<1x128x64xf32, #tpu.memory_space<vmem>> -> memref<128x64xf32, #tpu.memory_space<vmem>>
      %dma_wait3A_770 = arith.constant 0 : i32
      %dma_wait3A_771 = tpu.memref_slice %arg10[%dma_wait3A_765, %dma_wait3A_770] : memref<8x128xi32, #tpu.memory_space<vmem>> -> memref<1x128xi32, #tpu.memory_space<vmem>>
      %dma_wait3A_772 = tpu.memref_squeeze %dma_wait3A_771 : memref<1x128xi32, #tpu.memory_space<vmem>> -> memref<128xi32, #tpu.memory_space<vmem>>
      %dma_wait3A_773 = arith.constant 0 : i32
      %dma_wait3A_774 = arith.constant 0 : i32
      %dma_wait3A_775 = tpu.memref_slice %arg12[%dma_wait3A_773, %dma_wait3A_774] : memref<10240x64xf32, #tpu.memory_space<vmem_shared>> -> memref<10240x64xf32, #tpu.memory_space<vmem_shared>>
      tpu.wait_indirect_dma semaphore(%arg25 : memref<!tpu.dma_semaphore, #tpu.memory_space<semaphore_mem>>) src(%dma_wait3A_769 : memref<128x64xf32, #tpu.memory_space<vmem>>) dst(%dma_wait3A_775 : memref<10240x64xf32, #tpu.memory_space<vmem_shared>>)
      %not3A_776 = arith.constant true
      %not3A_777 = arith.xori %ge3A_493, %not3A_776 : i1
      %convert_element_type3A_778 = arith.extui %not3A_777 : i1 to i32
      %cond3A_779 = arith.constant 0 : i32
      %cond3A_780 = arith.cmpi ne, %convert_element_type3A_778, %cond3A_779 : i32
      scf.if %cond3A_780 {
        %dma_start3A_832 = arith.constant 4 : i32
        %dma_start3A_833 = arith.constant 4 : i32
        %dma_start3A_834 = arith.constant 0 : i32
        %dma_start3A_835 = arith.constant 0 : i32
        %dma_start3A_836 = tpu.memref_slice %arg11[%dma_start3A_833, %dma_start3A_834, %dma_start3A_835] : memref<8x128x64xf32, #tpu.memory_space<vmem>> -> memref<1x128x64xf32, #tpu.memory_space<vmem>>
        %dma_start3A_837 = tpu.memref_squeeze %dma_start3A_836 : memref<1x128x64xf32, #tpu.memory_space<vmem>> -> memref<128x64xf32, #tpu.memory_space<vmem>>
        %dma_start3A_838 = arith.constant 0 : i32
        %dma_start3A_839 = tpu.memref_slice %arg7[%dma_start3A_832, %dma_start3A_838] : memref<8x128xi32, #tpu.memory_space<vmem>> -> memref<1x128xi32, #tpu.memory_space<vmem>>
        %dma_start3A_840 = tpu.memref_squeeze %dma_start3A_839 : memref<1x128xi32, #tpu.memory_space<vmem>> -> memref<128xi32, #tpu.memory_space<vmem>>
        %dma_start3A_841 = arith.constant 0 : i32
        %dma_start3A_842 = arith.constant 0 : i32
        %dma_start3A_843 = tpu.memref_slice %arg2[%dma_start3A_841, %dma_start3A_842] : memref<20000x64xf32, #tpu.memory_space<hbm>> -> memref<20000x64xf32, #tpu.memory_space<hbm>>
        tpu.enqueue_indirect_dma source(%dma_start3A_843 : memref<20000x64xf32, #tpu.memory_space<hbm>>) target(%dma_start3A_837 : memref<128x64xf32, #tpu.memory_space<vmem>>) offsets(%dma_start3A_840 : memref<128xi32, #tpu.memory_space<vmem>>) semaphore(%arg17 : memref<!tpu.dma_semaphore, #tpu.memory_space<semaphore_mem>>)
      } else {
      }
      %dma_wait3A_781 = arith.constant 5 : i32
      %dma_wait3A_782 = arith.constant 0 : i32
      %dma_wait3A_783 = arith.constant 0 : i32
      %dma_wait3A_784 = arith.constant 0 : i32
      %dma_wait3A_785 = tpu.memref_slice %arg11[%dma_wait3A_781, %dma_wait3A_783, %dma_wait3A_784] : memref<8x128x64xf32, #tpu.memory_space<vmem>> -> memref<1x128x64xf32, #tpu.memory_space<vmem>>
      %dma_wait3A_786 = tpu.memref_squeeze %dma_wait3A_785 : memref<1x128x64xf32, #tpu.memory_space<vmem>> -> memref<128x64xf32, #tpu.memory_space<vmem>>
      %dma_wait3A_787 = arith.constant 0 : i32
      %dma_wait3A_788 = tpu.memref_slice %arg10[%dma_wait3A_782, %dma_wait3A_787] : memref<8x128xi32, #tpu.memory_space<vmem>> -> memref<1x128xi32, #tpu.memory_space<vmem>>
      %dma_wait3A_789 = tpu.memref_squeeze %dma_wait3A_788 : memref<1x128xi32, #tpu.memory_space<vmem>> -> memref<128xi32, #tpu.memory_space<vmem>>
      %dma_wait3A_790 = arith.constant 0 : i32
      %dma_wait3A_791 = arith.constant 0 : i32
      %dma_wait3A_792 = tpu.memref_slice %arg12[%dma_wait3A_790, %dma_wait3A_791] : memref<10240x64xf32, #tpu.memory_space<vmem_shared>> -> memref<10240x64xf32, #tpu.memory_space<vmem_shared>>
      tpu.wait_indirect_dma semaphore(%arg26 : memref<!tpu.dma_semaphore, #tpu.memory_space<semaphore_mem>>) src(%dma_wait3A_786 : memref<128x64xf32, #tpu.memory_space<vmem>>) dst(%dma_wait3A_792 : memref<10240x64xf32, #tpu.memory_space<vmem_shared>>)
      %not3A_793 = arith.constant true
      %not3A_794 = arith.xori %ge3A_493, %not3A_793 : i1
      %convert_element_type3A_795 = arith.extui %not3A_794 : i1 to i32
      %cond3A_796 = arith.constant 0 : i32
      %cond3A_797 = arith.cmpi ne, %convert_element_type3A_795, %cond3A_796 : i32
      scf.if %cond3A_797 {
        %dma_start3A_832 = arith.constant 5 : i32
        %dma_start3A_833 = arith.constant 5 : i32
        %dma_start3A_834 = arith.constant 0 : i32
        %dma_start3A_835 = arith.constant 0 : i32
        %dma_start3A_836 = tpu.memref_slice %arg11[%dma_start3A_833, %dma_start3A_834, %dma_start3A_835] : memref<8x128x64xf32, #tpu.memory_space<vmem>> -> memref<1x128x64xf32, #tpu.memory_space<vmem>>
        %dma_start3A_837 = tpu.memref_squeeze %dma_start3A_836 : memref<1x128x64xf32, #tpu.memory_space<vmem>> -> memref<128x64xf32, #tpu.memory_space<vmem>>
        %dma_start3A_838 = arith.constant 0 : i32
        %dma_start3A_839 = tpu.memref_slice %arg7[%dma_start3A_832, %dma_start3A_838] : memref<8x128xi32, #tpu.memory_space<vmem>> -> memref<1x128xi32, #tpu.memory_space<vmem>>
        %dma_start3A_840 = tpu.memref_squeeze %dma_start3A_839 : memref<1x128xi32, #tpu.memory_space<vmem>> -> memref<128xi32, #tpu.memory_space<vmem>>
        %dma_start3A_841 = arith.constant 0 : i32
        %dma_start3A_842 = arith.constant 0 : i32
        %dma_start3A_843 = tpu.memref_slice %arg2[%dma_start3A_841, %dma_start3A_842] : memref<20000x64xf32, #tpu.memory_space<hbm>> -> memref<20000x64xf32, #tpu.memory_space<hbm>>
        tpu.enqueue_indirect_dma source(%dma_start3A_843 : memref<20000x64xf32, #tpu.memory_space<hbm>>) target(%dma_start3A_837 : memref<128x64xf32, #tpu.memory_space<vmem>>) offsets(%dma_start3A_840 : memref<128xi32, #tpu.memory_space<vmem>>) semaphore(%arg18 : memref<!tpu.dma_semaphore, #tpu.memory_space<semaphore_mem>>)
      } else {
      }
      %dma_wait3A_798 = arith.constant 6 : i32
      %dma_wait3A_799 = arith.constant 0 : i32
      %dma_wait3A_800 = arith.constant 0 : i32
      %dma_wait3A_801 = arith.constant 0 : i32
      %dma_wait3A_802 = tpu.memref_slice %arg11[%dma_wait3A_798, %dma_wait3A_800, %dma_wait3A_801] : memref<8x128x64xf32, #tpu.memory_space<vmem>> -> memref<1x128x64xf32, #tpu.memory_space<vmem>>
      %dma_wait3A_803 = tpu.memref_squeeze %dma_wait3A_802 : memref<1x128x64xf32, #tpu.memory_space<vmem>> -> memref<128x64xf32, #tpu.memory_space<vmem>>
      %dma_wait3A_804 = arith.constant 0 : i32
      %dma_wait3A_805 = tpu.memref_slice %arg10[%dma_wait3A_799, %dma_wait3A_804] : memref<8x128xi32, #tpu.memory_space<vmem>> -> memref<1x128xi32, #tpu.memory_space<vmem>>
      %dma_wait3A_806 = tpu.memref_squeeze %dma_wait3A_805 : memref<1x128xi32, #tpu.memory_space<vmem>> -> memref<128xi32, #tpu.memory_space<vmem>>
      %dma_wait3A_807 = arith.constant 0 : i32
      %dma_wait3A_808 = arith.constant 0 : i32
      %dma_wait3A_809 = tpu.memref_slice %arg12[%dma_wait3A_807, %dma_wait3A_808] : memref<10240x64xf32, #tpu.memory_space<vmem_shared>> -> memref<10240x64xf32, #tpu.memory_space<vmem_shared>>
      tpu.wait_indirect_dma semaphore(%arg27 : memref<!tpu.dma_semaphore, #tpu.memory_space<semaphore_mem>>) src(%dma_wait3A_803 : memref<128x64xf32, #tpu.memory_space<vmem>>) dst(%dma_wait3A_809 : memref<10240x64xf32, #tpu.memory_space<vmem_shared>>)
      %not3A_810 = arith.constant true
      %not3A_811 = arith.xori %ge3A_493, %not3A_810 : i1
      %convert_element_type3A_812 = arith.extui %not3A_811 : i1 to i32
      %cond3A_813 = arith.constant 0 : i32
      %cond3A_814 = arith.cmpi ne, %convert_element_type3A_812, %cond3A_813 : i32
      scf.if %cond3A_814 {
        %dma_start3A_832 = arith.constant 6 : i32
        %dma_start3A_833 = arith.constant 6 : i32
        %dma_start3A_834 = arith.constant 0 : i32
        %dma_start3A_835 = arith.constant 0 : i32
        %dma_start3A_836 = tpu.memref_slice %arg11[%dma_start3A_833, %dma_start3A_834, %dma_start3A_835] : memref<8x128x64xf32, #tpu.memory_space<vmem>> -> memref<1x128x64xf32, #tpu.memory_space<vmem>>
        %dma_start3A_837 = tpu.memref_squeeze %dma_start3A_836 : memref<1x128x64xf32, #tpu.memory_space<vmem>> -> memref<128x64xf32, #tpu.memory_space<vmem>>
        %dma_start3A_838 = arith.constant 0 : i32
        %dma_start3A_839 = tpu.memref_slice %arg7[%dma_start3A_832, %dma_start3A_838] : memref<8x128xi32, #tpu.memory_space<vmem>> -> memref<1x128xi32, #tpu.memory_space<vmem>>
        %dma_start3A_840 = tpu.memref_squeeze %dma_start3A_839 : memref<1x128xi32, #tpu.memory_space<vmem>> -> memref<128xi32, #tpu.memory_space<vmem>>
        %dma_start3A_841 = arith.constant 0 : i32
        %dma_start3A_842 = arith.constant 0 : i32
        %dma_start3A_843 = tpu.memref_slice %arg2[%dma_start3A_841, %dma_start3A_842] : memref<20000x64xf32, #tpu.memory_space<hbm>> -> memref<20000x64xf32, #tpu.memory_space<hbm>>
        tpu.enqueue_indirect_dma source(%dma_start3A_843 : memref<20000x64xf32, #tpu.memory_space<hbm>>) target(%dma_start3A_837 : memref<128x64xf32, #tpu.memory_space<vmem>>) offsets(%dma_start3A_840 : memref<128xi32, #tpu.memory_space<vmem>>) semaphore(%arg19 : memref<!tpu.dma_semaphore, #tpu.memory_space<semaphore_mem>>)
      } else {
      }
      %dma_wait3A_815 = arith.constant 7 : i32
      %dma_wait3A_816 = arith.constant 0 : i32
      %dma_wait3A_817 = arith.constant 0 : i32
      %dma_wait3A_818 = arith.constant 0 : i32
      %dma_wait3A_819 = tpu.memref_slice %arg11[%dma_wait3A_815, %dma_wait3A_817, %dma_wait3A_818] : memref<8x128x64xf32, #tpu.memory_space<vmem>> -> memref<1x128x64xf32, #tpu.memory_space<vmem>>
      %dma_wait3A_820 = tpu.memref_squeeze %dma_wait3A_819 : memref<1x128x64xf32, #tpu.memory_space<vmem>> -> memref<128x64xf32, #tpu.memory_space<vmem>>
      %dma_wait3A_821 = arith.constant 0 : i32
      %dma_wait3A_822 = tpu.memref_slice %arg10[%dma_wait3A_816, %dma_wait3A_821] : memref<8x128xi32, #tpu.memory_space<vmem>> -> memref<1x128xi32, #tpu.memory_space<vmem>>
      %dma_wait3A_823 = tpu.memref_squeeze %dma_wait3A_822 : memref<1x128xi32, #tpu.memory_space<vmem>> -> memref<128xi32, #tpu.memory_space<vmem>>
      %dma_wait3A_824 = arith.constant 0 : i32
      %dma_wait3A_825 = arith.constant 0 : i32
      %dma_wait3A_826 = tpu.memref_slice %arg12[%dma_wait3A_824, %dma_wait3A_825] : memref<10240x64xf32, #tpu.memory_space<vmem_shared>> -> memref<10240x64xf32, #tpu.memory_space<vmem_shared>>
      tpu.wait_indirect_dma semaphore(%arg28 : memref<!tpu.dma_semaphore, #tpu.memory_space<semaphore_mem>>) src(%dma_wait3A_820 : memref<128x64xf32, #tpu.memory_space<vmem>>) dst(%dma_wait3A_826 : memref<10240x64xf32, #tpu.memory_space<vmem_shared>>)
      %not3A_827 = arith.constant true
      %not3A_828 = arith.xori %ge3A_493, %not3A_827 : i1
      %convert_element_type3A_829 = arith.extui %not3A_828 : i1 to i32
      %cond3A_830 = arith.constant 0 : i32
      %cond3A_831 = arith.cmpi ne, %convert_element_type3A_829, %cond3A_830 : i32
      scf.if %cond3A_831 {
        %dma_start3A_832 = arith.constant 7 : i32
        %dma_start3A_833 = arith.constant 7 : i32
        %dma_start3A_834 = arith.constant 0 : i32
        %dma_start3A_835 = arith.constant 0 : i32
        %dma_start3A_836 = tpu.memref_slice %arg11[%dma_start3A_833, %dma_start3A_834, %dma_start3A_835] : memref<8x128x64xf32, #tpu.memory_space<vmem>> -> memref<1x128x64xf32, #tpu.memory_space<vmem>>
        %dma_start3A_837 = tpu.memref_squeeze %dma_start3A_836 : memref<1x128x64xf32, #tpu.memory_space<vmem>> -> memref<128x64xf32, #tpu.memory_space<vmem>>
        %dma_start3A_838 = arith.constant 0 : i32
        %dma_start3A_839 = tpu.memref_slice %arg7[%dma_start3A_832, %dma_start3A_838] : memref<8x128xi32, #tpu.memory_space<vmem>> -> memref<1x128xi32, #tpu.memory_space<vmem>>
        %dma_start3A_840 = tpu.memref_squeeze %dma_start3A_839 : memref<1x128xi32, #tpu.memory_space<vmem>> -> memref<128xi32, #tpu.memory_space<vmem>>
        %dma_start3A_841 = arith.constant 0 : i32
        %dma_start3A_842 = arith.constant 0 : i32
        %dma_start3A_843 = tpu.memref_slice %arg2[%dma_start3A_841, %dma_start3A_842] : memref<20000x64xf32, #tpu.memory_space<hbm>> -> memref<20000x64xf32, #tpu.memory_space<hbm>>
        tpu.enqueue_indirect_dma source(%dma_start3A_843 : memref<20000x64xf32, #tpu.memory_space<hbm>>) target(%dma_start3A_837 : memref<128x64xf32, #tpu.memory_space<vmem>>) offsets(%dma_start3A_840 : memref<128xi32, #tpu.memory_space<vmem>>) semaphore(%arg20 : memref<!tpu.dma_semaphore, #tpu.memory_space<semaphore_mem>>)
      } else {
      }
    }
    %scan3A_143 = arith.constant 10 : i32
    %barrier3A_144 = arith.constant 0 : index
    tpu.barrier barrier_id(%barrier3A_144)
    %mul3A_145 = arith.constant 640 : i32
    %mul3A_146 = arith.muli %arg1, %mul3A_145 : i32
    %mul3A_147 = arith.constant 640 : i32
    %mul3A_148 = arith.muli %arg1, %mul3A_147 : i32
    "tpu.region"() ({
      %run_scoped3A_149 = tpu.sem_alloc : memref<!tpu.dma_semaphore, #tpu.memory_space<semaphore_mem>>
      %dma_start3A_150 = arith.constant 0 : i32
      %dma_start3A_151 = tpu.memref_slice %arg6[%arg0, %mul3A_148, %dma_start3A_150] : memref<2x10240x64xf32, #tpu.memory_space<hbm>> -> memref<1x640x64xf32, #tpu.memory_space<hbm>>
      %dma_start3A_152 = tpu.memref_squeeze %dma_start3A_151 : memref<1x640x64xf32, #tpu.memory_space<hbm>> -> memref<640x64xf32, #tpu.memory_space<hbm>>
      %dma_start3A_153 = arith.constant 0 : i32
      %dma_start3A_154 = tpu.memref_slice %arg12[%mul3A_146, %dma_start3A_153] : memref<10240x64xf32, #tpu.memory_space<vmem_shared>> -> memref<640x64xf32, #tpu.memory_space<vmem_shared>>
      tpu.enqueue_dma source(%dma_start3A_154 : memref<640x64xf32, #tpu.memory_space<vmem_shared>>) target(%dma_start3A_152 : memref<640x64xf32, #tpu.memory_space<hbm>>) target_semaphore(%run_scoped3A_149 : memref<!tpu.dma_semaphore, #tpu.memory_space<semaphore_mem>>)
      %dma_wait3A_155 = arith.constant 0 : i32
      %dma_wait3A_156 = tpu.memref_slice %arg6[%arg0, %mul3A_148, %dma_wait3A_155] : memref<2x10240x64xf32, #tpu.memory_space<hbm>> -> memref<1x640x64xf32, #tpu.memory_space<hbm>>
      %dma_wait3A_157 = tpu.memref_squeeze %dma_wait3A_156 : memref<1x640x64xf32, #tpu.memory_space<hbm>> -> memref<640x64xf32, #tpu.memory_space<hbm>>
      %dma_wait3A_158 = arith.constant 0 : i32
      %dma_wait3A_159 = tpu.memref_slice %arg12[%mul3A_146, %dma_wait3A_158] : memref<10240x64xf32, #tpu.memory_space<vmem_shared>> -> memref<640x64xf32, #tpu.memory_space<vmem_shared>>
      tpu.wait_dma2 semaphore(%run_scoped3A_149 : memref<!tpu.dma_semaphore, #tpu.memory_space<semaphore_mem>>) src(%dma_wait3A_159 : memref<640x64xf32, #tpu.memory_space<vmem_shared>>) dst(%dma_wait3A_157 : memref<640x64xf32, #tpu.memory_space<hbm>>)
      tpu.yield
    }) : () -> ()
    return
  }
}

#map = affine_map<(d0, d1) -> (0, 0)>
#map1 = affine_map<(d0, d1) -> (0, 0, 0)>
module attributes {stable_mosaic.version = 14 : i64} {
  func.func @_sc_body(%arg0: i32, %arg1: i32, %arg2: memref<20000x64xf32, #tpu.memory_space<hbm>>, %arg3: memref<2x2560x128xi32, #tpu.memory_space<hbm>>, %arg4: memref<2560x128xi32, #tpu.memory_space<hbm>>, %arg5: memref<128x64xf32, #tpu.memory_space<hbm>>, %arg6: memref<2x10240x64xf32, #tpu.memory_space<hbm>>, %arg7: memref<8x128xi32, #tpu.memory_space<vmem>>, %arg8: memref<8x128xi32, #tpu.memory_space<vmem>>, %arg9: memref<8x128xi32, #tpu.memory_space<vmem>>, %arg10: memref<8x128xi32, #tpu.memory_space<vmem>>, %arg11: memref<8x128x64xf32, #tpu.memory_space<vmem>>, %arg12: memref<10240x64xf32, #tpu.memory_space<vmem_shared>>, %arg13: memref<!tpu.dma_semaphore, #tpu.memory_space<semaphore_mem>>, %arg14: memref<!tpu.dma_semaphore, #tpu.memory_space<semaphore_mem>>, %arg15: memref<!tpu.dma_semaphore, #tpu.memory_space<semaphore_mem>>, %arg16: memref<!tpu.dma_semaphore, #tpu.memory_space<semaphore_mem>>, %arg17: memref<!tpu.dma_semaphore, #tpu.memory_space<semaphore_mem>>, %arg18: memref<!tpu.dma_semaphore, #tpu.memory_space<semaphore_mem>>, %arg19: memref<!tpu.dma_semaphore, #tpu.memory_space<semaphore_mem>>, %arg20: memref<!tpu.dma_semaphore, #tpu.memory_space<semaphore_mem>>, %arg21: memref<!tpu.dma_semaphore, #tpu.memory_space<semaphore_mem>>, %arg22: memref<!tpu.dma_semaphore, #tpu.memory_space<semaphore_mem>>, %arg23: memref<!tpu.dma_semaphore, #tpu.memory_space<semaphore_mem>>, %arg24: memref<!tpu.dma_semaphore, #tpu.memory_space<semaphore_mem>>, %arg25: memref<!tpu.dma_semaphore, #tpu.memory_space<semaphore_mem>>, %arg26: memref<!tpu.dma_semaphore, #tpu.memory_space<semaphore_mem>>, %arg27: memref<!tpu.dma_semaphore, #tpu.memory_space<semaphore_mem>>, %arg28: memref<!tpu.dma_semaphore, #tpu.memory_space<semaphore_mem>>, %arg29: memref<!tpu.dma_semaphore, #tpu.memory_space<semaphore_mem>>, %arg30: memref<!tpu.dma_semaphore, #tpu.memory_space<semaphore_mem>>, %arg31: memref<!tpu.dma_semaphore, #tpu.memory_space<semaphore_mem>>, %arg32: memref<!tpu.dma_semaphore, #tpu.memory_space<semaphore_mem>>) attributes {dimension_semantics = [#tpu.dimension_semantics<core_parallel>, #tpu.dimension_semantics<subcore_parallel>], iteration_bounds = array<i64: 2, 16>, scalar_prefetch = 0 : i64, scratch_operands = 26 : i64, tpu.core_type = #tpu.core_type<sc_vector_subcore>, window_params = [{transform_indices = #map}, {transform_indices = #map1}, {transform_indices = #map}, {transform_indices = #map}, {transform_indices = #map1}]} {
    %mul3A = arith.constant 160 : i32
    %mul3A_0 = arith.muli %arg1, %mul3A : i32
    %run_scoped3A = arith.constant 0 : i32
    "tpu.region"() ({
      %run_scoped3A_149 = tpu.sem_alloc : memref<!tpu.dma_semaphore, #tpu.memory_space<semaphore_mem>>
      %dma_start3A_150 = arith.constant 0 : i32
      %dma_start3A_151 = arith.constant 0 : i32
      %dma_start3A_152 = tpu.memref_slice %arg11[%run_scoped3A, %dma_start3A_150, %dma_start3A_151] : memref<8x128x64xf32, #tpu.memory_space<vmem>> -> memref<1x128x64xf32, #tpu.memory_space<vmem>>
      %dma_start3A_153 = tpu.memref_squeeze %dma_start3A_152 : memref<1x128x64xf32, #tpu.memory_space<vmem>> -> memref<128x64xf32, #tpu.memory_space<vmem>>
      %dma_start3A_154 = arith.constant 0 : i32
      %dma_start3A_155 = arith.constant 0 : i32
      %dma_start3A_156 = tpu.memref_slice %arg11[%run_scoped3A, %dma_start3A_154, %dma_start3A_155] : memref<8x128x64xf32, #tpu.memory_space<vmem>> -> memref<1x128x64xf32, #tpu.memory_space<vmem>>
      %dma_start3A_157 = tpu.memref_squeeze %dma_start3A_156 : memref<1x128x64xf32, #tpu.memory_space<vmem>> -> memref<128x64xf32, #tpu.memory_space<vmem>>
      tpu.enqueue_dma source(%arg5 : memref<128x64xf32, #tpu.memory_space<hbm>>) target(%dma_start3A_157 : memref<128x64xf32, #tpu.memory_space<vmem>>) target_semaphore(%run_scoped3A_149 : memref<!tpu.dma_semaphore, #tpu.memory_space<semaphore_mem>>)
      %dma_wait3A_158 = arith.constant 0 : i32
      %dma_wait3A_159 = arith.constant 0 : i32
      %dma_wait3A_160 = tpu.memref_slice %arg11[%run_scoped3A, %dma_wait3A_158, %dma_wait3A_159] : memref<8x128x64xf32, #tpu.memory_space<vmem>> -> memref<1x128x64xf32, #tpu.memory_space<vmem>>
      %dma_wait3A_161 = tpu.memref_squeeze %dma_wait3A_160 : memref<1x128x64xf32, #tpu.memory_space<vmem>> -> memref<128x64xf32, #tpu.memory_space<vmem>>
      %dma_wait3A_162 = arith.constant 0 : i32
      %dma_wait3A_163 = arith.constant 0 : i32
      %dma_wait3A_164 = tpu.memref_slice %arg11[%run_scoped3A, %dma_wait3A_162, %dma_wait3A_163] : memref<8x128x64xf32, #tpu.memory_space<vmem>> -> memref<1x128x64xf32, #tpu.memory_space<vmem>>
      %dma_wait3A_165 = tpu.memref_squeeze %dma_wait3A_164 : memref<1x128x64xf32, #tpu.memory_space<vmem>> -> memref<128x64xf32, #tpu.memory_space<vmem>>
      tpu.wait_dma2 semaphore(%run_scoped3A_149 : memref<!tpu.dma_semaphore, #tpu.memory_space<semaphore_mem>>) src(%arg5 : memref<128x64xf32, #tpu.memory_space<hbm>>) dst(%dma_wait3A_165 : memref<128x64xf32, #tpu.memory_space<vmem>>)
      tpu.yield
    }) : () -> ()
    %mul3A_1 = arith.constant 640 : i32
    %mul3A_2 = arith.muli %arg1, %mul3A_1 : i32
    %add3A = arith.constant 0 : i32
    %add3A_3 = arith.addi %mul3A_2, %add3A : i32
    %run_scoped3A_4 = arith.constant 0 : i32
    "tpu.region"() ({
      %run_scoped3A_149 = tpu.sem_alloc : memref<!tpu.dma_semaphore, #tpu.memory_space<semaphore_mem>>
      %dma_start3A_150 = arith.constant 0 : i32
      %dma_start3A_151 = arith.constant 0 : i32
      %dma_start3A_152 = tpu.memref_slice %arg11[%run_scoped3A_4, %dma_start3A_150, %dma_start3A_151] : memref<8x128x64xf32, #tpu.memory_space<vmem>> -> memref<1x128x64xf32, #tpu.memory_space<vmem>>
      %dma_start3A_153 = tpu.memref_squeeze %dma_start3A_152 : memref<1x128x64xf32, #tpu.memory_space<vmem>> -> memref<128x64xf32, #tpu.memory_space<vmem>>
      %dma_start3A_154 = arith.constant 0 : i32
      %dma_start3A_155 = tpu.memref_slice %arg12[%add3A_3, %dma_start3A_154] : memref<10240x64xf32, #tpu.memory_space<vmem_shared>> -> memref<128x64xf32, #tpu.memory_space<vmem_shared>>
      %dma_start3A_156 = arith.constant 0 : i32
      %dma_start3A_157 = tpu.memref_slice %arg12[%add3A_3, %dma_start3A_156] : memref<10240x64xf32, #tpu.memory_space<vmem_shared>> -> memref<128x64xf32, #tpu.memory_space<vmem_shared>>
      %dma_start3A_158 = arith.constant 0 : i32
      %dma_start3A_159 = arith.constant 0 : i32
      %dma_start3A_160 = tpu.memref_slice %arg11[%run_scoped3A_4, %dma_start3A_158, %dma_start3A_159] : memref<8x128x64xf32, #tpu.memory_space<vmem>> -> memref<1x128x64xf32, #tpu.memory_space<vmem>>
      %dma_start3A_161 = tpu.memref_squeeze %dma_start3A_160 : memref<1x128x64xf32, #tpu.memory_space<vmem>> -> memref<128x64xf32, #tpu.memory_space<vmem>>
      tpu.enqueue_dma source(%dma_start3A_161 : memref<128x64xf32, #tpu.memory_space<vmem>>) target(%dma_start3A_157 : memref<128x64xf32, #tpu.memory_space<vmem_shared>>) target_semaphore(%run_scoped3A_149 : memref<!tpu.dma_semaphore, #tpu.memory_space<semaphore_mem>>)
      %dma_wait3A_162 = arith.constant 0 : i32
      %dma_wait3A_163 = arith.constant 0 : i32
      %dma_wait3A_164 = tpu.memref_slice %arg11[%run_scoped3A_4, %dma_wait3A_162, %dma_wait3A_163] : memref<8x128x64xf32, #tpu.memory_space<vmem>> -> memref<1x128x64xf32, #tpu.memory_space<vmem>>
      %dma_wait3A_165 = tpu.memref_squeeze %dma_wait3A_164 : memref<1x128x64xf32, #tpu.memory_space<vmem>> -> memref<128x64xf32, #tpu.memory_space<vmem>>
      %dma_wait3A_166 = arith.constant 0 : i32
      %dma_wait3A_167 = tpu.memref_slice %arg12[%add3A_3, %dma_wait3A_166] : memref<10240x64xf32, #tpu.memory_space<vmem_shared>> -> memref<128x64xf32, #tpu.memory_space<vmem_shared>>
      %dma_wait3A_168 = arith.constant 0 : i32
      %dma_wait3A_169 = tpu.memref_slice %arg12[%add3A_3, %dma_wait3A_168] : memref<10240x64xf32, #tpu.memory_space<vmem_shared>> -> memref<128x64xf32, #tpu.memory_space<vmem_shared>>
      %dma_wait3A_170 = arith.constant 0 : i32
      %dma_wait3A_171 = arith.constant 0 : i32
      %dma_wait3A_172 = tpu.memref_slice %arg11[%run_scoped3A_4, %dma_wait3A_170, %dma_wait3A_171] : memref<8x128x64xf32, #tpu.memory_space<vmem>> -> memref<1x128x64xf32, #tpu.memory_space<vmem>>
      %dma_wait3A_173 = tpu.memref_squeeze %dma_wait3A_172 : memref<1x128x64xf32, #tpu.memory_space<vmem>> -> memref<128x64xf32, #tpu.memory_space<vmem>>
      tpu.wait_dma2 semaphore(%run_scoped3A_149 : memref<!tpu.dma_semaphore, #tpu.memory_space<semaphore_mem>>) src(%dma_wait3A_173 : memref<128x64xf32, #tpu.memory_space<vmem>>) dst(%dma_wait3A_169 : memref<128x64xf32, #tpu.memory_space<vmem_shared>>)
      tpu.yield
    }) : () -> ()
    %mul3A_5 = arith.constant 640 : i32
    %mul3A_6 = arith.muli %arg1, %mul3A_5 : i32
    %add3A_7 = arith.constant 128 : i32
    %add3A_8 = arith.addi %mul3A_6, %add3A_7 : i32
    %run_scoped3A_9 = arith.constant 0 : i32
    "tpu.region"() ({
      %run_scoped3A_149 = tpu.sem_alloc : memref<!tpu.dma_semaphore, #tpu.memory_space<semaphore_mem>>
      %dma_start3A_150 = arith.constant 0 : i32
      %dma_start3A_151 = arith.constant 0 : i32
      %dma_start3A_152 = tpu.memref_slice %arg11[%run_scoped3A_9, %dma_start3A_150, %dma_start3A_151] : memref<8x128x64xf32, #tpu.memory_space<vmem>> -> memref<1x128x64xf32, #tpu.memory_space<vmem>>
      %dma_start3A_153 = tpu.memref_squeeze %dma_start3A_152 : memref<1x128x64xf32, #tpu.memory_space<vmem>> -> memref<128x64xf32, #tpu.memory_space<vmem>>
      %dma_start3A_154 = arith.constant 0 : i32
      %dma_start3A_155 = tpu.memref_slice %arg12[%add3A_8, %dma_start3A_154] : memref<10240x64xf32, #tpu.memory_space<vmem_shared>> -> memref<128x64xf32, #tpu.memory_space<vmem_shared>>
      %dma_start3A_156 = arith.constant 0 : i32
      %dma_start3A_157 = tpu.memref_slice %arg12[%add3A_8, %dma_start3A_156] : memref<10240x64xf32, #tpu.memory_space<vmem_shared>> -> memref<128x64xf32, #tpu.memory_space<vmem_shared>>
      %dma_start3A_158 = arith.constant 0 : i32
      %dma_start3A_159 = arith.constant 0 : i32
      %dma_start3A_160 = tpu.memref_slice %arg11[%run_scoped3A_9, %dma_start3A_158, %dma_start3A_159] : memref<8x128x64xf32, #tpu.memory_space<vmem>> -> memref<1x128x64xf32, #tpu.memory_space<vmem>>
      %dma_start3A_161 = tpu.memref_squeeze %dma_start3A_160 : memref<1x128x64xf32, #tpu.memory_space<vmem>> -> memref<128x64xf32, #tpu.memory_space<vmem>>
      tpu.enqueue_dma source(%dma_start3A_161 : memref<128x64xf32, #tpu.memory_space<vmem>>) target(%dma_start3A_157 : memref<128x64xf32, #tpu.memory_space<vmem_shared>>) target_semaphore(%run_scoped3A_149 : memref<!tpu.dma_semaphore, #tpu.memory_space<semaphore_mem>>)
      %dma_wait3A_162 = arith.constant 0 : i32
      %dma_wait3A_163 = arith.constant 0 : i32
      %dma_wait3A_164 = tpu.memref_slice %arg11[%run_scoped3A_9, %dma_wait3A_162, %dma_wait3A_163] : memref<8x128x64xf32, #tpu.memory_space<vmem>> -> memref<1x128x64xf32, #tpu.memory_space<vmem>>
      %dma_wait3A_165 = tpu.memref_squeeze %dma_wait3A_164 : memref<1x128x64xf32, #tpu.memory_space<vmem>> -> memref<128x64xf32, #tpu.memory_space<vmem>>
      %dma_wait3A_166 = arith.constant 0 : i32
      %dma_wait3A_167 = tpu.memref_slice %arg12[%add3A_8, %dma_wait3A_166] : memref<10240x64xf32, #tpu.memory_space<vmem_shared>> -> memref<128x64xf32, #tpu.memory_space<vmem_shared>>
      %dma_wait3A_168 = arith.constant 0 : i32
      %dma_wait3A_169 = tpu.memref_slice %arg12[%add3A_8, %dma_wait3A_168] : memref<10240x64xf32, #tpu.memory_space<vmem_shared>> -> memref<128x64xf32, #tpu.memory_space<vmem_shared>>
      %dma_wait3A_170 = arith.constant 0 : i32
      %dma_wait3A_171 = arith.constant 0 : i32
      %dma_wait3A_172 = tpu.memref_slice %arg11[%run_scoped3A_9, %dma_wait3A_170, %dma_wait3A_171] : memref<8x128x64xf32, #tpu.memory_space<vmem>> -> memref<1x128x64xf32, #tpu.memory_space<vmem>>
      %dma_wait3A_173 = tpu.memref_squeeze %dma_wait3A_172 : memref<1x128x64xf32, #tpu.memory_space<vmem>> -> memref<128x64xf32, #tpu.memory_space<vmem>>
      tpu.wait_dma2 semaphore(%run_scoped3A_149 : memref<!tpu.dma_semaphore, #tpu.memory_space<semaphore_mem>>) src(%dma_wait3A_173 : memref<128x64xf32, #tpu.memory_space<vmem>>) dst(%dma_wait3A_169 : memref<128x64xf32, #tpu.memory_space<vmem_shared>>)
      tpu.yield
    }) : () -> ()
    %mul3A_10 = arith.constant 640 : i32
    %mul3A_11 = arith.muli %arg1, %mul3A_10 : i32
    %add3A_12 = arith.constant 256 : i32
    %add3A_13 = arith.addi %mul3A_11, %add3A_12 : i32
    %run_scoped3A_14 = arith.constant 0 : i32
    "tpu.region"() ({
      %run_scoped3A_149 = tpu.sem_alloc : memref<!tpu.dma_semaphore, #tpu.memory_space<semaphore_mem>>
      %dma_start3A_150 = arith.constant 0 : i32
      %dma_start3A_151 = arith.constant 0 : i32
      %dma_start3A_152 = tpu.memref_slice %arg11[%run_scoped3A_14, %dma_start3A_150, %dma_start3A_151] : memref<8x128x64xf32, #tpu.memory_space<vmem>> -> memref<1x128x64xf32, #tpu.memory_space<vmem>>
      %dma_start3A_153 = tpu.memref_squeeze %dma_start3A_152 : memref<1x128x64xf32, #tpu.memory_space<vmem>> -> memref<128x64xf32, #tpu.memory_space<vmem>>
      %dma_start3A_154 = arith.constant 0 : i32
      %dma_start3A_155 = tpu.memref_slice %arg12[%add3A_13, %dma_start3A_154] : memref<10240x64xf32, #tpu.memory_space<vmem_shared>> -> memref<128x64xf32, #tpu.memory_space<vmem_shared>>
      %dma_start3A_156 = arith.constant 0 : i32
      %dma_start3A_157 = tpu.memref_slice %arg12[%add3A_13, %dma_start3A_156] : memref<10240x64xf32, #tpu.memory_space<vmem_shared>> -> memref<128x64xf32, #tpu.memory_space<vmem_shared>>
      %dma_start3A_158 = arith.constant 0 : i32
      %dma_start3A_159 = arith.constant 0 : i32
      %dma_start3A_160 = tpu.memref_slice %arg11[%run_scoped3A_14, %dma_start3A_158, %dma_start3A_159] : memref<8x128x64xf32, #tpu.memory_space<vmem>> -> memref<1x128x64xf32, #tpu.memory_space<vmem>>
      %dma_start3A_161 = tpu.memref_squeeze %dma_start3A_160 : memref<1x128x64xf32, #tpu.memory_space<vmem>> -> memref<128x64xf32, #tpu.memory_space<vmem>>
      tpu.enqueue_dma source(%dma_start3A_161 : memref<128x64xf32, #tpu.memory_space<vmem>>) target(%dma_start3A_157 : memref<128x64xf32, #tpu.memory_space<vmem_shared>>) target_semaphore(%run_scoped3A_149 : memref<!tpu.dma_semaphore, #tpu.memory_space<semaphore_mem>>)
      %dma_wait3A_162 = arith.constant 0 : i32
      %dma_wait3A_163 = arith.constant 0 : i32
      %dma_wait3A_164 = tpu.memref_slice %arg11[%run_scoped3A_14, %dma_wait3A_162, %dma_wait3A_163] : memref<8x128x64xf32, #tpu.memory_space<vmem>> -> memref<1x128x64xf32, #tpu.memory_space<vmem>>
      %dma_wait3A_165 = tpu.memref_squeeze %dma_wait3A_164 : memref<1x128x64xf32, #tpu.memory_space<vmem>> -> memref<128x64xf32, #tpu.memory_space<vmem>>
      %dma_wait3A_166 = arith.constant 0 : i32
      %dma_wait3A_167 = tpu.memref_slice %arg12[%add3A_13, %dma_wait3A_166] : memref<10240x64xf32, #tpu.memory_space<vmem_shared>> -> memref<128x64xf32, #tpu.memory_space<vmem_shared>>
      %dma_wait3A_168 = arith.constant 0 : i32
      %dma_wait3A_169 = tpu.memref_slice %arg12[%add3A_13, %dma_wait3A_168] : memref<10240x64xf32, #tpu.memory_space<vmem_shared>> -> memref<128x64xf32, #tpu.memory_space<vmem_shared>>
      %dma_wait3A_170 = arith.constant 0 : i32
      %dma_wait3A_171 = arith.constant 0 : i32
      %dma_wait3A_172 = tpu.memref_slice %arg11[%run_scoped3A_14, %dma_wait3A_170, %dma_wait3A_171] : memref<8x128x64xf32, #tpu.memory_space<vmem>> -> memref<1x128x64xf32, #tpu.memory_space<vmem>>
      %dma_wait3A_173 = tpu.memref_squeeze %dma_wait3A_172 : memref<1x128x64xf32, #tpu.memory_space<vmem>> -> memref<128x64xf32, #tpu.memory_space<vmem>>
      tpu.wait_dma2 semaphore(%run_scoped3A_149 : memref<!tpu.dma_semaphore, #tpu.memory_space<semaphore_mem>>) src(%dma_wait3A_173 : memref<128x64xf32, #tpu.memory_space<vmem>>) dst(%dma_wait3A_169 : memref<128x64xf32, #tpu.memory_space<vmem_shared>>)
      tpu.yield
    }) : () -> ()
    %mul3A_15 = arith.constant 640 : i32
    %mul3A_16 = arith.muli %arg1, %mul3A_15 : i32
    %add3A_17 = arith.constant 384 : i32
    %add3A_18 = arith.addi %mul3A_16, %add3A_17 : i32
    %run_scoped3A_19 = arith.constant 0 : i32
    "tpu.region"() ({
      %run_scoped3A_149 = tpu.sem_alloc : memref<!tpu.dma_semaphore, #tpu.memory_space<semaphore_mem>>
      %dma_start3A_150 = arith.constant 0 : i32
      %dma_start3A_151 = arith.constant 0 : i32
      %dma_start3A_152 = tpu.memref_slice %arg11[%run_scoped3A_19, %dma_start3A_150, %dma_start3A_151] : memref<8x128x64xf32, #tpu.memory_space<vmem>> -> memref<1x128x64xf32, #tpu.memory_space<vmem>>
      %dma_start3A_153 = tpu.memref_squeeze %dma_start3A_152 : memref<1x128x64xf32, #tpu.memory_space<vmem>> -> memref<128x64xf32, #tpu.memory_space<vmem>>
      %dma_start3A_154 = arith.constant 0 : i32
      %dma_start3A_155 = tpu.memref_slice %arg12[%add3A_18, %dma_start3A_154] : memref<10240x64xf32, #tpu.memory_space<vmem_shared>> -> memref<128x64xf32, #tpu.memory_space<vmem_shared>>
      %dma_start3A_156 = arith.constant 0 : i32
      %dma_start3A_157 = tpu.memref_slice %arg12[%add3A_18, %dma_start3A_156] : memref<10240x64xf32, #tpu.memory_space<vmem_shared>> -> memref<128x64xf32, #tpu.memory_space<vmem_shared>>
      %dma_start3A_158 = arith.constant 0 : i32
      %dma_start3A_159 = arith.constant 0 : i32
      %dma_start3A_160 = tpu.memref_slice %arg11[%run_scoped3A_19, %dma_start3A_158, %dma_start3A_159] : memref<8x128x64xf32, #tpu.memory_space<vmem>> -> memref<1x128x64xf32, #tpu.memory_space<vmem>>
      %dma_start3A_161 = tpu.memref_squeeze %dma_start3A_160 : memref<1x128x64xf32, #tpu.memory_space<vmem>> -> memref<128x64xf32, #tpu.memory_space<vmem>>
      tpu.enqueue_dma source(%dma_start3A_161 : memref<128x64xf32, #tpu.memory_space<vmem>>) target(%dma_start3A_157 : memref<128x64xf32, #tpu.memory_space<vmem_shared>>) target_semaphore(%run_scoped3A_149 : memref<!tpu.dma_semaphore, #tpu.memory_space<semaphore_mem>>)
      %dma_wait3A_162 = arith.constant 0 : i32
      %dma_wait3A_163 = arith.constant 0 : i32
      %dma_wait3A_164 = tpu.memref_slice %arg11[%run_scoped3A_19, %dma_wait3A_162, %dma_wait3A_163] : memref<8x128x64xf32, #tpu.memory_space<vmem>> -> memref<1x128x64xf32, #tpu.memory_space<vmem>>
      %dma_wait3A_165 = tpu.memref_squeeze %dma_wait3A_164 : memref<1x128x64xf32, #tpu.memory_space<vmem>> -> memref<128x64xf32, #tpu.memory_space<vmem>>
      %dma_wait3A_166 = arith.constant 0 : i32
      %dma_wait3A_167 = tpu.memref_slice %arg12[%add3A_18, %dma_wait3A_166] : memref<10240x64xf32, #tpu.memory_space<vmem_shared>> -> memref<128x64xf32, #tpu.memory_space<vmem_shared>>
      %dma_wait3A_168 = arith.constant 0 : i32
      %dma_wait3A_169 = tpu.memref_slice %arg12[%add3A_18, %dma_wait3A_168] : memref<10240x64xf32, #tpu.memory_space<vmem_shared>> -> memref<128x64xf32, #tpu.memory_space<vmem_shared>>
      %dma_wait3A_170 = arith.constant 0 : i32
      %dma_wait3A_171 = arith.constant 0 : i32
      %dma_wait3A_172 = tpu.memref_slice %arg11[%run_scoped3A_19, %dma_wait3A_170, %dma_wait3A_171] : memref<8x128x64xf32, #tpu.memory_space<vmem>> -> memref<1x128x64xf32, #tpu.memory_space<vmem>>
      %dma_wait3A_173 = tpu.memref_squeeze %dma_wait3A_172 : memref<1x128x64xf32, #tpu.memory_space<vmem>> -> memref<128x64xf32, #tpu.memory_space<vmem>>
      tpu.wait_dma2 semaphore(%run_scoped3A_149 : memref<!tpu.dma_semaphore, #tpu.memory_space<semaphore_mem>>) src(%dma_wait3A_173 : memref<128x64xf32, #tpu.memory_space<vmem>>) dst(%dma_wait3A_169 : memref<128x64xf32, #tpu.memory_space<vmem_shared>>)
      tpu.yield
    }) : () -> ()
    %mul3A_20 = arith.constant 640 : i32
    %mul3A_21 = arith.muli %arg1, %mul3A_20 : i32
    %add3A_22 = arith.constant 512 : i32
    %add3A_23 = arith.addi %mul3A_21, %add3A_22 : i32
    %run_scoped3A_24 = arith.constant 0 : i32
    "tpu.region"() ({
      %run_scoped3A_149 = tpu.sem_alloc : memref<!tpu.dma_semaphore, #tpu.memory_space<semaphore_mem>>
      %dma_start3A_150 = arith.constant 0 : i32
      %dma_start3A_151 = arith.constant 0 : i32
      %dma_start3A_152 = tpu.memref_slice %arg11[%run_scoped3A_24, %dma_start3A_150, %dma_start3A_151] : memref<8x128x64xf32, #tpu.memory_space<vmem>> -> memref<1x128x64xf32, #tpu.memory_space<vmem>>
      %dma_start3A_153 = tpu.memref_squeeze %dma_start3A_152 : memref<1x128x64xf32, #tpu.memory_space<vmem>> -> memref<128x64xf32, #tpu.memory_space<vmem>>
      %dma_start3A_154 = arith.constant 0 : i32
      %dma_start3A_155 = tpu.memref_slice %arg12[%add3A_23, %dma_start3A_154] : memref<10240x64xf32, #tpu.memory_space<vmem_shared>> -> memref<128x64xf32, #tpu.memory_space<vmem_shared>>
      %dma_start3A_156 = arith.constant 0 : i32
      %dma_start3A_157 = tpu.memref_slice %arg12[%add3A_23, %dma_start3A_156] : memref<10240x64xf32, #tpu.memory_space<vmem_shared>> -> memref<128x64xf32, #tpu.memory_space<vmem_shared>>
      %dma_start3A_158 = arith.constant 0 : i32
      %dma_start3A_159 = arith.constant 0 : i32
      %dma_start3A_160 = tpu.memref_slice %arg11[%run_scoped3A_24, %dma_start3A_158, %dma_start3A_159] : memref<8x128x64xf32, #tpu.memory_space<vmem>> -> memref<1x128x64xf32, #tpu.memory_space<vmem>>
      %dma_start3A_161 = tpu.memref_squeeze %dma_start3A_160 : memref<1x128x64xf32, #tpu.memory_space<vmem>> -> memref<128x64xf32, #tpu.memory_space<vmem>>
      tpu.enqueue_dma source(%dma_start3A_161 : memref<128x64xf32, #tpu.memory_space<vmem>>) target(%dma_start3A_157 : memref<128x64xf32, #tpu.memory_space<vmem_shared>>) target_semaphore(%run_scoped3A_149 : memref<!tpu.dma_semaphore, #tpu.memory_space<semaphore_mem>>)
      %dma_wait3A_162 = arith.constant 0 : i32
      %dma_wait3A_163 = arith.constant 0 : i32
      %dma_wait3A_164 = tpu.memref_slice %arg11[%run_scoped3A_24, %dma_wait3A_162, %dma_wait3A_163] : memref<8x128x64xf32, #tpu.memory_space<vmem>> -> memref<1x128x64xf32, #tpu.memory_space<vmem>>
      %dma_wait3A_165 = tpu.memref_squeeze %dma_wait3A_164 : memref<1x128x64xf32, #tpu.memory_space<vmem>> -> memref<128x64xf32, #tpu.memory_space<vmem>>
      %dma_wait3A_166 = arith.constant 0 : i32
      %dma_wait3A_167 = tpu.memref_slice %arg12[%add3A_23, %dma_wait3A_166] : memref<10240x64xf32, #tpu.memory_space<vmem_shared>> -> memref<128x64xf32, #tpu.memory_space<vmem_shared>>
      %dma_wait3A_168 = arith.constant 0 : i32
      %dma_wait3A_169 = tpu.memref_slice %arg12[%add3A_23, %dma_wait3A_168] : memref<10240x64xf32, #tpu.memory_space<vmem_shared>> -> memref<128x64xf32, #tpu.memory_space<vmem_shared>>
      %dma_wait3A_170 = arith.constant 0 : i32
      %dma_wait3A_171 = arith.constant 0 : i32
      %dma_wait3A_172 = tpu.memref_slice %arg11[%run_scoped3A_24, %dma_wait3A_170, %dma_wait3A_171] : memref<8x128x64xf32, #tpu.memory_space<vmem>> -> memref<1x128x64xf32, #tpu.memory_space<vmem>>
      %dma_wait3A_173 = tpu.memref_squeeze %dma_wait3A_172 : memref<1x128x64xf32, #tpu.memory_space<vmem>> -> memref<128x64xf32, #tpu.memory_space<vmem>>
      tpu.wait_dma2 semaphore(%run_scoped3A_149 : memref<!tpu.dma_semaphore, #tpu.memory_space<semaphore_mem>>) src(%dma_wait3A_173 : memref<128x64xf32, #tpu.memory_space<vmem>>) dst(%dma_wait3A_169 : memref<128x64xf32, #tpu.memory_space<vmem_shared>>)
      tpu.yield
    }) : () -> ()
    %barrier3A = arith.constant 0 : index
    tpu.barrier barrier_id(%barrier3A)
    %dma_start3A = arith.constant 0 : i32
    %dma_start3A_25 = tpu.memref_slice %arg3[%arg0, %mul3A_0, %dma_start3A] : memref<2x2560x128xi32, #tpu.memory_space<hbm>> -> memref<1x8x128xi32, #tpu.memory_space<hbm>>
    %dma_start3A_26 = tpu.memref_squeeze %dma_start3A_25 : memref<1x8x128xi32, #tpu.memory_space<hbm>> -> memref<8x128xi32, #tpu.memory_space<hbm>>
    %dma_start3A_27 = arith.constant 0 : i32
    %dma_start3A_28 = tpu.memref_slice %arg3[%arg0, %mul3A_0, %dma_start3A_27] : memref<2x2560x128xi32, #tpu.memory_space<hbm>> -> memref<1x8x128xi32, #tpu.memory_space<hbm>>
    %dma_start3A_29 = tpu.memref_squeeze %dma_start3A_28 : memref<1x8x128xi32, #tpu.memory_space<hbm>> -> memref<8x128xi32, #tpu.memory_space<hbm>>
    tpu.enqueue_dma source(%dma_start3A_29 : memref<8x128xi32, #tpu.memory_space<hbm>>) target(%arg7 : memref<8x128xi32, #tpu.memory_space<vmem>>) target_semaphore(%arg29 : memref<!tpu.dma_semaphore, #tpu.memory_space<semaphore_mem>>)
    %dma_start3A_30 = arith.constant 0 : i32
    %dma_start3A_31 = tpu.memref_slice %arg4[%mul3A_0, %dma_start3A_30] : memref<2560x128xi32, #tpu.memory_space<hbm>> -> memref<8x128xi32, #tpu.memory_space<hbm>>
    %dma_start3A_32 = arith.constant 0 : i32
    %dma_start3A_33 = tpu.memref_slice %arg4[%mul3A_0, %dma_start3A_32] : memref<2560x128xi32, #tpu.memory_space<hbm>> -> memref<8x128xi32, #tpu.memory_space<hbm>>
    tpu.enqueue_dma source(%dma_start3A_33 : memref<8x128xi32, #tpu.memory_space<hbm>>) target(%arg9 : memref<8x128xi32, #tpu.memory_space<vmem>>) target_semaphore(%arg30 : memref<!tpu.dma_semaphore, #tpu.memory_space<semaphore_mem>>)
    %dma_wait3A = arith.constant 0 : i32
    %dma_wait3A_34 = tpu.memref_slice %arg3[%arg0, %mul3A_0, %dma_wait3A] : memref<2x2560x128xi32, #tpu.memory_space<hbm>> -> memref<1x8x128xi32, #tpu.memory_space<hbm>>
    %dma_wait3A_35 = tpu.memref_squeeze %dma_wait3A_34 : memref<1x8x128xi32, #tpu.memory_space<hbm>> -> memref<8x128xi32, #tpu.memory_space<hbm>>
    %dma_wait3A_36 = arith.constant 0 : i32
    %dma_wait3A_37 = tpu.memref_slice %arg3[%arg0, %mul3A_0, %dma_wait3A_36] : memref<2x2560x128xi32, #tpu.memory_space<hbm>> -> memref<1x8x128xi32, #tpu.memory_space<hbm>>
    %dma_wait3A_38 = tpu.memref_squeeze %dma_wait3A_37 : memref<1x8x128xi32, #tpu.memory_space<hbm>> -> memref<8x128xi32, #tpu.memory_space<hbm>>
    tpu.wait_dma2 semaphore(%arg29 : memref<!tpu.dma_semaphore, #tpu.memory_space<semaphore_mem>>) src(%dma_wait3A_38 : memref<8x128xi32, #tpu.memory_space<hbm>>) dst(%arg7 : memref<8x128xi32, #tpu.memory_space<vmem>>)
    %dma_wait3A_39 = arith.constant 0 : i32
    %dma_wait3A_40 = tpu.memref_slice %arg4[%mul3A_0, %dma_wait3A_39] : memref<2560x128xi32, #tpu.memory_space<hbm>> -> memref<8x128xi32, #tpu.memory_space<hbm>>
    %dma_wait3A_41 = arith.constant 0 : i32
    %dma_wait3A_42 = tpu.memref_slice %arg4[%mul3A_0, %dma_wait3A_41] : memref<2560x128xi32, #tpu.memory_space<hbm>> -> memref<8x128xi32, #tpu.memory_space<hbm>>
    tpu.wait_dma2 semaphore(%arg30 : memref<!tpu.dma_semaphore, #tpu.memory_space<semaphore_mem>>) src(%dma_wait3A_42 : memref<8x128xi32, #tpu.memory_space<hbm>>) dst(%arg9 : memref<8x128xi32, #tpu.memory_space<vmem>>)
    %dma_start3A_43 = arith.constant 0 : i32
    %dma_start3A_44 = arith.constant 0 : i32
    %dma_start3A_45 = arith.constant 0 : i32
    %dma_start3A_46 = arith.constant 0 : i32
    %dma_start3A_47 = tpu.memref_slice %arg11[%dma_start3A_44, %dma_start3A_45, %dma_start3A_46] : memref<8x128x64xf32, #tpu.memory_space<vmem>> -> memref<1x128x64xf32, #tpu.memory_space<vmem>>
    %dma_start3A_48 = tpu.memref_squeeze %dma_start3A_47 : memref<1x128x64xf32, #tpu.memory_space<vmem>> -> memref<128x64xf32, #tpu.memory_space<vmem>>
    %dma_start3A_49 = arith.constant 0 : i32
    %dma_start3A_50 = tpu.memref_slice %arg7[%dma_start3A_43, %dma_start3A_49] : memref<8x128xi32, #tpu.memory_space<vmem>> -> memref<1x128xi32, #tpu.memory_space<vmem>>
    %dma_start3A_51 = tpu.memref_squeeze %dma_start3A_50 : memref<1x128xi32, #tpu.memory_space<vmem>> -> memref<128xi32, #tpu.memory_space<vmem>>
    %dma_start3A_52 = arith.constant 0 : i32
    %dma_start3A_53 = arith.constant 0 : i32
    %dma_start3A_54 = tpu.memref_slice %arg2[%dma_start3A_52, %dma_start3A_53] : memref<20000x64xf32, #tpu.memory_space<hbm>> -> memref<20000x64xf32, #tpu.memory_space<hbm>>
    tpu.enqueue_indirect_dma source(%dma_start3A_54 : memref<20000x64xf32, #tpu.memory_space<hbm>>) target(%dma_start3A_48 : memref<128x64xf32, #tpu.memory_space<vmem>>) offsets(%dma_start3A_51 : memref<128xi32, #tpu.memory_space<vmem>>) semaphore(%arg13 : memref<!tpu.dma_semaphore, #tpu.memory_space<semaphore_mem>>)
    %dma_start3A_55 = arith.constant 1 : i32
    %dma_start3A_56 = arith.constant 1 : i32
    %dma_start3A_57 = arith.constant 0 : i32
    %dma_start3A_58 = arith.constant 0 : i32
    %dma_start3A_59 = tpu.memref_slice %arg11[%dma_start3A_56, %dma_start3A_57, %dma_start3A_58] : memref<8x128x64xf32, #tpu.memory_space<vmem>> -> memref<1x128x64xf32, #tpu.memory_space<vmem>>
    %dma_start3A_60 = tpu.memref_squeeze %dma_start3A_59 : memref<1x128x64xf32, #tpu.memory_space<vmem>> -> memref<128x64xf32, #tpu.memory_space<vmem>>
    %dma_start3A_61 = arith.constant 0 : i32
    %dma_start3A_62 = tpu.memref_slice %arg7[%dma_start3A_55, %dma_start3A_61] : memref<8x128xi32, #tpu.memory_space<vmem>> -> memref<1x128xi32, #tpu.memory_space<vmem>>
    %dma_start3A_63 = tpu.memref_squeeze %dma_start3A_62 : memref<1x128xi32, #tpu.memory_space<vmem>> -> memref<128xi32, #tpu.memory_space<vmem>>
    %dma_start3A_64 = arith.constant 0 : i32
    %dma_start3A_65 = arith.constant 0 : i32
    %dma_start3A_66 = tpu.memref_slice %arg2[%dma_start3A_64, %dma_start3A_65] : memref<20000x64xf32, #tpu.memory_space<hbm>> -> memref<20000x64xf32, #tpu.memory_space<hbm>>
    tpu.enqueue_indirect_dma source(%dma_start3A_66 : memref<20000x64xf32, #tpu.memory_space<hbm>>) target(%dma_start3A_60 : memref<128x64xf32, #tpu.memory_space<vmem>>) offsets(%dma_start3A_63 : memref<128xi32, #tpu.memory_space<vmem>>) semaphore(%arg14 : memref<!tpu.dma_semaphore, #tpu.memory_space<semaphore_mem>>)
    %dma_start3A_67 = arith.constant 2 : i32
    %dma_start3A_68 = arith.constant 2 : i32
    %dma_start3A_69 = arith.constant 0 : i32
    %dma_start3A_70 = arith.constant 0 : i32
    %dma_start3A_71 = tpu.memref_slice %arg11[%dma_start3A_68, %dma_start3A_69, %dma_start3A_70] : memref<8x128x64xf32, #tpu.memory_space<vmem>> -> memref<1x128x64xf32, #tpu.memory_space<vmem>>
    %dma_start3A_72 = tpu.memref_squeeze %dma_start3A_71 : memref<1x128x64xf32, #tpu.memory_space<vmem>> -> memref<128x64xf32, #tpu.memory_space<vmem>>
    %dma_start3A_73 = arith.constant 0 : i32
    %dma_start3A_74 = tpu.memref_slice %arg7[%dma_start3A_67, %dma_start3A_73] : memref<8x128xi32, #tpu.memory_space<vmem>> -> memref<1x128xi32, #tpu.memory_space<vmem>>
    %dma_start3A_75 = tpu.memref_squeeze %dma_start3A_74 : memref<1x128xi32, #tpu.memory_space<vmem>> -> memref<128xi32, #tpu.memory_space<vmem>>
    %dma_start3A_76 = arith.constant 0 : i32
    %dma_start3A_77 = arith.constant 0 : i32
    %dma_start3A_78 = tpu.memref_slice %arg2[%dma_start3A_76, %dma_start3A_77] : memref<20000x64xf32, #tpu.memory_space<hbm>> -> memref<20000x64xf32, #tpu.memory_space<hbm>>
    tpu.enqueue_indirect_dma source(%dma_start3A_78 : memref<20000x64xf32, #tpu.memory_space<hbm>>) target(%dma_start3A_72 : memref<128x64xf32, #tpu.memory_space<vmem>>) offsets(%dma_start3A_75 : memref<128xi32, #tpu.memory_space<vmem>>) semaphore(%arg15 : memref<!tpu.dma_semaphore, #tpu.memory_space<semaphore_mem>>)
    %dma_start3A_79 = arith.constant 3 : i32
    %dma_start3A_80 = arith.constant 3 : i32
    %dma_start3A_81 = arith.constant 0 : i32
    %dma_start3A_82 = arith.constant 0 : i32
    %dma_start3A_83 = tpu.memref_slice %arg11[%dma_start3A_80, %dma_start3A_81, %dma_start3A_82] : memref<8x128x64xf32, #tpu.memory_space<vmem>> -> memref<1x128x64xf32, #tpu.memory_space<vmem>>
    %dma_start3A_84 = tpu.memref_squeeze %dma_start3A_83 : memref<1x128x64xf32, #tpu.memory_space<vmem>> -> memref<128x64xf32, #tpu.memory_space<vmem>>
    %dma_start3A_85 = arith.constant 0 : i32
    %dma_start3A_86 = tpu.memref_slice %arg7[%dma_start3A_79, %dma_start3A_85] : memref<8x128xi32, #tpu.memory_space<vmem>> -> memref<1x128xi32, #tpu.memory_space<vmem>>
    %dma_start3A_87 = tpu.memref_squeeze %dma_start3A_86 : memref<1x128xi32, #tpu.memory_space<vmem>> -> memref<128xi32, #tpu.memory_space<vmem>>
    %dma_start3A_88 = arith.constant 0 : i32
    %dma_start3A_89 = arith.constant 0 : i32
    %dma_start3A_90 = tpu.memref_slice %arg2[%dma_start3A_88, %dma_start3A_89] : memref<20000x64xf32, #tpu.memory_space<hbm>> -> memref<20000x64xf32, #tpu.memory_space<hbm>>
    tpu.enqueue_indirect_dma source(%dma_start3A_90 : memref<20000x64xf32, #tpu.memory_space<hbm>>) target(%dma_start3A_84 : memref<128x64xf32, #tpu.memory_space<vmem>>) offsets(%dma_start3A_87 : memref<128xi32, #tpu.memory_space<vmem>>) semaphore(%arg16 : memref<!tpu.dma_semaphore, #tpu.memory_space<semaphore_mem>>)
    %dma_start3A_91 = arith.constant 4 : i32
    %dma_start3A_92 = arith.constant 4 : i32
    %dma_start3A_93 = arith.constant 0 : i32
    %dma_start3A_94 = arith.constant 0 : i32
    %dma_start3A_95 = tpu.memref_slice %arg11[%dma_start3A_92, %dma_start3A_93, %dma_start3A_94] : memref<8x128x64xf32, #tpu.memory_space<vmem>> -> memref<1x128x64xf32, #tpu.memory_space<vmem>>
    %dma_start3A_96 = tpu.memref_squeeze %dma_start3A_95 : memref<1x128x64xf32, #tpu.memory_space<vmem>> -> memref<128x64xf32, #tpu.memory_space<vmem>>
    %dma_start3A_97 = arith.constant 0 : i32
    %dma_start3A_98 = tpu.memref_slice %arg7[%dma_start3A_91, %dma_start3A_97] : memref<8x128xi32, #tpu.memory_space<vmem>> -> memref<1x128xi32, #tpu.memory_space<vmem>>
    %dma_start3A_99 = tpu.memref_squeeze %dma_start3A_98 : memref<1x128xi32, #tpu.memory_space<vmem>> -> memref<128xi32, #tpu.memory_space<vmem>>
    %dma_start3A_100 = arith.constant 0 : i32
    %dma_start3A_101 = arith.constant 0 : i32
    %dma_start3A_102 = tpu.memref_slice %arg2[%dma_start3A_100, %dma_start3A_101] : memref<20000x64xf32, #tpu.memory_space<hbm>> -> memref<20000x64xf32, #tpu.memory_space<hbm>>
    tpu.enqueue_indirect_dma source(%dma_start3A_102 : memref<20000x64xf32, #tpu.memory_space<hbm>>) target(%dma_start3A_96 : memref<128x64xf32, #tpu.memory_space<vmem>>) offsets(%dma_start3A_99 : memref<128xi32, #tpu.memory_space<vmem>>) semaphore(%arg17 : memref<!tpu.dma_semaphore, #tpu.memory_space<semaphore_mem>>)
    %dma_start3A_103 = arith.constant 5 : i32
    %dma_start3A_104 = arith.constant 5 : i32
    %dma_start3A_105 = arith.constant 0 : i32
    %dma_start3A_106 = arith.constant 0 : i32
    %dma_start3A_107 = tpu.memref_slice %arg11[%dma_start3A_104, %dma_start3A_105, %dma_start3A_106] : memref<8x128x64xf32, #tpu.memory_space<vmem>> -> memref<1x128x64xf32, #tpu.memory_space<vmem>>
    %dma_start3A_108 = tpu.memref_squeeze %dma_start3A_107 : memref<1x128x64xf32, #tpu.memory_space<vmem>> -> memref<128x64xf32, #tpu.memory_space<vmem>>
    %dma_start3A_109 = arith.constant 0 : i32
    %dma_start3A_110 = tpu.memref_slice %arg7[%dma_start3A_103, %dma_start3A_109] : memref<8x128xi32, #tpu.memory_space<vmem>> -> memref<1x128xi32, #tpu.memory_space<vmem>>
    %dma_start3A_111 = tpu.memref_squeeze %dma_start3A_110 : memref<1x128xi32, #tpu.memory_space<vmem>> -> memref<128xi32, #tpu.memory_space<vmem>>
    %dma_start3A_112 = arith.constant 0 : i32
    %dma_start3A_113 = arith.constant 0 : i32
    %dma_start3A_114 = tpu.memref_slice %arg2[%dma_start3A_112, %dma_start3A_113] : memref<20000x64xf32, #tpu.memory_space<hbm>> -> memref<20000x64xf32, #tpu.memory_space<hbm>>
    tpu.enqueue_indirect_dma source(%dma_start3A_114 : memref<20000x64xf32, #tpu.memory_space<hbm>>) target(%dma_start3A_108 : memref<128x64xf32, #tpu.memory_space<vmem>>) offsets(%dma_start3A_111 : memref<128xi32, #tpu.memory_space<vmem>>) semaphore(%arg18 : memref<!tpu.dma_semaphore, #tpu.memory_space<semaphore_mem>>)
    %dma_start3A_115 = arith.constant 6 : i32
    %dma_start3A_116 = arith.constant 6 : i32
    %dma_start3A_117 = arith.constant 0 : i32
    %dma_start3A_118 = arith.constant 0 : i32
    %dma_start3A_119 = tpu.memref_slice %arg11[%dma_start3A_116, %dma_start3A_117, %dma_start3A_118] : memref<8x128x64xf32, #tpu.memory_space<vmem>> -> memref<1x128x64xf32, #tpu.memory_space<vmem>>
    %dma_start3A_120 = tpu.memref_squeeze %dma_start3A_119 : memref<1x128x64xf32, #tpu.memory_space<vmem>> -> memref<128x64xf32, #tpu.memory_space<vmem>>
    %dma_start3A_121 = arith.constant 0 : i32
    %dma_start3A_122 = tpu.memref_slice %arg7[%dma_start3A_115, %dma_start3A_121] : memref<8x128xi32, #tpu.memory_space<vmem>> -> memref<1x128xi32, #tpu.memory_space<vmem>>
    %dma_start3A_123 = tpu.memref_squeeze %dma_start3A_122 : memref<1x128xi32, #tpu.memory_space<vmem>> -> memref<128xi32, #tpu.memory_space<vmem>>
    %dma_start3A_124 = arith.constant 0 : i32
    %dma_start3A_125 = arith.constant 0 : i32
    %dma_start3A_126 = tpu.memref_slice %arg2[%dma_start3A_124, %dma_start3A_125] : memref<20000x64xf32, #tpu.memory_space<hbm>> -> memref<20000x64xf32, #tpu.memory_space<hbm>>
    tpu.enqueue_indirect_dma source(%dma_start3A_126 : memref<20000x64xf32, #tpu.memory_space<hbm>>) target(%dma_start3A_120 : memref<128x64xf32, #tpu.memory_space<vmem>>) offsets(%dma_start3A_123 : memref<128xi32, #tpu.memory_space<vmem>>) semaphore(%arg19 : memref<!tpu.dma_semaphore, #tpu.memory_space<semaphore_mem>>)
    %dma_start3A_127 = arith.constant 7 : i32
    %dma_start3A_128 = arith.constant 7 : i32
    %dma_start3A_129 = arith.constant 0 : i32
    %dma_start3A_130 = arith.constant 0 : i32
    %dma_start3A_131 = tpu.memref_slice %arg11[%dma_start3A_128, %dma_start3A_129, %dma_start3A_130] : memref<8x128x64xf32, #tpu.memory_space<vmem>> -> memref<1x128x64xf32, #tpu.memory_space<vmem>>
    %dma_start3A_132 = tpu.memref_squeeze %dma_start3A_131 : memref<1x128x64xf32, #tpu.memory_space<vmem>> -> memref<128x64xf32, #tpu.memory_space<vmem>>
    %dma_start3A_133 = arith.constant 0 : i32
    %dma_start3A_134 = tpu.memref_slice %arg7[%dma_start3A_127, %dma_start3A_133] : memref<8x128xi32, #tpu.memory_space<vmem>> -> memref<1x128xi32, #tpu.memory_space<vmem>>
    %dma_start3A_135 = tpu.memref_squeeze %dma_start3A_134 : memref<1x128xi32, #tpu.memory_space<vmem>> -> memref<128xi32, #tpu.memory_space<vmem>>
    %dma_start3A_136 = arith.constant 0 : i32
    %dma_start3A_137 = arith.constant 0 : i32
    %dma_start3A_138 = tpu.memref_slice %arg2[%dma_start3A_136, %dma_start3A_137] : memref<20000x64xf32, #tpu.memory_space<hbm>> -> memref<20000x64xf32, #tpu.memory_space<hbm>>
    tpu.enqueue_indirect_dma source(%dma_start3A_138 : memref<20000x64xf32, #tpu.memory_space<hbm>>) target(%dma_start3A_132 : memref<128x64xf32, #tpu.memory_space<vmem>>) offsets(%dma_start3A_135 : memref<128xi32, #tpu.memory_space<vmem>>) semaphore(%arg20 : memref<!tpu.dma_semaphore, #tpu.memory_space<semaphore_mem>>)
    %scan3A = arith.constant 0 : i32
    %scan3A_139 = arith.constant 0 : i32
    %scan3A_140 = arith.constant 10 : i32
    %scan3A_141 = arith.addi %scan3A_139, %scan3A_140 : i32
    %scan3A_142 = arith.constant 1 : i32
    scf.for %scan3A_149 = %scan3A_139 to %scan3A_141 step %scan3A_142  : i32 {
      %mul3A_150 = arith.constant 2 : i32
      %mul3A_151 = arith.muli %mul3A_150, %scan3A_149 : i32
      %ge3A = arith.constant 19 : i32
      %ge3A_152 = arith.cmpi sge, %mul3A_151, %ge3A : i32
      %dma_wait3A_153 = arith.constant 0 : i32
      %dma_wait3A_154 = arith.constant 0 : i32
      %dma_wait3A_155 = arith.constant 0 : i32
      %dma_wait3A_156 = arith.constant 0 : i32
      %dma_wait3A_157 = tpu.memref_slice %arg11[%dma_wait3A_154, %dma_wait3A_155, %dma_wait3A_156] : memref<8x128x64xf32, #tpu.memory_space<vmem>> -> memref<1x128x64xf32, #tpu.memory_space<vmem>>
      %dma_wait3A_158 = tpu.memref_squeeze %dma_wait3A_157 : memref<1x128x64xf32, #tpu.memory_space<vmem>> -> memref<128x64xf32, #tpu.memory_space<vmem>>
      %dma_wait3A_159 = arith.constant 0 : i32
      %dma_wait3A_160 = tpu.memref_slice %arg7[%dma_wait3A_153, %dma_wait3A_159] : memref<8x128xi32, #tpu.memory_space<vmem>> -> memref<1x128xi32, #tpu.memory_space<vmem>>
      %dma_wait3A_161 = tpu.memref_squeeze %dma_wait3A_160 : memref<1x128xi32, #tpu.memory_space<vmem>> -> memref<128xi32, #tpu.memory_space<vmem>>
      %dma_wait3A_162 = arith.constant 0 : i32
      %dma_wait3A_163 = arith.constant 0 : i32
      %dma_wait3A_164 = tpu.memref_slice %arg2[%dma_wait3A_162, %dma_wait3A_163] : memref<20000x64xf32, #tpu.memory_space<hbm>> -> memref<20000x64xf32, #tpu.memory_space<hbm>>
      tpu.wait_indirect_dma semaphore(%arg13 : memref<!tpu.dma_semaphore, #tpu.memory_space<semaphore_mem>>) src(%dma_wait3A_164 : memref<20000x64xf32, #tpu.memory_space<hbm>>) dst(%dma_wait3A_158 : memref<128x64xf32, #tpu.memory_space<vmem>>)
      %dma_start3A_165 = arith.constant 0 : i32
      %dma_start3A_166 = arith.constant 0 : i32
      %dma_start3A_167 = arith.constant 0 : i32
      %dma_start3A_168 = arith.constant 0 : i32
      %dma_start3A_169 = tpu.memref_slice %arg11[%dma_start3A_165, %dma_start3A_167, %dma_start3A_168] : memref<8x128x64xf32, #tpu.memory_space<vmem>> -> memref<1x128x64xf32, #tpu.memory_space<vmem>>
      %dma_start3A_170 = tpu.memref_squeeze %dma_start3A_169 : memref<1x128x64xf32, #tpu.memory_space<vmem>> -> memref<128x64xf32, #tpu.memory_space<vmem>>
      %dma_start3A_171 = arith.constant 0 : i32
      %dma_start3A_172 = tpu.memref_slice %arg9[%dma_start3A_166, %dma_start3A_171] : memref<8x128xi32, #tpu.memory_space<vmem>> -> memref<1x128xi32, #tpu.memory_space<vmem>>
      %dma_start3A_173 = tpu.memref_squeeze %dma_start3A_172 : memref<1x128xi32, #tpu.memory_space<vmem>> -> memref<128xi32, #tpu.memory_space<vmem>>
      %dma_start3A_174 = arith.constant 0 : i32
      %dma_start3A_175 = arith.constant 0 : i32
      %dma_start3A_176 = tpu.memref_slice %arg12[%dma_start3A_174, %dma_start3A_175] : memref<10240x64xf32, #tpu.memory_space<vmem_shared>> -> memref<10240x64xf32, #tpu.memory_space<vmem_shared>>
      tpu.enqueue_indirect_dma source(%dma_start3A_170 : memref<128x64xf32, #tpu.memory_space<vmem>>) target(%dma_start3A_176 : memref<10240x64xf32, #tpu.memory_space<vmem_shared>>) offsets(%dma_start3A_173 : memref<128xi32, #tpu.memory_space<vmem>>) semaphore(%arg21 : memref<!tpu.dma_semaphore, #tpu.memory_space<semaphore_mem>>) {add = true}
      %dma_wait3A_177 = arith.constant 0 : i32
      %dma_wait3A_178 = arith.constant 1 : i32
      %dma_wait3A_179 = arith.constant 0 : i32
      %dma_wait3A_180 = arith.constant 0 : i32
      %dma_wait3A_181 = tpu.memref_slice %arg11[%dma_wait3A_178, %dma_wait3A_179, %dma_wait3A_180] : memref<8x128x64xf32, #tpu.memory_space<vmem>> -> memref<1x128x64xf32, #tpu.memory_space<vmem>>
      %dma_wait3A_182 = tpu.memref_squeeze %dma_wait3A_181 : memref<1x128x64xf32, #tpu.memory_space<vmem>> -> memref<128x64xf32, #tpu.memory_space<vmem>>
      %dma_wait3A_183 = arith.constant 0 : i32
      %dma_wait3A_184 = tpu.memref_slice %arg7[%dma_wait3A_177, %dma_wait3A_183] : memref<8x128xi32, #tpu.memory_space<vmem>> -> memref<1x128xi32, #tpu.memory_space<vmem>>
      %dma_wait3A_185 = tpu.memref_squeeze %dma_wait3A_184 : memref<1x128xi32, #tpu.memory_space<vmem>> -> memref<128xi32, #tpu.memory_space<vmem>>
      %dma_wait3A_186 = arith.constant 0 : i32
      %dma_wait3A_187 = arith.constant 0 : i32
      %dma_wait3A_188 = tpu.memref_slice %arg2[%dma_wait3A_186, %dma_wait3A_187] : memref<20000x64xf32, #tpu.memory_space<hbm>> -> memref<20000x64xf32, #tpu.memory_space<hbm>>
      tpu.wait_indirect_dma semaphore(%arg14 : memref<!tpu.dma_semaphore, #tpu.memory_space<semaphore_mem>>) src(%dma_wait3A_188 : memref<20000x64xf32, #tpu.memory_space<hbm>>) dst(%dma_wait3A_182 : memref<128x64xf32, #tpu.memory_space<vmem>>)
      %dma_start3A_189 = arith.constant 1 : i32
      %dma_start3A_190 = arith.constant 1 : i32
      %dma_start3A_191 = arith.constant 0 : i32
      %dma_start3A_192 = arith.constant 0 : i32
      %dma_start3A_193 = tpu.memref_slice %arg11[%dma_start3A_189, %dma_start3A_191, %dma_start3A_192] : memref<8x128x64xf32, #tpu.memory_space<vmem>> -> memref<1x128x64xf32, #tpu.memory_space<vmem>>
      %dma_start3A_194 = tpu.memref_squeeze %dma_start3A_193 : memref<1x128x64xf32, #tpu.memory_space<vmem>> -> memref<128x64xf32, #tpu.memory_space<vmem>>
      %dma_start3A_195 = arith.constant 0 : i32
      %dma_start3A_196 = tpu.memref_slice %arg9[%dma_start3A_190, %dma_start3A_195] : memref<8x128xi32, #tpu.memory_space<vmem>> -> memref<1x128xi32, #tpu.memory_space<vmem>>
      %dma_start3A_197 = tpu.memref_squeeze %dma_start3A_196 : memref<1x128xi32, #tpu.memory_space<vmem>> -> memref<128xi32, #tpu.memory_space<vmem>>
      %dma_start3A_198 = arith.constant 0 : i32
      %dma_start3A_199 = arith.constant 0 : i32
      %dma_start3A_200 = tpu.memref_slice %arg12[%dma_start3A_198, %dma_start3A_199] : memref<10240x64xf32, #tpu.memory_space<vmem_shared>> -> memref<10240x64xf32, #tpu.memory_space<vmem_shared>>
      tpu.enqueue_indirect_dma source(%dma_start3A_194 : memref<128x64xf32, #tpu.memory_space<vmem>>) target(%dma_start3A_200 : memref<10240x64xf32, #tpu.memory_space<vmem_shared>>) offsets(%dma_start3A_197 : memref<128xi32, #tpu.memory_space<vmem>>) semaphore(%arg22 : memref<!tpu.dma_semaphore, #tpu.memory_space<semaphore_mem>>) {add = true}
      %dma_wait3A_201 = arith.constant 0 : i32
      %dma_wait3A_202 = arith.constant 2 : i32
      %dma_wait3A_203 = arith.constant 0 : i32
      %dma_wait3A_204 = arith.constant 0 : i32
      %dma_wait3A_205 = tpu.memref_slice %arg11[%dma_wait3A_202, %dma_wait3A_203, %dma_wait3A_204] : memref<8x128x64xf32, #tpu.memory_space<vmem>> -> memref<1x128x64xf32, #tpu.memory_space<vmem>>
      %dma_wait3A_206 = tpu.memref_squeeze %dma_wait3A_205 : memref<1x128x64xf32, #tpu.memory_space<vmem>> -> memref<128x64xf32, #tpu.memory_space<vmem>>
      %dma_wait3A_207 = arith.constant 0 : i32
      %dma_wait3A_208 = tpu.memref_slice %arg7[%dma_wait3A_201, %dma_wait3A_207] : memref<8x128xi32, #tpu.memory_space<vmem>> -> memref<1x128xi32, #tpu.memory_space<vmem>>
      %dma_wait3A_209 = tpu.memref_squeeze %dma_wait3A_208 : memref<1x128xi32, #tpu.memory_space<vmem>> -> memref<128xi32, #tpu.memory_space<vmem>>
      %dma_wait3A_210 = arith.constant 0 : i32
      %dma_wait3A_211 = arith.constant 0 : i32
      %dma_wait3A_212 = tpu.memref_slice %arg2[%dma_wait3A_210, %dma_wait3A_211] : memref<20000x64xf32, #tpu.memory_space<hbm>> -> memref<20000x64xf32, #tpu.memory_space<hbm>>
      tpu.wait_indirect_dma semaphore(%arg15 : memref<!tpu.dma_semaphore, #tpu.memory_space<semaphore_mem>>) src(%dma_wait3A_212 : memref<20000x64xf32, #tpu.memory_space<hbm>>) dst(%dma_wait3A_206 : memref<128x64xf32, #tpu.memory_space<vmem>>)
      %dma_start3A_213 = arith.constant 2 : i32
      %dma_start3A_214 = arith.constant 2 : i32
      %dma_start3A_215 = arith.constant 0 : i32
      %dma_start3A_216 = arith.constant 0 : i32
      %dma_start3A_217 = tpu.memref_slice %arg11[%dma_start3A_213, %dma_start3A_215, %dma_start3A_216] : memref<8x128x64xf32, #tpu.memory_space<vmem>> -> memref<1x128x64xf32, #tpu.memory_space<vmem>>
      %dma_start3A_218 = tpu.memref_squeeze %dma_start3A_217 : memref<1x128x64xf32, #tpu.memory_space<vmem>> -> memref<128x64xf32, #tpu.memory_space<vmem>>
      %dma_start3A_219 = arith.constant 0 : i32
      %dma_start3A_220 = tpu.memref_slice %arg9[%dma_start3A_214, %dma_start3A_219] : memref<8x128xi32, #tpu.memory_space<vmem>> -> memref<1x128xi32, #tpu.memory_space<vmem>>
      %dma_start3A_221 = tpu.memref_squeeze %dma_start3A_220 : memref<1x128xi32, #tpu.memory_space<vmem>> -> memref<128xi32, #tpu.memory_space<vmem>>
      %dma_start3A_222 = arith.constant 0 : i32
      %dma_start3A_223 = arith.constant 0 : i32
      %dma_start3A_224 = tpu.memref_slice %arg12[%dma_start3A_222, %dma_start3A_223] : memref<10240x64xf32, #tpu.memory_space<vmem_shared>> -> memref<10240x64xf32, #tpu.memory_space<vmem_shared>>
      tpu.enqueue_indirect_dma source(%dma_start3A_218 : memref<128x64xf32, #tpu.memory_space<vmem>>) target(%dma_start3A_224 : memref<10240x64xf32, #tpu.memory_space<vmem_shared>>) offsets(%dma_start3A_221 : memref<128xi32, #tpu.memory_space<vmem>>) semaphore(%arg23 : memref<!tpu.dma_semaphore, #tpu.memory_space<semaphore_mem>>) {add = true}
      %dma_wait3A_225 = arith.constant 0 : i32
      %dma_wait3A_226 = arith.constant 3 : i32
      %dma_wait3A_227 = arith.constant 0 : i32
      %dma_wait3A_228 = arith.constant 0 : i32
      %dma_wait3A_229 = tpu.memref_slice %arg11[%dma_wait3A_226, %dma_wait3A_227, %dma_wait3A_228] : memref<8x128x64xf32, #tpu.memory_space<vmem>> -> memref<1x128x64xf32, #tpu.memory_space<vmem>>
      %dma_wait3A_230 = tpu.memref_squeeze %dma_wait3A_229 : memref<1x128x64xf32, #tpu.memory_space<vmem>> -> memref<128x64xf32, #tpu.memory_space<vmem>>
      %dma_wait3A_231 = arith.constant 0 : i32
      %dma_wait3A_232 = tpu.memref_slice %arg7[%dma_wait3A_225, %dma_wait3A_231] : memref<8x128xi32, #tpu.memory_space<vmem>> -> memref<1x128xi32, #tpu.memory_space<vmem>>
      %dma_wait3A_233 = tpu.memref_squeeze %dma_wait3A_232 : memref<1x128xi32, #tpu.memory_space<vmem>> -> memref<128xi32, #tpu.memory_space<vmem>>
      %dma_wait3A_234 = arith.constant 0 : i32
      %dma_wait3A_235 = arith.constant 0 : i32
      %dma_wait3A_236 = tpu.memref_slice %arg2[%dma_wait3A_234, %dma_wait3A_235] : memref<20000x64xf32, #tpu.memory_space<hbm>> -> memref<20000x64xf32, #tpu.memory_space<hbm>>
      tpu.wait_indirect_dma semaphore(%arg16 : memref<!tpu.dma_semaphore, #tpu.memory_space<semaphore_mem>>) src(%dma_wait3A_236 : memref<20000x64xf32, #tpu.memory_space<hbm>>) dst(%dma_wait3A_230 : memref<128x64xf32, #tpu.memory_space<vmem>>)
      %dma_start3A_237 = arith.constant 3 : i32
      %dma_start3A_238 = arith.constant 3 : i32
      %dma_start3A_239 = arith.constant 0 : i32
      %dma_start3A_240 = arith.constant 0 : i32
      %dma_start3A_241 = tpu.memref_slice %arg11[%dma_start3A_237, %dma_start3A_239, %dma_start3A_240] : memref<8x128x64xf32, #tpu.memory_space<vmem>> -> memref<1x128x64xf32, #tpu.memory_space<vmem>>
      %dma_start3A_242 = tpu.memref_squeeze %dma_start3A_241 : memref<1x128x64xf32, #tpu.memory_space<vmem>> -> memref<128x64xf32, #tpu.memory_space<vmem>>
      %dma_start3A_243 = arith.constant 0 : i32
      %dma_start3A_244 = tpu.memref_slice %arg9[%dma_start3A_238, %dma_start3A_243] : memref<8x128xi32, #tpu.memory_space<vmem>> -> memref<1x128xi32, #tpu.memory_space<vmem>>
      %dma_start3A_245 = tpu.memref_squeeze %dma_start3A_244 : memref<1x128xi32, #tpu.memory_space<vmem>> -> memref<128xi32, #tpu.memory_space<vmem>>
      %dma_start3A_246 = arith.constant 0 : i32
      %dma_start3A_247 = arith.constant 0 : i32
      %dma_start3A_248 = tpu.memref_slice %arg12[%dma_start3A_246, %dma_start3A_247] : memref<10240x64xf32, #tpu.memory_space<vmem_shared>> -> memref<10240x64xf32, #tpu.memory_space<vmem_shared>>
      tpu.enqueue_indirect_dma source(%dma_start3A_242 : memref<128x64xf32, #tpu.memory_space<vmem>>) target(%dma_start3A_248 : memref<10240x64xf32, #tpu.memory_space<vmem_shared>>) offsets(%dma_start3A_245 : memref<128xi32, #tpu.memory_space<vmem>>) semaphore(%arg24 : memref<!tpu.dma_semaphore, #tpu.memory_space<semaphore_mem>>) {add = true}
      %dma_wait3A_249 = arith.constant 0 : i32
      %dma_wait3A_250 = arith.constant 4 : i32
      %dma_wait3A_251 = arith.constant 0 : i32
      %dma_wait3A_252 = arith.constant 0 : i32
      %dma_wait3A_253 = tpu.memref_slice %arg11[%dma_wait3A_250, %dma_wait3A_251, %dma_wait3A_252] : memref<8x128x64xf32, #tpu.memory_space<vmem>> -> memref<1x128x64xf32, #tpu.memory_space<vmem>>
      %dma_wait3A_254 = tpu.memref_squeeze %dma_wait3A_253 : memref<1x128x64xf32, #tpu.memory_space<vmem>> -> memref<128x64xf32, #tpu.memory_space<vmem>>
      %dma_wait3A_255 = arith.constant 0 : i32
      %dma_wait3A_256 = tpu.memref_slice %arg7[%dma_wait3A_249, %dma_wait3A_255] : memref<8x128xi32, #tpu.memory_space<vmem>> -> memref<1x128xi32, #tpu.memory_space<vmem>>
      %dma_wait3A_257 = tpu.memref_squeeze %dma_wait3A_256 : memref<1x128xi32, #tpu.memory_space<vmem>> -> memref<128xi32, #tpu.memory_space<vmem>>
      %dma_wait3A_258 = arith.constant 0 : i32
      %dma_wait3A_259 = arith.constant 0 : i32
      %dma_wait3A_260 = tpu.memref_slice %arg2[%dma_wait3A_258, %dma_wait3A_259] : memref<20000x64xf32, #tpu.memory_space<hbm>> -> memref<20000x64xf32, #tpu.memory_space<hbm>>
      tpu.wait_indirect_dma semaphore(%arg17 : memref<!tpu.dma_semaphore, #tpu.memory_space<semaphore_mem>>) src(%dma_wait3A_260 : memref<20000x64xf32, #tpu.memory_space<hbm>>) dst(%dma_wait3A_254 : memref<128x64xf32, #tpu.memory_space<vmem>>)
      %dma_start3A_261 = arith.constant 4 : i32
      %dma_start3A_262 = arith.constant 4 : i32
      %dma_start3A_263 = arith.constant 0 : i32
      %dma_start3A_264 = arith.constant 0 : i32
      %dma_start3A_265 = tpu.memref_slice %arg11[%dma_start3A_261, %dma_start3A_263, %dma_start3A_264] : memref<8x128x64xf32, #tpu.memory_space<vmem>> -> memref<1x128x64xf32, #tpu.memory_space<vmem>>
      %dma_start3A_266 = tpu.memref_squeeze %dma_start3A_265 : memref<1x128x64xf32, #tpu.memory_space<vmem>> -> memref<128x64xf32, #tpu.memory_space<vmem>>
      %dma_start3A_267 = arith.constant 0 : i32
      %dma_start3A_268 = tpu.memref_slice %arg9[%dma_start3A_262, %dma_start3A_267] : memref<8x128xi32, #tpu.memory_space<vmem>> -> memref<1x128xi32, #tpu.memory_space<vmem>>
      %dma_start3A_269 = tpu.memref_squeeze %dma_start3A_268 : memref<1x128xi32, #tpu.memory_space<vmem>> -> memref<128xi32, #tpu.memory_space<vmem>>
      %dma_start3A_270 = arith.constant 0 : i32
      %dma_start3A_271 = arith.constant 0 : i32
      %dma_start3A_272 = tpu.memref_slice %arg12[%dma_start3A_270, %dma_start3A_271] : memref<10240x64xf32, #tpu.memory_space<vmem_shared>> -> memref<10240x64xf32, #tpu.memory_space<vmem_shared>>
      tpu.enqueue_indirect_dma source(%dma_start3A_266 : memref<128x64xf32, #tpu.memory_space<vmem>>) target(%dma_start3A_272 : memref<10240x64xf32, #tpu.memory_space<vmem_shared>>) offsets(%dma_start3A_269 : memref<128xi32, #tpu.memory_space<vmem>>) semaphore(%arg25 : memref<!tpu.dma_semaphore, #tpu.memory_space<semaphore_mem>>) {add = true}
      %dma_wait3A_273 = arith.constant 0 : i32
      %dma_wait3A_274 = arith.constant 5 : i32
      %dma_wait3A_275 = arith.constant 0 : i32
      %dma_wait3A_276 = arith.constant 0 : i32
      %dma_wait3A_277 = tpu.memref_slice %arg11[%dma_wait3A_274, %dma_wait3A_275, %dma_wait3A_276] : memref<8x128x64xf32, #tpu.memory_space<vmem>> -> memref<1x128x64xf32, #tpu.memory_space<vmem>>
      %dma_wait3A_278 = tpu.memref_squeeze %dma_wait3A_277 : memref<1x128x64xf32, #tpu.memory_space<vmem>> -> memref<128x64xf32, #tpu.memory_space<vmem>>
      %dma_wait3A_279 = arith.constant 0 : i32
      %dma_wait3A_280 = tpu.memref_slice %arg7[%dma_wait3A_273, %dma_wait3A_279] : memref<8x128xi32, #tpu.memory_space<vmem>> -> memref<1x128xi32, #tpu.memory_space<vmem>>
      %dma_wait3A_281 = tpu.memref_squeeze %dma_wait3A_280 : memref<1x128xi32, #tpu.memory_space<vmem>> -> memref<128xi32, #tpu.memory_space<vmem>>
      %dma_wait3A_282 = arith.constant 0 : i32
      %dma_wait3A_283 = arith.constant 0 : i32
      %dma_wait3A_284 = tpu.memref_slice %arg2[%dma_wait3A_282, %dma_wait3A_283] : memref<20000x64xf32, #tpu.memory_space<hbm>> -> memref<20000x64xf32, #tpu.memory_space<hbm>>
      tpu.wait_indirect_dma semaphore(%arg18 : memref<!tpu.dma_semaphore, #tpu.memory_space<semaphore_mem>>) src(%dma_wait3A_284 : memref<20000x64xf32, #tpu.memory_space<hbm>>) dst(%dma_wait3A_278 : memref<128x64xf32, #tpu.memory_space<vmem>>)
      %dma_start3A_285 = arith.constant 5 : i32
      %dma_start3A_286 = arith.constant 5 : i32
      %dma_start3A_287 = arith.constant 0 : i32
      %dma_start3A_288 = arith.constant 0 : i32
      %dma_start3A_289 = tpu.memref_slice %arg11[%dma_start3A_285, %dma_start3A_287, %dma_start3A_288] : memref<8x128x64xf32, #tpu.memory_space<vmem>> -> memref<1x128x64xf32, #tpu.memory_space<vmem>>
      %dma_start3A_290 = tpu.memref_squeeze %dma_start3A_289 : memref<1x128x64xf32, #tpu.memory_space<vmem>> -> memref<128x64xf32, #tpu.memory_space<vmem>>
      %dma_start3A_291 = arith.constant 0 : i32
      %dma_start3A_292 = tpu.memref_slice %arg9[%dma_start3A_286, %dma_start3A_291] : memref<8x128xi32, #tpu.memory_space<vmem>> -> memref<1x128xi32, #tpu.memory_space<vmem>>
      %dma_start3A_293 = tpu.memref_squeeze %dma_start3A_292 : memref<1x128xi32, #tpu.memory_space<vmem>> -> memref<128xi32, #tpu.memory_space<vmem>>
      %dma_start3A_294 = arith.constant 0 : i32
      %dma_start3A_295 = arith.constant 0 : i32
      %dma_start3A_296 = tpu.memref_slice %arg12[%dma_start3A_294, %dma_start3A_295] : memref<10240x64xf32, #tpu.memory_space<vmem_shared>> -> memref<10240x64xf32, #tpu.memory_space<vmem_shared>>
      tpu.enqueue_indirect_dma source(%dma_start3A_290 : memref<128x64xf32, #tpu.memory_space<vmem>>) target(%dma_start3A_296 : memref<10240x64xf32, #tpu.memory_space<vmem_shared>>) offsets(%dma_start3A_293 : memref<128xi32, #tpu.memory_space<vmem>>) semaphore(%arg26 : memref<!tpu.dma_semaphore, #tpu.memory_space<semaphore_mem>>) {add = true}
      %dma_wait3A_297 = arith.constant 0 : i32
      %dma_wait3A_298 = arith.constant 6 : i32
      %dma_wait3A_299 = arith.constant 0 : i32
      %dma_wait3A_300 = arith.constant 0 : i32
      %dma_wait3A_301 = tpu.memref_slice %arg11[%dma_wait3A_298, %dma_wait3A_299, %dma_wait3A_300] : memref<8x128x64xf32, #tpu.memory_space<vmem>> -> memref<1x128x64xf32, #tpu.memory_space<vmem>>
      %dma_wait3A_302 = tpu.memref_squeeze %dma_wait3A_301 : memref<1x128x64xf32, #tpu.memory_space<vmem>> -> memref<128x64xf32, #tpu.memory_space<vmem>>
      %dma_wait3A_303 = arith.constant 0 : i32
      %dma_wait3A_304 = tpu.memref_slice %arg7[%dma_wait3A_297, %dma_wait3A_303] : memref<8x128xi32, #tpu.memory_space<vmem>> -> memref<1x128xi32, #tpu.memory_space<vmem>>
      %dma_wait3A_305 = tpu.memref_squeeze %dma_wait3A_304 : memref<1x128xi32, #tpu.memory_space<vmem>> -> memref<128xi32, #tpu.memory_space<vmem>>
      %dma_wait3A_306 = arith.constant 0 : i32
      %dma_wait3A_307 = arith.constant 0 : i32
      %dma_wait3A_308 = tpu.memref_slice %arg2[%dma_wait3A_306, %dma_wait3A_307] : memref<20000x64xf32, #tpu.memory_space<hbm>> -> memref<20000x64xf32, #tpu.memory_space<hbm>>
      tpu.wait_indirect_dma semaphore(%arg19 : memref<!tpu.dma_semaphore, #tpu.memory_space<semaphore_mem>>) src(%dma_wait3A_308 : memref<20000x64xf32, #tpu.memory_space<hbm>>) dst(%dma_wait3A_302 : memref<128x64xf32, #tpu.memory_space<vmem>>)
      %dma_start3A_309 = arith.constant 6 : i32
      %dma_start3A_310 = arith.constant 6 : i32
      %dma_start3A_311 = arith.constant 0 : i32
      %dma_start3A_312 = arith.constant 0 : i32
      %dma_start3A_313 = tpu.memref_slice %arg11[%dma_start3A_309, %dma_start3A_311, %dma_start3A_312] : memref<8x128x64xf32, #tpu.memory_space<vmem>> -> memref<1x128x64xf32, #tpu.memory_space<vmem>>
      %dma_start3A_314 = tpu.memref_squeeze %dma_start3A_313 : memref<1x128x64xf32, #tpu.memory_space<vmem>> -> memref<128x64xf32, #tpu.memory_space<vmem>>
      %dma_start3A_315 = arith.constant 0 : i32
      %dma_start3A_316 = tpu.memref_slice %arg9[%dma_start3A_310, %dma_start3A_315] : memref<8x128xi32, #tpu.memory_space<vmem>> -> memref<1x128xi32, #tpu.memory_space<vmem>>
      %dma_start3A_317 = tpu.memref_squeeze %dma_start3A_316 : memref<1x128xi32, #tpu.memory_space<vmem>> -> memref<128xi32, #tpu.memory_space<vmem>>
      %dma_start3A_318 = arith.constant 0 : i32
      %dma_start3A_319 = arith.constant 0 : i32
      %dma_start3A_320 = tpu.memref_slice %arg12[%dma_start3A_318, %dma_start3A_319] : memref<10240x64xf32, #tpu.memory_space<vmem_shared>> -> memref<10240x64xf32, #tpu.memory_space<vmem_shared>>
      tpu.enqueue_indirect_dma source(%dma_start3A_314 : memref<128x64xf32, #tpu.memory_space<vmem>>) target(%dma_start3A_320 : memref<10240x64xf32, #tpu.memory_space<vmem_shared>>) offsets(%dma_start3A_317 : memref<128xi32, #tpu.memory_space<vmem>>) semaphore(%arg27 : memref<!tpu.dma_semaphore, #tpu.memory_space<semaphore_mem>>) {add = true}
      %dma_wait3A_321 = arith.constant 0 : i32
      %dma_wait3A_322 = arith.constant 7 : i32
      %dma_wait3A_323 = arith.constant 0 : i32
      %dma_wait3A_324 = arith.constant 0 : i32
      %dma_wait3A_325 = tpu.memref_slice %arg11[%dma_wait3A_322, %dma_wait3A_323, %dma_wait3A_324] : memref<8x128x64xf32, #tpu.memory_space<vmem>> -> memref<1x128x64xf32, #tpu.memory_space<vmem>>
      %dma_wait3A_326 = tpu.memref_squeeze %dma_wait3A_325 : memref<1x128x64xf32, #tpu.memory_space<vmem>> -> memref<128x64xf32, #tpu.memory_space<vmem>>
      %dma_wait3A_327 = arith.constant 0 : i32
      %dma_wait3A_328 = tpu.memref_slice %arg7[%dma_wait3A_321, %dma_wait3A_327] : memref<8x128xi32, #tpu.memory_space<vmem>> -> memref<1x128xi32, #tpu.memory_space<vmem>>
      %dma_wait3A_329 = tpu.memref_squeeze %dma_wait3A_328 : memref<1x128xi32, #tpu.memory_space<vmem>> -> memref<128xi32, #tpu.memory_space<vmem>>
      %dma_wait3A_330 = arith.constant 0 : i32
      %dma_wait3A_331 = arith.constant 0 : i32
      %dma_wait3A_332 = tpu.memref_slice %arg2[%dma_wait3A_330, %dma_wait3A_331] : memref<20000x64xf32, #tpu.memory_space<hbm>> -> memref<20000x64xf32, #tpu.memory_space<hbm>>
      tpu.wait_indirect_dma semaphore(%arg20 : memref<!tpu.dma_semaphore, #tpu.memory_space<semaphore_mem>>) src(%dma_wait3A_332 : memref<20000x64xf32, #tpu.memory_space<hbm>>) dst(%dma_wait3A_326 : memref<128x64xf32, #tpu.memory_space<vmem>>)
      %dma_start3A_333 = arith.constant 7 : i32
      %dma_start3A_334 = arith.constant 7 : i32
      %dma_start3A_335 = arith.constant 0 : i32
      %dma_start3A_336 = arith.constant 0 : i32
      %dma_start3A_337 = tpu.memref_slice %arg11[%dma_start3A_333, %dma_start3A_335, %dma_start3A_336] : memref<8x128x64xf32, #tpu.memory_space<vmem>> -> memref<1x128x64xf32, #tpu.memory_space<vmem>>
      %dma_start3A_338 = tpu.memref_squeeze %dma_start3A_337 : memref<1x128x64xf32, #tpu.memory_space<vmem>> -> memref<128x64xf32, #tpu.memory_space<vmem>>
      %dma_start3A_339 = arith.constant 0 : i32
      %dma_start3A_340 = tpu.memref_slice %arg9[%dma_start3A_334, %dma_start3A_339] : memref<8x128xi32, #tpu.memory_space<vmem>> -> memref<1x128xi32, #tpu.memory_space<vmem>>
      %dma_start3A_341 = tpu.memref_squeeze %dma_start3A_340 : memref<1x128xi32, #tpu.memory_space<vmem>> -> memref<128xi32, #tpu.memory_space<vmem>>
      %dma_start3A_342 = arith.constant 0 : i32
      %dma_start3A_343 = arith.constant 0 : i32
      %dma_start3A_344 = tpu.memref_slice %arg12[%dma_start3A_342, %dma_start3A_343] : memref<10240x64xf32, #tpu.memory_space<vmem_shared>> -> memref<10240x64xf32, #tpu.memory_space<vmem_shared>>
      tpu.enqueue_indirect_dma source(%dma_start3A_338 : memref<128x64xf32, #tpu.memory_space<vmem>>) target(%dma_start3A_344 : memref<10240x64xf32, #tpu.memory_space<vmem_shared>>) offsets(%dma_start3A_341 : memref<128xi32, #tpu.memory_space<vmem>>) semaphore(%arg28 : memref<!tpu.dma_semaphore, #tpu.memory_space<semaphore_mem>>) {add = true}
      %not3A = arith.constant true
      %not3A_345 = arith.xori %ge3A_152, %not3A : i1
      %convert_element_type3A = arith.extui %not3A_345 : i1 to i32
      %cond3A = arith.constant 0 : i32
      %cond3A_346 = arith.cmpi ne, %convert_element_type3A, %cond3A : i32
      scf.if %cond3A_346 {
        %add3A_832 = arith.constant 1 : i32
        %add3A_833 = arith.addi %mul3A_151, %add3A_832 : i32
        %mul3A_834 = arith.constant 8 : i32
        %mul3A_835 = arith.muli %add3A_833, %mul3A_834 : i32
        %add3A_836 = arith.addi %mul3A_0, %mul3A_835 : i32
        %dma_start3A_837 = arith.constant 0 : i32
        %dma_start3A_838 = tpu.memref_slice %arg3[%arg0, %add3A_836, %dma_start3A_837] : memref<2x2560x128xi32, #tpu.memory_space<hbm>> -> memref<1x8x128xi32, #tpu.memory_space<hbm>>
        %dma_start3A_839 = tpu.memref_squeeze %dma_start3A_838 : memref<1x8x128xi32, #tpu.memory_space<hbm>> -> memref<8x128xi32, #tpu.memory_space<hbm>>
        %dma_start3A_840 = arith.constant 0 : i32
        %dma_start3A_841 = tpu.memref_slice %arg3[%arg0, %add3A_836, %dma_start3A_840] : memref<2x2560x128xi32, #tpu.memory_space<hbm>> -> memref<1x8x128xi32, #tpu.memory_space<hbm>>
        %dma_start3A_842 = tpu.memref_squeeze %dma_start3A_841 : memref<1x8x128xi32, #tpu.memory_space<hbm>> -> memref<8x128xi32, #tpu.memory_space<hbm>>
        tpu.enqueue_dma source(%dma_start3A_842 : memref<8x128xi32, #tpu.memory_space<hbm>>) target(%arg8 : memref<8x128xi32, #tpu.memory_space<vmem>>) target_semaphore(%arg31 : memref<!tpu.dma_semaphore, #tpu.memory_space<semaphore_mem>>)
        %add3A_843 = arith.constant 1 : i32
        %add3A_844 = arith.addi %mul3A_151, %add3A_843 : i32
        %mul3A_845 = arith.constant 8 : i32
        %mul3A_846 = arith.muli %add3A_844, %mul3A_845 : i32
        %add3A_847 = arith.addi %mul3A_0, %mul3A_846 : i32
        %dma_start3A_848 = arith.constant 0 : i32
        %dma_start3A_849 = tpu.memref_slice %arg4[%add3A_847, %dma_start3A_848] : memref<2560x128xi32, #tpu.memory_space<hbm>> -> memref<8x128xi32, #tpu.memory_space<hbm>>
        %dma_start3A_850 = arith.constant 0 : i32
        %dma_start3A_851 = tpu.memref_slice %arg4[%add3A_847, %dma_start3A_850] : memref<2560x128xi32, #tpu.memory_space<hbm>> -> memref<8x128xi32, #tpu.memory_space<hbm>>
        tpu.enqueue_dma source(%dma_start3A_851 : memref<8x128xi32, #tpu.memory_space<hbm>>) target(%arg10 : memref<8x128xi32, #tpu.memory_space<vmem>>) target_semaphore(%arg32 : memref<!tpu.dma_semaphore, #tpu.memory_space<semaphore_mem>>)
      } else {
      }
      %dma_wait3A_347 = arith.constant 0 : i32
      %dma_wait3A_348 = arith.constant 0 : i32
      %dma_wait3A_349 = arith.constant 0 : i32
      %dma_wait3A_350 = arith.constant 0 : i32
      %dma_wait3A_351 = tpu.memref_slice %arg11[%dma_wait3A_347, %dma_wait3A_349, %dma_wait3A_350] : memref<8x128x64xf32, #tpu.memory_space<vmem>> -> memref<1x128x64xf32, #tpu.memory_space<vmem>>
      %dma_wait3A_352 = tpu.memref_squeeze %dma_wait3A_351 : memref<1x128x64xf32, #tpu.memory_space<vmem>> -> memref<128x64xf32, #tpu.memory_space<vmem>>
      %dma_wait3A_353 = arith.constant 0 : i32
      %dma_wait3A_354 = tpu.memref_slice %arg9[%dma_wait3A_348, %dma_wait3A_353] : memref<8x128xi32, #tpu.memory_space<vmem>> -> memref<1x128xi32, #tpu.memory_space<vmem>>
      %dma_wait3A_355 = tpu.memref_squeeze %dma_wait3A_354 : memref<1x128xi32, #tpu.memory_space<vmem>> -> memref<128xi32, #tpu.memory_space<vmem>>
      %dma_wait3A_356 = arith.constant 0 : i32
      %dma_wait3A_357 = arith.constant 0 : i32
      %dma_wait3A_358 = tpu.memref_slice %arg12[%dma_wait3A_356, %dma_wait3A_357] : memref<10240x64xf32, #tpu.memory_space<vmem_shared>> -> memref<10240x64xf32, #tpu.memory_space<vmem_shared>>
      tpu.wait_indirect_dma semaphore(%arg21 : memref<!tpu.dma_semaphore, #tpu.memory_space<semaphore_mem>>) src(%dma_wait3A_352 : memref<128x64xf32, #tpu.memory_space<vmem>>) dst(%dma_wait3A_358 : memref<10240x64xf32, #tpu.memory_space<vmem_shared>>)
      %not3A_359 = arith.constant true
      %not3A_360 = arith.xori %ge3A_152, %not3A_359 : i1
      %convert_element_type3A_361 = arith.extui %not3A_360 : i1 to i32
      %cond3A_362 = arith.constant 0 : i32
      %cond3A_363 = arith.cmpi ne, %convert_element_type3A_361, %cond3A_362 : i32
      scf.if %cond3A_363 {
        %dma_wait3A_832 = arith.constant 0 : i32
        %dma_wait3A_833 = tpu.memref_slice %arg3[%arg0, %mul3A_0, %dma_wait3A_832] : memref<2x2560x128xi32, #tpu.memory_space<hbm>> -> memref<1x8x128xi32, #tpu.memory_space<hbm>>
        %dma_wait3A_834 = tpu.memref_squeeze %dma_wait3A_833 : memref<1x8x128xi32, #tpu.memory_space<hbm>> -> memref<8x128xi32, #tpu.memory_space<hbm>>
        %dma_wait3A_835 = arith.constant 0 : i32
        %dma_wait3A_836 = tpu.memref_slice %arg3[%arg0, %mul3A_0, %dma_wait3A_835] : memref<2x2560x128xi32, #tpu.memory_space<hbm>> -> memref<1x8x128xi32, #tpu.memory_space<hbm>>
        %dma_wait3A_837 = tpu.memref_squeeze %dma_wait3A_836 : memref<1x8x128xi32, #tpu.memory_space<hbm>> -> memref<8x128xi32, #tpu.memory_space<hbm>>
        tpu.wait_dma2 semaphore(%arg31 : memref<!tpu.dma_semaphore, #tpu.memory_space<semaphore_mem>>) src(%dma_wait3A_837 : memref<8x128xi32, #tpu.memory_space<hbm>>) dst(%arg8 : memref<8x128xi32, #tpu.memory_space<vmem>>)
        %dma_wait3A_838 = arith.constant 0 : i32
        %dma_wait3A_839 = tpu.memref_slice %arg4[%mul3A_0, %dma_wait3A_838] : memref<2560x128xi32, #tpu.memory_space<hbm>> -> memref<8x128xi32, #tpu.memory_space<hbm>>
        %dma_wait3A_840 = arith.constant 0 : i32
        %dma_wait3A_841 = tpu.memref_slice %arg4[%mul3A_0, %dma_wait3A_840] : memref<2560x128xi32, #tpu.memory_space<hbm>> -> memref<8x128xi32, #tpu.memory_space<hbm>>
        tpu.wait_dma2 semaphore(%arg32 : memref<!tpu.dma_semaphore, #tpu.memory_space<semaphore_mem>>) src(%dma_wait3A_841 : memref<8x128xi32, #tpu.memory_space<hbm>>) dst(%arg10 : memref<8x128xi32, #tpu.memory_space<vmem>>)
      } else {
      }
      %not3A_364 = arith.constant true
      %not3A_365 = arith.xori %ge3A_152, %not3A_364 : i1
      %convert_element_type3A_366 = arith.extui %not3A_365 : i1 to i32
      %cond3A_367 = arith.constant 0 : i32
      %cond3A_368 = arith.cmpi ne, %convert_element_type3A_366, %cond3A_367 : i32
      scf.if %cond3A_368 {
        %dma_start3A_832 = arith.constant 0 : i32
        %dma_start3A_833 = arith.constant 0 : i32
        %dma_start3A_834 = arith.constant 0 : i32
        %dma_start3A_835 = arith.constant 0 : i32
        %dma_start3A_836 = tpu.memref_slice %arg11[%dma_start3A_833, %dma_start3A_834, %dma_start3A_835] : memref<8x128x64xf32, #tpu.memory_space<vmem>> -> memref<1x128x64xf32, #tpu.memory_space<vmem>>
        %dma_start3A_837 = tpu.memref_squeeze %dma_start3A_836 : memref<1x128x64xf32, #tpu.memory_space<vmem>> -> memref<128x64xf32, #tpu.memory_space<vmem>>
        %dma_start3A_838 = arith.constant 0 : i32
        %dma_start3A_839 = tpu.memref_slice %arg8[%dma_start3A_832, %dma_start3A_838] : memref<8x128xi32, #tpu.memory_space<vmem>> -> memref<1x128xi32, #tpu.memory_space<vmem>>
        %dma_start3A_840 = tpu.memref_squeeze %dma_start3A_839 : memref<1x128xi32, #tpu.memory_space<vmem>> -> memref<128xi32, #tpu.memory_space<vmem>>
        %dma_start3A_841 = arith.constant 0 : i32
        %dma_start3A_842 = arith.constant 0 : i32
        %dma_start3A_843 = tpu.memref_slice %arg2[%dma_start3A_841, %dma_start3A_842] : memref<20000x64xf32, #tpu.memory_space<hbm>> -> memref<20000x64xf32, #tpu.memory_space<hbm>>
        tpu.enqueue_indirect_dma source(%dma_start3A_843 : memref<20000x64xf32, #tpu.memory_space<hbm>>) target(%dma_start3A_837 : memref<128x64xf32, #tpu.memory_space<vmem>>) offsets(%dma_start3A_840 : memref<128xi32, #tpu.memory_space<vmem>>) semaphore(%arg13 : memref<!tpu.dma_semaphore, #tpu.memory_space<semaphore_mem>>)
      } else {
      }
      %dma_wait3A_369 = arith.constant 1 : i32
      %dma_wait3A_370 = arith.constant 0 : i32
      %dma_wait3A_371 = arith.constant 0 : i32
      %dma_wait3A_372 = arith.constant 0 : i32
      %dma_wait3A_373 = tpu.memref_slice %arg11[%dma_wait3A_369, %dma_wait3A_371, %dma_wait3A_372] : memref<8x128x64xf32, #tpu.memory_space<vmem>> -> memref<1x128x64xf32, #tpu.memory_space<vmem>>
      %dma_wait3A_374 = tpu.memref_squeeze %dma_wait3A_373 : memref<1x128x64xf32, #tpu.memory_space<vmem>> -> memref<128x64xf32, #tpu.memory_space<vmem>>
      %dma_wait3A_375 = arith.constant 0 : i32
      %dma_wait3A_376 = tpu.memref_slice %arg9[%dma_wait3A_370, %dma_wait3A_375] : memref<8x128xi32, #tpu.memory_space<vmem>> -> memref<1x128xi32, #tpu.memory_space<vmem>>
      %dma_wait3A_377 = tpu.memref_squeeze %dma_wait3A_376 : memref<1x128xi32, #tpu.memory_space<vmem>> -> memref<128xi32, #tpu.memory_space<vmem>>
      %dma_wait3A_378 = arith.constant 0 : i32
      %dma_wait3A_379 = arith.constant 0 : i32
      %dma_wait3A_380 = tpu.memref_slice %arg12[%dma_wait3A_378, %dma_wait3A_379] : memref<10240x64xf32, #tpu.memory_space<vmem_shared>> -> memref<10240x64xf32, #tpu.memory_space<vmem_shared>>
      tpu.wait_indirect_dma semaphore(%arg22 : memref<!tpu.dma_semaphore, #tpu.memory_space<semaphore_mem>>) src(%dma_wait3A_374 : memref<128x64xf32, #tpu.memory_space<vmem>>) dst(%dma_wait3A_380 : memref<10240x64xf32, #tpu.memory_space<vmem_shared>>)
      %not3A_381 = arith.constant true
      %not3A_382 = arith.xori %ge3A_152, %not3A_381 : i1
      %convert_element_type3A_383 = arith.extui %not3A_382 : i1 to i32
      %cond3A_384 = arith.constant 0 : i32
      %cond3A_385 = arith.cmpi ne, %convert_element_type3A_383, %cond3A_384 : i32
      scf.if %cond3A_385 {
        %dma_start3A_832 = arith.constant 1 : i32
        %dma_start3A_833 = arith.constant 1 : i32
        %dma_start3A_834 = arith.constant 0 : i32
        %dma_start3A_835 = arith.constant 0 : i32
        %dma_start3A_836 = tpu.memref_slice %arg11[%dma_start3A_833, %dma_start3A_834, %dma_start3A_835] : memref<8x128x64xf32, #tpu.memory_space<vmem>> -> memref<1x128x64xf32, #tpu.memory_space<vmem>>
        %dma_start3A_837 = tpu.memref_squeeze %dma_start3A_836 : memref<1x128x64xf32, #tpu.memory_space<vmem>> -> memref<128x64xf32, #tpu.memory_space<vmem>>
        %dma_start3A_838 = arith.constant 0 : i32
        %dma_start3A_839 = tpu.memref_slice %arg8[%dma_start3A_832, %dma_start3A_838] : memref<8x128xi32, #tpu.memory_space<vmem>> -> memref<1x128xi32, #tpu.memory_space<vmem>>
        %dma_start3A_840 = tpu.memref_squeeze %dma_start3A_839 : memref<1x128xi32, #tpu.memory_space<vmem>> -> memref<128xi32, #tpu.memory_space<vmem>>
        %dma_start3A_841 = arith.constant 0 : i32
        %dma_start3A_842 = arith.constant 0 : i32
        %dma_start3A_843 = tpu.memref_slice %arg2[%dma_start3A_841, %dma_start3A_842] : memref<20000x64xf32, #tpu.memory_space<hbm>> -> memref<20000x64xf32, #tpu.memory_space<hbm>>
        tpu.enqueue_indirect_dma source(%dma_start3A_843 : memref<20000x64xf32, #tpu.memory_space<hbm>>) target(%dma_start3A_837 : memref<128x64xf32, #tpu.memory_space<vmem>>) offsets(%dma_start3A_840 : memref<128xi32, #tpu.memory_space<vmem>>) semaphore(%arg14 : memref<!tpu.dma_semaphore, #tpu.memory_space<semaphore_mem>>)
      } else {
      }
      %dma_wait3A_386 = arith.constant 2 : i32
      %dma_wait3A_387 = arith.constant 0 : i32
      %dma_wait3A_388 = arith.constant 0 : i32
      %dma_wait3A_389 = arith.constant 0 : i32
      %dma_wait3A_390 = tpu.memref_slice %arg11[%dma_wait3A_386, %dma_wait3A_388, %dma_wait3A_389] : memref<8x128x64xf32, #tpu.memory_space<vmem>> -> memref<1x128x64xf32, #tpu.memory_space<vmem>>
      %dma_wait3A_391 = tpu.memref_squeeze %dma_wait3A_390 : memref<1x128x64xf32, #tpu.memory_space<vmem>> -> memref<128x64xf32, #tpu.memory_space<vmem>>
      %dma_wait3A_392 = arith.constant 0 : i32
      %dma_wait3A_393 = tpu.memref_slice %arg9[%dma_wait3A_387, %dma_wait3A_392] : memref<8x128xi32, #tpu.memory_space<vmem>> -> memref<1x128xi32, #tpu.memory_space<vmem>>
      %dma_wait3A_394 = tpu.memref_squeeze %dma_wait3A_393 : memref<1x128xi32, #tpu.memory_space<vmem>> -> memref<128xi32, #tpu.memory_space<vmem>>
      %dma_wait3A_395 = arith.constant 0 : i32
      %dma_wait3A_396 = arith.constant 0 : i32
      %dma_wait3A_397 = tpu.memref_slice %arg12[%dma_wait3A_395, %dma_wait3A_396] : memref<10240x64xf32, #tpu.memory_space<vmem_shared>> -> memref<10240x64xf32, #tpu.memory_space<vmem_shared>>
      tpu.wait_indirect_dma semaphore(%arg23 : memref<!tpu.dma_semaphore, #tpu.memory_space<semaphore_mem>>) src(%dma_wait3A_391 : memref<128x64xf32, #tpu.memory_space<vmem>>) dst(%dma_wait3A_397 : memref<10240x64xf32, #tpu.memory_space<vmem_shared>>)
      %not3A_398 = arith.constant true
      %not3A_399 = arith.xori %ge3A_152, %not3A_398 : i1
      %convert_element_type3A_400 = arith.extui %not3A_399 : i1 to i32
      %cond3A_401 = arith.constant 0 : i32
      %cond3A_402 = arith.cmpi ne, %convert_element_type3A_400, %cond3A_401 : i32
      scf.if %cond3A_402 {
        %dma_start3A_832 = arith.constant 2 : i32
        %dma_start3A_833 = arith.constant 2 : i32
        %dma_start3A_834 = arith.constant 0 : i32
        %dma_start3A_835 = arith.constant 0 : i32
        %dma_start3A_836 = tpu.memref_slice %arg11[%dma_start3A_833, %dma_start3A_834, %dma_start3A_835] : memref<8x128x64xf32, #tpu.memory_space<vmem>> -> memref<1x128x64xf32, #tpu.memory_space<vmem>>
        %dma_start3A_837 = tpu.memref_squeeze %dma_start3A_836 : memref<1x128x64xf32, #tpu.memory_space<vmem>> -> memref<128x64xf32, #tpu.memory_space<vmem>>
        %dma_start3A_838 = arith.constant 0 : i32
        %dma_start3A_839 = tpu.memref_slice %arg8[%dma_start3A_832, %dma_start3A_838] : memref<8x128xi32, #tpu.memory_space<vmem>> -> memref<1x128xi32, #tpu.memory_space<vmem>>
        %dma_start3A_840 = tpu.memref_squeeze %dma_start3A_839 : memref<1x128xi32, #tpu.memory_space<vmem>> -> memref<128xi32, #tpu.memory_space<vmem>>
        %dma_start3A_841 = arith.constant 0 : i32
        %dma_start3A_842 = arith.constant 0 : i32
        %dma_start3A_843 = tpu.memref_slice %arg2[%dma_start3A_841, %dma_start3A_842] : memref<20000x64xf32, #tpu.memory_space<hbm>> -> memref<20000x64xf32, #tpu.memory_space<hbm>>
        tpu.enqueue_indirect_dma source(%dma_start3A_843 : memref<20000x64xf32, #tpu.memory_space<hbm>>) target(%dma_start3A_837 : memref<128x64xf32, #tpu.memory_space<vmem>>) offsets(%dma_start3A_840 : memref<128xi32, #tpu.memory_space<vmem>>) semaphore(%arg15 : memref<!tpu.dma_semaphore, #tpu.memory_space<semaphore_mem>>)
      } else {
      }
      %dma_wait3A_403 = arith.constant 3 : i32
      %dma_wait3A_404 = arith.constant 0 : i32
      %dma_wait3A_405 = arith.constant 0 : i32
      %dma_wait3A_406 = arith.constant 0 : i32
      %dma_wait3A_407 = tpu.memref_slice %arg11[%dma_wait3A_403, %dma_wait3A_405, %dma_wait3A_406] : memref<8x128x64xf32, #tpu.memory_space<vmem>> -> memref<1x128x64xf32, #tpu.memory_space<vmem>>
      %dma_wait3A_408 = tpu.memref_squeeze %dma_wait3A_407 : memref<1x128x64xf32, #tpu.memory_space<vmem>> -> memref<128x64xf32, #tpu.memory_space<vmem>>
      %dma_wait3A_409 = arith.constant 0 : i32
      %dma_wait3A_410 = tpu.memref_slice %arg9[%dma_wait3A_404, %dma_wait3A_409] : memref<8x128xi32, #tpu.memory_space<vmem>> -> memref<1x128xi32, #tpu.memory_space<vmem>>
      %dma_wait3A_411 = tpu.memref_squeeze %dma_wait3A_410 : memref<1x128xi32, #tpu.memory_space<vmem>> -> memref<128xi32, #tpu.memory_space<vmem>>
      %dma_wait3A_412 = arith.constant 0 : i32
      %dma_wait3A_413 = arith.constant 0 : i32
      %dma_wait3A_414 = tpu.memref_slice %arg12[%dma_wait3A_412, %dma_wait3A_413] : memref<10240x64xf32, #tpu.memory_space<vmem_shared>> -> memref<10240x64xf32, #tpu.memory_space<vmem_shared>>
      tpu.wait_indirect_dma semaphore(%arg24 : memref<!tpu.dma_semaphore, #tpu.memory_space<semaphore_mem>>) src(%dma_wait3A_408 : memref<128x64xf32, #tpu.memory_space<vmem>>) dst(%dma_wait3A_414 : memref<10240x64xf32, #tpu.memory_space<vmem_shared>>)
      %not3A_415 = arith.constant true
      %not3A_416 = arith.xori %ge3A_152, %not3A_415 : i1
      %convert_element_type3A_417 = arith.extui %not3A_416 : i1 to i32
      %cond3A_418 = arith.constant 0 : i32
      %cond3A_419 = arith.cmpi ne, %convert_element_type3A_417, %cond3A_418 : i32
      scf.if %cond3A_419 {
        %dma_start3A_832 = arith.constant 3 : i32
        %dma_start3A_833 = arith.constant 3 : i32
        %dma_start3A_834 = arith.constant 0 : i32
        %dma_start3A_835 = arith.constant 0 : i32
        %dma_start3A_836 = tpu.memref_slice %arg11[%dma_start3A_833, %dma_start3A_834, %dma_start3A_835] : memref<8x128x64xf32, #tpu.memory_space<vmem>> -> memref<1x128x64xf32, #tpu.memory_space<vmem>>
        %dma_start3A_837 = tpu.memref_squeeze %dma_start3A_836 : memref<1x128x64xf32, #tpu.memory_space<vmem>> -> memref<128x64xf32, #tpu.memory_space<vmem>>
        %dma_start3A_838 = arith.constant 0 : i32
        %dma_start3A_839 = tpu.memref_slice %arg8[%dma_start3A_832, %dma_start3A_838] : memref<8x128xi32, #tpu.memory_space<vmem>> -> memref<1x128xi32, #tpu.memory_space<vmem>>
        %dma_start3A_840 = tpu.memref_squeeze %dma_start3A_839 : memref<1x128xi32, #tpu.memory_space<vmem>> -> memref<128xi32, #tpu.memory_space<vmem>>
        %dma_start3A_841 = arith.constant 0 : i32
        %dma_start3A_842 = arith.constant 0 : i32
        %dma_start3A_843 = tpu.memref_slice %arg2[%dma_start3A_841, %dma_start3A_842] : memref<20000x64xf32, #tpu.memory_space<hbm>> -> memref<20000x64xf32, #tpu.memory_space<hbm>>
        tpu.enqueue_indirect_dma source(%dma_start3A_843 : memref<20000x64xf32, #tpu.memory_space<hbm>>) target(%dma_start3A_837 : memref<128x64xf32, #tpu.memory_space<vmem>>) offsets(%dma_start3A_840 : memref<128xi32, #tpu.memory_space<vmem>>) semaphore(%arg16 : memref<!tpu.dma_semaphore, #tpu.memory_space<semaphore_mem>>)
      } else {
      }
      %dma_wait3A_420 = arith.constant 4 : i32
      %dma_wait3A_421 = arith.constant 0 : i32
      %dma_wait3A_422 = arith.constant 0 : i32
      %dma_wait3A_423 = arith.constant 0 : i32
      %dma_wait3A_424 = tpu.memref_slice %arg11[%dma_wait3A_420, %dma_wait3A_422, %dma_wait3A_423] : memref<8x128x64xf32, #tpu.memory_space<vmem>> -> memref<1x128x64xf32, #tpu.memory_space<vmem>>
      %dma_wait3A_425 = tpu.memref_squeeze %dma_wait3A_424 : memref<1x128x64xf32, #tpu.memory_space<vmem>> -> memref<128x64xf32, #tpu.memory_space<vmem>>
      %dma_wait3A_426 = arith.constant 0 : i32
      %dma_wait3A_427 = tpu.memref_slice %arg9[%dma_wait3A_421, %dma_wait3A_426] : memref<8x128xi32, #tpu.memory_space<vmem>> -> memref<1x128xi32, #tpu.memory_space<vmem>>
      %dma_wait3A_428 = tpu.memref_squeeze %dma_wait3A_427 : memref<1x128xi32, #tpu.memory_space<vmem>> -> memref<128xi32, #tpu.memory_space<vmem>>
      %dma_wait3A_429 = arith.constant 0 : i32
      %dma_wait3A_430 = arith.constant 0 : i32
      %dma_wait3A_431 = tpu.memref_slice %arg12[%dma_wait3A_429, %dma_wait3A_430] : memref<10240x64xf32, #tpu.memory_space<vmem_shared>> -> memref<10240x64xf32, #tpu.memory_space<vmem_shared>>
      tpu.wait_indirect_dma semaphore(%arg25 : memref<!tpu.dma_semaphore, #tpu.memory_space<semaphore_mem>>) src(%dma_wait3A_425 : memref<128x64xf32, #tpu.memory_space<vmem>>) dst(%dma_wait3A_431 : memref<10240x64xf32, #tpu.memory_space<vmem_shared>>)
      %not3A_432 = arith.constant true
      %not3A_433 = arith.xori %ge3A_152, %not3A_432 : i1
      %convert_element_type3A_434 = arith.extui %not3A_433 : i1 to i32
      %cond3A_435 = arith.constant 0 : i32
      %cond3A_436 = arith.cmpi ne, %convert_element_type3A_434, %cond3A_435 : i32
      scf.if %cond3A_436 {
        %dma_start3A_832 = arith.constant 4 : i32
        %dma_start3A_833 = arith.constant 4 : i32
        %dma_start3A_834 = arith.constant 0 : i32
        %dma_start3A_835 = arith.constant 0 : i32
        %dma_start3A_836 = tpu.memref_slice %arg11[%dma_start3A_833, %dma_start3A_834, %dma_start3A_835] : memref<8x128x64xf32, #tpu.memory_space<vmem>> -> memref<1x128x64xf32, #tpu.memory_space<vmem>>
        %dma_start3A_837 = tpu.memref_squeeze %dma_start3A_836 : memref<1x128x64xf32, #tpu.memory_space<vmem>> -> memref<128x64xf32, #tpu.memory_space<vmem>>
        %dma_start3A_838 = arith.constant 0 : i32
        %dma_start3A_839 = tpu.memref_slice %arg8[%dma_start3A_832, %dma_start3A_838] : memref<8x128xi32, #tpu.memory_space<vmem>> -> memref<1x128xi32, #tpu.memory_space<vmem>>
        %dma_start3A_840 = tpu.memref_squeeze %dma_start3A_839 : memref<1x128xi32, #tpu.memory_space<vmem>> -> memref<128xi32, #tpu.memory_space<vmem>>
        %dma_start3A_841 = arith.constant 0 : i32
        %dma_start3A_842 = arith.constant 0 : i32
        %dma_start3A_843 = tpu.memref_slice %arg2[%dma_start3A_841, %dma_start3A_842] : memref<20000x64xf32, #tpu.memory_space<hbm>> -> memref<20000x64xf32, #tpu.memory_space<hbm>>
        tpu.enqueue_indirect_dma source(%dma_start3A_843 : memref<20000x64xf32, #tpu.memory_space<hbm>>) target(%dma_start3A_837 : memref<128x64xf32, #tpu.memory_space<vmem>>) offsets(%dma_start3A_840 : memref<128xi32, #tpu.memory_space<vmem>>) semaphore(%arg17 : memref<!tpu.dma_semaphore, #tpu.memory_space<semaphore_mem>>)
      } else {
      }
      %dma_wait3A_437 = arith.constant 5 : i32
      %dma_wait3A_438 = arith.constant 0 : i32
      %dma_wait3A_439 = arith.constant 0 : i32
      %dma_wait3A_440 = arith.constant 0 : i32
      %dma_wait3A_441 = tpu.memref_slice %arg11[%dma_wait3A_437, %dma_wait3A_439, %dma_wait3A_440] : memref<8x128x64xf32, #tpu.memory_space<vmem>> -> memref<1x128x64xf32, #tpu.memory_space<vmem>>
      %dma_wait3A_442 = tpu.memref_squeeze %dma_wait3A_441 : memref<1x128x64xf32, #tpu.memory_space<vmem>> -> memref<128x64xf32, #tpu.memory_space<vmem>>
      %dma_wait3A_443 = arith.constant 0 : i32
      %dma_wait3A_444 = tpu.memref_slice %arg9[%dma_wait3A_438, %dma_wait3A_443] : memref<8x128xi32, #tpu.memory_space<vmem>> -> memref<1x128xi32, #tpu.memory_space<vmem>>
      %dma_wait3A_445 = tpu.memref_squeeze %dma_wait3A_444 : memref<1x128xi32, #tpu.memory_space<vmem>> -> memref<128xi32, #tpu.memory_space<vmem>>
      %dma_wait3A_446 = arith.constant 0 : i32
      %dma_wait3A_447 = arith.constant 0 : i32
      %dma_wait3A_448 = tpu.memref_slice %arg12[%dma_wait3A_446, %dma_wait3A_447] : memref<10240x64xf32, #tpu.memory_space<vmem_shared>> -> memref<10240x64xf32, #tpu.memory_space<vmem_shared>>
      tpu.wait_indirect_dma semaphore(%arg26 : memref<!tpu.dma_semaphore, #tpu.memory_space<semaphore_mem>>) src(%dma_wait3A_442 : memref<128x64xf32, #tpu.memory_space<vmem>>) dst(%dma_wait3A_448 : memref<10240x64xf32, #tpu.memory_space<vmem_shared>>)
      %not3A_449 = arith.constant true
      %not3A_450 = arith.xori %ge3A_152, %not3A_449 : i1
      %convert_element_type3A_451 = arith.extui %not3A_450 : i1 to i32
      %cond3A_452 = arith.constant 0 : i32
      %cond3A_453 = arith.cmpi ne, %convert_element_type3A_451, %cond3A_452 : i32
      scf.if %cond3A_453 {
        %dma_start3A_832 = arith.constant 5 : i32
        %dma_start3A_833 = arith.constant 5 : i32
        %dma_start3A_834 = arith.constant 0 : i32
        %dma_start3A_835 = arith.constant 0 : i32
        %dma_start3A_836 = tpu.memref_slice %arg11[%dma_start3A_833, %dma_start3A_834, %dma_start3A_835] : memref<8x128x64xf32, #tpu.memory_space<vmem>> -> memref<1x128x64xf32, #tpu.memory_space<vmem>>
        %dma_start3A_837 = tpu.memref_squeeze %dma_start3A_836 : memref<1x128x64xf32, #tpu.memory_space<vmem>> -> memref<128x64xf32, #tpu.memory_space<vmem>>
        %dma_start3A_838 = arith.constant 0 : i32
        %dma_start3A_839 = tpu.memref_slice %arg8[%dma_start3A_832, %dma_start3A_838] : memref<8x128xi32, #tpu.memory_space<vmem>> -> memref<1x128xi32, #tpu.memory_space<vmem>>
        %dma_start3A_840 = tpu.memref_squeeze %dma_start3A_839 : memref<1x128xi32, #tpu.memory_space<vmem>> -> memref<128xi32, #tpu.memory_space<vmem>>
        %dma_start3A_841 = arith.constant 0 : i32
        %dma_start3A_842 = arith.constant 0 : i32
        %dma_start3A_843 = tpu.memref_slice %arg2[%dma_start3A_841, %dma_start3A_842] : memref<20000x64xf32, #tpu.memory_space<hbm>> -> memref<20000x64xf32, #tpu.memory_space<hbm>>
        tpu.enqueue_indirect_dma source(%dma_start3A_843 : memref<20000x64xf32, #tpu.memory_space<hbm>>) target(%dma_start3A_837 : memref<128x64xf32, #tpu.memory_space<vmem>>) offsets(%dma_start3A_840 : memref<128xi32, #tpu.memory_space<vmem>>) semaphore(%arg18 : memref<!tpu.dma_semaphore, #tpu.memory_space<semaphore_mem>>)
      } else {
      }
      %dma_wait3A_454 = arith.constant 6 : i32
      %dma_wait3A_455 = arith.constant 0 : i32
      %dma_wait3A_456 = arith.constant 0 : i32
      %dma_wait3A_457 = arith.constant 0 : i32
      %dma_wait3A_458 = tpu.memref_slice %arg11[%dma_wait3A_454, %dma_wait3A_456, %dma_wait3A_457] : memref<8x128x64xf32, #tpu.memory_space<vmem>> -> memref<1x128x64xf32, #tpu.memory_space<vmem>>
      %dma_wait3A_459 = tpu.memref_squeeze %dma_wait3A_458 : memref<1x128x64xf32, #tpu.memory_space<vmem>> -> memref<128x64xf32, #tpu.memory_space<vmem>>
      %dma_wait3A_460 = arith.constant 0 : i32
      %dma_wait3A_461 = tpu.memref_slice %arg9[%dma_wait3A_455, %dma_wait3A_460] : memref<8x128xi32, #tpu.memory_space<vmem>> -> memref<1x128xi32, #tpu.memory_space<vmem>>
      %dma_wait3A_462 = tpu.memref_squeeze %dma_wait3A_461 : memref<1x128xi32, #tpu.memory_space<vmem>> -> memref<128xi32, #tpu.memory_space<vmem>>
      %dma_wait3A_463 = arith.constant 0 : i32
      %dma_wait3A_464 = arith.constant 0 : i32
      %dma_wait3A_465 = tpu.memref_slice %arg12[%dma_wait3A_463, %dma_wait3A_464] : memref<10240x64xf32, #tpu.memory_space<vmem_shared>> -> memref<10240x64xf32, #tpu.memory_space<vmem_shared>>
      tpu.wait_indirect_dma semaphore(%arg27 : memref<!tpu.dma_semaphore, #tpu.memory_space<semaphore_mem>>) src(%dma_wait3A_459 : memref<128x64xf32, #tpu.memory_space<vmem>>) dst(%dma_wait3A_465 : memref<10240x64xf32, #tpu.memory_space<vmem_shared>>)
      %not3A_466 = arith.constant true
      %not3A_467 = arith.xori %ge3A_152, %not3A_466 : i1
      %convert_element_type3A_468 = arith.extui %not3A_467 : i1 to i32
      %cond3A_469 = arith.constant 0 : i32
      %cond3A_470 = arith.cmpi ne, %convert_element_type3A_468, %cond3A_469 : i32
      scf.if %cond3A_470 {
        %dma_start3A_832 = arith.constant 6 : i32
        %dma_start3A_833 = arith.constant 6 : i32
        %dma_start3A_834 = arith.constant 0 : i32
        %dma_start3A_835 = arith.constant 0 : i32
        %dma_start3A_836 = tpu.memref_slice %arg11[%dma_start3A_833, %dma_start3A_834, %dma_start3A_835] : memref<8x128x64xf32, #tpu.memory_space<vmem>> -> memref<1x128x64xf32, #tpu.memory_space<vmem>>
        %dma_start3A_837 = tpu.memref_squeeze %dma_start3A_836 : memref<1x128x64xf32, #tpu.memory_space<vmem>> -> memref<128x64xf32, #tpu.memory_space<vmem>>
        %dma_start3A_838 = arith.constant 0 : i32
        %dma_start3A_839 = tpu.memref_slice %arg8[%dma_start3A_832, %dma_start3A_838] : memref<8x128xi32, #tpu.memory_space<vmem>> -> memref<1x128xi32, #tpu.memory_space<vmem>>
        %dma_start3A_840 = tpu.memref_squeeze %dma_start3A_839 : memref<1x128xi32, #tpu.memory_space<vmem>> -> memref<128xi32, #tpu.memory_space<vmem>>
        %dma_start3A_841 = arith.constant 0 : i32
        %dma_start3A_842 = arith.constant 0 : i32
        %dma_start3A_843 = tpu.memref_slice %arg2[%dma_start3A_841, %dma_start3A_842] : memref<20000x64xf32, #tpu.memory_space<hbm>> -> memref<20000x64xf32, #tpu.memory_space<hbm>>
        tpu.enqueue_indirect_dma source(%dma_start3A_843 : memref<20000x64xf32, #tpu.memory_space<hbm>>) target(%dma_start3A_837 : memref<128x64xf32, #tpu.memory_space<vmem>>) offsets(%dma_start3A_840 : memref<128xi32, #tpu.memory_space<vmem>>) semaphore(%arg19 : memref<!tpu.dma_semaphore, #tpu.memory_space<semaphore_mem>>)
      } else {
      }
      %dma_wait3A_471 = arith.constant 7 : i32
      %dma_wait3A_472 = arith.constant 0 : i32
      %dma_wait3A_473 = arith.constant 0 : i32
      %dma_wait3A_474 = arith.constant 0 : i32
      %dma_wait3A_475 = tpu.memref_slice %arg11[%dma_wait3A_471, %dma_wait3A_473, %dma_wait3A_474] : memref<8x128x64xf32, #tpu.memory_space<vmem>> -> memref<1x128x64xf32, #tpu.memory_space<vmem>>
      %dma_wait3A_476 = tpu.memref_squeeze %dma_wait3A_475 : memref<1x128x64xf32, #tpu.memory_space<vmem>> -> memref<128x64xf32, #tpu.memory_space<vmem>>
      %dma_wait3A_477 = arith.constant 0 : i32
      %dma_wait3A_478 = tpu.memref_slice %arg9[%dma_wait3A_472, %dma_wait3A_477] : memref<8x128xi32, #tpu.memory_space<vmem>> -> memref<1x128xi32, #tpu.memory_space<vmem>>
      %dma_wait3A_479 = tpu.memref_squeeze %dma_wait3A_478 : memref<1x128xi32, #tpu.memory_space<vmem>> -> memref<128xi32, #tpu.memory_space<vmem>>
      %dma_wait3A_480 = arith.constant 0 : i32
      %dma_wait3A_481 = arith.constant 0 : i32
      %dma_wait3A_482 = tpu.memref_slice %arg12[%dma_wait3A_480, %dma_wait3A_481] : memref<10240x64xf32, #tpu.memory_space<vmem_shared>> -> memref<10240x64xf32, #tpu.memory_space<vmem_shared>>
      tpu.wait_indirect_dma semaphore(%arg28 : memref<!tpu.dma_semaphore, #tpu.memory_space<semaphore_mem>>) src(%dma_wait3A_476 : memref<128x64xf32, #tpu.memory_space<vmem>>) dst(%dma_wait3A_482 : memref<10240x64xf32, #tpu.memory_space<vmem_shared>>)
      %not3A_483 = arith.constant true
      %not3A_484 = arith.xori %ge3A_152, %not3A_483 : i1
      %convert_element_type3A_485 = arith.extui %not3A_484 : i1 to i32
      %cond3A_486 = arith.constant 0 : i32
      %cond3A_487 = arith.cmpi ne, %convert_element_type3A_485, %cond3A_486 : i32
      scf.if %cond3A_487 {
        %dma_start3A_832 = arith.constant 7 : i32
        %dma_start3A_833 = arith.constant 7 : i32
        %dma_start3A_834 = arith.constant 0 : i32
        %dma_start3A_835 = arith.constant 0 : i32
        %dma_start3A_836 = tpu.memref_slice %arg11[%dma_start3A_833, %dma_start3A_834, %dma_start3A_835] : memref<8x128x64xf32, #tpu.memory_space<vmem>> -> memref<1x128x64xf32, #tpu.memory_space<vmem>>
        %dma_start3A_837 = tpu.memref_squeeze %dma_start3A_836 : memref<1x128x64xf32, #tpu.memory_space<vmem>> -> memref<128x64xf32, #tpu.memory_space<vmem>>
        %dma_start3A_838 = arith.constant 0 : i32
        %dma_start3A_839 = tpu.memref_slice %arg8[%dma_start3A_832, %dma_start3A_838] : memref<8x128xi32, #tpu.memory_space<vmem>> -> memref<1x128xi32, #tpu.memory_space<vmem>>
        %dma_start3A_840 = tpu.memref_squeeze %dma_start3A_839 : memref<1x128xi32, #tpu.memory_space<vmem>> -> memref<128xi32, #tpu.memory_space<vmem>>
        %dma_start3A_841 = arith.constant 0 : i32
        %dma_start3A_842 = arith.constant 0 : i32
        %dma_start3A_843 = tpu.memref_slice %arg2[%dma_start3A_841, %dma_start3A_842] : memref<20000x64xf32, #tpu.memory_space<hbm>> -> memref<20000x64xf32, #tpu.memory_space<hbm>>
        tpu.enqueue_indirect_dma source(%dma_start3A_843 : memref<20000x64xf32, #tpu.memory_space<hbm>>) target(%dma_start3A_837 : memref<128x64xf32, #tpu.memory_space<vmem>>) offsets(%dma_start3A_840 : memref<128xi32, #tpu.memory_space<vmem>>) semaphore(%arg20 : memref<!tpu.dma_semaphore, #tpu.memory_space<semaphore_mem>>)
      } else {
      }
      %add3A_488 = arith.constant 1 : i32
      %add3A_489 = arith.addi %mul3A_151, %add3A_488 : i32
      %add3A_490 = arith.constant 1 : i32
      %add3A_491 = arith.addi %mul3A_151, %add3A_490 : i32
      %ge3A_492 = arith.constant 19 : i32
      %ge3A_493 = arith.cmpi sge, %add3A_491, %ge3A_492 : i32
      %dma_wait3A_494 = arith.constant 0 : i32
      %dma_wait3A_495 = arith.constant 0 : i32
      %dma_wait3A_496 = arith.constant 0 : i32
      %dma_wait3A_497 = arith.constant 0 : i32
      %dma_wait3A_498 = tpu.memref_slice %arg11[%dma_wait3A_495, %dma_wait3A_496, %dma_wait3A_497] : memref<8x128x64xf32, #tpu.memory_space<vmem>> -> memref<1x128x64xf32, #tpu.memory_space<vmem>>
      %dma_wait3A_499 = tpu.memref_squeeze %dma_wait3A_498 : memref<1x128x64xf32, #tpu.memory_space<vmem>> -> memref<128x64xf32, #tpu.memory_space<vmem>>
      %dma_wait3A_500 = arith.constant 0 : i32
      %dma_wait3A_501 = tpu.memref_slice %arg8[%dma_wait3A_494, %dma_wait3A_500] : memref<8x128xi32, #tpu.memory_space<vmem>> -> memref<1x128xi32, #tpu.memory_space<vmem>>
      %dma_wait3A_502 = tpu.memref_squeeze %dma_wait3A_501 : memref<1x128xi32, #tpu.memory_space<vmem>> -> memref<128xi32, #tpu.memory_space<vmem>>
      %dma_wait3A_503 = arith.constant 0 : i32
      %dma_wait3A_504 = arith.constant 0 : i32
      %dma_wait3A_505 = tpu.memref_slice %arg2[%dma_wait3A_503, %dma_wait3A_504] : memref<20000x64xf32, #tpu.memory_space<hbm>> -> memref<20000x64xf32, #tpu.memory_space<hbm>>
      tpu.wait_indirect_dma semaphore(%arg13 : memref<!tpu.dma_semaphore, #tpu.memory_space<semaphore_mem>>) src(%dma_wait3A_505 : memref<20000x64xf32, #tpu.memory_space<hbm>>) dst(%dma_wait3A_499 : memref<128x64xf32, #tpu.memory_space<vmem>>)
      %dma_start3A_506 = arith.constant 0 : i32
      %dma_start3A_507 = arith.constant 0 : i32
      %dma_start3A_508 = arith.constant 0 : i32
      %dma_start3A_509 = arith.constant 0 : i32
      %dma_start3A_510 = tpu.memref_slice %arg11[%dma_start3A_506, %dma_start3A_508, %dma_start3A_509] : memref<8x128x64xf32, #tpu.memory_space<vmem>> -> memref<1x128x64xf32, #tpu.memory_space<vmem>>
      %dma_start3A_511 = tpu.memref_squeeze %dma_start3A_510 : memref<1x128x64xf32, #tpu.memory_space<vmem>> -> memref<128x64xf32, #tpu.memory_space<vmem>>
      %dma_start3A_512 = arith.constant 0 : i32
      %dma_start3A_513 = tpu.memref_slice %arg10[%dma_start3A_507, %dma_start3A_512] : memref<8x128xi32, #tpu.memory_space<vmem>> -> memref<1x128xi32, #tpu.memory_space<vmem>>
      %dma_start3A_514 = tpu.memref_squeeze %dma_start3A_513 : memref<1x128xi32, #tpu.memory_space<vmem>> -> memref<128xi32, #tpu.memory_space<vmem>>
      %dma_start3A_515 = arith.constant 0 : i32
      %dma_start3A_516 = arith.constant 0 : i32
      %dma_start3A_517 = tpu.memref_slice %arg12[%dma_start3A_515, %dma_start3A_516] : memref<10240x64xf32, #tpu.memory_space<vmem_shared>> -> memref<10240x64xf32, #tpu.memory_space<vmem_shared>>
      tpu.enqueue_indirect_dma source(%dma_start3A_511 : memref<128x64xf32, #tpu.memory_space<vmem>>) target(%dma_start3A_517 : memref<10240x64xf32, #tpu.memory_space<vmem_shared>>) offsets(%dma_start3A_514 : memref<128xi32, #tpu.memory_space<vmem>>) semaphore(%arg21 : memref<!tpu.dma_semaphore, #tpu.memory_space<semaphore_mem>>) {add = true}
      %dma_wait3A_518 = arith.constant 0 : i32
      %dma_wait3A_519 = arith.constant 1 : i32
      %dma_wait3A_520 = arith.constant 0 : i32
      %dma_wait3A_521 = arith.constant 0 : i32
      %dma_wait3A_522 = tpu.memref_slice %arg11[%dma_wait3A_519, %dma_wait3A_520, %dma_wait3A_521] : memref<8x128x64xf32, #tpu.memory_space<vmem>> -> memref<1x128x64xf32, #tpu.memory_space<vmem>>
      %dma_wait3A_523 = tpu.memref_squeeze %dma_wait3A_522 : memref<1x128x64xf32, #tpu.memory_space<vmem>> -> memref<128x64xf32, #tpu.memory_space<vmem>>
      %dma_wait3A_524 = arith.constant 0 : i32
      %dma_wait3A_525 = tpu.memref_slice %arg8[%dma_wait3A_518, %dma_wait3A_524] : memref<8x128xi32, #tpu.memory_space<vmem>> -> memref<1x128xi32, #tpu.memory_space<vmem>>
      %dma_wait3A_526 = tpu.memref_squeeze %dma_wait3A_525 : memref<1x128xi32, #tpu.memory_space<vmem>> -> memref<128xi32, #tpu.memory_space<vmem>>
      %dma_wait3A_527 = arith.constant 0 : i32
      %dma_wait3A_528 = arith.constant 0 : i32
      %dma_wait3A_529 = tpu.memref_slice %arg2[%dma_wait3A_527, %dma_wait3A_528] : memref<20000x64xf32, #tpu.memory_space<hbm>> -> memref<20000x64xf32, #tpu.memory_space<hbm>>
      tpu.wait_indirect_dma semaphore(%arg14 : memref<!tpu.dma_semaphore, #tpu.memory_space<semaphore_mem>>) src(%dma_wait3A_529 : memref<20000x64xf32, #tpu.memory_space<hbm>>) dst(%dma_wait3A_523 : memref<128x64xf32, #tpu.memory_space<vmem>>)
      %dma_start3A_530 = arith.constant 1 : i32
      %dma_start3A_531 = arith.constant 1 : i32
      %dma_start3A_532 = arith.constant 0 : i32
      %dma_start3A_533 = arith.constant 0 : i32
      %dma_start3A_534 = tpu.memref_slice %arg11[%dma_start3A_530, %dma_start3A_532, %dma_start3A_533] : memref<8x128x64xf32, #tpu.memory_space<vmem>> -> memref<1x128x64xf32, #tpu.memory_space<vmem>>
      %dma_start3A_535 = tpu.memref_squeeze %dma_start3A_534 : memref<1x128x64xf32, #tpu.memory_space<vmem>> -> memref<128x64xf32, #tpu.memory_space<vmem>>
      %dma_start3A_536 = arith.constant 0 : i32
      %dma_start3A_537 = tpu.memref_slice %arg10[%dma_start3A_531, %dma_start3A_536] : memref<8x128xi32, #tpu.memory_space<vmem>> -> memref<1x128xi32, #tpu.memory_space<vmem>>
      %dma_start3A_538 = tpu.memref_squeeze %dma_start3A_537 : memref<1x128xi32, #tpu.memory_space<vmem>> -> memref<128xi32, #tpu.memory_space<vmem>>
      %dma_start3A_539 = arith.constant 0 : i32
      %dma_start3A_540 = arith.constant 0 : i32
      %dma_start3A_541 = tpu.memref_slice %arg12[%dma_start3A_539, %dma_start3A_540] : memref<10240x64xf32, #tpu.memory_space<vmem_shared>> -> memref<10240x64xf32, #tpu.memory_space<vmem_shared>>
      tpu.enqueue_indirect_dma source(%dma_start3A_535 : memref<128x64xf32, #tpu.memory_space<vmem>>) target(%dma_start3A_541 : memref<10240x64xf32, #tpu.memory_space<vmem_shared>>) offsets(%dma_start3A_538 : memref<128xi32, #tpu.memory_space<vmem>>) semaphore(%arg22 : memref<!tpu.dma_semaphore, #tpu.memory_space<semaphore_mem>>) {add = true}
      %dma_wait3A_542 = arith.constant 0 : i32
      %dma_wait3A_543 = arith.constant 2 : i32
      %dma_wait3A_544 = arith.constant 0 : i32
      %dma_wait3A_545 = arith.constant 0 : i32
      %dma_wait3A_546 = tpu.memref_slice %arg11[%dma_wait3A_543, %dma_wait3A_544, %dma_wait3A_545] : memref<8x128x64xf32, #tpu.memory_space<vmem>> -> memref<1x128x64xf32, #tpu.memory_space<vmem>>
      %dma_wait3A_547 = tpu.memref_squeeze %dma_wait3A_546 : memref<1x128x64xf32, #tpu.memory_space<vmem>> -> memref<128x64xf32, #tpu.memory_space<vmem>>
      %dma_wait3A_548 = arith.constant 0 : i32
      %dma_wait3A_549 = tpu.memref_slice %arg8[%dma_wait3A_542, %dma_wait3A_548] : memref<8x128xi32, #tpu.memory_space<vmem>> -> memref<1x128xi32, #tpu.memory_space<vmem>>
      %dma_wait3A_550 = tpu.memref_squeeze %dma_wait3A_549 : memref<1x128xi32, #tpu.memory_space<vmem>> -> memref<128xi32, #tpu.memory_space<vmem>>
      %dma_wait3A_551 = arith.constant 0 : i32
      %dma_wait3A_552 = arith.constant 0 : i32
      %dma_wait3A_553 = tpu.memref_slice %arg2[%dma_wait3A_551, %dma_wait3A_552] : memref<20000x64xf32, #tpu.memory_space<hbm>> -> memref<20000x64xf32, #tpu.memory_space<hbm>>
      tpu.wait_indirect_dma semaphore(%arg15 : memref<!tpu.dma_semaphore, #tpu.memory_space<semaphore_mem>>) src(%dma_wait3A_553 : memref<20000x64xf32, #tpu.memory_space<hbm>>) dst(%dma_wait3A_547 : memref<128x64xf32, #tpu.memory_space<vmem>>)
      %dma_start3A_554 = arith.constant 2 : i32
      %dma_start3A_555 = arith.constant 2 : i32
      %dma_start3A_556 = arith.constant 0 : i32
      %dma_start3A_557 = arith.constant 0 : i32
      %dma_start3A_558 = tpu.memref_slice %arg11[%dma_start3A_554, %dma_start3A_556, %dma_start3A_557] : memref<8x128x64xf32, #tpu.memory_space<vmem>> -> memref<1x128x64xf32, #tpu.memory_space<vmem>>
      %dma_start3A_559 = tpu.memref_squeeze %dma_start3A_558 : memref<1x128x64xf32, #tpu.memory_space<vmem>> -> memref<128x64xf32, #tpu.memory_space<vmem>>
      %dma_start3A_560 = arith.constant 0 : i32
      %dma_start3A_561 = tpu.memref_slice %arg10[%dma_start3A_555, %dma_start3A_560] : memref<8x128xi32, #tpu.memory_space<vmem>> -> memref<1x128xi32, #tpu.memory_space<vmem>>
      %dma_start3A_562 = tpu.memref_squeeze %dma_start3A_561 : memref<1x128xi32, #tpu.memory_space<vmem>> -> memref<128xi32, #tpu.memory_space<vmem>>
      %dma_start3A_563 = arith.constant 0 : i32
      %dma_start3A_564 = arith.constant 0 : i32
      %dma_start3A_565 = tpu.memref_slice %arg12[%dma_start3A_563, %dma_start3A_564] : memref<10240x64xf32, #tpu.memory_space<vmem_shared>> -> memref<10240x64xf32, #tpu.memory_space<vmem_shared>>
      tpu.enqueue_indirect_dma source(%dma_start3A_559 : memref<128x64xf32, #tpu.memory_space<vmem>>) target(%dma_start3A_565 : memref<10240x64xf32, #tpu.memory_space<vmem_shared>>) offsets(%dma_start3A_562 : memref<128xi32, #tpu.memory_space<vmem>>) semaphore(%arg23 : memref<!tpu.dma_semaphore, #tpu.memory_space<semaphore_mem>>) {add = true}
      %dma_wait3A_566 = arith.constant 0 : i32
      %dma_wait3A_567 = arith.constant 3 : i32
      %dma_wait3A_568 = arith.constant 0 : i32
      %dma_wait3A_569 = arith.constant 0 : i32
      %dma_wait3A_570 = tpu.memref_slice %arg11[%dma_wait3A_567, %dma_wait3A_568, %dma_wait3A_569] : memref<8x128x64xf32, #tpu.memory_space<vmem>> -> memref<1x128x64xf32, #tpu.memory_space<vmem>>
      %dma_wait3A_571 = tpu.memref_squeeze %dma_wait3A_570 : memref<1x128x64xf32, #tpu.memory_space<vmem>> -> memref<128x64xf32, #tpu.memory_space<vmem>>
      %dma_wait3A_572 = arith.constant 0 : i32
      %dma_wait3A_573 = tpu.memref_slice %arg8[%dma_wait3A_566, %dma_wait3A_572] : memref<8x128xi32, #tpu.memory_space<vmem>> -> memref<1x128xi32, #tpu.memory_space<vmem>>
      %dma_wait3A_574 = tpu.memref_squeeze %dma_wait3A_573 : memref<1x128xi32, #tpu.memory_space<vmem>> -> memref<128xi32, #tpu.memory_space<vmem>>
      %dma_wait3A_575 = arith.constant 0 : i32
      %dma_wait3A_576 = arith.constant 0 : i32
      %dma_wait3A_577 = tpu.memref_slice %arg2[%dma_wait3A_575, %dma_wait3A_576] : memref<20000x64xf32, #tpu.memory_space<hbm>> -> memref<20000x64xf32, #tpu.memory_space<hbm>>
      tpu.wait_indirect_dma semaphore(%arg16 : memref<!tpu.dma_semaphore, #tpu.memory_space<semaphore_mem>>) src(%dma_wait3A_577 : memref<20000x64xf32, #tpu.memory_space<hbm>>) dst(%dma_wait3A_571 : memref<128x64xf32, #tpu.memory_space<vmem>>)
      %dma_start3A_578 = arith.constant 3 : i32
      %dma_start3A_579 = arith.constant 3 : i32
      %dma_start3A_580 = arith.constant 0 : i32
      %dma_start3A_581 = arith.constant 0 : i32
      %dma_start3A_582 = tpu.memref_slice %arg11[%dma_start3A_578, %dma_start3A_580, %dma_start3A_581] : memref<8x128x64xf32, #tpu.memory_space<vmem>> -> memref<1x128x64xf32, #tpu.memory_space<vmem>>
      %dma_start3A_583 = tpu.memref_squeeze %dma_start3A_582 : memref<1x128x64xf32, #tpu.memory_space<vmem>> -> memref<128x64xf32, #tpu.memory_space<vmem>>
      %dma_start3A_584 = arith.constant 0 : i32
      %dma_start3A_585 = tpu.memref_slice %arg10[%dma_start3A_579, %dma_start3A_584] : memref<8x128xi32, #tpu.memory_space<vmem>> -> memref<1x128xi32, #tpu.memory_space<vmem>>
      %dma_start3A_586 = tpu.memref_squeeze %dma_start3A_585 : memref<1x128xi32, #tpu.memory_space<vmem>> -> memref<128xi32, #tpu.memory_space<vmem>>
      %dma_start3A_587 = arith.constant 0 : i32
      %dma_start3A_588 = arith.constant 0 : i32
      %dma_start3A_589 = tpu.memref_slice %arg12[%dma_start3A_587, %dma_start3A_588] : memref<10240x64xf32, #tpu.memory_space<vmem_shared>> -> memref<10240x64xf32, #tpu.memory_space<vmem_shared>>
      tpu.enqueue_indirect_dma source(%dma_start3A_583 : memref<128x64xf32, #tpu.memory_space<vmem>>) target(%dma_start3A_589 : memref<10240x64xf32, #tpu.memory_space<vmem_shared>>) offsets(%dma_start3A_586 : memref<128xi32, #tpu.memory_space<vmem>>) semaphore(%arg24 : memref<!tpu.dma_semaphore, #tpu.memory_space<semaphore_mem>>) {add = true}
      %dma_wait3A_590 = arith.constant 0 : i32
      %dma_wait3A_591 = arith.constant 4 : i32
      %dma_wait3A_592 = arith.constant 0 : i32
      %dma_wait3A_593 = arith.constant 0 : i32
      %dma_wait3A_594 = tpu.memref_slice %arg11[%dma_wait3A_591, %dma_wait3A_592, %dma_wait3A_593] : memref<8x128x64xf32, #tpu.memory_space<vmem>> -> memref<1x128x64xf32, #tpu.memory_space<vmem>>
      %dma_wait3A_595 = tpu.memref_squeeze %dma_wait3A_594 : memref<1x128x64xf32, #tpu.memory_space<vmem>> -> memref<128x64xf32, #tpu.memory_space<vmem>>
      %dma_wait3A_596 = arith.constant 0 : i32
      %dma_wait3A_597 = tpu.memref_slice %arg8[%dma_wait3A_590, %dma_wait3A_596] : memref<8x128xi32, #tpu.memory_space<vmem>> -> memref<1x128xi32, #tpu.memory_space<vmem>>
      %dma_wait3A_598 = tpu.memref_squeeze %dma_wait3A_597 : memref<1x128xi32, #tpu.memory_space<vmem>> -> memref<128xi32, #tpu.memory_space<vmem>>
      %dma_wait3A_599 = arith.constant 0 : i32
      %dma_wait3A_600 = arith.constant 0 : i32
      %dma_wait3A_601 = tpu.memref_slice %arg2[%dma_wait3A_599, %dma_wait3A_600] : memref<20000x64xf32, #tpu.memory_space<hbm>> -> memref<20000x64xf32, #tpu.memory_space<hbm>>
      tpu.wait_indirect_dma semaphore(%arg17 : memref<!tpu.dma_semaphore, #tpu.memory_space<semaphore_mem>>) src(%dma_wait3A_601 : memref<20000x64xf32, #tpu.memory_space<hbm>>) dst(%dma_wait3A_595 : memref<128x64xf32, #tpu.memory_space<vmem>>)
      %dma_start3A_602 = arith.constant 4 : i32
      %dma_start3A_603 = arith.constant 4 : i32
      %dma_start3A_604 = arith.constant 0 : i32
      %dma_start3A_605 = arith.constant 0 : i32
      %dma_start3A_606 = tpu.memref_slice %arg11[%dma_start3A_602, %dma_start3A_604, %dma_start3A_605] : memref<8x128x64xf32, #tpu.memory_space<vmem>> -> memref<1x128x64xf32, #tpu.memory_space<vmem>>
      %dma_start3A_607 = tpu.memref_squeeze %dma_start3A_606 : memref<1x128x64xf32, #tpu.memory_space<vmem>> -> memref<128x64xf32, #tpu.memory_space<vmem>>
      %dma_start3A_608 = arith.constant 0 : i32
      %dma_start3A_609 = tpu.memref_slice %arg10[%dma_start3A_603, %dma_start3A_608] : memref<8x128xi32, #tpu.memory_space<vmem>> -> memref<1x128xi32, #tpu.memory_space<vmem>>
      %dma_start3A_610 = tpu.memref_squeeze %dma_start3A_609 : memref<1x128xi32, #tpu.memory_space<vmem>> -> memref<128xi32, #tpu.memory_space<vmem>>
      %dma_start3A_611 = arith.constant 0 : i32
      %dma_start3A_612 = arith.constant 0 : i32
      %dma_start3A_613 = tpu.memref_slice %arg12[%dma_start3A_611, %dma_start3A_612] : memref<10240x64xf32, #tpu.memory_space<vmem_shared>> -> memref<10240x64xf32, #tpu.memory_space<vmem_shared>>
      tpu.enqueue_indirect_dma source(%dma_start3A_607 : memref<128x64xf32, #tpu.memory_space<vmem>>) target(%dma_start3A_613 : memref<10240x64xf32, #tpu.memory_space<vmem_shared>>) offsets(%dma_start3A_610 : memref<128xi32, #tpu.memory_space<vmem>>) semaphore(%arg25 : memref<!tpu.dma_semaphore, #tpu.memory_space<semaphore_mem>>) {add = true}
      %dma_wait3A_614 = arith.constant 0 : i32
      %dma_wait3A_615 = arith.constant 5 : i32
      %dma_wait3A_616 = arith.constant 0 : i32
      %dma_wait3A_617 = arith.constant 0 : i32
      %dma_wait3A_618 = tpu.memref_slice %arg11[%dma_wait3A_615, %dma_wait3A_616, %dma_wait3A_617] : memref<8x128x64xf32, #tpu.memory_space<vmem>> -> memref<1x128x64xf32, #tpu.memory_space<vmem>>
      %dma_wait3A_619 = tpu.memref_squeeze %dma_wait3A_618 : memref<1x128x64xf32, #tpu.memory_space<vmem>> -> memref<128x64xf32, #tpu.memory_space<vmem>>
      %dma_wait3A_620 = arith.constant 0 : i32
      %dma_wait3A_621 = tpu.memref_slice %arg8[%dma_wait3A_614, %dma_wait3A_620] : memref<8x128xi32, #tpu.memory_space<vmem>> -> memref<1x128xi32, #tpu.memory_space<vmem>>
      %dma_wait3A_622 = tpu.memref_squeeze %dma_wait3A_621 : memref<1x128xi32, #tpu.memory_space<vmem>> -> memref<128xi32, #tpu.memory_space<vmem>>
      %dma_wait3A_623 = arith.constant 0 : i32
      %dma_wait3A_624 = arith.constant 0 : i32
      %dma_wait3A_625 = tpu.memref_slice %arg2[%dma_wait3A_623, %dma_wait3A_624] : memref<20000x64xf32, #tpu.memory_space<hbm>> -> memref<20000x64xf32, #tpu.memory_space<hbm>>
      tpu.wait_indirect_dma semaphore(%arg18 : memref<!tpu.dma_semaphore, #tpu.memory_space<semaphore_mem>>) src(%dma_wait3A_625 : memref<20000x64xf32, #tpu.memory_space<hbm>>) dst(%dma_wait3A_619 : memref<128x64xf32, #tpu.memory_space<vmem>>)
      %dma_start3A_626 = arith.constant 5 : i32
      %dma_start3A_627 = arith.constant 5 : i32
      %dma_start3A_628 = arith.constant 0 : i32
      %dma_start3A_629 = arith.constant 0 : i32
      %dma_start3A_630 = tpu.memref_slice %arg11[%dma_start3A_626, %dma_start3A_628, %dma_start3A_629] : memref<8x128x64xf32, #tpu.memory_space<vmem>> -> memref<1x128x64xf32, #tpu.memory_space<vmem>>
      %dma_start3A_631 = tpu.memref_squeeze %dma_start3A_630 : memref<1x128x64xf32, #tpu.memory_space<vmem>> -> memref<128x64xf32, #tpu.memory_space<vmem>>
      %dma_start3A_632 = arith.constant 0 : i32
      %dma_start3A_633 = tpu.memref_slice %arg10[%dma_start3A_627, %dma_start3A_632] : memref<8x128xi32, #tpu.memory_space<vmem>> -> memref<1x128xi32, #tpu.memory_space<vmem>>
      %dma_start3A_634 = tpu.memref_squeeze %dma_start3A_633 : memref<1x128xi32, #tpu.memory_space<vmem>> -> memref<128xi32, #tpu.memory_space<vmem>>
      %dma_start3A_635 = arith.constant 0 : i32
      %dma_start3A_636 = arith.constant 0 : i32
      %dma_start3A_637 = tpu.memref_slice %arg12[%dma_start3A_635, %dma_start3A_636] : memref<10240x64xf32, #tpu.memory_space<vmem_shared>> -> memref<10240x64xf32, #tpu.memory_space<vmem_shared>>
      tpu.enqueue_indirect_dma source(%dma_start3A_631 : memref<128x64xf32, #tpu.memory_space<vmem>>) target(%dma_start3A_637 : memref<10240x64xf32, #tpu.memory_space<vmem_shared>>) offsets(%dma_start3A_634 : memref<128xi32, #tpu.memory_space<vmem>>) semaphore(%arg26 : memref<!tpu.dma_semaphore, #tpu.memory_space<semaphore_mem>>) {add = true}
      %dma_wait3A_638 = arith.constant 0 : i32
      %dma_wait3A_639 = arith.constant 6 : i32
      %dma_wait3A_640 = arith.constant 0 : i32
      %dma_wait3A_641 = arith.constant 0 : i32
      %dma_wait3A_642 = tpu.memref_slice %arg11[%dma_wait3A_639, %dma_wait3A_640, %dma_wait3A_641] : memref<8x128x64xf32, #tpu.memory_space<vmem>> -> memref<1x128x64xf32, #tpu.memory_space<vmem>>
      %dma_wait3A_643 = tpu.memref_squeeze %dma_wait3A_642 : memref<1x128x64xf32, #tpu.memory_space<vmem>> -> memref<128x64xf32, #tpu.memory_space<vmem>>
      %dma_wait3A_644 = arith.constant 0 : i32
      %dma_wait3A_645 = tpu.memref_slice %arg8[%dma_wait3A_638, %dma_wait3A_644] : memref<8x128xi32, #tpu.memory_space<vmem>> -> memref<1x128xi32, #tpu.memory_space<vmem>>
      %dma_wait3A_646 = tpu.memref_squeeze %dma_wait3A_645 : memref<1x128xi32, #tpu.memory_space<vmem>> -> memref<128xi32, #tpu.memory_space<vmem>>
      %dma_wait3A_647 = arith.constant 0 : i32
      %dma_wait3A_648 = arith.constant 0 : i32
      %dma_wait3A_649 = tpu.memref_slice %arg2[%dma_wait3A_647, %dma_wait3A_648] : memref<20000x64xf32, #tpu.memory_space<hbm>> -> memref<20000x64xf32, #tpu.memory_space<hbm>>
      tpu.wait_indirect_dma semaphore(%arg19 : memref<!tpu.dma_semaphore, #tpu.memory_space<semaphore_mem>>) src(%dma_wait3A_649 : memref<20000x64xf32, #tpu.memory_space<hbm>>) dst(%dma_wait3A_643 : memref<128x64xf32, #tpu.memory_space<vmem>>)
      %dma_start3A_650 = arith.constant 6 : i32
      %dma_start3A_651 = arith.constant 6 : i32
      %dma_start3A_652 = arith.constant 0 : i32
      %dma_start3A_653 = arith.constant 0 : i32
      %dma_start3A_654 = tpu.memref_slice %arg11[%dma_start3A_650, %dma_start3A_652, %dma_start3A_653] : memref<8x128x64xf32, #tpu.memory_space<vmem>> -> memref<1x128x64xf32, #tpu.memory_space<vmem>>
      %dma_start3A_655 = tpu.memref_squeeze %dma_start3A_654 : memref<1x128x64xf32, #tpu.memory_space<vmem>> -> memref<128x64xf32, #tpu.memory_space<vmem>>
      %dma_start3A_656 = arith.constant 0 : i32
      %dma_start3A_657 = tpu.memref_slice %arg10[%dma_start3A_651, %dma_start3A_656] : memref<8x128xi32, #tpu.memory_space<vmem>> -> memref<1x128xi32, #tpu.memory_space<vmem>>
      %dma_start3A_658 = tpu.memref_squeeze %dma_start3A_657 : memref<1x128xi32, #tpu.memory_space<vmem>> -> memref<128xi32, #tpu.memory_space<vmem>>
      %dma_start3A_659 = arith.constant 0 : i32
      %dma_start3A_660 = arith.constant 0 : i32
      %dma_start3A_661 = tpu.memref_slice %arg12[%dma_start3A_659, %dma_start3A_660] : memref<10240x64xf32, #tpu.memory_space<vmem_shared>> -> memref<10240x64xf32, #tpu.memory_space<vmem_shared>>
      tpu.enqueue_indirect_dma source(%dma_start3A_655 : memref<128x64xf32, #tpu.memory_space<vmem>>) target(%dma_start3A_661 : memref<10240x64xf32, #tpu.memory_space<vmem_shared>>) offsets(%dma_start3A_658 : memref<128xi32, #tpu.memory_space<vmem>>) semaphore(%arg27 : memref<!tpu.dma_semaphore, #tpu.memory_space<semaphore_mem>>) {add = true}
      %dma_wait3A_662 = arith.constant 0 : i32
      %dma_wait3A_663 = arith.constant 7 : i32
      %dma_wait3A_664 = arith.constant 0 : i32
      %dma_wait3A_665 = arith.constant 0 : i32
      %dma_wait3A_666 = tpu.memref_slice %arg11[%dma_wait3A_663, %dma_wait3A_664, %dma_wait3A_665] : memref<8x128x64xf32, #tpu.memory_space<vmem>> -> memref<1x128x64xf32, #tpu.memory_space<vmem>>
      %dma_wait3A_667 = tpu.memref_squeeze %dma_wait3A_666 : memref<1x128x64xf32, #tpu.memory_space<vmem>> -> memref<128x64xf32, #tpu.memory_space<vmem>>
      %dma_wait3A_668 = arith.constant 0 : i32
      %dma_wait3A_669 = tpu.memref_slice %arg8[%dma_wait3A_662, %dma_wait3A_668] : memref<8x128xi32, #tpu.memory_space<vmem>> -> memref<1x128xi32, #tpu.memory_space<vmem>>
      %dma_wait3A_670 = tpu.memref_squeeze %dma_wait3A_669 : memref<1x128xi32, #tpu.memory_space<vmem>> -> memref<128xi32, #tpu.memory_space<vmem>>
      %dma_wait3A_671 = arith.constant 0 : i32
      %dma_wait3A_672 = arith.constant 0 : i32
      %dma_wait3A_673 = tpu.memref_slice %arg2[%dma_wait3A_671, %dma_wait3A_672] : memref<20000x64xf32, #tpu.memory_space<hbm>> -> memref<20000x64xf32, #tpu.memory_space<hbm>>
      tpu.wait_indirect_dma semaphore(%arg20 : memref<!tpu.dma_semaphore, #tpu.memory_space<semaphore_mem>>) src(%dma_wait3A_673 : memref<20000x64xf32, #tpu.memory_space<hbm>>) dst(%dma_wait3A_667 : memref<128x64xf32, #tpu.memory_space<vmem>>)
      %dma_start3A_674 = arith.constant 7 : i32
      %dma_start3A_675 = arith.constant 7 : i32
      %dma_start3A_676 = arith.constant 0 : i32
      %dma_start3A_677 = arith.constant 0 : i32
      %dma_start3A_678 = tpu.memref_slice %arg11[%dma_start3A_674, %dma_start3A_676, %dma_start3A_677] : memref<8x128x64xf32, #tpu.memory_space<vmem>> -> memref<1x128x64xf32, #tpu.memory_space<vmem>>
      %dma_start3A_679 = tpu.memref_squeeze %dma_start3A_678 : memref<1x128x64xf32, #tpu.memory_space<vmem>> -> memref<128x64xf32, #tpu.memory_space<vmem>>
      %dma_start3A_680 = arith.constant 0 : i32
      %dma_start3A_681 = tpu.memref_slice %arg10[%dma_start3A_675, %dma_start3A_680] : memref<8x128xi32, #tpu.memory_space<vmem>> -> memref<1x128xi32, #tpu.memory_space<vmem>>
      %dma_start3A_682 = tpu.memref_squeeze %dma_start3A_681 : memref<1x128xi32, #tpu.memory_space<vmem>> -> memref<128xi32, #tpu.memory_space<vmem>>
      %dma_start3A_683 = arith.constant 0 : i32
      %dma_start3A_684 = arith.constant 0 : i32
      %dma_start3A_685 = tpu.memref_slice %arg12[%dma_start3A_683, %dma_start3A_684] : memref<10240x64xf32, #tpu.memory_space<vmem_shared>> -> memref<10240x64xf32, #tpu.memory_space<vmem_shared>>
      tpu.enqueue_indirect_dma source(%dma_start3A_679 : memref<128x64xf32, #tpu.memory_space<vmem>>) target(%dma_start3A_685 : memref<10240x64xf32, #tpu.memory_space<vmem_shared>>) offsets(%dma_start3A_682 : memref<128xi32, #tpu.memory_space<vmem>>) semaphore(%arg28 : memref<!tpu.dma_semaphore, #tpu.memory_space<semaphore_mem>>) {add = true}
      %not3A_686 = arith.constant true
      %not3A_687 = arith.xori %ge3A_493, %not3A_686 : i1
      %convert_element_type3A_688 = arith.extui %not3A_687 : i1 to i32
      %cond3A_689 = arith.constant 0 : i32
      %cond3A_690 = arith.cmpi ne, %convert_element_type3A_688, %cond3A_689 : i32
      scf.if %cond3A_690 {
        %add3A_832 = arith.constant 1 : i32
        %add3A_833 = arith.addi %add3A_489, %add3A_832 : i32
        %mul3A_834 = arith.constant 8 : i32
        %mul3A_835 = arith.muli %add3A_833, %mul3A_834 : i32
        %add3A_836 = arith.addi %mul3A_0, %mul3A_835 : i32
        %dma_start3A_837 = arith.constant 0 : i32
        %dma_start3A_838 = tpu.memref_slice %arg3[%arg0, %add3A_836, %dma_start3A_837] : memref<2x2560x128xi32, #tpu.memory_space<hbm>> -> memref<1x8x128xi32, #tpu.memory_space<hbm>>
        %dma_start3A_839 = tpu.memref_squeeze %dma_start3A_838 : memref<1x8x128xi32, #tpu.memory_space<hbm>> -> memref<8x128xi32, #tpu.memory_space<hbm>>
        %dma_start3A_840 = arith.constant 0 : i32
        %dma_start3A_841 = tpu.memref_slice %arg3[%arg0, %add3A_836, %dma_start3A_840] : memref<2x2560x128xi32, #tpu.memory_space<hbm>> -> memref<1x8x128xi32, #tpu.memory_space<hbm>>
        %dma_start3A_842 = tpu.memref_squeeze %dma_start3A_841 : memref<1x8x128xi32, #tpu.memory_space<hbm>> -> memref<8x128xi32, #tpu.memory_space<hbm>>
        tpu.enqueue_dma source(%dma_start3A_842 : memref<8x128xi32, #tpu.memory_space<hbm>>) target(%arg7 : memref<8x128xi32, #tpu.memory_space<vmem>>) target_semaphore(%arg29 : memref<!tpu.dma_semaphore, #tpu.memory_space<semaphore_mem>>)
        %add3A_843 = arith.constant 1 : i32
        %add3A_844 = arith.addi %add3A_489, %add3A_843 : i32
        %mul3A_845 = arith.constant 8 : i32
        %mul3A_846 = arith.muli %add3A_844, %mul3A_845 : i32
        %add3A_847 = arith.addi %mul3A_0, %mul3A_846 : i32
        %dma_start3A_848 = arith.constant 0 : i32
        %dma_start3A_849 = tpu.memref_slice %arg4[%add3A_847, %dma_start3A_848] : memref<2560x128xi32, #tpu.memory_space<hbm>> -> memref<8x128xi32, #tpu.memory_space<hbm>>
        %dma_start3A_850 = arith.constant 0 : i32
        %dma_start3A_851 = tpu.memref_slice %arg4[%add3A_847, %dma_start3A_850] : memref<2560x128xi32, #tpu.memory_space<hbm>> -> memref<8x128xi32, #tpu.memory_space<hbm>>
        tpu.enqueue_dma source(%dma_start3A_851 : memref<8x128xi32, #tpu.memory_space<hbm>>) target(%arg9 : memref<8x128xi32, #tpu.memory_space<vmem>>) target_semaphore(%arg30 : memref<!tpu.dma_semaphore, #tpu.memory_space<semaphore_mem>>)
      } else {
      }
      %dma_wait3A_691 = arith.constant 0 : i32
      %dma_wait3A_692 = arith.constant 0 : i32
      %dma_wait3A_693 = arith.constant 0 : i32
      %dma_wait3A_694 = arith.constant 0 : i32
      %dma_wait3A_695 = tpu.memref_slice %arg11[%dma_wait3A_691, %dma_wait3A_693, %dma_wait3A_694] : memref<8x128x64xf32, #tpu.memory_space<vmem>> -> memref<1x128x64xf32, #tpu.memory_space<vmem>>
      %dma_wait3A_696 = tpu.memref_squeeze %dma_wait3A_695 : memref<1x128x64xf32, #tpu.memory_space<vmem>> -> memref<128x64xf32, #tpu.memory_space<vmem>>
      %dma_wait3A_697 = arith.constant 0 : i32
      %dma_wait3A_698 = tpu.memref_slice %arg10[%dma_wait3A_692, %dma_wait3A_697] : memref<8x128xi32, #tpu.memory_space<vmem>> -> memref<1x128xi32, #tpu.memory_space<vmem>>
      %dma_wait3A_699 = tpu.memref_squeeze %dma_wait3A_698 : memref<1x128xi32, #tpu.memory_space<vmem>> -> memref<128xi32, #tpu.memory_space<vmem>>
      %dma_wait3A_700 = arith.constant 0 : i32
      %dma_wait3A_701 = arith.constant 0 : i32
      %dma_wait3A_702 = tpu.memref_slice %arg12[%dma_wait3A_700, %dma_wait3A_701] : memref<10240x64xf32, #tpu.memory_space<vmem_shared>> -> memref<10240x64xf32, #tpu.memory_space<vmem_shared>>
      tpu.wait_indirect_dma semaphore(%arg21 : memref<!tpu.dma_semaphore, #tpu.memory_space<semaphore_mem>>) src(%dma_wait3A_696 : memref<128x64xf32, #tpu.memory_space<vmem>>) dst(%dma_wait3A_702 : memref<10240x64xf32, #tpu.memory_space<vmem_shared>>)
      %not3A_703 = arith.constant true
      %not3A_704 = arith.xori %ge3A_493, %not3A_703 : i1
      %convert_element_type3A_705 = arith.extui %not3A_704 : i1 to i32
      %cond3A_706 = arith.constant 0 : i32
      %cond3A_707 = arith.cmpi ne, %convert_element_type3A_705, %cond3A_706 : i32
      scf.if %cond3A_707 {
        %dma_wait3A_832 = arith.constant 0 : i32
        %dma_wait3A_833 = tpu.memref_slice %arg3[%arg0, %mul3A_0, %dma_wait3A_832] : memref<2x2560x128xi32, #tpu.memory_space<hbm>> -> memref<1x8x128xi32, #tpu.memory_space<hbm>>
        %dma_wait3A_834 = tpu.memref_squeeze %dma_wait3A_833 : memref<1x8x128xi32, #tpu.memory_space<hbm>> -> memref<8x128xi32, #tpu.memory_space<hbm>>
        %dma_wait3A_835 = arith.constant 0 : i32
        %dma_wait3A_836 = tpu.memref_slice %arg3[%arg0, %mul3A_0, %dma_wait3A_835] : memref<2x2560x128xi32, #tpu.memory_space<hbm>> -> memref<1x8x128xi32, #tpu.memory_space<hbm>>
        %dma_wait3A_837 = tpu.memref_squeeze %dma_wait3A_836 : memref<1x8x128xi32, #tpu.memory_space<hbm>> -> memref<8x128xi32, #tpu.memory_space<hbm>>
        tpu.wait_dma2 semaphore(%arg29 : memref<!tpu.dma_semaphore, #tpu.memory_space<semaphore_mem>>) src(%dma_wait3A_837 : memref<8x128xi32, #tpu.memory_space<hbm>>) dst(%arg7 : memref<8x128xi32, #tpu.memory_space<vmem>>)
        %dma_wait3A_838 = arith.constant 0 : i32
        %dma_wait3A_839 = tpu.memref_slice %arg4[%mul3A_0, %dma_wait3A_838] : memref<2560x128xi32, #tpu.memory_space<hbm>> -> memref<8x128xi32, #tpu.memory_space<hbm>>
        %dma_wait3A_840 = arith.constant 0 : i32
        %dma_wait3A_841 = tpu.memref_slice %arg4[%mul3A_0, %dma_wait3A_840] : memref<2560x128xi32, #tpu.memory_space<hbm>> -> memref<8x128xi32, #tpu.memory_space<hbm>>
        tpu.wait_dma2 semaphore(%arg30 : memref<!tpu.dma_semaphore, #tpu.memory_space<semaphore_mem>>) src(%dma_wait3A_841 : memref<8x128xi32, #tpu.memory_space<hbm>>) dst(%arg9 : memref<8x128xi32, #tpu.memory_space<vmem>>)
      } else {
      }
      %not3A_708 = arith.constant true
      %not3A_709 = arith.xori %ge3A_493, %not3A_708 : i1
      %convert_element_type3A_710 = arith.extui %not3A_709 : i1 to i32
      %cond3A_711 = arith.constant 0 : i32
      %cond3A_712 = arith.cmpi ne, %convert_element_type3A_710, %cond3A_711 : i32
      scf.if %cond3A_712 {
        %dma_start3A_832 = arith.constant 0 : i32
        %dma_start3A_833 = arith.constant 0 : i32
        %dma_start3A_834 = arith.constant 0 : i32
        %dma_start3A_835 = arith.constant 0 : i32
        %dma_start3A_836 = tpu.memref_slice %arg11[%dma_start3A_833, %dma_start3A_834, %dma_start3A_835] : memref<8x128x64xf32, #tpu.memory_space<vmem>> -> memref<1x128x64xf32, #tpu.memory_space<vmem>>
        %dma_start3A_837 = tpu.memref_squeeze %dma_start3A_836 : memref<1x128x64xf32, #tpu.memory_space<vmem>> -> memref<128x64xf32, #tpu.memory_space<vmem>>
        %dma_start3A_838 = arith.constant 0 : i32
        %dma_start3A_839 = tpu.memref_slice %arg7[%dma_start3A_832, %dma_start3A_838] : memref<8x128xi32, #tpu.memory_space<vmem>> -> memref<1x128xi32, #tpu.memory_space<vmem>>
        %dma_start3A_840 = tpu.memref_squeeze %dma_start3A_839 : memref<1x128xi32, #tpu.memory_space<vmem>> -> memref<128xi32, #tpu.memory_space<vmem>>
        %dma_start3A_841 = arith.constant 0 : i32
        %dma_start3A_842 = arith.constant 0 : i32
        %dma_start3A_843 = tpu.memref_slice %arg2[%dma_start3A_841, %dma_start3A_842] : memref<20000x64xf32, #tpu.memory_space<hbm>> -> memref<20000x64xf32, #tpu.memory_space<hbm>>
        tpu.enqueue_indirect_dma source(%dma_start3A_843 : memref<20000x64xf32, #tpu.memory_space<hbm>>) target(%dma_start3A_837 : memref<128x64xf32, #tpu.memory_space<vmem>>) offsets(%dma_start3A_840 : memref<128xi32, #tpu.memory_space<vmem>>) semaphore(%arg13 : memref<!tpu.dma_semaphore, #tpu.memory_space<semaphore_mem>>)
      } else {
      }
      %dma_wait3A_713 = arith.constant 1 : i32
      %dma_wait3A_714 = arith.constant 0 : i32
      %dma_wait3A_715 = arith.constant 0 : i32
      %dma_wait3A_716 = arith.constant 0 : i32
      %dma_wait3A_717 = tpu.memref_slice %arg11[%dma_wait3A_713, %dma_wait3A_715, %dma_wait3A_716] : memref<8x128x64xf32, #tpu.memory_space<vmem>> -> memref<1x128x64xf32, #tpu.memory_space<vmem>>
      %dma_wait3A_718 = tpu.memref_squeeze %dma_wait3A_717 : memref<1x128x64xf32, #tpu.memory_space<vmem>> -> memref<128x64xf32, #tpu.memory_space<vmem>>
      %dma_wait3A_719 = arith.constant 0 : i32
      %dma_wait3A_720 = tpu.memref_slice %arg10[%dma_wait3A_714, %dma_wait3A_719] : memref<8x128xi32, #tpu.memory_space<vmem>> -> memref<1x128xi32, #tpu.memory_space<vmem>>
      %dma_wait3A_721 = tpu.memref_squeeze %dma_wait3A_720 : memref<1x128xi32, #tpu.memory_space<vmem>> -> memref<128xi32, #tpu.memory_space<vmem>>
      %dma_wait3A_722 = arith.constant 0 : i32
      %dma_wait3A_723 = arith.constant 0 : i32
      %dma_wait3A_724 = tpu.memref_slice %arg12[%dma_wait3A_722, %dma_wait3A_723] : memref<10240x64xf32, #tpu.memory_space<vmem_shared>> -> memref<10240x64xf32, #tpu.memory_space<vmem_shared>>
      tpu.wait_indirect_dma semaphore(%arg22 : memref<!tpu.dma_semaphore, #tpu.memory_space<semaphore_mem>>) src(%dma_wait3A_718 : memref<128x64xf32, #tpu.memory_space<vmem>>) dst(%dma_wait3A_724 : memref<10240x64xf32, #tpu.memory_space<vmem_shared>>)
      %not3A_725 = arith.constant true
      %not3A_726 = arith.xori %ge3A_493, %not3A_725 : i1
      %convert_element_type3A_727 = arith.extui %not3A_726 : i1 to i32
      %cond3A_728 = arith.constant 0 : i32
      %cond3A_729 = arith.cmpi ne, %convert_element_type3A_727, %cond3A_728 : i32
      scf.if %cond3A_729 {
        %dma_start3A_832 = arith.constant 1 : i32
        %dma_start3A_833 = arith.constant 1 : i32
        %dma_start3A_834 = arith.constant 0 : i32
        %dma_start3A_835 = arith.constant 0 : i32
        %dma_start3A_836 = tpu.memref_slice %arg11[%dma_start3A_833, %dma_start3A_834, %dma_start3A_835] : memref<8x128x64xf32, #tpu.memory_space<vmem>> -> memref<1x128x64xf32, #tpu.memory_space<vmem>>
        %dma_start3A_837 = tpu.memref_squeeze %dma_start3A_836 : memref<1x128x64xf32, #tpu.memory_space<vmem>> -> memref<128x64xf32, #tpu.memory_space<vmem>>
        %dma_start3A_838 = arith.constant 0 : i32
        %dma_start3A_839 = tpu.memref_slice %arg7[%dma_start3A_832, %dma_start3A_838] : memref<8x128xi32, #tpu.memory_space<vmem>> -> memref<1x128xi32, #tpu.memory_space<vmem>>
        %dma_start3A_840 = tpu.memref_squeeze %dma_start3A_839 : memref<1x128xi32, #tpu.memory_space<vmem>> -> memref<128xi32, #tpu.memory_space<vmem>>
        %dma_start3A_841 = arith.constant 0 : i32
        %dma_start3A_842 = arith.constant 0 : i32
        %dma_start3A_843 = tpu.memref_slice %arg2[%dma_start3A_841, %dma_start3A_842] : memref<20000x64xf32, #tpu.memory_space<hbm>> -> memref<20000x64xf32, #tpu.memory_space<hbm>>
        tpu.enqueue_indirect_dma source(%dma_start3A_843 : memref<20000x64xf32, #tpu.memory_space<hbm>>) target(%dma_start3A_837 : memref<128x64xf32, #tpu.memory_space<vmem>>) offsets(%dma_start3A_840 : memref<128xi32, #tpu.memory_space<vmem>>) semaphore(%arg14 : memref<!tpu.dma_semaphore, #tpu.memory_space<semaphore_mem>>)
      } else {
      }
      %dma_wait3A_730 = arith.constant 2 : i32
      %dma_wait3A_731 = arith.constant 0 : i32
      %dma_wait3A_732 = arith.constant 0 : i32
      %dma_wait3A_733 = arith.constant 0 : i32
      %dma_wait3A_734 = tpu.memref_slice %arg11[%dma_wait3A_730, %dma_wait3A_732, %dma_wait3A_733] : memref<8x128x64xf32, #tpu.memory_space<vmem>> -> memref<1x128x64xf32, #tpu.memory_space<vmem>>
      %dma_wait3A_735 = tpu.memref_squeeze %dma_wait3A_734 : memref<1x128x64xf32, #tpu.memory_space<vmem>> -> memref<128x64xf32, #tpu.memory_space<vmem>>
      %dma_wait3A_736 = arith.constant 0 : i32
      %dma_wait3A_737 = tpu.memref_slice %arg10[%dma_wait3A_731, %dma_wait3A_736] : memref<8x128xi32, #tpu.memory_space<vmem>> -> memref<1x128xi32, #tpu.memory_space<vmem>>
      %dma_wait3A_738 = tpu.memref_squeeze %dma_wait3A_737 : memref<1x128xi32, #tpu.memory_space<vmem>> -> memref<128xi32, #tpu.memory_space<vmem>>
      %dma_wait3A_739 = arith.constant 0 : i32
      %dma_wait3A_740 = arith.constant 0 : i32
      %dma_wait3A_741 = tpu.memref_slice %arg12[%dma_wait3A_739, %dma_wait3A_740] : memref<10240x64xf32, #tpu.memory_space<vmem_shared>> -> memref<10240x64xf32, #tpu.memory_space<vmem_shared>>
      tpu.wait_indirect_dma semaphore(%arg23 : memref<!tpu.dma_semaphore, #tpu.memory_space<semaphore_mem>>) src(%dma_wait3A_735 : memref<128x64xf32, #tpu.memory_space<vmem>>) dst(%dma_wait3A_741 : memref<10240x64xf32, #tpu.memory_space<vmem_shared>>)
      %not3A_742 = arith.constant true
      %not3A_743 = arith.xori %ge3A_493, %not3A_742 : i1
      %convert_element_type3A_744 = arith.extui %not3A_743 : i1 to i32
      %cond3A_745 = arith.constant 0 : i32
      %cond3A_746 = arith.cmpi ne, %convert_element_type3A_744, %cond3A_745 : i32
      scf.if %cond3A_746 {
        %dma_start3A_832 = arith.constant 2 : i32
        %dma_start3A_833 = arith.constant 2 : i32
        %dma_start3A_834 = arith.constant 0 : i32
        %dma_start3A_835 = arith.constant 0 : i32
        %dma_start3A_836 = tpu.memref_slice %arg11[%dma_start3A_833, %dma_start3A_834, %dma_start3A_835] : memref<8x128x64xf32, #tpu.memory_space<vmem>> -> memref<1x128x64xf32, #tpu.memory_space<vmem>>
        %dma_start3A_837 = tpu.memref_squeeze %dma_start3A_836 : memref<1x128x64xf32, #tpu.memory_space<vmem>> -> memref<128x64xf32, #tpu.memory_space<vmem>>
        %dma_start3A_838 = arith.constant 0 : i32
        %dma_start3A_839 = tpu.memref_slice %arg7[%dma_start3A_832, %dma_start3A_838] : memref<8x128xi32, #tpu.memory_space<vmem>> -> memref<1x128xi32, #tpu.memory_space<vmem>>
        %dma_start3A_840 = tpu.memref_squeeze %dma_start3A_839 : memref<1x128xi32, #tpu.memory_space<vmem>> -> memref<128xi32, #tpu.memory_space<vmem>>
        %dma_start3A_841 = arith.constant 0 : i32
        %dma_start3A_842 = arith.constant 0 : i32
        %dma_start3A_843 = tpu.memref_slice %arg2[%dma_start3A_841, %dma_start3A_842] : memref<20000x64xf32, #tpu.memory_space<hbm>> -> memref<20000x64xf32, #tpu.memory_space<hbm>>
        tpu.enqueue_indirect_dma source(%dma_start3A_843 : memref<20000x64xf32, #tpu.memory_space<hbm>>) target(%dma_start3A_837 : memref<128x64xf32, #tpu.memory_space<vmem>>) offsets(%dma_start3A_840 : memref<128xi32, #tpu.memory_space<vmem>>) semaphore(%arg15 : memref<!tpu.dma_semaphore, #tpu.memory_space<semaphore_mem>>)
      } else {
      }
      %dma_wait3A_747 = arith.constant 3 : i32
      %dma_wait3A_748 = arith.constant 0 : i32
      %dma_wait3A_749 = arith.constant 0 : i32
      %dma_wait3A_750 = arith.constant 0 : i32
      %dma_wait3A_751 = tpu.memref_slice %arg11[%dma_wait3A_747, %dma_wait3A_749, %dma_wait3A_750] : memref<8x128x64xf32, #tpu.memory_space<vmem>> -> memref<1x128x64xf32, #tpu.memory_space<vmem>>
      %dma_wait3A_752 = tpu.memref_squeeze %dma_wait3A_751 : memref<1x128x64xf32, #tpu.memory_space<vmem>> -> memref<128x64xf32, #tpu.memory_space<vmem>>
      %dma_wait3A_753 = arith.constant 0 : i32
      %dma_wait3A_754 = tpu.memref_slice %arg10[%dma_wait3A_748, %dma_wait3A_753] : memref<8x128xi32, #tpu.memory_space<vmem>> -> memref<1x128xi32, #tpu.memory_space<vmem>>
      %dma_wait3A_755 = tpu.memref_squeeze %dma_wait3A_754 : memref<1x128xi32, #tpu.memory_space<vmem>> -> memref<128xi32, #tpu.memory_space<vmem>>
      %dma_wait3A_756 = arith.constant 0 : i32
      %dma_wait3A_757 = arith.constant 0 : i32
      %dma_wait3A_758 = tpu.memref_slice %arg12[%dma_wait3A_756, %dma_wait3A_757] : memref<10240x64xf32, #tpu.memory_space<vmem_shared>> -> memref<10240x64xf32, #tpu.memory_space<vmem_shared>>
      tpu.wait_indirect_dma semaphore(%arg24 : memref<!tpu.dma_semaphore, #tpu.memory_space<semaphore_mem>>) src(%dma_wait3A_752 : memref<128x64xf32, #tpu.memory_space<vmem>>) dst(%dma_wait3A_758 : memref<10240x64xf32, #tpu.memory_space<vmem_shared>>)
      %not3A_759 = arith.constant true
      %not3A_760 = arith.xori %ge3A_493, %not3A_759 : i1
      %convert_element_type3A_761 = arith.extui %not3A_760 : i1 to i32
      %cond3A_762 = arith.constant 0 : i32
      %cond3A_763 = arith.cmpi ne, %convert_element_type3A_761, %cond3A_762 : i32
      scf.if %cond3A_763 {
        %dma_start3A_832 = arith.constant 3 : i32
        %dma_start3A_833 = arith.constant 3 : i32
        %dma_start3A_834 = arith.constant 0 : i32
        %dma_start3A_835 = arith.constant 0 : i32
        %dma_start3A_836 = tpu.memref_slice %arg11[%dma_start3A_833, %dma_start3A_834, %dma_start3A_835] : memref<8x128x64xf32, #tpu.memory_space<vmem>> -> memref<1x128x64xf32, #tpu.memory_space<vmem>>
        %dma_start3A_837 = tpu.memref_squeeze %dma_start3A_836 : memref<1x128x64xf32, #tpu.memory_space<vmem>> -> memref<128x64xf32, #tpu.memory_space<vmem>>
        %dma_start3A_838 = arith.constant 0 : i32
        %dma_start3A_839 = tpu.memref_slice %arg7[%dma_start3A_832, %dma_start3A_838] : memref<8x128xi32, #tpu.memory_space<vmem>> -> memref<1x128xi32, #tpu.memory_space<vmem>>
        %dma_start3A_840 = tpu.memref_squeeze %dma_start3A_839 : memref<1x128xi32, #tpu.memory_space<vmem>> -> memref<128xi32, #tpu.memory_space<vmem>>
        %dma_start3A_841 = arith.constant 0 : i32
        %dma_start3A_842 = arith.constant 0 : i32
        %dma_start3A_843 = tpu.memref_slice %arg2[%dma_start3A_841, %dma_start3A_842] : memref<20000x64xf32, #tpu.memory_space<hbm>> -> memref<20000x64xf32, #tpu.memory_space<hbm>>
        tpu.enqueue_indirect_dma source(%dma_start3A_843 : memref<20000x64xf32, #tpu.memory_space<hbm>>) target(%dma_start3A_837 : memref<128x64xf32, #tpu.memory_space<vmem>>) offsets(%dma_start3A_840 : memref<128xi32, #tpu.memory_space<vmem>>) semaphore(%arg16 : memref<!tpu.dma_semaphore, #tpu.memory_space<semaphore_mem>>)
      } else {
      }
      %dma_wait3A_764 = arith.constant 4 : i32
      %dma_wait3A_765 = arith.constant 0 : i32
      %dma_wait3A_766 = arith.constant 0 : i32
      %dma_wait3A_767 = arith.constant 0 : i32
      %dma_wait3A_768 = tpu.memref_slice %arg11[%dma_wait3A_764, %dma_wait3A_766, %dma_wait3A_767] : memref<8x128x64xf32, #tpu.memory_space<vmem>> -> memref<1x128x64xf32, #tpu.memory_space<vmem>>
      %dma_wait3A_769 = tpu.memref_squeeze %dma_wait3A_768 : memref<1x128x64xf32, #tpu.memory_space<vmem>> -> memref<128x64xf32, #tpu.memory_space<vmem>>
      %dma_wait3A_770 = arith.constant 0 : i32
      %dma_wait3A_771 = tpu.memref_slice %arg10[%dma_wait3A_765, %dma_wait3A_770] : memref<8x128xi32, #tpu.memory_space<vmem>> -> memref<1x128xi32, #tpu.memory_space<vmem>>
      %dma_wait3A_772 = tpu.memref_squeeze %dma_wait3A_771 : memref<1x128xi32, #tpu.memory_space<vmem>> -> memref<128xi32, #tpu.memory_space<vmem>>
      %dma_wait3A_773 = arith.constant 0 : i32
      %dma_wait3A_774 = arith.constant 0 : i32
      %dma_wait3A_775 = tpu.memref_slice %arg12[%dma_wait3A_773, %dma_wait3A_774] : memref<10240x64xf32, #tpu.memory_space<vmem_shared>> -> memref<10240x64xf32, #tpu.memory_space<vmem_shared>>
      tpu.wait_indirect_dma semaphore(%arg25 : memref<!tpu.dma_semaphore, #tpu.memory_space<semaphore_mem>>) src(%dma_wait3A_769 : memref<128x64xf32, #tpu.memory_space<vmem>>) dst(%dma_wait3A_775 : memref<10240x64xf32, #tpu.memory_space<vmem_shared>>)
      %not3A_776 = arith.constant true
      %not3A_777 = arith.xori %ge3A_493, %not3A_776 : i1
      %convert_element_type3A_778 = arith.extui %not3A_777 : i1 to i32
      %cond3A_779 = arith.constant 0 : i32
      %cond3A_780 = arith.cmpi ne, %convert_element_type3A_778, %cond3A_779 : i32
      scf.if %cond3A_780 {
        %dma_start3A_832 = arith.constant 4 : i32
        %dma_start3A_833 = arith.constant 4 : i32
        %dma_start3A_834 = arith.constant 0 : i32
        %dma_start3A_835 = arith.constant 0 : i32
        %dma_start3A_836 = tpu.memref_slice %arg11[%dma_start3A_833, %dma_start3A_834, %dma_start3A_835] : memref<8x128x64xf32, #tpu.memory_space<vmem>> -> memref<1x128x64xf32, #tpu.memory_space<vmem>>
        %dma_start3A_837 = tpu.memref_squeeze %dma_start3A_836 : memref<1x128x64xf32, #tpu.memory_space<vmem>> -> memref<128x64xf32, #tpu.memory_space<vmem>>
        %dma_start3A_838 = arith.constant 0 : i32
        %dma_start3A_839 = tpu.memref_slice %arg7[%dma_start3A_832, %dma_start3A_838] : memref<8x128xi32, #tpu.memory_space<vmem>> -> memref<1x128xi32, #tpu.memory_space<vmem>>
        %dma_start3A_840 = tpu.memref_squeeze %dma_start3A_839 : memref<1x128xi32, #tpu.memory_space<vmem>> -> memref<128xi32, #tpu.memory_space<vmem>>
        %dma_start3A_841 = arith.constant 0 : i32
        %dma_start3A_842 = arith.constant 0 : i32
        %dma_start3A_843 = tpu.memref_slice %arg2[%dma_start3A_841, %dma_start3A_842] : memref<20000x64xf32, #tpu.memory_space<hbm>> -> memref<20000x64xf32, #tpu.memory_space<hbm>>
        tpu.enqueue_indirect_dma source(%dma_start3A_843 : memref<20000x64xf32, #tpu.memory_space<hbm>>) target(%dma_start3A_837 : memref<128x64xf32, #tpu.memory_space<vmem>>) offsets(%dma_start3A_840 : memref<128xi32, #tpu.memory_space<vmem>>) semaphore(%arg17 : memref<!tpu.dma_semaphore, #tpu.memory_space<semaphore_mem>>)
      } else {
      }
      %dma_wait3A_781 = arith.constant 5 : i32
      %dma_wait3A_782 = arith.constant 0 : i32
      %dma_wait3A_783 = arith.constant 0 : i32
      %dma_wait3A_784 = arith.constant 0 : i32
      %dma_wait3A_785 = tpu.memref_slice %arg11[%dma_wait3A_781, %dma_wait3A_783, %dma_wait3A_784] : memref<8x128x64xf32, #tpu.memory_space<vmem>> -> memref<1x128x64xf32, #tpu.memory_space<vmem>>
      %dma_wait3A_786 = tpu.memref_squeeze %dma_wait3A_785 : memref<1x128x64xf32, #tpu.memory_space<vmem>> -> memref<128x64xf32, #tpu.memory_space<vmem>>
      %dma_wait3A_787 = arith.constant 0 : i32
      %dma_wait3A_788 = tpu.memref_slice %arg10[%dma_wait3A_782, %dma_wait3A_787] : memref<8x128xi32, #tpu.memory_space<vmem>> -> memref<1x128xi32, #tpu.memory_space<vmem>>
      %dma_wait3A_789 = tpu.memref_squeeze %dma_wait3A_788 : memref<1x128xi32, #tpu.memory_space<vmem>> -> memref<128xi32, #tpu.memory_space<vmem>>
      %dma_wait3A_790 = arith.constant 0 : i32
      %dma_wait3A_791 = arith.constant 0 : i32
      %dma_wait3A_792 = tpu.memref_slice %arg12[%dma_wait3A_790, %dma_wait3A_791] : memref<10240x64xf32, #tpu.memory_space<vmem_shared>> -> memref<10240x64xf32, #tpu.memory_space<vmem_shared>>
      tpu.wait_indirect_dma semaphore(%arg26 : memref<!tpu.dma_semaphore, #tpu.memory_space<semaphore_mem>>) src(%dma_wait3A_786 : memref<128x64xf32, #tpu.memory_space<vmem>>) dst(%dma_wait3A_792 : memref<10240x64xf32, #tpu.memory_space<vmem_shared>>)
      %not3A_793 = arith.constant true
      %not3A_794 = arith.xori %ge3A_493, %not3A_793 : i1
      %convert_element_type3A_795 = arith.extui %not3A_794 : i1 to i32
      %cond3A_796 = arith.constant 0 : i32
      %cond3A_797 = arith.cmpi ne, %convert_element_type3A_795, %cond3A_796 : i32
      scf.if %cond3A_797 {
        %dma_start3A_832 = arith.constant 5 : i32
        %dma_start3A_833 = arith.constant 5 : i32
        %dma_start3A_834 = arith.constant 0 : i32
        %dma_start3A_835 = arith.constant 0 : i32
        %dma_start3A_836 = tpu.memref_slice %arg11[%dma_start3A_833, %dma_start3A_834, %dma_start3A_835] : memref<8x128x64xf32, #tpu.memory_space<vmem>> -> memref<1x128x64xf32, #tpu.memory_space<vmem>>
        %dma_start3A_837 = tpu.memref_squeeze %dma_start3A_836 : memref<1x128x64xf32, #tpu.memory_space<vmem>> -> memref<128x64xf32, #tpu.memory_space<vmem>>
        %dma_start3A_838 = arith.constant 0 : i32
        %dma_start3A_839 = tpu.memref_slice %arg7[%dma_start3A_832, %dma_start3A_838] : memref<8x128xi32, #tpu.memory_space<vmem>> -> memref<1x128xi32, #tpu.memory_space<vmem>>
        %dma_start3A_840 = tpu.memref_squeeze %dma_start3A_839 : memref<1x128xi32, #tpu.memory_space<vmem>> -> memref<128xi32, #tpu.memory_space<vmem>>
        %dma_start3A_841 = arith.constant 0 : i32
        %dma_start3A_842 = arith.constant 0 : i32
        %dma_start3A_843 = tpu.memref_slice %arg2[%dma_start3A_841, %dma_start3A_842] : memref<20000x64xf32, #tpu.memory_space<hbm>> -> memref<20000x64xf32, #tpu.memory_space<hbm>>
        tpu.enqueue_indirect_dma source(%dma_start3A_843 : memref<20000x64xf32, #tpu.memory_space<hbm>>) target(%dma_start3A_837 : memref<128x64xf32, #tpu.memory_space<vmem>>) offsets(%dma_start3A_840 : memref<128xi32, #tpu.memory_space<vmem>>) semaphore(%arg18 : memref<!tpu.dma_semaphore, #tpu.memory_space<semaphore_mem>>)
      } else {
      }
      %dma_wait3A_798 = arith.constant 6 : i32
      %dma_wait3A_799 = arith.constant 0 : i32
      %dma_wait3A_800 = arith.constant 0 : i32
      %dma_wait3A_801 = arith.constant 0 : i32
      %dma_wait3A_802 = tpu.memref_slice %arg11[%dma_wait3A_798, %dma_wait3A_800, %dma_wait3A_801] : memref<8x128x64xf32, #tpu.memory_space<vmem>> -> memref<1x128x64xf32, #tpu.memory_space<vmem>>
      %dma_wait3A_803 = tpu.memref_squeeze %dma_wait3A_802 : memref<1x128x64xf32, #tpu.memory_space<vmem>> -> memref<128x64xf32, #tpu.memory_space<vmem>>
      %dma_wait3A_804 = arith.constant 0 : i32
      %dma_wait3A_805 = tpu.memref_slice %arg10[%dma_wait3A_799, %dma_wait3A_804] : memref<8x128xi32, #tpu.memory_space<vmem>> -> memref<1x128xi32, #tpu.memory_space<vmem>>
      %dma_wait3A_806 = tpu.memref_squeeze %dma_wait3A_805 : memref<1x128xi32, #tpu.memory_space<vmem>> -> memref<128xi32, #tpu.memory_space<vmem>>
      %dma_wait3A_807 = arith.constant 0 : i32
      %dma_wait3A_808 = arith.constant 0 : i32
      %dma_wait3A_809 = tpu.memref_slice %arg12[%dma_wait3A_807, %dma_wait3A_808] : memref<10240x64xf32, #tpu.memory_space<vmem_shared>> -> memref<10240x64xf32, #tpu.memory_space<vmem_shared>>
      tpu.wait_indirect_dma semaphore(%arg27 : memref<!tpu.dma_semaphore, #tpu.memory_space<semaphore_mem>>) src(%dma_wait3A_803 : memref<128x64xf32, #tpu.memory_space<vmem>>) dst(%dma_wait3A_809 : memref<10240x64xf32, #tpu.memory_space<vmem_shared>>)
      %not3A_810 = arith.constant true
      %not3A_811 = arith.xori %ge3A_493, %not3A_810 : i1
      %convert_element_type3A_812 = arith.extui %not3A_811 : i1 to i32
      %cond3A_813 = arith.constant 0 : i32
      %cond3A_814 = arith.cmpi ne, %convert_element_type3A_812, %cond3A_813 : i32
      scf.if %cond3A_814 {
        %dma_start3A_832 = arith.constant 6 : i32
        %dma_start3A_833 = arith.constant 6 : i32
        %dma_start3A_834 = arith.constant 0 : i32
        %dma_start3A_835 = arith.constant 0 : i32
        %dma_start3A_836 = tpu.memref_slice %arg11[%dma_start3A_833, %dma_start3A_834, %dma_start3A_835] : memref<8x128x64xf32, #tpu.memory_space<vmem>> -> memref<1x128x64xf32, #tpu.memory_space<vmem>>
        %dma_start3A_837 = tpu.memref_squeeze %dma_start3A_836 : memref<1x128x64xf32, #tpu.memory_space<vmem>> -> memref<128x64xf32, #tpu.memory_space<vmem>>
        %dma_start3A_838 = arith.constant 0 : i32
        %dma_start3A_839 = tpu.memref_slice %arg7[%dma_start3A_832, %dma_start3A_838] : memref<8x128xi32, #tpu.memory_space<vmem>> -> memref<1x128xi32, #tpu.memory_space<vmem>>
        %dma_start3A_840 = tpu.memref_squeeze %dma_start3A_839 : memref<1x128xi32, #tpu.memory_space<vmem>> -> memref<128xi32, #tpu.memory_space<vmem>>
        %dma_start3A_841 = arith.constant 0 : i32
        %dma_start3A_842 = arith.constant 0 : i32
        %dma_start3A_843 = tpu.memref_slice %arg2[%dma_start3A_841, %dma_start3A_842] : memref<20000x64xf32, #tpu.memory_space<hbm>> -> memref<20000x64xf32, #tpu.memory_space<hbm>>
        tpu.enqueue_indirect_dma source(%dma_start3A_843 : memref<20000x64xf32, #tpu.memory_space<hbm>>) target(%dma_start3A_837 : memref<128x64xf32, #tpu.memory_space<vmem>>) offsets(%dma_start3A_840 : memref<128xi32, #tpu.memory_space<vmem>>) semaphore(%arg19 : memref<!tpu.dma_semaphore, #tpu.memory_space<semaphore_mem>>)
      } else {
      }
      %dma_wait3A_815 = arith.constant 7 : i32
      %dma_wait3A_816 = arith.constant 0 : i32
      %dma_wait3A_817 = arith.constant 0 : i32
      %dma_wait3A_818 = arith.constant 0 : i32
      %dma_wait3A_819 = tpu.memref_slice %arg11[%dma_wait3A_815, %dma_wait3A_817, %dma_wait3A_818] : memref<8x128x64xf32, #tpu.memory_space<vmem>> -> memref<1x128x64xf32, #tpu.memory_space<vmem>>
      %dma_wait3A_820 = tpu.memref_squeeze %dma_wait3A_819 : memref<1x128x64xf32, #tpu.memory_space<vmem>> -> memref<128x64xf32, #tpu.memory_space<vmem>>
      %dma_wait3A_821 = arith.constant 0 : i32
      %dma_wait3A_822 = tpu.memref_slice %arg10[%dma_wait3A_816, %dma_wait3A_821] : memref<8x128xi32, #tpu.memory_space<vmem>> -> memref<1x128xi32, #tpu.memory_space<vmem>>
      %dma_wait3A_823 = tpu.memref_squeeze %dma_wait3A_822 : memref<1x128xi32, #tpu.memory_space<vmem>> -> memref<128xi32, #tpu.memory_space<vmem>>
      %dma_wait3A_824 = arith.constant 0 : i32
      %dma_wait3A_825 = arith.constant 0 : i32
      %dma_wait3A_826 = tpu.memref_slice %arg12[%dma_wait3A_824, %dma_wait3A_825] : memref<10240x64xf32, #tpu.memory_space<vmem_shared>> -> memref<10240x64xf32, #tpu.memory_space<vmem_shared>>
      tpu.wait_indirect_dma semaphore(%arg28 : memref<!tpu.dma_semaphore, #tpu.memory_space<semaphore_mem>>) src(%dma_wait3A_820 : memref<128x64xf32, #tpu.memory_space<vmem>>) dst(%dma_wait3A_826 : memref<10240x64xf32, #tpu.memory_space<vmem_shared>>)
      %not3A_827 = arith.constant true
      %not3A_828 = arith.xori %ge3A_493, %not3A_827 : i1
      %convert_element_type3A_829 = arith.extui %not3A_828 : i1 to i32
      %cond3A_830 = arith.constant 0 : i32
      %cond3A_831 = arith.cmpi ne, %convert_element_type3A_829, %cond3A_830 : i32
      scf.if %cond3A_831 {
        %dma_start3A_832 = arith.constant 7 : i32
        %dma_start3A_833 = arith.constant 7 : i32
        %dma_start3A_834 = arith.constant 0 : i32
        %dma_start3A_835 = arith.constant 0 : i32
        %dma_start3A_836 = tpu.memref_slice %arg11[%dma_start3A_833, %dma_start3A_834, %dma_start3A_835] : memref<8x128x64xf32, #tpu.memory_space<vmem>> -> memref<1x128x64xf32, #tpu.memory_space<vmem>>
        %dma_start3A_837 = tpu.memref_squeeze %dma_start3A_836 : memref<1x128x64xf32, #tpu.memory_space<vmem>> -> memref<128x64xf32, #tpu.memory_space<vmem>>
        %dma_start3A_838 = arith.constant 0 : i32
        %dma_start3A_839 = tpu.memref_slice %arg7[%dma_start3A_832, %dma_start3A_838] : memref<8x128xi32, #tpu.memory_space<vmem>> -> memref<1x128xi32, #tpu.memory_space<vmem>>
        %dma_start3A_840 = tpu.memref_squeeze %dma_start3A_839 : memref<1x128xi32, #tpu.memory_space<vmem>> -> memref<128xi32, #tpu.memory_space<vmem>>
        %dma_start3A_841 = arith.constant 0 : i32
        %dma_start3A_842 = arith.constant 0 : i32
        %dma_start3A_843 = tpu.memref_slice %arg2[%dma_start3A_841, %dma_start3A_842] : memref<20000x64xf32, #tpu.memory_space<hbm>> -> memref<20000x64xf32, #tpu.memory_space<hbm>>
        tpu.enqueue_indirect_dma source(%dma_start3A_843 : memref<20000x64xf32, #tpu.memory_space<hbm>>) target(%dma_start3A_837 : memref<128x64xf32, #tpu.memory_space<vmem>>) offsets(%dma_start3A_840 : memref<128xi32, #tpu.memory_space<vmem>>) semaphore(%arg20 : memref<!tpu.dma_semaphore, #tpu.memory_space<semaphore_mem>>)
      } else {
      }
    }
    %scan3A_143 = arith.constant 10 : i32
    %barrier3A_144 = arith.constant 0 : index
    tpu.barrier barrier_id(%barrier3A_144)
    %mul3A_145 = arith.constant 640 : i32
    %mul3A_146 = arith.muli %arg1, %mul3A_145 : i32
    %mul3A_147 = arith.constant 640 : i32
    %mul3A_148 = arith.muli %arg1, %mul3A_147 : i32
    "tpu.region"() ({
      %run_scoped3A_149 = tpu.sem_alloc : memref<!tpu.dma_semaphore, #tpu.memory_space<semaphore_mem>>
      %dma_start3A_150 = arith.constant 0 : i32
      %dma_start3A_151 = tpu.memref_slice %arg6[%arg0, %mul3A_148, %dma_start3A_150] : memref<2x10240x64xf32, #tpu.memory_space<hbm>> -> memref<1x640x64xf32, #tpu.memory_space<hbm>>
      %dma_start3A_152 = tpu.memref_squeeze %dma_start3A_151 : memref<1x640x64xf32, #tpu.memory_space<hbm>> -> memref<640x64xf32, #tpu.memory_space<hbm>>
      %dma_start3A_153 = arith.constant 0 : i32
      %dma_start3A_154 = tpu.memref_slice %arg12[%mul3A_146, %dma_start3A_153] : memref<10240x64xf32, #tpu.memory_space<vmem_shared>> -> memref<640x64xf32, #tpu.memory_space<vmem_shared>>
      tpu.enqueue_dma source(%dma_start3A_154 : memref<640x64xf32, #tpu.memory_space<vmem_shared>>) target(%dma_start3A_152 : memref<640x64xf32, #tpu.memory_space<hbm>>) target_semaphore(%run_scoped3A_149 : memref<!tpu.dma_semaphore, #tpu.memory_space<semaphore_mem>>)
      %dma_wait3A_155 = arith.constant 0 : i32
      %dma_wait3A_156 = tpu.memref_slice %arg6[%arg0, %mul3A_148, %dma_wait3A_155] : memref<2x10240x64xf32, #tpu.memory_space<hbm>> -> memref<1x640x64xf32, #tpu.memory_space<hbm>>
      %dma_wait3A_157 = tpu.memref_squeeze %dma_wait3A_156 : memref<1x640x64xf32, #tpu.memory_space<hbm>> -> memref<640x64xf32, #tpu.memory_space<hbm>>
      %dma_wait3A_158 = arith.constant 0 : i32
      %dma_wait3A_159 = tpu.memref_slice %arg12[%mul3A_146, %dma_wait3A_158] : memref<10240x64xf32, #tpu.memory_space<vmem_shared>> -> memref<640x64xf32, #tpu.memory_space<vmem_shared>>
      tpu.wait_dma2 semaphore(%run_scoped3A_149 : memref<!tpu.dma_semaphore, #tpu.memory_space<semaphore_mem>>) src(%dma_wait3A_159 : memref<640x64xf32, #tpu.memory_space<vmem_shared>>) dst(%dma_wait3A_157 : memref<640x64xf32, #tpu.memory_space<hbm>>)
      tpu.yield
    }) : () -> ()
    return
  }
}

module attributes {stable_mosaic.version = 14 : i64} {
  func.func @_mlp_in_kernel(%arg0: i32, %arg1: memref<1000x128xf32, #tpu.memory_space<vmem>>, %arg2: memref<128x128xf32, #tpu.memory_space<vmem>>, %arg3: memref<1x128xf32, #tpu.memory_space<vmem>>, %arg4: memref<2x1000x64xf32, #tpu.memory_space<vmem>>) attributes {dimension_semantics = [#tpu.dimension_semantics<arbitrary>], iteration_bounds = array<i64: 10>, scalar_prefetch = 0 : i64, scratch_operands = 0 : i64, tpu.core_type = #tpu.core_type<tc>, window_params = [{transform_indices = @transform_0, window_bounds = array<i64: 1000, 128>}, {pipeline_mode = #tpu.pipeline_mode<synchronous>, transform_indices = @transform_1, window_bounds = array<i64: 128, 128>}, {pipeline_mode = #tpu.pipeline_mode<synchronous>, transform_indices = @transform_2, window_bounds = array<i64: 1, 128>}, {transform_indices = @transform_3, window_bounds = array<i64: 2, 1000, 64>}]} {
    %get3A = arith.constant 0 : index
    %get3A_0 = arith.constant 0 : index
    %get3A_1 = vector.load %arg1[%get3A, %get3A_0] : memref<1000x128xf32, #tpu.memory_space<vmem>>, vector<1000x128xf32>
    %get3A_2 = arith.constant 0 : index
    %get3A_3 = arith.constant 0 : index
    %get3A_4 = vector.load %arg2[%get3A_2, %get3A_3] : memref<128x128xf32, #tpu.memory_space<vmem>>, vector<128x128xf32>
    %dot_general3A = arith.constant dense<0.000000e+00> : vector<1000x128xf32>
    %dot_general3A_5 = tpu.matmul %get3A_1, %get3A_4, %dot_general3A {dimension_numbers = #tpu.dot_dimension_numbers<[1], [0], [0], [1], [0, 0, 1, 1], [], []>, transpose_lhs_hint = false} : vector<1000x128xf32>, vector<128x128xf32>, vector<1000x128xf32> -> vector<1000x128xf32>
    %get3A_6 = arith.constant 0 : index
    %get3A_7 = arith.constant 0 : index
    %get3A_8 = vector.load %arg3[%get3A_6, %get3A_7] : memref<1x128xf32, #tpu.memory_space<vmem>>, vector<1x128xf32>
    %add3A = vector.broadcast %get3A_8 : vector<1x128xf32> to vector<1000x128xf32>
    %add3A_9 = arith.addf %dot_general3A_5, %add3A : vector<1000x128xf32>
    %gt3A = arith.constant 0.000000e+00 : f32
    %gt3A_10 = vector.broadcast %gt3A : f32 to vector<1000x128xf32>
    %gt3A_11 = arith.cmpf ogt, %add3A_9, %gt3A_10 : vector<1000x128xf32>
    %min3A = arith.constant 0.000000e+00 : f32
    %min3A_12 = vector.broadcast %min3A : f32 to vector<1000x128xf32>
    %min3A_13 = arith.minimumf %add3A_9, %min3A_12 : vector<1000x128xf32>
    %exp3A = math.exp %min3A_13 : vector<1000x128xf32>
    %sub3A = arith.constant 1.000000e+00 : f32
    %sub3A_14 = vector.broadcast %sub3A : f32 to vector<1000x128xf32>
    %sub3A_15 = arith.subf %exp3A, %sub3A_14 : vector<1000x128xf32>
    %select_n3A = arith.select %gt3A_11, %add3A_9, %sub3A_15 : vector<1000x128xi1>, vector<1000x128xf32>
    %slice3A = vector.extract_strided_slice %select_n3A {offsets = [0, 0], sizes = [1000, 64], strides = [1, 1]} : vector<1000x128xf32> to vector<1000x64xf32>
    %swap3A = arith.constant 0 : index
    %swap3A_16 = arith.constant 0 : index
    %swap3A_17 = arith.constant 0 : index
    %swap3A_18 = vector.load %arg4[%swap3A, %swap3A_16, %swap3A_17] : memref<2x1000x64xf32, #tpu.memory_space<vmem>>, vector<1x1000x64xf32>
    %swap3A_19 = vector.shape_cast %swap3A_18 : vector<1x1000x64xf32> to vector<1000x64xf32>
    %swap3A_20 = vector.shape_cast %slice3A : vector<1000x64xf32> to vector<1x1000x64xf32>
    tpu.vector_store %arg4[%swap3A, %swap3A_16, %swap3A_17], %swap3A_20 {strides = array<i32>} : memref<2x1000x64xf32, #tpu.memory_space<vmem>>, vector<1x1000x64xf32>,
    %slice3A_21 = vector.extract_strided_slice %select_n3A {offsets = [0, 64], sizes = [1000, 64], strides = [1, 1]} : vector<1000x128xf32> to vector<1000x64xf32>
    %swap3A_22 = arith.constant 1 : index
    %swap3A_23 = arith.constant 0 : index
    %swap3A_24 = arith.constant 0 : index
    %swap3A_25 = vector.load %arg4[%swap3A_22, %swap3A_23, %swap3A_24] : memref<2x1000x64xf32, #tpu.memory_space<vmem>>, vector<1x1000x64xf32>
    %swap3A_26 = vector.shape_cast %swap3A_25 : vector<1x1000x64xf32> to vector<1000x64xf32>
    %swap3A_27 = vector.shape_cast %slice3A_21 : vector<1000x64xf32> to vector<1x1000x64xf32>
    tpu.vector_store %arg4[%swap3A_22, %swap3A_23, %swap3A_24], %swap3A_27 {strides = array<i32>} : memref<2x1000x64xf32, #tpu.memory_space<vmem>>, vector<1x1000x64xf32>,
    return
  }
  func.func @transform_0(%arg0: i32) -> (i32, i32) {
    %c0_i32 = arith.constant 0 : i32
    %c0_i32_0 = arith.constant 0 : i32
    return %arg0, %c0_i32 : i32, i32
  }
  func.func @transform_1(%arg0: i32) -> (i32, i32) {
    %c0_i32 = arith.constant 0 : i32
    %c0_i32_0 = arith.constant 0 : i32
    %c0_i32_1 = arith.constant 0 : i32
    return %c0_i32, %c0_i32_0 : i32, i32
  }
  func.func @transform_2(%arg0: i32) -> (i32, i32) {
    %c0_i32 = arith.constant 0 : i32
    %c0_i32_0 = arith.constant 0 : i32
    %c0_i32_1 = arith.constant 0 : i32
    return %c0_i32, %c0_i32_0 : i32, i32
  }
  func.func @transform_3(%arg0: i32) -> (i32, i32, i32) {
    %c0_i32 = arith.constant 0 : i32
    %c0_i32_0 = arith.constant 0 : i32
    %c0_i32_1 = arith.constant 0 : i32
    return %c0_i32, %arg0, %c0_i32_0 : i32, i32, i32
  }
}

module attributes {stable_mosaic.version = 14 : i64} {
  func.func @_gin_kernel(%arg0: i32, %arg1: memref<2x1000x64xf32, #tpu.memory_space<vmem>>, %arg2: memref<2x1000x64xf32, #tpu.memory_space<vmem>>, %arg3: memref<128x128xf32, #tpu.memory_space<vmem>>, %arg4: memref<1x128xf32, #tpu.memory_space<vmem>>, %arg5: memref<128x128xf32, #tpu.memory_space<vmem>>, %arg6: memref<1x128xf32, #tpu.memory_space<vmem>>, %arg7: memref<2x1000x64xf32, #tpu.memory_space<vmem>>, %arg8: memref<1x1x128xf32, #tpu.memory_space<vmem>>, %arg9: memref<1x1x128xf32, #tpu.memory_space<vmem>>) attributes {dimension_semantics = [#tpu.dimension_semantics<arbitrary>], iteration_bounds = array<i64: 10>, scalar_prefetch = 0 : i64, scratch_operands = 0 : i64, tpu.core_type = #tpu.core_type<tc>, window_params = [{transform_indices = @transform_0, window_bounds = array<i64: 2, 1000, 64>}, {transform_indices = @transform_1, window_bounds = array<i64: 2, 1000, 64>}, {pipeline_mode = #tpu.pipeline_mode<synchronous>, transform_indices = @transform_2, window_bounds = array<i64: 128, 128>}, {pipeline_mode = #tpu.pipeline_mode<synchronous>, transform_indices = @transform_3, window_bounds = array<i64: 1, 128>}, {pipeline_mode = #tpu.pipeline_mode<synchronous>, transform_indices = @transform_4, window_bounds = array<i64: 128, 128>}, {pipeline_mode = #tpu.pipeline_mode<synchronous>, transform_indices = @transform_5, window_bounds = array<i64: 1, 128>}, {transform_indices = @transform_6, window_bounds = array<i64: 2, 1000, 64>}, {transform_indices = @transform_7, window_bounds = array<i64: 1, 1, 128>}, {transform_indices = @transform_8, window_bounds = array<i64: 1, 1, 128>}]} {
    %get3A = arith.constant 0 : index
    %get3A_0 = arith.constant 0 : index
    %get3A_1 = arith.constant 0 : index
    %get3A_2 = vector.load %arg1[%get3A, %get3A_0, %get3A_1] : memref<2x1000x64xf32, #tpu.memory_space<vmem>>, vector<1x1000x64xf32>
    %get3A_3 = vector.shape_cast %get3A_2 : vector<1x1000x64xf32> to vector<1000x64xf32>
    %get3A_4 = arith.constant 1 : index
    %get3A_5 = arith.constant 0 : index
    %get3A_6 = arith.constant 0 : index
    %get3A_7 = vector.load %arg1[%get3A_4, %get3A_5, %get3A_6] : memref<2x1000x64xf32, #tpu.memory_space<vmem>>, vector<1x1000x64xf32>
    %get3A_8 = vector.shape_cast %get3A_7 : vector<1x1000x64xf32> to vector<1000x64xf32>
    %concatenate3A = tpu.concatenate %get3A_3, %get3A_8 in 1 : vector<1000x64xf32>, vector<1000x64xf32> -> vector<1000x128xf32>
    %get3A_9 = arith.constant 0 : index
    %get3A_10 = arith.constant 0 : index
    %get3A_11 = arith.constant 0 : index
    %get3A_12 = vector.load %arg2[%get3A_9, %get3A_10, %get3A_11] : memref<2x1000x64xf32, #tpu.memory_space<vmem>>, vector<1x1000x64xf32>
    %get3A_13 = vector.shape_cast %get3A_12 : vector<1x1000x64xf32> to vector<1000x64xf32>
    %get3A_14 = arith.constant 1 : index
    %get3A_15 = arith.constant 0 : index
    %get3A_16 = arith.constant 0 : index
    %get3A_17 = vector.load %arg2[%get3A_14, %get3A_15, %get3A_16] : memref<2x1000x64xf32, #tpu.memory_space<vmem>>, vector<1x1000x64xf32>
    %get3A_18 = vector.shape_cast %get3A_17 : vector<1x1000x64xf32> to vector<1000x64xf32>
    %concatenate3A_19 = tpu.concatenate %get3A_13, %get3A_18 in 1 : vector<1000x64xf32>, vector<1000x64xf32> -> vector<1000x128xf32>
    %mul3A = arith.constant 2.000000e+00 : f32
    %mul3A_20 = vector.broadcast %mul3A : f32 to vector<1000x128xf32>
    %mul3A_21 = arith.mulf %mul3A_20, %concatenate3A : vector<1000x128xf32>
    %add3A = arith.addf %mul3A_21, %concatenate3A_19 : vector<1000x128xf32>
    %get3A_22 = arith.constant 0 : index
    %get3A_23 = arith.constant 0 : index
    %get3A_24 = vector.load %arg3[%get3A_22, %get3A_23] : memref<128x128xf32, #tpu.memory_space<vmem>>, vector<128x128xf32>
    %dot_general3A = arith.constant dense<0.000000e+00> : vector<1000x128xf32>
    %dot_general3A_25 = tpu.matmul %add3A, %get3A_24, %dot_general3A {dimension_numbers = #tpu.dot_dimension_numbers<[1], [0], [0], [1], [0, 0, 1, 1], [], []>, transpose_lhs_hint = false} : vector<1000x128xf32>, vector<128x128xf32>, vector<1000x128xf32> -> vector<1000x128xf32>
    %get3A_26 = arith.constant 0 : index
    %get3A_27 = arith.constant 0 : index
    %get3A_28 = vector.load %arg4[%get3A_26, %get3A_27] : memref<1x128xf32, #tpu.memory_space<vmem>>, vector<1x128xf32>
    %add3A_29 = vector.broadcast %get3A_28 : vector<1x128xf32> to vector<1000x128xf32>
    %add3A_30 = arith.addf %dot_general3A_25, %add3A_29 : vector<1000x128xf32>
    %max3A = arith.constant 0.000000e+00 : f32
    %max3A_31 = vector.broadcast %max3A : f32 to vector<1000x128xf32>
    %max3A_32 = arith.maximumf %add3A_30, %max3A_31 : vector<1000x128xf32>
    %get3A_33 = arith.constant 0 : index
    %get3A_34 = arith.constant 0 : index
    %get3A_35 = vector.load %arg5[%get3A_33, %get3A_34] : memref<128x128xf32, #tpu.memory_space<vmem>>, vector<128x128xf32>
    %dot_general3A_36 = arith.constant dense<0.000000e+00> : vector<1000x128xf32>
    %dot_general3A_37 = tpu.matmul %max3A_32, %get3A_35, %dot_general3A_36 {dimension_numbers = #tpu.dot_dimension_numbers<[1], [0], [0], [1], [0, 0, 1, 1], [], []>, transpose_lhs_hint = false} : vector<1000x128xf32>, vector<128x128xf32>, vector<1000x128xf32> -> vector<1000x128xf32>
    %get3A_38 = arith.constant 0 : index
    %get3A_39 = arith.constant 0 : index
    %get3A_40 = vector.load %arg6[%get3A_38, %get3A_39] : memref<1x128xf32, #tpu.memory_space<vmem>>, vector<1x128xf32>
    %add3A_41 = vector.broadcast %get3A_40 : vector<1x128xf32> to vector<1000x128xf32>
    %add3A_42 = arith.addf %dot_general3A_37, %add3A_41 : vector<1000x128xf32>
    %gt3A = arith.constant 0.000000e+00 : f32
    %gt3A_43 = vector.broadcast %gt3A : f32 to vector<1000x128xf32>
    %gt3A_44 = arith.cmpf ogt, %add3A_42, %gt3A_43 : vector<1000x128xf32>
    %min3A = arith.constant 0.000000e+00 : f32
    %min3A_45 = vector.broadcast %min3A : f32 to vector<1000x128xf32>
    %min3A_46 = arith.minimumf %add3A_42, %min3A_45 : vector<1000x128xf32>
    %exp3A = math.exp %min3A_46 : vector<1000x128xf32>
    %sub3A = arith.constant 1.000000e+00 : f32
    %sub3A_47 = vector.broadcast %sub3A : f32 to vector<1000x128xf32>
    %sub3A_48 = arith.subf %exp3A, %sub3A_47 : vector<1000x128xf32>
    %select_n3A = arith.select %gt3A_44, %add3A_42, %sub3A_48 : vector<1000x128xi1>, vector<1000x128xf32>
    %slice3A = vector.extract_strided_slice %select_n3A {offsets = [0, 0], sizes = [1000, 64], strides = [1, 1]} : vector<1000x128xf32> to vector<1000x64xf32>
    %swap3A = arith.constant 0 : index
    %swap3A_49 = arith.constant 0 : index
    %swap3A_50 = arith.constant 0 : index
    %swap3A_51 = vector.load %arg7[%swap3A, %swap3A_49, %swap3A_50] : memref<2x1000x64xf32, #tpu.memory_space<vmem>>, vector<1x1000x64xf32>
    %swap3A_52 = vector.shape_cast %swap3A_51 : vector<1x1000x64xf32> to vector<1000x64xf32>
    %swap3A_53 = vector.shape_cast %slice3A : vector<1000x64xf32> to vector<1x1000x64xf32>
    tpu.vector_store %arg7[%swap3A, %swap3A_49, %swap3A_50], %swap3A_53 {strides = array<i32>} : memref<2x1000x64xf32, #tpu.memory_space<vmem>>, vector<1x1000x64xf32>,
    %slice3A_54 = vector.extract_strided_slice %select_n3A {offsets = [0, 64], sizes = [1000, 64], strides = [1, 1]} : vector<1000x128xf32> to vector<1000x64xf32>
    %swap3A_55 = arith.constant 1 : index
    %swap3A_56 = arith.constant 0 : index
    %swap3A_57 = arith.constant 0 : index
    %swap3A_58 = vector.load %arg7[%swap3A_55, %swap3A_56, %swap3A_57] : memref<2x1000x64xf32, #tpu.memory_space<vmem>>, vector<1x1000x64xf32>
    %swap3A_59 = vector.shape_cast %swap3A_58 : vector<1x1000x64xf32> to vector<1000x64xf32>
    %swap3A_60 = vector.shape_cast %slice3A_54 : vector<1000x64xf32> to vector<1x1000x64xf32>
    tpu.vector_store %arg7[%swap3A_55, %swap3A_56, %swap3A_57], %swap3A_60 {strides = array<i32>} : memref<2x1000x64xf32, #tpu.memory_space<vmem>>, vector<1x1000x64xf32>,
    %reduce_sum3A = arith.constant dense<0.000000e+00> : vector<128xf32>
    %reduce_sum3A_61 = vector.multi_reduction <add>, %select_n3A, %reduce_sum3A [0] : vector<1000x128xf32> to vector<128xf32>
    %broadcast_in_dim3A = vector.shape_cast %reduce_sum3A_61 : vector<128xf32> to vector<1x128xf32>
    %reshape3A = vector.shape_cast %broadcast_in_dim3A : vector<1x128xf32> to vector<1x1x128xf32>
    %swap3A_62 = arith.constant 0 : index
    %swap3A_63 = arith.constant 0 : index
    %swap3A_64 = arith.constant 0 : index
    %swap3A_65 = vector.load %arg8[%swap3A_62, %swap3A_63, %swap3A_64] : memref<1x1x128xf32, #tpu.memory_space<vmem>>, vector<1x1x128xf32>
    tpu.vector_store %arg8[%swap3A_62, %swap3A_63, %swap3A_64], %reshape3A {strides = array<i32>} : memref<1x1x128xf32, #tpu.memory_space<vmem>>, vector<1x1x128xf32>,
    %mul3A_66 = arith.mulf %select_n3A, %select_n3A : vector<1000x128xf32>
    %reduce_sum3A_67 = arith.constant dense<0.000000e+00> : vector<128xf32>
    %reduce_sum3A_68 = vector.multi_reduction <add>, %mul3A_66, %reduce_sum3A_67 [0] : vector<1000x128xf32> to vector<128xf32>
    %broadcast_in_dim3A_69 = vector.shape_cast %reduce_sum3A_68 : vector<128xf32> to vector<1x128xf32>
    %reshape3A_70 = vector.shape_cast %broadcast_in_dim3A_69 : vector<1x128xf32> to vector<1x1x128xf32>
    %swap3A_71 = arith.constant 0 : index
    %swap3A_72 = arith.constant 0 : index
    %swap3A_73 = arith.constant 0 : index
    %swap3A_74 = vector.load %arg9[%swap3A_71, %swap3A_72, %swap3A_73] : memref<1x1x128xf32, #tpu.memory_space<vmem>>, vector<1x1x128xf32>
    tpu.vector_store %arg9[%swap3A_71, %swap3A_72, %swap3A_73], %reshape3A_70 {strides = array<i32>} : memref<1x1x128xf32, #tpu.memory_space<vmem>>, vector<1x1x128xf32>,
    return
  }
  func.func @transform_0(%arg0: i32) -> (i32, i32, i32) {
    %c0_i32 = arith.constant 0 : i32
    %c0_i32_0 = arith.constant 0 : i32
    %c0_i32_1 = arith.constant 0 : i32
    return %c0_i32, %arg0, %c0_i32_0 : i32, i32, i32
  }
  func.func @transform_1(%arg0: i32) -> (i32, i32, i32) {
    %c0_i32 = arith.constant 0 : i32
    %c0_i32_0 = arith.constant 0 : i32
    %c0_i32_1 = arith.constant 0 : i32
    return %c0_i32, %arg0, %c0_i32_0 : i32, i32, i32
  }
  func.func @transform_2(%arg0: i32) -> (i32, i32) {
    %c0_i32 = arith.constant 0 : i32
    %c0_i32_0 = arith.constant 0 : i32
    %c0_i32_1 = arith.constant 0 : i32
    return %c0_i32, %c0_i32_0 : i32, i32
  }
  func.func @transform_3(%arg0: i32) -> (i32, i32) {
    %c0_i32 = arith.constant 0 : i32
    %c0_i32_0 = arith.constant 0 : i32
    %c0_i32_1 = arith.constant 0 : i32
    return %c0_i32, %c0_i32_0 : i32, i32
  }
  func.func @transform_4(%arg0: i32) -> (i32, i32) {
    %c0_i32 = arith.constant 0 : i32
    %c0_i32_0 = arith.constant 0 : i32
    %c0_i32_1 = arith.constant 0 : i32
    return %c0_i32, %c0_i32_0 : i32, i32
  }
  func.func @transform_5(%arg0: i32) -> (i32, i32) {
    %c0_i32 = arith.constant 0 : i32
    %c0_i32_0 = arith.constant 0 : i32
    %c0_i32_1 = arith.constant 0 : i32
    return %c0_i32, %c0_i32_0 : i32, i32
  }
  func.func @transform_6(%arg0: i32) -> (i32, i32, i32) {
    %c0_i32 = arith.constant 0 : i32
    %c0_i32_0 = arith.constant 0 : i32
    %c0_i32_1 = arith.constant 0 : i32
    return %c0_i32, %arg0, %c0_i32_0 : i32, i32, i32
  }
  func.func @transform_7(%arg0: i32) -> (i32, i32, i32) {
    %c0_i32 = arith.constant 0 : i32
    %c0_i32_0 = arith.constant 0 : i32
    %c0_i32_1 = arith.constant 0 : i32
    return %arg0, %c0_i32, %c0_i32_0 : i32, i32, i32
  }
  func.func @transform_8(%arg0: i32) -> (i32, i32, i32) {
    %c0_i32 = arith.constant 0 : i32
    %c0_i32_0 = arith.constant 0 : i32
    %c0_i32_1 = arith.constant 0 : i32
    return %arg0, %c0_i32, %c0_i32_0 : i32, i32, i32
  }
}

module attributes {stable_mosaic.version = 14 : i64} {
  func.func @_ln_apply_kernel(%arg0: i32, %arg1: i32, %arg2: memref<1x1000x64xf32, #tpu.memory_space<vmem>>, %arg3: memref<1x1xf32, #tpu.memory_space<smem>>, %arg4: memref<1x1xf32, #tpu.memory_space<smem>>, %arg5: memref<1x1000x64xf32, #tpu.memory_space<vmem>>) attributes {dimension_semantics = [#tpu.dimension_semantics<arbitrary>, #tpu.dimension_semantics<arbitrary>], iteration_bounds = array<i64: 10, 2>, scalar_prefetch = 0 : i64, scratch_operands = 0 : i64, tpu.core_type = #tpu.core_type<tc>, window_params = [{transform_indices = @transform_0, window_bounds = array<i64: 1, 1000, 64>}, {transform_indices = @transform_1, window_bounds = array<i64: 1, 1>}, {transform_indices = @transform_2, window_bounds = array<i64: 1, 1>}, {transform_indices = @transform_3, window_bounds = array<i64: 1, 1000, 64>}]} {
    %get3A = arith.constant 0 : index
    %get3A_0 = arith.constant 0 : index
    %get3A_1 = arith.constant 0 : index
    %get3A_2 = vector.load %arg2[%get3A, %get3A_0, %get3A_1] : memref<1x1000x64xf32, #tpu.memory_space<vmem>>, vector<1x1000x64xf32>
    %get3A_3 = arith.constant 0 : index
    %get3A_4 = arith.constant 0 : index
    %get3A_5 = memref.load %arg3[%get3A_3, %get3A_4] : memref<1x1xf32, #tpu.memory_space<smem>>
    %sub3A = vector.broadcast %get3A_5 : f32 to vector<1x1000x64xf32>
    %sub3A_6 = arith.subf %get3A_2, %sub3A : vector<1x1000x64xf32>
    %get3A_7 = arith.constant 0 : index
    %get3A_8 = arith.constant 0 : index
    %get3A_9 = memref.load %arg4[%get3A_7, %get3A_8] : memref<1x1xf32, #tpu.memory_space<smem>>
    %mul3A = vector.broadcast %get3A_9 : f32 to vector<1x1000x64xf32>
    %mul3A_10 = arith.mulf %sub3A_6, %mul3A : vector<1x1000x64xf32>
    %swap3A = arith.constant 0 : index
    %swap3A_11 = arith.constant 0 : index
    %swap3A_12 = arith.constant 0 : index
    %swap3A_13 = vector.load %arg5[%swap3A, %swap3A_11, %swap3A_12] : memref<1x1000x64xf32, #tpu.memory_space<vmem>>, vector<1x1000x64xf32>
    tpu.vector_store %arg5[%swap3A, %swap3A_11, %swap3A_12], %mul3A_10 {strides = array<i32>} : memref<1x1000x64xf32, #tpu.memory_space<vmem>>, vector<1x1000x64xf32>,
    return
  }
  func.func @transform_0(%arg0: i32, %arg1: i32) -> (i32, i32, i32) {
    %c0_i32 = arith.constant 0 : i32
    %c0_i32_0 = arith.constant 0 : i32
    return %arg1, %arg0, %c0_i32 : i32, i32, i32
  }
  func.func @transform_1(%arg0: i32, %arg1: i32) -> (i32, i32) {
    %c0_i32 = arith.constant 0 : i32
    %c0_i32_0 = arith.constant 0 : i32
    %c0_i32_1 = arith.constant 0 : i32
    return %c0_i32, %c0_i32_0 : i32, i32
  }
  func.func @transform_2(%arg0: i32, %arg1: i32) -> (i32, i32) {
    %c0_i32 = arith.constant 0 : i32
    %c0_i32_0 = arith.constant 0 : i32
    %c0_i32_1 = arith.constant 0 : i32
    return %c0_i32, %c0_i32_0 : i32, i32
  }
  func.func @transform_3(%arg0: i32, %arg1: i32) -> (i32, i32, i32) {
    %c0_i32 = arith.constant 0 : i32
    %c0_i32_0 = arith.constant 0 : i32
    return %arg1, %arg0, %c0_i32 : i32, i32, i32
  }
}

module attributes {stable_mosaic.version = 14 : i64} {
  func.func @_readout_kernel(%arg0: i32, %arg1: memref<2x1000x64xf32, #tpu.memory_space<vmem>>, %arg2: memref<2x1000x64xf32, #tpu.memory_space<vmem>>, %arg3: memref<2x1000x64xf32, #tpu.memory_space<vmem>>, %arg4: memref<1x1xf32, #tpu.memory_space<smem>>, %arg5: memref<1x1xf32, #tpu.memory_space<smem>>, %arg6: memref<1x1000x1xf32, #tpu.memory_space<vmem>>, %arg7: memref<1x1x1000xf32, #tpu.memory_space<vmem>>, %arg8: memref<768x128xf32, #tpu.memory_space<vmem>>, %arg9: memref<1x128xf32, #tpu.memory_space<vmem>>, %arg10: memref<128x3xf32, #tpu.memory_space<vmem>>, %arg11: memref<1x3xf32, #tpu.memory_space<vmem>>, %arg12: memref<128x10xf32, #tpu.memory_space<vmem>>, %arg13: memref<1x10xf32, #tpu.memory_space<vmem>>, %arg14: memref<16x10xf32, #tpu.memory_space<vmem>>, %arg15: memref<16x128xf32, #tpu.memory_space<vmem>>, %arg16: memref<16x3xf32, #tpu.memory_space<vmem>>, %arg17: memref<16x384xf32, #tpu.memory_space<vmem>>, %arg18: memref<16x384xf32, #tpu.memory_space<vmem>>, %arg19: memref<16x1xf32, #tpu.memory_space<vmem>>) attributes {dimension_semantics = [#tpu.dimension_semantics<arbitrary>], iteration_bounds = array<i64: 10>, scalar_prefetch = 0 : i64, scratch_operands = 0 : i64, tpu.core_type = #tpu.core_type<tc>, window_params = [{transform_indices = @transform_0, window_bounds = array<i64: 2, 1000, 64>}, {transform_indices = @transform_1, window_bounds = array<i64: 2, 1000, 64>}, {transform_indices = @transform_2, window_bounds = array<i64: 2, 1000, 64>}, {transform_indices = @transform_3, window_bounds = array<i64: 1, 1>}, {transform_indices = @transform_4, window_bounds = array<i64: 1, 1>}, {transform_indices = @transform_5, window_bounds = array<i64: 1, 1000, 1>}, {transform_indices = @transform_6, window_bounds = array<i64: 1, 1, 1000>}, {pipeline_mode = #tpu.pipeline_mode<synchronous>, transform_indices = @transform_7, window_bounds = array<i64: 768, 128>}, {pipeline_mode = #tpu.pipeline_mode<synchronous>, transform_indices = @transform_8, window_bounds = array<i64: 1, 128>}, {pipeline_mode = #tpu.pipeline_mode<synchronous>, transform_indices = @transform_9, window_bounds = array<i64: 128, 3>}, {pipeline_mode = #tpu.pipeline_mode<synchronous>, transform_indices = @transform_10, window_bounds = array<i64: 1, 3>}, {pipeline_mode = #tpu.pipeline_mode<synchronous>, transform_indices = @transform_11, window_bounds = array<i64: 128, 10>}, {pipeline_mode = #tpu.pipeline_mode<synchronous>, transform_indices = @transform_12, window_bounds = array<i64: 1, 10>}, {pipeline_mode = #tpu.pipeline_mode<synchronous>, transform_indices = @transform_13, window_bounds = array<i64: 16, 10>}, {pipeline_mode = #tpu.pipeline_mode<synchronous>, transform_indices = @transform_14, window_bounds = array<i64: 16, 128>}, {pipeline_mode = #tpu.pipeline_mode<synchronous>, transform_indices = @transform_15, window_bounds = array<i64: 16, 3>}, {pipeline_mode = #tpu.pipeline_mode<synchronous>, transform_indices = @transform_16, window_bounds = array<i64: 16, 384>}, {pipeline_mode = #tpu.pipeline_mode<synchronous>, transform_indices = @transform_17, window_bounds = array<i64: 16, 384>}, {pipeline_mode = #tpu.pipeline_mode<synchronous>, transform_indices = @transform_18, window_bounds = array<i64: 16, 1>}]} {
    %get3A = arith.constant 0 : index
    %get3A_0 = arith.constant 0 : index
    %get3A_1 = memref.load %arg4[%get3A, %get3A_0] : memref<1x1xf32, #tpu.memory_space<smem>>
    %get3A_2 = arith.constant 0 : index
    %get3A_3 = arith.constant 0 : index
    %get3A_4 = memref.load %arg5[%get3A_2, %get3A_3] : memref<1x1xf32, #tpu.memory_space<smem>>
    %get3A_5 = arith.constant 0 : index
    %get3A_6 = arith.constant 0 : index
    %get3A_7 = arith.constant 0 : index
    %get3A_8 = vector.load %arg1[%get3A_5, %get3A_6, %get3A_7] : memref<2x1000x64xf32, #tpu.memory_space<vmem>>, vector<1x1000x64xf32>
    %get3A_9 = vector.shape_cast %get3A_8 : vector<1x1000x64xf32> to vector<1000x64xf32>
    %get3A_10 = arith.constant 1 : index
    %get3A_11 = arith.constant 0 : index
    %get3A_12 = arith.constant 0 : index
    %get3A_13 = vector.load %arg1[%get3A_10, %get3A_11, %get3A_12] : memref<2x1000x64xf32, #tpu.memory_space<vmem>>, vector<1x1000x64xf32>
    %get3A_14 = vector.shape_cast %get3A_13 : vector<1x1000x64xf32> to vector<1000x64xf32>
    %get3A_15 = arith.constant 0 : index
    %get3A_16 = arith.constant 0 : index
    %get3A_17 = arith.constant 0 : index
    %get3A_18 = vector.load %arg2[%get3A_15, %get3A_16, %get3A_17] : memref<2x1000x64xf32, #tpu.memory_space<vmem>>, vector<1x1000x64xf32>
    %get3A_19 = vector.shape_cast %get3A_18 : vector<1x1000x64xf32> to vector<1000x64xf32>
    %get3A_20 = arith.constant 1 : index
    %get3A_21 = arith.constant 0 : index
    %get3A_22 = arith.constant 0 : index
    %get3A_23 = vector.load %arg2[%get3A_20, %get3A_21, %get3A_22] : memref<2x1000x64xf32, #tpu.memory_space<vmem>>, vector<1x1000x64xf32>
    %get3A_24 = vector.shape_cast %get3A_23 : vector<1x1000x64xf32> to vector<1000x64xf32>
    %get3A_25 = arith.constant 0 : index
    %get3A_26 = arith.constant 0 : index
    %get3A_27 = arith.constant 0 : index
    %get3A_28 = vector.load %arg3[%get3A_25, %get3A_26, %get3A_27] : memref<2x1000x64xf32, #tpu.memory_space<vmem>>, vector<1x1000x64xf32>
    %get3A_29 = vector.shape_cast %get3A_28 : vector<1x1000x64xf32> to vector<1000x64xf32>
    %sub3A = vector.broadcast %get3A_1 : f32 to vector<1000x64xf32>
    %sub3A_30 = arith.subf %get3A_29, %sub3A : vector<1000x64xf32>
    %mul3A = vector.broadcast %get3A_4 : f32 to vector<1000x64xf32>
    %mul3A_31 = arith.mulf %sub3A_30, %mul3A : vector<1000x64xf32>
    %get3A_32 = arith.constant 1 : index
    %get3A_33 = arith.constant 0 : index
    %get3A_34 = arith.constant 0 : index
    %get3A_35 = vector.load %arg3[%get3A_32, %get3A_33, %get3A_34] : memref<2x1000x64xf32, #tpu.memory_space<vmem>>, vector<1x1000x64xf32>
    %get3A_36 = vector.shape_cast %get3A_35 : vector<1x1000x64xf32> to vector<1000x64xf32>
    %sub3A_37 = vector.broadcast %get3A_1 : f32 to vector<1000x64xf32>
    %sub3A_38 = arith.subf %get3A_36, %sub3A_37 : vector<1000x64xf32>
    %mul3A_39 = vector.broadcast %get3A_4 : f32 to vector<1000x64xf32>
    %mul3A_40 = arith.mulf %sub3A_38, %mul3A_39 : vector<1000x64xf32>
    %concatenate3A = tpu.concatenate %get3A_9, %get3A_14, %get3A_19, %get3A_24, %mul3A_31, %mul3A_40 in 1 : vector<1000x64xf32>, vector<1000x64xf32>, vector<1000x64xf32>, vector<1000x64xf32>, vector<1000x64xf32>, vector<1000x64xf32> -> vector<1000x384xf32>
    %get3A_41 = arith.constant 0 : index
    %get3A_42 = arith.constant 0 : index
    %get3A_43 = arith.constant 0 : index
    %get3A_44 = vector.load %arg6[%get3A_41, %get3A_42, %get3A_43] : memref<1x1000x1xf32, #tpu.memory_space<vmem>>, vector<1x1000x1xf32>
    %get3A_45 = vector.shape_cast %get3A_44 : vector<1x1000x1xf32> to vector<1000x1xf32>
    %get3A_46 = arith.constant 0 : index
    %get3A_47 = arith.constant 0 : index
    %get3A_48 = arith.constant 0 : index
    %get3A_49 = vector.load %arg7[%get3A_46, %get3A_47, %get3A_48] : memref<1x1x1000xf32, #tpu.memory_space<vmem>>, vector<1x1x1000xf32>
    %get3A_50 = vector.shape_cast %get3A_49 : vector<1x1x1000xf32> to vector<1x1000xf32>
    %iota3A = tpu.iota {dimensions = array<i32: 0>} : vector<16x1000xi32>
    %convert_element_type3A = arith.sitofp %iota3A : vector<16x1000xi32> to vector<16x1000xf32>
    %eq3A = vector.broadcast %get3A_50 : vector<1x1000xf32> to vector<16x1000xf32>
    %eq3A_51 = arith.cmpf oeq, %convert_element_type3A, %eq3A : vector<16x1000xf32>
    %convert_element_type3A_52 = arith.extui %eq3A_51 : vector<16x1000xi1> to vector<16x1000xi32>
    %convert_element_type3A_53 = arith.sitofp %convert_element_type3A_52 : vector<16x1000xi32> to vector<16x1000xf32>
    %dot_general3A = arith.constant dense<0.000000e+00> : vector<16x384xf32>
    %dot_general3A_54 = tpu.matmul %convert_element_type3A_53, %concatenate3A, %dot_general3A {dimension_numbers = #tpu.dot_dimension_numbers<[1], [0], [0], [1], [0, 0, 1, 1], [], []>, transpose_lhs_hint = false} : vector<16x1000xf32>, vector<1000x384xf32>, vector<16x384xf32> -> vector<16x384xf32>
    %reduce_sum3A = arith.constant dense<0.000000e+00> : vector<16xf32>
    %reduce_sum3A_55 = vector.multi_reduction <add>, %convert_element_type3A_53, %reduce_sum3A [1] : vector<16x1000xf32> to vector<16xf32>
    %broadcast_in_dim3A = vector.shape_cast %reduce_sum3A_55 : vector<16xf32> to vector<16x1xf32>
    %eq3A_56 = arith.constant 0 : i32
    %eq3A_57 = arith.cmpi eq, %arg0, %eq3A_56 : i32
    %convert_element_type3A_58 = arith.extui %eq3A_57 : i1 to i32
    %cond3A = arith.constant 0 : i32
    %cond3A_59 = arith.cmpi ne, %convert_element_type3A_58, %cond3A : i32
    scf.if %cond3A_59 {
      %broadcast_in_dim3A_210 = arith.constant 0.000000e+00 : f32
      %broadcast_in_dim3A_211 = vector.broadcast %broadcast_in_dim3A_210 : f32 to vector<16x384xf32>
      %swap3A_212 = arith.constant 0 : index
      %swap3A_213 = arith.constant 0 : index
      %swap3A_214 = vector.load %arg17[%swap3A_212, %swap3A_213] : memref<16x384xf32, #tpu.memory_space<vmem>>, vector<16x384xf32>
      tpu.vector_store %arg17[%swap3A_212, %swap3A_213], %broadcast_in_dim3A_211 {strides = array<i32>} : memref<16x384xf32, #tpu.memory_space<vmem>>, vector<16x384xf32>,
      %broadcast_in_dim3A_215 = arith.constant -3.000000e+38 : f32
      %broadcast_in_dim3A_216 = vector.broadcast %broadcast_in_dim3A_215 : f32 to vector<16x384xf32>
      %swap3A_217 = arith.constant 0 : index
      %swap3A_218 = arith.constant 0 : index
      %swap3A_219 = vector.load %arg18[%swap3A_217, %swap3A_218] : memref<16x384xf32, #tpu.memory_space<vmem>>, vector<16x384xf32>
      tpu.vector_store %arg18[%swap3A_217, %swap3A_218], %broadcast_in_dim3A_216 {strides = array<i32>} : memref<16x384xf32, #tpu.memory_space<vmem>>, vector<16x384xf32>,
      %broadcast_in_dim3A_220 = arith.constant 0.000000e+00 : f32
      %broadcast_in_dim3A_221 = vector.broadcast %broadcast_in_dim3A_220 : f32 to vector<16x1xf32>
      %swap3A_222 = arith.constant 0 : index
      %swap3A_223 = arith.constant 0 : index
      %swap3A_224 = vector.load %arg19[%swap3A_222, %swap3A_223] : memref<16x1xf32, #tpu.memory_space<vmem>>, vector<16x1xf32>
      tpu.vector_store %arg19[%swap3A_222, %swap3A_223], %broadcast_in_dim3A_221 {strides = array<i32>} : memref<16x1xf32, #tpu.memory_space<vmem>>, vector<16x1xf32>,
    } else {
    }
    %get3A_60 = arith.constant 0 : index
    %get3A_61 = arith.constant 0 : index
    %get3A_62 = vector.load %arg17[%get3A_60, %get3A_61] : memref<16x384xf32, #tpu.memory_space<vmem>>, vector<16x384xf32>
    %add3A = arith.addf %get3A_62, %dot_general3A_54 : vector<16x384xf32>
    %swap3A = arith.constant 0 : index
    %swap3A_63 = arith.constant 0 : index
    %swap3A_64 = vector.load %arg17[%swap3A, %swap3A_63] : memref<16x384xf32, #tpu.memory_space<vmem>>, vector<16x384xf32>
    tpu.vector_store %arg17[%swap3A, %swap3A_63], %add3A {strides = array<i32>} : memref<16x384xf32, #tpu.memory_space<vmem>>, vector<16x384xf32>,
    %get3A_65 = arith.constant 0 : index
    %get3A_66 = arith.constant 0 : index
    %get3A_67 = vector.load %arg19[%get3A_65, %get3A_66] : memref<16x1xf32, #tpu.memory_space<vmem>>, vector<16x1xf32>
    %add3A_68 = arith.addf %get3A_67, %broadcast_in_dim3A : vector<16x1xf32>
    %swap3A_69 = arith.constant 0 : index
    %swap3A_70 = arith.constant 0 : index
    %swap3A_71 = vector.load %arg19[%swap3A_69, %swap3A_70] : memref<16x1xf32, #tpu.memory_space<vmem>>, vector<16x1xf32>
    tpu.vector_store %arg19[%swap3A_69, %swap3A_70], %add3A_68 {strides = array<i32>} : memref<16x1xf32, #tpu.memory_space<vmem>>, vector<16x1xf32>,
    %reduce_min3A = vector.shape_cast %get3A_45 : vector<1000x1xf32> to vector<1x1000x1xf32>
    %reduce_min3A_72 = arith.constant dense<0x7F800000> : vector<1xf32>
    %reduce_min3A_73 = vector.multi_reduction <minimumf>, %reduce_min3A, %reduce_min3A_72 [1, 2] : vector<1x1000x1xf32> to vector<1xf32>
    %reduce_min3A_74 = vector.shape_cast %reduce_min3A_73 : vector<1xf32> to vector<1x1x1xf32>
    %reduce_min3A_75 = vector.extract %reduce_min3A_74[0, 0, 0] : f32 from vector<1x1x1xf32>
    %reduce_max3A = vector.shape_cast %get3A_45 : vector<1000x1xf32> to vector<1x1000x1xf32>
    %reduce_max3A_76 = arith.constant dense<0xFF800000> : vector<1xf32>
    %reduce_max3A_77 = vector.multi_reduction <maximumf>, %reduce_max3A, %reduce_max3A_76 [1, 2] : vector<1x1000x1xf32> to vector<1xf32>
    %reduce_max3A_78 = vector.shape_cast %reduce_max3A_77 : vector<1xf32> to vector<1x1x1xf32>
    %reduce_max3A_79 = vector.extract %reduce_max3A_78[0, 0, 0] : f32 from vector<1x1x1xf32>
    %ge3A = arith.constant 0.000000e+00 : f32
    %ge3A_80 = arith.cmpf oge, %ge3A, %reduce_min3A_75 : f32
    %le3A = arith.constant 0.000000e+00 : f32
    %le3A_81 = arith.cmpf ole, %le3A, %reduce_max3A_79 : f32
    %and3A = arith.andi %ge3A_80, %le3A_81 : i1
    %convert_element_type3A_82 = arith.extui %and3A : i1 to i32
    %cond3A_83 = arith.constant 0 : i32
    %cond3A_84 = arith.cmpi ne, %convert_element_type3A_82, %cond3A_83 : i32
    scf.if %cond3A_84 {
      %eq3A_210 = arith.constant 0.000000e+00 : f32
      %eq3A_211 = vector.broadcast %eq3A_210 : f32 to vector<1000x1xf32>
      %eq3A_212 = arith.cmpf oeq, %get3A_45, %eq3A_211 : vector<1000x1xf32>
      %jit3A = arith.constant -3.000000e+38 : f32
      %broadcast_in_dim3A_213 = vector.shape_cast %eq3A_212 : vector<1000x1xi1> to vector<1000x1xi1>
      %broadcast_in_dim3A_214 = vector.broadcast %broadcast_in_dim3A_213 : vector<1000x1xi1> to vector<1000x384xi1>
      %broadcast_in_dim3A_215 = vector.broadcast %jit3A : f32 to vector<1000x384xf32>
      %select_n3A = arith.select %broadcast_in_dim3A_214, %concatenate3A, %broadcast_in_dim3A_215 : vector<1000x384xi1>, vector<1000x384xf32>
      %get3A_216 = arith.constant 0 : index
      %get3A_217 = arith.constant 0 : index
      %get3A_218 = vector.load %arg18[%get3A_216, %get3A_217] : memref<16x384xf32, #tpu.memory_space<vmem>>, vector<1x384xf32>
      %reduce_max3A_219 = arith.constant dense<0xFF800000> : vector<384xf32>
      %reduce_max3A_220 = vector.multi_reduction <maximumf>, %select_n3A, %reduce_max3A_219 [0] : vector<1000x384xf32> to vector<384xf32>
      %broadcast_in_dim3A_221 = vector.shape_cast %reduce_max3A_220 : vector<384xf32> to vector<1x384xf32>
      %max3A = arith.maximumf %get3A_218, %broadcast_in_dim3A_221 : vector<1x384xf32>
      %swap3A_222 = arith.constant 0 : index
      %swap3A_223 = arith.constant 0 : index
      %swap3A_224 = vector.load %arg18[%swap3A_222, %swap3A_223] : memref<16x384xf32, #tpu.memory_space<vmem>>, vector<1x384xf32>
      tpu.vector_store %arg18[%swap3A_222, %swap3A_223], %max3A {strides = array<i32>} : memref<16x384xf32, #tpu.memory_space<vmem>>, vector<1x384xf32>,
    } else {
    }
    %ge3A_85 = arith.constant 1.000000e+00 : f32
    %ge3A_86 = arith.cmpf oge, %ge3A_85, %reduce_min3A_75 : f32
    %le3A_87 = arith.constant 1.000000e+00 : f32
    %le3A_88 = arith.cmpf ole, %le3A_87, %reduce_max3A_79 : f32
    %and3A_89 = arith.andi %ge3A_86, %le3A_88 : i1
    %convert_element_type3A_90 = arith.extui %and3A_89 : i1 to i32
    %cond3A_91 = arith.constant 0 : i32
    %cond3A_92 = arith.cmpi ne, %convert_element_type3A_90, %cond3A_91 : i32
    scf.if %cond3A_92 {
      %eq3A_210 = arith.constant 1.000000e+00 : f32
      %eq3A_211 = vector.broadcast %eq3A_210 : f32 to vector<1000x1xf32>
      %eq3A_212 = arith.cmpf oeq, %get3A_45, %eq3A_211 : vector<1000x1xf32>
      %jit3A = arith.constant -3.000000e+38 : f32
      %broadcast_in_dim3A_213 = vector.shape_cast %eq3A_212 : vector<1000x1xi1> to vector<1000x1xi1>
      %broadcast_in_dim3A_214 = vector.broadcast %broadcast_in_dim3A_213 : vector<1000x1xi1> to vector<1000x384xi1>
      %broadcast_in_dim3A_215 = vector.broadcast %jit3A : f32 to vector<1000x384xf32>
      %select_n3A = arith.select %broadcast_in_dim3A_214, %concatenate3A, %broadcast_in_dim3A_215 : vector<1000x384xi1>, vector<1000x384xf32>
      %get3A_216 = arith.constant 1 : index
      %get3A_217 = arith.constant 0 : index
      %get3A_218 = vector.load %arg18[%get3A_216, %get3A_217] : memref<16x384xf32, #tpu.memory_space<vmem>>, vector<1x384xf32>
      %reduce_max3A_219 = arith.constant dense<0xFF800000> : vector<384xf32>
      %reduce_max3A_220 = vector.multi_reduction <maximumf>, %select_n3A, %reduce_max3A_219 [0] : vector<1000x384xf32> to vector<384xf32>
      %broadcast_in_dim3A_221 = vector.shape_cast %reduce_max3A_220 : vector<384xf32> to vector<1x384xf32>
      %max3A = arith.maximumf %get3A_218, %broadcast_in_dim3A_221 : vector<1x384xf32>
      %swap3A_222 = arith.constant 1 : index
      %swap3A_223 = arith.constant 0 : index
      %swap3A_224 = vector.load %arg18[%swap3A_222, %swap3A_223] : memref<16x384xf32, #tpu.memory_space<vmem>>, vector<1x384xf32>
      tpu.vector_store %arg18[%swap3A_222, %swap3A_223], %max3A {strides = array<i32>} : memref<16x384xf32, #tpu.memory_space<vmem>>, vector<1x384xf32>,
    } else {
    }
    %ge3A_93 = arith.constant 2.000000e+00 : f32
    %ge3A_94 = arith.cmpf oge, %ge3A_93, %reduce_min3A_75 : f32
    %le3A_95 = arith.constant 2.000000e+00 : f32
    %le3A_96 = arith.cmpf ole, %le3A_95, %reduce_max3A_79 : f32
    %and3A_97 = arith.andi %ge3A_94, %le3A_96 : i1
    %convert_element_type3A_98 = arith.extui %and3A_97 : i1 to i32
    %cond3A_99 = arith.constant 0 : i32
    %cond3A_100 = arith.cmpi ne, %convert_element_type3A_98, %cond3A_99 : i32
    scf.if %cond3A_100 {
      %eq3A_210 = arith.constant 2.000000e+00 : f32
      %eq3A_211 = vector.broadcast %eq3A_210 : f32 to vector<1000x1xf32>
      %eq3A_212 = arith.cmpf oeq, %get3A_45, %eq3A_211 : vector<1000x1xf32>
      %jit3A = arith.constant -3.000000e+38 : f32
      %broadcast_in_dim3A_213 = vector.shape_cast %eq3A_212 : vector<1000x1xi1> to vector<1000x1xi1>
      %broadcast_in_dim3A_214 = vector.broadcast %broadcast_in_dim3A_213 : vector<1000x1xi1> to vector<1000x384xi1>
      %broadcast_in_dim3A_215 = vector.broadcast %jit3A : f32 to vector<1000x384xf32>
      %select_n3A = arith.select %broadcast_in_dim3A_214, %concatenate3A, %broadcast_in_dim3A_215 : vector<1000x384xi1>, vector<1000x384xf32>
      %get3A_216 = arith.constant 2 : index
      %get3A_217 = arith.constant 0 : index
      %get3A_218 = vector.load %arg18[%get3A_216, %get3A_217] : memref<16x384xf32, #tpu.memory_space<vmem>>, vector<1x384xf32>
      %reduce_max3A_219 = arith.constant dense<0xFF800000> : vector<384xf32>
      %reduce_max3A_220 = vector.multi_reduction <maximumf>, %select_n3A, %reduce_max3A_219 [0] : vector<1000x384xf32> to vector<384xf32>
      %broadcast_in_dim3A_221 = vector.shape_cast %reduce_max3A_220 : vector<384xf32> to vector<1x384xf32>
      %max3A = arith.maximumf %get3A_218, %broadcast_in_dim3A_221 : vector<1x384xf32>
      %swap3A_222 = arith.constant 2 : index
      %swap3A_223 = arith.constant 0 : index
      %swap3A_224 = vector.load %arg18[%swap3A_222, %swap3A_223] : memref<16x384xf32, #tpu.memory_space<vmem>>, vector<1x384xf32>
      tpu.vector_store %arg18[%swap3A_222, %swap3A_223], %max3A {strides = array<i32>} : memref<16x384xf32, #tpu.memory_space<vmem>>, vector<1x384xf32>,
    } else {
    }
    %ge3A_101 = arith.constant 3.000000e+00 : f32
    %ge3A_102 = arith.cmpf oge, %ge3A_101, %reduce_min3A_75 : f32
    %le3A_103 = arith.constant 3.000000e+00 : f32
    %le3A_104 = arith.cmpf ole, %le3A_103, %reduce_max3A_79 : f32
    %and3A_105 = arith.andi %ge3A_102, %le3A_104 : i1
    %convert_element_type3A_106 = arith.extui %and3A_105 : i1 to i32
    %cond3A_107 = arith.constant 0 : i32
    %cond3A_108 = arith.cmpi ne, %convert_element_type3A_106, %cond3A_107 : i32
    scf.if %cond3A_108 {
      %eq3A_210 = arith.constant 3.000000e+00 : f32
      %eq3A_211 = vector.broadcast %eq3A_210 : f32 to vector<1000x1xf32>
      %eq3A_212 = arith.cmpf oeq, %get3A_45, %eq3A_211 : vector<1000x1xf32>
      %jit3A = arith.constant -3.000000e+38 : f32
      %broadcast_in_dim3A_213 = vector.shape_cast %eq3A_212 : vector<1000x1xi1> to vector<1000x1xi1>
      %broadcast_in_dim3A_214 = vector.broadcast %broadcast_in_dim3A_213 : vector<1000x1xi1> to vector<1000x384xi1>
      %broadcast_in_dim3A_215 = vector.broadcast %jit3A : f32 to vector<1000x384xf32>
      %select_n3A = arith.select %broadcast_in_dim3A_214, %concatenate3A, %broadcast_in_dim3A_215 : vector<1000x384xi1>, vector<1000x384xf32>
      %get3A_216 = arith.constant 3 : index
      %get3A_217 = arith.constant 0 : index
      %get3A_218 = vector.load %arg18[%get3A_216, %get3A_217] : memref<16x384xf32, #tpu.memory_space<vmem>>, vector<1x384xf32>
      %reduce_max3A_219 = arith.constant dense<0xFF800000> : vector<384xf32>
      %reduce_max3A_220 = vector.multi_reduction <maximumf>, %select_n3A, %reduce_max3A_219 [0] : vector<1000x384xf32> to vector<384xf32>
      %broadcast_in_dim3A_221 = vector.shape_cast %reduce_max3A_220 : vector<384xf32> to vector<1x384xf32>
      %max3A = arith.maximumf %get3A_218, %broadcast_in_dim3A_221 : vector<1x384xf32>
      %swap3A_222 = arith.constant 3 : index
      %swap3A_223 = arith.constant 0 : index
      %swap3A_224 = vector.load %arg18[%swap3A_222, %swap3A_223] : memref<16x384xf32, #tpu.memory_space<vmem>>, vector<1x384xf32>
      tpu.vector_store %arg18[%swap3A_222, %swap3A_223], %max3A {strides = array<i32>} : memref<16x384xf32, #tpu.memory_space<vmem>>, vector<1x384xf32>,
    } else {
    }
    %ge3A_109 = arith.constant 4.000000e+00 : f32
    %ge3A_110 = arith.cmpf oge, %ge3A_109, %reduce_min3A_75 : f32
    %le3A_111 = arith.constant 4.000000e+00 : f32
    %le3A_112 = arith.cmpf ole, %le3A_111, %reduce_max3A_79 : f32
    %and3A_113 = arith.andi %ge3A_110, %le3A_112 : i1
    %convert_element_type3A_114 = arith.extui %and3A_113 : i1 to i32
    %cond3A_115 = arith.constant 0 : i32
    %cond3A_116 = arith.cmpi ne, %convert_element_type3A_114, %cond3A_115 : i32
    scf.if %cond3A_116 {
      %eq3A_210 = arith.constant 4.000000e+00 : f32
      %eq3A_211 = vector.broadcast %eq3A_210 : f32 to vector<1000x1xf32>
      %eq3A_212 = arith.cmpf oeq, %get3A_45, %eq3A_211 : vector<1000x1xf32>
      %jit3A = arith.constant -3.000000e+38 : f32
      %broadcast_in_dim3A_213 = vector.shape_cast %eq3A_212 : vector<1000x1xi1> to vector<1000x1xi1>
      %broadcast_in_dim3A_214 = vector.broadcast %broadcast_in_dim3A_213 : vector<1000x1xi1> to vector<1000x384xi1>
      %broadcast_in_dim3A_215 = vector.broadcast %jit3A : f32 to vector<1000x384xf32>
      %select_n3A = arith.select %broadcast_in_dim3A_214, %concatenate3A, %broadcast_in_dim3A_215 : vector<1000x384xi1>, vector<1000x384xf32>
      %get3A_216 = arith.constant 4 : index
      %get3A_217 = arith.constant 0 : index
      %get3A_218 = vector.load %arg18[%get3A_216, %get3A_217] : memref<16x384xf32, #tpu.memory_space<vmem>>, vector<1x384xf32>
      %reduce_max3A_219 = arith.constant dense<0xFF800000> : vector<384xf32>
      %reduce_max3A_220 = vector.multi_reduction <maximumf>, %select_n3A, %reduce_max3A_219 [0] : vector<1000x384xf32> to vector<384xf32>
      %broadcast_in_dim3A_221 = vector.shape_cast %reduce_max3A_220 : vector<384xf32> to vector<1x384xf32>
      %max3A = arith.maximumf %get3A_218, %broadcast_in_dim3A_221 : vector<1x384xf32>
      %swap3A_222 = arith.constant 4 : index
      %swap3A_223 = arith.constant 0 : index
      %swap3A_224 = vector.load %arg18[%swap3A_222, %swap3A_223] : memref<16x384xf32, #tpu.memory_space<vmem>>, vector<1x384xf32>
      tpu.vector_store %arg18[%swap3A_222, %swap3A_223], %max3A {strides = array<i32>} : memref<16x384xf32, #tpu.memory_space<vmem>>, vector<1x384xf32>,
    } else {
    }
    %ge3A_117 = arith.constant 5.000000e+00 : f32
    %ge3A_118 = arith.cmpf oge, %ge3A_117, %reduce_min3A_75 : f32
    %le3A_119 = arith.constant 5.000000e+00 : f32
    %le3A_120 = arith.cmpf ole, %le3A_119, %reduce_max3A_79 : f32
    %and3A_121 = arith.andi %ge3A_118, %le3A_120 : i1
    %convert_element_type3A_122 = arith.extui %and3A_121 : i1 to i32
    %cond3A_123 = arith.constant 0 : i32
    %cond3A_124 = arith.cmpi ne, %convert_element_type3A_122, %cond3A_123 : i32
    scf.if %cond3A_124 {
      %eq3A_210 = arith.constant 5.000000e+00 : f32
      %eq3A_211 = vector.broadcast %eq3A_210 : f32 to vector<1000x1xf32>
      %eq3A_212 = arith.cmpf oeq, %get3A_45, %eq3A_211 : vector<1000x1xf32>
      %jit3A = arith.constant -3.000000e+38 : f32
      %broadcast_in_dim3A_213 = vector.shape_cast %eq3A_212 : vector<1000x1xi1> to vector<1000x1xi1>
      %broadcast_in_dim3A_214 = vector.broadcast %broadcast_in_dim3A_213 : vector<1000x1xi1> to vector<1000x384xi1>
      %broadcast_in_dim3A_215 = vector.broadcast %jit3A : f32 to vector<1000x384xf32>
      %select_n3A = arith.select %broadcast_in_dim3A_214, %concatenate3A, %broadcast_in_dim3A_215 : vector<1000x384xi1>, vector<1000x384xf32>
      %get3A_216 = arith.constant 5 : index
      %get3A_217 = arith.constant 0 : index
      %get3A_218 = vector.load %arg18[%get3A_216, %get3A_217] : memref<16x384xf32, #tpu.memory_space<vmem>>, vector<1x384xf32>
      %reduce_max3A_219 = arith.constant dense<0xFF800000> : vector<384xf32>
      %reduce_max3A_220 = vector.multi_reduction <maximumf>, %select_n3A, %reduce_max3A_219 [0] : vector<1000x384xf32> to vector<384xf32>
      %broadcast_in_dim3A_221 = vector.shape_cast %reduce_max3A_220 : vector<384xf32> to vector<1x384xf32>
      %max3A = arith.maximumf %get3A_218, %broadcast_in_dim3A_221 : vector<1x384xf32>
      %swap3A_222 = arith.constant 5 : index
      %swap3A_223 = arith.constant 0 : index
      %swap3A_224 = vector.load %arg18[%swap3A_222, %swap3A_223] : memref<16x384xf32, #tpu.memory_space<vmem>>, vector<1x384xf32>
      tpu.vector_store %arg18[%swap3A_222, %swap3A_223], %max3A {strides = array<i32>} : memref<16x384xf32, #tpu.memory_space<vmem>>, vector<1x384xf32>,
    } else {
    }
    %ge3A_125 = arith.constant 6.000000e+00 : f32
    %ge3A_126 = arith.cmpf oge, %ge3A_125, %reduce_min3A_75 : f32
    %le3A_127 = arith.constant 6.000000e+00 : f32
    %le3A_128 = arith.cmpf ole, %le3A_127, %reduce_max3A_79 : f32
    %and3A_129 = arith.andi %ge3A_126, %le3A_128 : i1
    %convert_element_type3A_130 = arith.extui %and3A_129 : i1 to i32
    %cond3A_131 = arith.constant 0 : i32
    %cond3A_132 = arith.cmpi ne, %convert_element_type3A_130, %cond3A_131 : i32
    scf.if %cond3A_132 {
      %eq3A_210 = arith.constant 6.000000e+00 : f32
      %eq3A_211 = vector.broadcast %eq3A_210 : f32 to vector<1000x1xf32>
      %eq3A_212 = arith.cmpf oeq, %get3A_45, %eq3A_211 : vector<1000x1xf32>
      %jit3A = arith.constant -3.000000e+38 : f32
      %broadcast_in_dim3A_213 = vector.shape_cast %eq3A_212 : vector<1000x1xi1> to vector<1000x1xi1>
      %broadcast_in_dim3A_214 = vector.broadcast %broadcast_in_dim3A_213 : vector<1000x1xi1> to vector<1000x384xi1>
      %broadcast_in_dim3A_215 = vector.broadcast %jit3A : f32 to vector<1000x384xf32>
      %select_n3A = arith.select %broadcast_in_dim3A_214, %concatenate3A, %broadcast_in_dim3A_215 : vector<1000x384xi1>, vector<1000x384xf32>
      %get3A_216 = arith.constant 6 : index
      %get3A_217 = arith.constant 0 : index
      %get3A_218 = vector.load %arg18[%get3A_216, %get3A_217] : memref<16x384xf32, #tpu.memory_space<vmem>>, vector<1x384xf32>
      %reduce_max3A_219 = arith.constant dense<0xFF800000> : vector<384xf32>
      %reduce_max3A_220 = vector.multi_reduction <maximumf>, %select_n3A, %reduce_max3A_219 [0] : vector<1000x384xf32> to vector<384xf32>
      %broadcast_in_dim3A_221 = vector.shape_cast %reduce_max3A_220 : vector<384xf32> to vector<1x384xf32>
      %max3A = arith.maximumf %get3A_218, %broadcast_in_dim3A_221 : vector<1x384xf32>
      %swap3A_222 = arith.constant 6 : index
      %swap3A_223 = arith.constant 0 : index
      %swap3A_224 = vector.load %arg18[%swap3A_222, %swap3A_223] : memref<16x384xf32, #tpu.memory_space<vmem>>, vector<1x384xf32>
      tpu.vector_store %arg18[%swap3A_222, %swap3A_223], %max3A {strides = array<i32>} : memref<16x384xf32, #tpu.memory_space<vmem>>, vector<1x384xf32>,
    } else {
    }
    %ge3A_133 = arith.constant 7.000000e+00 : f32
    %ge3A_134 = arith.cmpf oge, %ge3A_133, %reduce_min3A_75 : f32
    %le3A_135 = arith.constant 7.000000e+00 : f32
    %le3A_136 = arith.cmpf ole, %le3A_135, %reduce_max3A_79 : f32
    %and3A_137 = arith.andi %ge3A_134, %le3A_136 : i1
    %convert_element_type3A_138 = arith.extui %and3A_137 : i1 to i32
    %cond3A_139 = arith.constant 0 : i32
    %cond3A_140 = arith.cmpi ne, %convert_element_type3A_138, %cond3A_139 : i32
    scf.if %cond3A_140 {
      %eq3A_210 = arith.constant 7.000000e+00 : f32
      %eq3A_211 = vector.broadcast %eq3A_210 : f32 to vector<1000x1xf32>
      %eq3A_212 = arith.cmpf oeq, %get3A_45, %eq3A_211 : vector<1000x1xf32>
      %jit3A = arith.constant -3.000000e+38 : f32
      %broadcast_in_dim3A_213 = vector.shape_cast %eq3A_212 : vector<1000x1xi1> to vector<1000x1xi1>
      %broadcast_in_dim3A_214 = vector.broadcast %broadcast_in_dim3A_213 : vector<1000x1xi1> to vector<1000x384xi1>
      %broadcast_in_dim3A_215 = vector.broadcast %jit3A : f32 to vector<1000x384xf32>
      %select_n3A = arith.select %broadcast_in_dim3A_214, %concatenate3A, %broadcast_in_dim3A_215 : vector<1000x384xi1>, vector<1000x384xf32>
      %get3A_216 = arith.constant 7 : index
      %get3A_217 = arith.constant 0 : index
      %get3A_218 = vector.load %arg18[%get3A_216, %get3A_217] : memref<16x384xf32, #tpu.memory_space<vmem>>, vector<1x384xf32>
      %reduce_max3A_219 = arith.constant dense<0xFF800000> : vector<384xf32>
      %reduce_max3A_220 = vector.multi_reduction <maximumf>, %select_n3A, %reduce_max3A_219 [0] : vector<1000x384xf32> to vector<384xf32>
      %broadcast_in_dim3A_221 = vector.shape_cast %reduce_max3A_220 : vector<384xf32> to vector<1x384xf32>
      %max3A = arith.maximumf %get3A_218, %broadcast_in_dim3A_221 : vector<1x384xf32>
      %swap3A_222 = arith.constant 7 : index
      %swap3A_223 = arith.constant 0 : index
      %swap3A_224 = vector.load %arg18[%swap3A_222, %swap3A_223] : memref<16x384xf32, #tpu.memory_space<vmem>>, vector<1x384xf32>
      tpu.vector_store %arg18[%swap3A_222, %swap3A_223], %max3A {strides = array<i32>} : memref<16x384xf32, #tpu.memory_space<vmem>>, vector<1x384xf32>,
    } else {
    }
    %ge3A_141 = arith.constant 8.000000e+00 : f32
    %ge3A_142 = arith.cmpf oge, %ge3A_141, %reduce_min3A_75 : f32
    %le3A_143 = arith.constant 8.000000e+00 : f32
    %le3A_144 = arith.cmpf ole, %le3A_143, %reduce_max3A_79 : f32
    %and3A_145 = arith.andi %ge3A_142, %le3A_144 : i1
    %convert_element_type3A_146 = arith.extui %and3A_145 : i1 to i32
    %cond3A_147 = arith.constant 0 : i32
    %cond3A_148 = arith.cmpi ne, %convert_element_type3A_146, %cond3A_147 : i32
    scf.if %cond3A_148 {
      %eq3A_210 = arith.constant 8.000000e+00 : f32
      %eq3A_211 = vector.broadcast %eq3A_210 : f32 to vector<1000x1xf32>
      %eq3A_212 = arith.cmpf oeq, %get3A_45, %eq3A_211 : vector<1000x1xf32>
      %jit3A = arith.constant -3.000000e+38 : f32
      %broadcast_in_dim3A_213 = vector.shape_cast %eq3A_212 : vector<1000x1xi1> to vector<1000x1xi1>
      %broadcast_in_dim3A_214 = vector.broadcast %broadcast_in_dim3A_213 : vector<1000x1xi1> to vector<1000x384xi1>
      %broadcast_in_dim3A_215 = vector.broadcast %jit3A : f32 to vector<1000x384xf32>
      %select_n3A = arith.select %broadcast_in_dim3A_214, %concatenate3A, %broadcast_in_dim3A_215 : vector<1000x384xi1>, vector<1000x384xf32>
      %get3A_216 = arith.constant 8 : index
      %get3A_217 = arith.constant 0 : index
      %get3A_218 = vector.load %arg18[%get3A_216, %get3A_217] : memref<16x384xf32, #tpu.memory_space<vmem>>, vector<1x384xf32>
      %reduce_max3A_219 = arith.constant dense<0xFF800000> : vector<384xf32>
      %reduce_max3A_220 = vector.multi_reduction <maximumf>, %select_n3A, %reduce_max3A_219 [0] : vector<1000x384xf32> to vector<384xf32>
      %broadcast_in_dim3A_221 = vector.shape_cast %reduce_max3A_220 : vector<384xf32> to vector<1x384xf32>
      %max3A = arith.maximumf %get3A_218, %broadcast_in_dim3A_221 : vector<1x384xf32>
      %swap3A_222 = arith.constant 8 : index
      %swap3A_223 = arith.constant 0 : index
      %swap3A_224 = vector.load %arg18[%swap3A_222, %swap3A_223] : memref<16x384xf32, #tpu.memory_space<vmem>>, vector<1x384xf32>
      tpu.vector_store %arg18[%swap3A_222, %swap3A_223], %max3A {strides = array<i32>} : memref<16x384xf32, #tpu.memory_space<vmem>>, vector<1x384xf32>,
    } else {
    }
    %ge3A_149 = arith.constant 9.000000e+00 : f32
    %ge3A_150 = arith.cmpf oge, %ge3A_149, %reduce_min3A_75 : f32
    %le3A_151 = arith.constant 9.000000e+00 : f32
    %le3A_152 = arith.cmpf ole, %le3A_151, %reduce_max3A_79 : f32
    %and3A_153 = arith.andi %ge3A_150, %le3A_152 : i1
    %convert_element_type3A_154 = arith.extui %and3A_153 : i1 to i32
    %cond3A_155 = arith.constant 0 : i32
    %cond3A_156 = arith.cmpi ne, %convert_element_type3A_154, %cond3A_155 : i32
    scf.if %cond3A_156 {
      %eq3A_210 = arith.constant 9.000000e+00 : f32
      %eq3A_211 = vector.broadcast %eq3A_210 : f32 to vector<1000x1xf32>
      %eq3A_212 = arith.cmpf oeq, %get3A_45, %eq3A_211 : vector<1000x1xf32>
      %jit3A = arith.constant -3.000000e+38 : f32
      %broadcast_in_dim3A_213 = vector.shape_cast %eq3A_212 : vector<1000x1xi1> to vector<1000x1xi1>
      %broadcast_in_dim3A_214 = vector.broadcast %broadcast_in_dim3A_213 : vector<1000x1xi1> to vector<1000x384xi1>
      %broadcast_in_dim3A_215 = vector.broadcast %jit3A : f32 to vector<1000x384xf32>
      %select_n3A = arith.select %broadcast_in_dim3A_214, %concatenate3A, %broadcast_in_dim3A_215 : vector<1000x384xi1>, vector<1000x384xf32>
      %get3A_216 = arith.constant 9 : index
      %get3A_217 = arith.constant 0 : index
      %get3A_218 = vector.load %arg18[%get3A_216, %get3A_217] : memref<16x384xf32, #tpu.memory_space<vmem>>, vector<1x384xf32>
      %reduce_max3A_219 = arith.constant dense<0xFF800000> : vector<384xf32>
      %reduce_max3A_220 = vector.multi_reduction <maximumf>, %select_n3A, %reduce_max3A_219 [0] : vector<1000x384xf32> to vector<384xf32>
      %broadcast_in_dim3A_221 = vector.shape_cast %reduce_max3A_220 : vector<384xf32> to vector<1x384xf32>
      %max3A = arith.maximumf %get3A_218, %broadcast_in_dim3A_221 : vector<1x384xf32>
      %swap3A_222 = arith.constant 9 : index
      %swap3A_223 = arith.constant 0 : index
      %swap3A_224 = vector.load %arg18[%swap3A_222, %swap3A_223] : memref<16x384xf32, #tpu.memory_space<vmem>>, vector<1x384xf32>
      tpu.vector_store %arg18[%swap3A_222, %swap3A_223], %max3A {strides = array<i32>} : memref<16x384xf32, #tpu.memory_space<vmem>>, vector<1x384xf32>,
    } else {
    }
    %ge3A_157 = arith.constant 1.000000e+01 : f32
    %ge3A_158 = arith.cmpf oge, %ge3A_157, %reduce_min3A_75 : f32
    %le3A_159 = arith.constant 1.000000e+01 : f32
    %le3A_160 = arith.cmpf ole, %le3A_159, %reduce_max3A_79 : f32
    %and3A_161 = arith.andi %ge3A_158, %le3A_160 : i1
    %convert_element_type3A_162 = arith.extui %and3A_161 : i1 to i32
    %cond3A_163 = arith.constant 0 : i32
    %cond3A_164 = arith.cmpi ne, %convert_element_type3A_162, %cond3A_163 : i32
    scf.if %cond3A_164 {
      %eq3A_210 = arith.constant 1.000000e+01 : f32
      %eq3A_211 = vector.broadcast %eq3A_210 : f32 to vector<1000x1xf32>
      %eq3A_212 = arith.cmpf oeq, %get3A_45, %eq3A_211 : vector<1000x1xf32>
      %jit3A = arith.constant -3.000000e+38 : f32
      %broadcast_in_dim3A_213 = vector.shape_cast %eq3A_212 : vector<1000x1xi1> to vector<1000x1xi1>
      %broadcast_in_dim3A_214 = vector.broadcast %broadcast_in_dim3A_213 : vector<1000x1xi1> to vector<1000x384xi1>
      %broadcast_in_dim3A_215 = vector.broadcast %jit3A : f32 to vector<1000x384xf32>
      %select_n3A = arith.select %broadcast_in_dim3A_214, %concatenate3A, %broadcast_in_dim3A_215 : vector<1000x384xi1>, vector<1000x384xf32>
      %get3A_216 = arith.constant 10 : index
      %get3A_217 = arith.constant 0 : index
      %get3A_218 = vector.load %arg18[%get3A_216, %get3A_217] : memref<16x384xf32, #tpu.memory_space<vmem>>, vector<1x384xf32>
      %reduce_max3A_219 = arith.constant dense<0xFF800000> : vector<384xf32>
      %reduce_max3A_220 = vector.multi_reduction <maximumf>, %select_n3A, %reduce_max3A_219 [0] : vector<1000x384xf32> to vector<384xf32>
      %broadcast_in_dim3A_221 = vector.shape_cast %reduce_max3A_220 : vector<384xf32> to vector<1x384xf32>
      %max3A = arith.maximumf %get3A_218, %broadcast_in_dim3A_221 : vector<1x384xf32>
      %swap3A_222 = arith.constant 10 : index
      %swap3A_223 = arith.constant 0 : index
      %swap3A_224 = vector.load %arg18[%swap3A_222, %swap3A_223] : memref<16x384xf32, #tpu.memory_space<vmem>>, vector<1x384xf32>
      tpu.vector_store %arg18[%swap3A_222, %swap3A_223], %max3A {strides = array<i32>} : memref<16x384xf32, #tpu.memory_space<vmem>>, vector<1x384xf32>,
    } else {
    }
    %ge3A_165 = arith.constant 1.100000e+01 : f32
    %ge3A_166 = arith.cmpf oge, %ge3A_165, %reduce_min3A_75 : f32
    %le3A_167 = arith.constant 1.100000e+01 : f32
    %le3A_168 = arith.cmpf ole, %le3A_167, %reduce_max3A_79 : f32
    %and3A_169 = arith.andi %ge3A_166, %le3A_168 : i1
    %convert_element_type3A_170 = arith.extui %and3A_169 : i1 to i32
    %cond3A_171 = arith.constant 0 : i32
    %cond3A_172 = arith.cmpi ne, %convert_element_type3A_170, %cond3A_171 : i32
    scf.if %cond3A_172 {
      %eq3A_210 = arith.constant 1.100000e+01 : f32
      %eq3A_211 = vector.broadcast %eq3A_210 : f32 to vector<1000x1xf32>
      %eq3A_212 = arith.cmpf oeq, %get3A_45, %eq3A_211 : vector<1000x1xf32>
      %jit3A = arith.constant -3.000000e+38 : f32
      %broadcast_in_dim3A_213 = vector.shape_cast %eq3A_212 : vector<1000x1xi1> to vector<1000x1xi1>
      %broadcast_in_dim3A_214 = vector.broadcast %broadcast_in_dim3A_213 : vector<1000x1xi1> to vector<1000x384xi1>
      %broadcast_in_dim3A_215 = vector.broadcast %jit3A : f32 to vector<1000x384xf32>
      %select_n3A = arith.select %broadcast_in_dim3A_214, %concatenate3A, %broadcast_in_dim3A_215 : vector<1000x384xi1>, vector<1000x384xf32>
      %get3A_216 = arith.constant 11 : index
      %get3A_217 = arith.constant 0 : index
      %get3A_218 = vector.load %arg18[%get3A_216, %get3A_217] : memref<16x384xf32, #tpu.memory_space<vmem>>, vector<1x384xf32>
      %reduce_max3A_219 = arith.constant dense<0xFF800000> : vector<384xf32>
      %reduce_max3A_220 = vector.multi_reduction <maximumf>, %select_n3A, %reduce_max3A_219 [0] : vector<1000x384xf32> to vector<384xf32>
      %broadcast_in_dim3A_221 = vector.shape_cast %reduce_max3A_220 : vector<384xf32> to vector<1x384xf32>
      %max3A = arith.maximumf %get3A_218, %broadcast_in_dim3A_221 : vector<1x384xf32>
      %swap3A_222 = arith.constant 11 : index
      %swap3A_223 = arith.constant 0 : index
      %swap3A_224 = vector.load %arg18[%swap3A_222, %swap3A_223] : memref<16x384xf32, #tpu.memory_space<vmem>>, vector<1x384xf32>
      tpu.vector_store %arg18[%swap3A_222, %swap3A_223], %max3A {strides = array<i32>} : memref<16x384xf32, #tpu.memory_space<vmem>>, vector<1x384xf32>,
    } else {
    }
    %ge3A_173 = arith.constant 1.200000e+01 : f32
    %ge3A_174 = arith.cmpf oge, %ge3A_173, %reduce_min3A_75 : f32
    %le3A_175 = arith.constant 1.200000e+01 : f32
    %le3A_176 = arith.cmpf ole, %le3A_175, %reduce_max3A_79 : f32
    %and3A_177 = arith.andi %ge3A_174, %le3A_176 : i1
    %convert_element_type3A_178 = arith.extui %and3A_177 : i1 to i32
    %cond3A_179 = arith.constant 0 : i32
    %cond3A_180 = arith.cmpi ne, %convert_element_type3A_178, %cond3A_179 : i32
    scf.if %cond3A_180 {
      %eq3A_210 = arith.constant 1.200000e+01 : f32
      %eq3A_211 = vector.broadcast %eq3A_210 : f32 to vector<1000x1xf32>
      %eq3A_212 = arith.cmpf oeq, %get3A_45, %eq3A_211 : vector<1000x1xf32>
      %jit3A = arith.constant -3.000000e+38 : f32
      %broadcast_in_dim3A_213 = vector.shape_cast %eq3A_212 : vector<1000x1xi1> to vector<1000x1xi1>
      %broadcast_in_dim3A_214 = vector.broadcast %broadcast_in_dim3A_213 : vector<1000x1xi1> to vector<1000x384xi1>
      %broadcast_in_dim3A_215 = vector.broadcast %jit3A : f32 to vector<1000x384xf32>
      %select_n3A = arith.select %broadcast_in_dim3A_214, %concatenate3A, %broadcast_in_dim3A_215 : vector<1000x384xi1>, vector<1000x384xf32>
      %get3A_216 = arith.constant 12 : index
      %get3A_217 = arith.constant 0 : index
      %get3A_218 = vector.load %arg18[%get3A_216, %get3A_217] : memref<16x384xf32, #tpu.memory_space<vmem>>, vector<1x384xf32>
      %reduce_max3A_219 = arith.constant dense<0xFF800000> : vector<384xf32>
      %reduce_max3A_220 = vector.multi_reduction <maximumf>, %select_n3A, %reduce_max3A_219 [0] : vector<1000x384xf32> to vector<384xf32>
      %broadcast_in_dim3A_221 = vector.shape_cast %reduce_max3A_220 : vector<384xf32> to vector<1x384xf32>
      %max3A = arith.maximumf %get3A_218, %broadcast_in_dim3A_221 : vector<1x384xf32>
      %swap3A_222 = arith.constant 12 : index
      %swap3A_223 = arith.constant 0 : index
      %swap3A_224 = vector.load %arg18[%swap3A_222, %swap3A_223] : memref<16x384xf32, #tpu.memory_space<vmem>>, vector<1x384xf32>
      tpu.vector_store %arg18[%swap3A_222, %swap3A_223], %max3A {strides = array<i32>} : memref<16x384xf32, #tpu.memory_space<vmem>>, vector<1x384xf32>,
    } else {
    }
    %ge3A_181 = arith.constant 1.300000e+01 : f32
    %ge3A_182 = arith.cmpf oge, %ge3A_181, %reduce_min3A_75 : f32
    %le3A_183 = arith.constant 1.300000e+01 : f32
    %le3A_184 = arith.cmpf ole, %le3A_183, %reduce_max3A_79 : f32
    %and3A_185 = arith.andi %ge3A_182, %le3A_184 : i1
    %convert_element_type3A_186 = arith.extui %and3A_185 : i1 to i32
    %cond3A_187 = arith.constant 0 : i32
    %cond3A_188 = arith.cmpi ne, %convert_element_type3A_186, %cond3A_187 : i32
    scf.if %cond3A_188 {
      %eq3A_210 = arith.constant 1.300000e+01 : f32
      %eq3A_211 = vector.broadcast %eq3A_210 : f32 to vector<1000x1xf32>
      %eq3A_212 = arith.cmpf oeq, %get3A_45, %eq3A_211 : vector<1000x1xf32>
      %jit3A = arith.constant -3.000000e+38 : f32
      %broadcast_in_dim3A_213 = vector.shape_cast %eq3A_212 : vector<1000x1xi1> to vector<1000x1xi1>
      %broadcast_in_dim3A_214 = vector.broadcast %broadcast_in_dim3A_213 : vector<1000x1xi1> to vector<1000x384xi1>
      %broadcast_in_dim3A_215 = vector.broadcast %jit3A : f32 to vector<1000x384xf32>
      %select_n3A = arith.select %broadcast_in_dim3A_214, %concatenate3A, %broadcast_in_dim3A_215 : vector<1000x384xi1>, vector<1000x384xf32>
      %get3A_216 = arith.constant 13 : index
      %get3A_217 = arith.constant 0 : index
      %get3A_218 = vector.load %arg18[%get3A_216, %get3A_217] : memref<16x384xf32, #tpu.memory_space<vmem>>, vector<1x384xf32>
      %reduce_max3A_219 = arith.constant dense<0xFF800000> : vector<384xf32>
      %reduce_max3A_220 = vector.multi_reduction <maximumf>, %select_n3A, %reduce_max3A_219 [0] : vector<1000x384xf32> to vector<384xf32>
      %broadcast_in_dim3A_221 = vector.shape_cast %reduce_max3A_220 : vector<384xf32> to vector<1x384xf32>
      %max3A = arith.maximumf %get3A_218, %broadcast_in_dim3A_221 : vector<1x384xf32>
      %swap3A_222 = arith.constant 13 : index
      %swap3A_223 = arith.constant 0 : index
      %swap3A_224 = vector.load %arg18[%swap3A_222, %swap3A_223] : memref<16x384xf32, #tpu.memory_space<vmem>>, vector<1x384xf32>
      tpu.vector_store %arg18[%swap3A_222, %swap3A_223], %max3A {strides = array<i32>} : memref<16x384xf32, #tpu.memory_space<vmem>>, vector<1x384xf32>,
    } else {
    }
    %ge3A_189 = arith.constant 1.400000e+01 : f32
    %ge3A_190 = arith.cmpf oge, %ge3A_189, %reduce_min3A_75 : f32
    %le3A_191 = arith.constant 1.400000e+01 : f32
    %le3A_192 = arith.cmpf ole, %le3A_191, %reduce_max3A_79 : f32
    %and3A_193 = arith.andi %ge3A_190, %le3A_192 : i1
    %convert_element_type3A_194 = arith.extui %and3A_193 : i1 to i32
    %cond3A_195 = arith.constant 0 : i32
    %cond3A_196 = arith.cmpi ne, %convert_element_type3A_194, %cond3A_195 : i32
    scf.if %cond3A_196 {
      %eq3A_210 = arith.constant 1.400000e+01 : f32
      %eq3A_211 = vector.broadcast %eq3A_210 : f32 to vector<1000x1xf32>
      %eq3A_212 = arith.cmpf oeq, %get3A_45, %eq3A_211 : vector<1000x1xf32>
      %jit3A = arith.constant -3.000000e+38 : f32
      %broadcast_in_dim3A_213 = vector.shape_cast %eq3A_212 : vector<1000x1xi1> to vector<1000x1xi1>
      %broadcast_in_dim3A_214 = vector.broadcast %broadcast_in_dim3A_213 : vector<1000x1xi1> to vector<1000x384xi1>
      %broadcast_in_dim3A_215 = vector.broadcast %jit3A : f32 to vector<1000x384xf32>
      %select_n3A = arith.select %broadcast_in_dim3A_214, %concatenate3A, %broadcast_in_dim3A_215 : vector<1000x384xi1>, vector<1000x384xf32>
      %get3A_216 = arith.constant 14 : index
      %get3A_217 = arith.constant 0 : index
      %get3A_218 = vector.load %arg18[%get3A_216, %get3A_217] : memref<16x384xf32, #tpu.memory_space<vmem>>, vector<1x384xf32>
      %reduce_max3A_219 = arith.constant dense<0xFF800000> : vector<384xf32>
      %reduce_max3A_220 = vector.multi_reduction <maximumf>, %select_n3A, %reduce_max3A_219 [0] : vector<1000x384xf32> to vector<384xf32>
      %broadcast_in_dim3A_221 = vector.shape_cast %reduce_max3A_220 : vector<384xf32> to vector<1x384xf32>
      %max3A = arith.maximumf %get3A_218, %broadcast_in_dim3A_221 : vector<1x384xf32>
      %swap3A_222 = arith.constant 14 : index
      %swap3A_223 = arith.constant 0 : index
      %swap3A_224 = vector.load %arg18[%swap3A_222, %swap3A_223] : memref<16x384xf32, #tpu.memory_space<vmem>>, vector<1x384xf32>
      tpu.vector_store %arg18[%swap3A_222, %swap3A_223], %max3A {strides = array<i32>} : memref<16x384xf32, #tpu.memory_space<vmem>>, vector<1x384xf32>,
    } else {
    }
    %ge3A_197 = arith.constant 1.500000e+01 : f32
    %ge3A_198 = arith.cmpf oge, %ge3A_197, %reduce_min3A_75 : f32
    %le3A_199 = arith.constant 1.500000e+01 : f32
    %le3A_200 = arith.cmpf ole, %le3A_199, %reduce_max3A_79 : f32
    %and3A_201 = arith.andi %ge3A_198, %le3A_200 : i1
    %convert_element_type3A_202 = arith.extui %and3A_201 : i1 to i32
    %cond3A_203 = arith.constant 0 : i32
    %cond3A_204 = arith.cmpi ne, %convert_element_type3A_202, %cond3A_203 : i32
    scf.if %cond3A_204 {
      %eq3A_210 = arith.constant 1.500000e+01 : f32
      %eq3A_211 = vector.broadcast %eq3A_210 : f32 to vector<1000x1xf32>
      %eq3A_212 = arith.cmpf oeq, %get3A_45, %eq3A_211 : vector<1000x1xf32>
      %jit3A = arith.constant -3.000000e+38 : f32
      %broadcast_in_dim3A_213 = vector.shape_cast %eq3A_212 : vector<1000x1xi1> to vector<1000x1xi1>
      %broadcast_in_dim3A_214 = vector.broadcast %broadcast_in_dim3A_213 : vector<1000x1xi1> to vector<1000x384xi1>
      %broadcast_in_dim3A_215 = vector.broadcast %jit3A : f32 to vector<1000x384xf32>
      %select_n3A = arith.select %broadcast_in_dim3A_214, %concatenate3A, %broadcast_in_dim3A_215 : vector<1000x384xi1>, vector<1000x384xf32>
      %get3A_216 = arith.constant 15 : index
      %get3A_217 = arith.constant 0 : index
      %get3A_218 = vector.load %arg18[%get3A_216, %get3A_217] : memref<16x384xf32, #tpu.memory_space<vmem>>, vector<1x384xf32>
      %reduce_max3A_219 = arith.constant dense<0xFF800000> : vector<384xf32>
      %reduce_max3A_220 = vector.multi_reduction <maximumf>, %select_n3A, %reduce_max3A_219 [0] : vector<1000x384xf32> to vector<384xf32>
      %broadcast_in_dim3A_221 = vector.shape_cast %reduce_max3A_220 : vector<384xf32> to vector<1x384xf32>
      %max3A = arith.maximumf %get3A_218, %broadcast_in_dim3A_221 : vector<1x384xf32>
      %swap3A_222 = arith.constant 15 : index
      %swap3A_223 = arith.constant 0 : index
      %swap3A_224 = vector.load %arg18[%swap3A_222, %swap3A_223] : memref<16x384xf32, #tpu.memory_space<vmem>>, vector<1x384xf32>
      tpu.vector_store %arg18[%swap3A_222, %swap3A_223], %max3A {strides = array<i32>} : memref<16x384xf32, #tpu.memory_space<vmem>>, vector<1x384xf32>,
    } else {
    }
    %eq3A_205 = arith.constant 9 : i32
    %eq3A_206 = arith.cmpi eq, %arg0, %eq3A_205 : i32
    %convert_element_type3A_207 = arith.extui %eq3A_206 : i1 to i32
    %cond3A_208 = arith.constant 0 : i32
    %cond3A_209 = arith.cmpi ne, %convert_element_type3A_207, %cond3A_208 : i32
    scf.if %cond3A_209 {
      %get3A_210 = arith.constant 0 : index
      %get3A_211 = arith.constant 0 : index
      %get3A_212 = vector.load %arg17[%get3A_210, %get3A_211] : memref<16x384xf32, #tpu.memory_space<vmem>>, vector<16x384xf32>
      %get3A_213 = arith.constant 0 : index
      %get3A_214 = arith.constant 0 : index
      %get3A_215 = vector.load %arg19[%get3A_213, %get3A_214] : memref<16x1xf32, #tpu.memory_space<vmem>>, vector<16x1xf32>
      %max3A = arith.constant 1.000000e+00 : f32
      %max3A_216 = vector.broadcast %max3A : f32 to vector<16x1xf32>
      %max3A_217 = arith.maximumf %get3A_215, %max3A_216 : vector<16x1xf32>
      %div3A = vector.broadcast %max3A_217 : vector<16x1xf32> to vector<16x384xf32>
      %div3A_218 = arith.divf %get3A_212, %div3A : vector<16x384xf32>
      %get3A_219 = arith.constant 0 : index
      %get3A_220 = arith.constant 0 : index
      %get3A_221 = vector.load %arg18[%get3A_219, %get3A_220] : memref<16x384xf32, #tpu.memory_space<vmem>>, vector<16x384xf32>
      %concatenate3A_222 = tpu.concatenate %div3A_218, %get3A_221 in 1 : vector<16x384xf32>, vector<16x384xf32> -> vector<16x768xf32>
      %get3A_223 = arith.constant 0 : index
      %get3A_224 = arith.constant 0 : index
      %get3A_225 = vector.load %arg8[%get3A_223, %get3A_224] : memref<768x128xf32, #tpu.memory_space<vmem>>, vector<768x128xf32>
      %dot_general3A_226 = arith.constant dense<0.000000e+00> : vector<16x128xf32>
      %dot_general3A_227 = tpu.matmul %concatenate3A_222, %get3A_225, %dot_general3A_226 {dimension_numbers = #tpu.dot_dimension_numbers<[1], [0], [0], [1], [0, 0, 1, 1], [], []>, transpose_lhs_hint = false} : vector<16x768xf32>, vector<768x128xf32>, vector<16x128xf32> -> vector<16x128xf32>
      %get3A_228 = arith.constant 0 : index
      %get3A_229 = arith.constant 0 : index
      %get3A_230 = vector.load %arg9[%get3A_228, %get3A_229] : memref<1x128xf32, #tpu.memory_space<vmem>>, vector<1x128xf32>
      %add3A_231 = vector.broadcast %get3A_230 : vector<1x128xf32> to vector<16x128xf32>
      %add3A_232 = arith.addf %dot_general3A_227, %add3A_231 : vector<16x128xf32>
      %gt3A = arith.constant 0.000000e+00 : f32
      %gt3A_233 = vector.broadcast %gt3A : f32 to vector<16x128xf32>
      %gt3A_234 = arith.cmpf ogt, %add3A_232, %gt3A_233 : vector<16x128xf32>
      %min3A = arith.constant 0.000000e+00 : f32
      %min3A_235 = vector.broadcast %min3A : f32 to vector<16x128xf32>
      %min3A_236 = arith.minimumf %add3A_232, %min3A_235 : vector<16x128xf32>
      %exp3A = math.exp %min3A_236 : vector<16x128xf32>
      %sub3A_237 = arith.constant 1.000000e+00 : f32
      %sub3A_238 = vector.broadcast %sub3A_237 : f32 to vector<16x128xf32>
      %sub3A_239 = arith.subf %exp3A, %sub3A_238 : vector<16x128xf32>
      %select_n3A = arith.select %gt3A_234, %add3A_232, %sub3A_239 : vector<16x128xi1>, vector<16x128xf32>
      %swap3A_240 = arith.constant 0 : index
      %swap3A_241 = arith.constant 0 : index
      %swap3A_242 = vector.load %arg15[%swap3A_240, %swap3A_241] : memref<16x128xf32, #tpu.memory_space<vmem>>, vector<16x128xf32>
      tpu.vector_store %arg15[%swap3A_240, %swap3A_241], %select_n3A {strides = array<i32>} : memref<16x128xf32, #tpu.memory_space<vmem>>, vector<16x128xf32>,
      %get3A_243 = arith.constant 0 : index
      %get3A_244 = arith.constant 0 : index
      %get3A_245 = vector.load %arg10[%get3A_243, %get3A_244] : memref<128x3xf32, #tpu.memory_space<vmem>>, vector<128x3xf32>
      %dot_general3A_246 = arith.constant dense<0.000000e+00> : vector<16x3xf32>
      %dot_general3A_247 = tpu.matmul %select_n3A, %get3A_245, %dot_general3A_246 {dimension_numbers = #tpu.dot_dimension_numbers<[1], [0], [0], [1], [0, 0, 1, 1], [], []>, transpose_lhs_hint = false} : vector<16x128xf32>, vector<128x3xf32>, vector<16x3xf32> -> vector<16x3xf32>
      %get3A_248 = arith.constant 0 : index
      %get3A_249 = arith.constant 0 : index
      %get3A_250 = vector.load %arg11[%get3A_248, %get3A_249] : memref<1x3xf32, #tpu.memory_space<vmem>>, vector<1x3xf32>
      %add3A_251 = vector.broadcast %get3A_250 : vector<1x3xf32> to vector<16x3xf32>
      %add3A_252 = arith.addf %dot_general3A_247, %add3A_251 : vector<16x3xf32>
      %neg3A = arith.constant 0.000000e+00 : f32
      %neg3A_253 = vector.broadcast %neg3A : f32 to vector<16x3xf32>
      %neg3A_254 = arith.subf %neg3A_253, %add3A_252 : vector<16x3xf32>
      %exp3A_255 = math.exp %neg3A_254 : vector<16x3xf32>
      %add3A_256 = arith.constant 1.000000e+00 : f32
      %add3A_257 = vector.broadcast %add3A_256 : f32 to vector<16x3xf32>
      %add3A_258 = arith.addf %add3A_257, %exp3A_255 : vector<16x3xf32>
      %div3A_259 = arith.constant 3.500000e-01 : f32
      %div3A_260 = vector.broadcast %div3A_259 : f32 to vector<16x3xf32>
      %div3A_261 = arith.divf %div3A_260, %add3A_258 : vector<16x3xf32>
      %add3A_262 = arith.constant 5.000000e-02 : f32
      %add3A_263 = vector.broadcast %add3A_262 : f32 to vector<16x3xf32>
      %add3A_264 = arith.addf %add3A_263, %div3A_261 : vector<16x3xf32>
      %swap3A_265 = arith.constant 0 : index
      %swap3A_266 = arith.constant 0 : index
      %swap3A_267 = vector.load %arg16[%swap3A_265, %swap3A_266] : memref<16x3xf32, #tpu.memory_space<vmem>>, vector<16x3xf32>
      tpu.vector_store %arg16[%swap3A_265, %swap3A_266], %add3A_264 {strides = array<i32>} : memref<16x3xf32, #tpu.memory_space<vmem>>, vector<16x3xf32>,
      %get3A_268 = arith.constant 0 : index
      %get3A_269 = arith.constant 0 : index
      %get3A_270 = vector.load %arg12[%get3A_268, %get3A_269] : memref<128x10xf32, #tpu.memory_space<vmem>>, vector<128x10xf32>
      %dot_general3A_271 = arith.constant dense<0.000000e+00> : vector<16x10xf32>
      %dot_general3A_272 = tpu.matmul %select_n3A, %get3A_270, %dot_general3A_271 {dimension_numbers = #tpu.dot_dimension_numbers<[1], [0], [0], [1], [0, 0, 1, 1], [], []>, transpose_lhs_hint = false} : vector<16x128xf32>, vector<128x10xf32>, vector<16x10xf32> -> vector<16x10xf32>
      %get3A_273 = arith.constant 0 : index
      %get3A_274 = arith.constant 0 : index
      %get3A_275 = vector.load %arg13[%get3A_273, %get3A_274] : memref<1x10xf32, #tpu.memory_space<vmem>>, vector<1x10xf32>
      %add3A_276 = vector.broadcast %get3A_275 : vector<1x10xf32> to vector<16x10xf32>
      %add3A_277 = arith.addf %dot_general3A_272, %add3A_276 : vector<16x10xf32>
      %reduce_max3A_278 = arith.constant dense<0xFF800000> : vector<16xf32>
      %reduce_max3A_279 = vector.multi_reduction <maximumf>, %add3A_277, %reduce_max3A_278 [1] : vector<16x10xf32> to vector<16xf32>
      %broadcast_in_dim3A_280 = vector.shape_cast %reduce_max3A_279 : vector<16xf32> to vector<16x1xf32>
      %sub3A_281 = vector.broadcast %broadcast_in_dim3A_280 : vector<16x1xf32> to vector<16x10xf32>
      %sub3A_282 = arith.subf %add3A_277, %sub3A_281 : vector<16x10xf32>
      %exp3A_283 = math.exp %sub3A_282 : vector<16x10xf32>
      %reduce_sum3A_284 = arith.constant dense<0.000000e+00> : vector<16xf32>
      %reduce_sum3A_285 = vector.multi_reduction <add>, %exp3A_283, %reduce_sum3A_284 [1] : vector<16x10xf32> to vector<16xf32>
      %broadcast_in_dim3A_286 = vector.shape_cast %reduce_sum3A_285 : vector<16xf32> to vector<16x1xf32>
      %log3A = math.log %broadcast_in_dim3A_286 : vector<16x1xf32>
      %add3A_287 = arith.addf %log3A, %broadcast_in_dim3A_280 : vector<16x1xf32>
      %sub3A_288 = vector.broadcast %add3A_287 : vector<16x1xf32> to vector<16x10xf32>
      %sub3A_289 = arith.subf %add3A_277, %sub3A_288 : vector<16x10xf32>
      %swap3A_290 = arith.constant 0 : index
      %swap3A_291 = arith.constant 0 : index
      %swap3A_292 = vector.load %arg14[%swap3A_290, %swap3A_291] : memref<16x10xf32, #tpu.memory_space<vmem>>, vector<16x10xf32>
      tpu.vector_store %arg14[%swap3A_290, %swap3A_291], %sub3A_289 {strides = array<i32>} : memref<16x10xf32, #tpu.memory_space<vmem>>, vector<16x10xf32>,
    } else {
    }
    return
  }
  func.func @transform_0(%arg0: i32) -> (i32, i32, i32) {
    %c0_i32 = arith.constant 0 : i32
    %c0_i32_0 = arith.constant 0 : i32
    %c0_i32_1 = arith.constant 0 : i32
    return %c0_i32, %arg0, %c0_i32_0 : i32, i32, i32
  }
  func.func @transform_1(%arg0: i32) -> (i32, i32, i32) {
    %c0_i32 = arith.constant 0 : i32
    %c0_i32_0 = arith.constant 0 : i32
    %c0_i32_1 = arith.constant 0 : i32
    return %c0_i32, %arg0, %c0_i32_0 : i32, i32, i32
  }
  func.func @transform_2(%arg0: i32) -> (i32, i32, i32) {
    %c0_i32 = arith.constant 0 : i32
    %c0_i32_0 = arith.constant 0 : i32
    %c0_i32_1 = arith.constant 0 : i32
    return %c0_i32, %arg0, %c0_i32_0 : i32, i32, i32
  }
  func.func @transform_3(%arg0: i32) -> (i32, i32) {
    %c0_i32 = arith.constant 0 : i32
    %c0_i32_0 = arith.constant 0 : i32
    %c0_i32_1 = arith.constant 0 : i32
    return %c0_i32, %c0_i32_0 : i32, i32
  }
  func.func @transform_4(%arg0: i32) -> (i32, i32) {
    %c0_i32 = arith.constant 0 : i32
    %c0_i32_0 = arith.constant 0 : i32
    %c0_i32_1 = arith.constant 0 : i32
    return %c0_i32, %c0_i32_0 : i32, i32
  }
  func.func @transform_5(%arg0: i32) -> (i32, i32, i32) {
    %c0_i32 = arith.constant 0 : i32
    %c0_i32_0 = arith.constant 0 : i32
    %c0_i32_1 = arith.constant 0 : i32
    return %arg0, %c0_i32, %c0_i32_0 : i32, i32, i32
  }
  func.func @transform_6(%arg0: i32) -> (i32, i32, i32) {
    %c0_i32 = arith.constant 0 : i32
    %c0_i32_0 = arith.constant 0 : i32
    %c0_i32_1 = arith.constant 0 : i32
    return %arg0, %c0_i32, %c0_i32_0 : i32, i32, i32
  }
  func.func @transform_7(%arg0: i32) -> (i32, i32) {
    %c0_i32 = arith.constant 0 : i32
    %c0_i32_0 = arith.constant 0 : i32
    %c0_i32_1 = arith.constant 0 : i32
    return %c0_i32, %c0_i32_0 : i32, i32
  }
  func.func @transform_8(%arg0: i32) -> (i32, i32) {
    %c0_i32 = arith.constant 0 : i32
    %c0_i32_0 = arith.constant 0 : i32
    %c0_i32_1 = arith.constant 0 : i32
    return %c0_i32, %c0_i32_0 : i32, i32
  }
  func.func @transform_9(%arg0: i32) -> (i32, i32) {
    %c0_i32 = arith.constant 0 : i32
    %c0_i32_0 = arith.constant 0 : i32
    %c0_i32_1 = arith.constant 0 : i32
    return %c0_i32, %c0_i32_0 : i32, i32
  }
  func.func @transform_10(%arg0: i32) -> (i32, i32) {
    %c0_i32 = arith.constant 0 : i32
    %c0_i32_0 = arith.constant 0 : i32
    %c0_i32_1 = arith.constant 0 : i32
    return %c0_i32, %c0_i32_0 : i32, i32
  }
  func.func @transform_11(%arg0: i32) -> (i32, i32) {
    %c0_i32 = arith.constant 0 : i32
    %c0_i32_0 = arith.constant 0 : i32
    %c0_i32_1 = arith.constant 0 : i32
    return %c0_i32, %c0_i32_0 : i32, i32
  }
  func.func @transform_12(%arg0: i32) -> (i32, i32) {
    %c0_i32 = arith.constant 0 : i32
    %c0_i32_0 = arith.constant 0 : i32
    %c0_i32_1 = arith.constant 0 : i32
    return %c0_i32, %c0_i32_0 : i32, i32
  }
  func.func @transform_13(%arg0: i32) -> (i32, i32) {
    %c0_i32 = arith.constant 0 : i32
    %c0_i32_0 = arith.constant 0 : i32
    %c0_i32_1 = arith.constant 0 : i32
    return %c0_i32, %c0_i32_0 : i32, i32
  }
  func.func @transform_14(%arg0: i32) -> (i32, i32) {
    %c0_i32 = arith.constant 0 : i32
    %c0_i32_0 = arith.constant 0 : i32
    %c0_i32_1 = arith.constant 0 : i32
    return %c0_i32, %c0_i32_0 : i32, i32
  }
  func.func @transform_15(%arg0: i32) -> (i32, i32) {
    %c0_i32 = arith.constant 0 : i32
    %c0_i32_0 = arith.constant 0 : i32
    %c0_i32_1 = arith.constant 0 : i32
    return %c0_i32, %c0_i32_0 : i32, i32
  }
  func.func @transform_16(%arg0: i32) -> (i32, i32) {
    %c0_i32 = arith.constant 0 : i32
    %c0_i32_0 = arith.constant 0 : i32
    %c0_i32_1 = arith.constant 0 : i32
    return %c0_i32, %c0_i32_0 : i32, i32
  }
  func.func @transform_17(%arg0: i32) -> (i32, i32) {
    %c0_i32 = arith.constant 0 : i32
    %c0_i32_0 = arith.constant 0 : i32
    %c0_i32_1 = arith.constant 0 : i32
    return %c0_i32, %c0_i32_0 : i32, i32
  }
  func.func @transform_18(%arg0: i32) -> (i32, i32) {
    %c0_i32 = arith.constant 0 : i32
    %c0_i32_0 = arith.constant 0 : i32
    %c0_i32_1 = arith.constant 0 : i32
    return %c0_i32, %c0_i32_0 : i32, i32
  }
}

</mosaic_0001>

<sc_bundles>
// kernel: kernel.12.cloned.1.call-start
scs
__scs_entry_jumppad:
0x0: {  	(pc) =	sbr.rel $0x88, $3  }
0x1: {  	(tag) =	ssettag $0x0;
	lr =	simm.s32 $0x1  }
0x2: {  	[smem:$0x3F8E] =	sst lr;
	_ =	strace $0xD0000000  }
0x3: {  	_ = 	snop  }
0x4: {  	_ = 	snop  }
0x5: {  	_ = 	snop  }
0x6: {  	_ = 	snop  }
0x7: {  	_ = 	snop  }
__scs_overlays_trampoline_lowered:
0x8: {  	[smem:$0x3F9D] =	sst s0  }
0x9: {  	[smem:$0x3F9E] =	sst s1  }
0xa: {  	[smem:$0x3F9F] =	sst s2  }
0xb: {  	[smem:$0x3FA0] =	sst s3  }
0xc: {  	[smem:$0x3FA1] =	sst s4  }
0xd: {  	[smem:$0x3FA2] =	sst s5  }
0xe: {  	[smem:$0x3FA3] =	sst s6  }
0xf: {  	[smem:$0x3FA4] =	sst s7  }
0x10: {  	[smem:$0x3FA5] =	sst s8  }
0x11: {  	[smem:$0x3FA6] =	sst s9;
	s0 =	simm.s32 @!p0 $0x0  }
0x12: {  	s1 =	sld [smem:$0x3F8C];
	s0 =	simm.s32 @p0 $0x1  }
0x13: {  	[smem:$0x3FA7] =	sst s0;
	s0 =	simm.s32 @!p1 $0x0  }
0x14: {  	s2 =	sld [smem:$0x3F8B];
	s0 =	simm.s32 @p1 $0x1  }
0x15: {  	[smem:$0x3FA8] =	sst s0;
	s0 =	simm.s32 @!p2 $0x0  }
0x16: {  	s3 =	sld [smem:$0x3FDB];
	s0 =	simm.s32 @p2 $0x1  }
0x17: {  	s4 =	simm.s32 $0x1BF5;
	[smem:$0x3FAA] =	sst s0  }
0x18: {  	s0 =	sld [smem:$0x3F8D];
	_ =	swait.ge [sflag:s4], $0x0  }
0x19: {  	s7 =	sld [smem:$0x3F8E]  }
0x1a: {  	s8 =	sadd.s32 $0xFFFFE003, lr  }
0x1b: {  	s9 =	sadd.s32 $0xFFFFFEF7, lr;
	s5 =	simm.s32 $0xFFFFFFFF;
	p2 =	slt.u32 s8, $0xFFFFF086  }
0x1c: {  	p1 =	slt.u32 s9, $0xF7A;
	s5 =	simm.s32 @!p2 $0x0  }
0x1d: {  	s5 =	simm.s32 @p1 $0x1;
	p0 =	seq.s32 s7, s2  }
0x1e: {  	s7 =	smul.u32 @!p0 $0xF7A, s2;
	p2 =	seq.s32 @!p0 s5, $0x0  }
0x1f: {  	s9 =	smul.u32 $0xF7A, s1;
	s8 =	simm.s32 @!p0 $0x1BF5;
	p2 =	por !p2, p0  }
0x20: {  	[sflag:s8] =	ssyncset.s32 @!p0 $0xFFFFF086;
	s6 =	sadd.s32 @!p0 s3, s7;
	s7 =	simm.s32 @!p0 $0x108  }
0x21: {  	s3 =	sadd.s32 s3, s9;
	s6 =	sadd.s32 @!p0 $0x88, s6;
	s7 =	simm.s32 @p2 $0x1082  }
0x22: {  	[simem:s7], [sflag:s8] =	dma.local @!p0 [hbm:s6], $0xF7A  }
0x23: {  	s9 =	sor.u32 $0xD0000000, s2;
	s6 =	simm.s32 $0x108;
	_ =	swait.ge @!p0 [sflag:s8], $0x0  }
0x24: {  	s3 =	sadd.s32 $0x88, s3;
	s6 =	simm.s32 @!p1 $0x1082;
	[sflag:s4] =	ssyncset.s32 $0xFFFFF086  }
0x25: {  	[simem:s6], [sflag:s4] =	dma.local [hbm:s3], $0xF7A  }
0x26: {  	[smem:$0x3F8E] =	sst s1;
	(tag) =	ssettag s2;
	_ =	strace s9  }
0x27: {  	s1 =	sld [smem:$0x3F9E]  }
0x28: {  	s2 =	sld [smem:$0x3F9F]  }
0x29: {  	s4 =	sld [smem:$0x3FA1]  }
0x2a: {  	p0 =	seq.s32 s5, $0x0;
	s5 =	sld [smem:$0x3FA2]  }
0x2b: {  	s6 =	sld [smem:$0x3FA3]  }
0x2c: {  	s7 =	sld [smem:$0x3FA4]  }
0x2d: {  	s3 =	simm.s32 $0x108;
	s8 =	sld [smem:$0x3FA5]  }
0x2e: {  	s3 =	simm.s32 @!p0 $0x1082;
	s9 =	sld [smem:$0x3FA6]  }
0x2f: {  	lr =	sadd.s32 s0, s3;
	s0 =	sld [smem:$0x3F9D]  }
0x30: {  	s3 =	sld [smem:$0x3FA0]  }
0x31: {  	[smem:$0x3FA9] =	sst s10  }
0x32: {  	s10 =	sld [smem:$0x3FA7];
	_ =	sdelay $0x3  }
0x33: {  	p0 =	seq.s32 s10, $0x1;
	s10 =	sld [smem:$0x3FA9];
	_ =	sdelay $0x3  }
0x34: {  	[smem:$0x3FA9] =	sst s10  }
0x35: {  	s10 =	sld [smem:$0x3FA8];
	_ =	sdelay $0x3  }
0x36: {  	p1 =	seq.s32 s10, $0x1;
	s10 =	sld [smem:$0x3FA9];
	_ =	sdelay $0x3  }
0x37: {  	[smem:$0x3FA9] =	sst s10  }
0x38: {  	s10 =	sld [smem:$0x3FAA]  }
0x39: {  	_ = 	snop;
	(pc) =	sbr.ind lr, $3  }
0x3a: {  	_ = 	snop  }
0x3b: {  	_ = 	snop  }
0x3c: {  	p2 =	seq.s32 s10, $0x1;
	s10 =	sld [smem:$0x3FA9]  }
0x3d: {  	_ =	shalt  }
0x3e: {  	_ =	shalt  }
0x3f: {  	_ =	shalt  }
0x40: {  	_ =	shalt  }
0x41: {  	_ =	shalt  }
0x42: {  	_ =	shalt  }
0x43: {  	_ =	shalt  }
0x44: {  	_ =	shalt  }
0x45: {  	_ =	shalt  }
0x46: {  	_ =	shalt  }
0x47: {  	_ =	shalt  }
0x48: {  	_ =	shalt  }
0x49: {  	_ =	shalt  }
0x4a: {  	_ =	shalt  }
0x4b: {  	_ =	shalt  }
0x4c: {  	_ =	shalt  }
0x4d: {  	_ =	shalt  }
0x4e: {  	_ =	shalt  }
0x4f: {  	_ =	shalt  }
0x50: {  	_ =	shalt  }
0x51: {  	_ =	shalt  }
0x52: {  	_ =	shalt  }
0x53: {  	_ =	shalt  }
0x54: {  	_ =	shalt  }
0x55: {  	_ =	shalt  }
0x56: {  	_ =	shalt  }
0x57: {  	_ =	shalt  }
0x58: {  	_ =	shalt  }
0x59: {  	_ =	shalt  }
0x5a: {  	_ =	shalt  }
0x5b: {  	_ =	shalt  }
0x5c: {  	_ =	shalt  }
0x5d: {  	_ =	shalt  }
0x5e: {  	_ =	shalt  }
0x5f: {  	_ =	shalt  }
0x60: {  	_ =	shalt  }
0x61: {  	_ =	shalt  }
0x62: {  	_ =	shalt  }
0x63: {  	_ =	shalt  }
0x64: {  	_ =	shalt  }
0x65: {  	_ =	shalt  }
0x66: {  	_ =	shalt  }
0x67: {  	_ =	shalt  }
0x68: {  	_ =	shalt  }
0x69: {  	_ =	shalt  }
0x6a: {  	_ =	shalt  }
0x6b: {  	_ =	shalt  }
0x6c: {  	_ =	shalt  }
0x6d: {  	_ =	shalt  }
0x6e: {  	_ =	shalt  }
0x6f: {  	_ =	shalt  }
0x70: {  	_ =	shalt  }
0x71: {  	_ =	shalt  }
0x72: {  	_ =	shalt  }
0x73: {  	_ =	shalt  }
0x74: {  	_ =	shalt  }
0x75: {  	_ =	shalt  }
0x76: {  	_ =	shalt  }
0x77: {  	_ =	shalt  }
0x78: {  	_ =	shalt  }
0x79: {  	_ =	shalt  }
0x7a: {  	_ =	shalt  }
0x7b: {  	_ =	shalt  }
0x7c: {  	_ =	shalt  }
0x7d: {  	_ =	shalt  }
0x7e: {  	_ =	shalt  }
0x7f: {  	_ =	shalt  }
0x80: {  	_ =	shalt  }
0x81: {  	_ =	shalt  }
0x82: {  	_ =	shalt  }
0x83: {  	_ =	shalt  }
0x84: {  	_ =	shalt  }
0x85: {  	_ =	shalt  }
0x86: {  	_ =	shalt  }
0x87: {  	_ =	shalt  }
.Lfunc_end0:
.L_simem_size_0:
called_computation.1_lowered:
.L_overlay_start_0:
0x88: {  	s2 =	sld [smem:$0x3FD9]  }
0x89: {  	s3 =	sld [smem:$0x3FFE];
	_ =	sdelay $0x1  }
0x8a: {  	s1 =	srdreg.scid  }
0x8b: {  	s0 =	sand.u32 $0x1, s1  }
0x8c: {  	s16 =	sshll.u32 s0, $0xA;
	s2 =	sadd.s32 s3, s2  }
0x8d: {  	s2 =	sadd.s32 s2, s16  }
0x8e: {  	[smem:$0x3FB5] =	sst s2  }
0x8f: {  	_ = 	snop  }
0x90: {  	(tm) =	ssettm $0x1  }
0x91: {  	s17 =	sld [smem:$0x3FFB];
	_ =	sdelay $0x3  }
0x92: {  	_ =	strace s17  }
0x93: {  	s2 =	sld [smem:$0x3FFC];
	_ =	sdelay $0x3  }
0x94: {  	_ =	strace s2  }
0x95: {  	s2 =	sld [smem:$0x3FFD];
	_ =	sdelay $0x3  }
0x96: {  	_ =	strace s2  }
0x97: {  	_ =	strace $0x8FFFFFFF  }
0x98: {  	s18 =	sld [smem:$0x3FDB];
	_ =	sdelay $0x1  }
0x99: {  	s19 =	simm.s32 $_scs_section_size  }
0x9a: {  	s4 =	simm.s32 $_size__tile_overlayer_lowered;
	s5 =	simm.s32 $_tile_overlayer_lowered  }
0x9b: {  	s22 =	simm.s32 $0x1BFF;
	s21 =	sshll.u32 s5, $0x1;
	s2 =	sadd.s32 s19, s18  }
0x9c: {  	s6 =	simm.s32 $0x0;
	s20 =	sshll.u32 s4, $0x1;
	s4 =	sadd.s32 s21, s2  }
0x9d: {  	[timem:s6], [sflag:s22] =	dma.local [hbm:s4], s20  }
0x9e: {  	_ =	swait.ge [sflag:s22], s20  }
0x9f: {  	s3 =	ssub.s32 $0x0, s20;
	[sflag:s22] =	ssyncset.done $0x0  }
0xa0: {  	[sflag:s22] =	ssyncadd.s32 s3;
	_ =	sdelay $0x1  }
0xa1: {  	s23 =	simm.s32 $0x1B8B  }
0xa2: {  	_ =	swait.ge [sflag:s23], $0x1  }
0xa3: {  	[sflag:s23] =	ssyncset.done $0x0  }
0xa4: {  	s25 =	simm.s32 $0x1B8E;
	s24 =	sld [smem:$0x3FFE];
	[sflag:s23] =	ssyncadd.s32 $0xFFFFFFFF  }
0xa5: {  	s26 =	simm.s32 $execute0_lowered;
	[smem:$0x3FD2] =	sst s25  }
0xa6: {  	s4 =	sshll.u32 s26, $0x1;
	_ =	strace $0x80000049;
	[dreg:$0x1] =	wrdreg $0xFFFFFFFF  }
0xa7: {  	s28 =	simm.s32 $_size_execute0_lowered;
	s2 =	sadd.s32 s2, s4;
	[dreg:$0x0] =	wrdreg $0x0  }
0xa8: {  	s4 =	sshll.u32 s28, $0x1;
	[dreg:$0x2] =	wrdreg s2  }
0xa9: {  	[dreg:$0x3] =	wrdreg s4  }
0xaa: {  	[dreg:$0x4] =	wrdreg $0xC0  }
0xab: {  	_ =	task [dreg:s6], $0x5FFFF  }
0xac: {  	[dreg:$0x1] =	wrdreg $0xFFFFFFFF  }
0xad: {  	[dreg:$0x0] =	wrdreg $0x60  }
0xae: {  	[dreg:$0x2] =	wrdreg s24  }
0xaf: {  	[dreg:$0x3] =	wrdreg $0x110000  }
0xb0: {  	[dreg:$0x4] =	wrdreg $0x9  }
0xb1: {  	_ =	task.clear_ibuf [dreg:s6], $0x5FFFF;
	_ =	strace $0x90000049  }
0xb2: {  	s29 =	simm.s32 $0x9;
	_ =	strace $0x8000004B  }
0xb3: {  	_ =	swait.ge [sflag:s29], $0x1  }
0xb4: {  	[sflag:s29] =	ssyncadd.s32 $0xFFFFFFFF  }
0xb5: {  	_ =	strace $0x9000004B  }
0xb6: {  	_ =	sfence  }
0xb7: {  	s30 =	sld [smem:$0x0];
	_ =	sdelay $0x2  }
0xb8: {  	s31 =	sshll.u32 s1, $0xD;
	s1 =	sshrl.u32 s1, $0x2  }
0xb9: {  	s3 =	sand.u32 $0x4000, s31;
	s1 =	sadd.s32 s1, s30  }
0xba: {  	s0 =	sor.u32 s3, s0;
	s1 =	sshll.u32 s1, $0x11  }
0xbb: {  	s0 =	sor.u32 s1, s0  }
0xbc: {  	s0 =	sadd.s32 $0x8F2B, s0  }
0xbd: {  	[sflag:s0] =	ssyncadd.remote.s32 $0x1  }
0xbe: {  	_ =	sfence.sel $0xFFFF  }
0xbf: {  	[dreg:$0x0] =	wrdreg $0xFFFFFFFF;
	(pc) =	sbr.abs _section_cstart, $3  }
0xc0: {  	[dreg:$0x1] =	wrdreg $0xFFFFFFFF  }
0xc1: {  	_ =	task.clear_ibuf [dreg:s6], $0x2FFFF;
	_ =	strace $0x9FFFFFFF  }
0xc2: {  	(tm) =	ssettm $0x7FFFFFFF  }
0xc3: {  	_ =	shalt  }
tec
execute0_lowered:
.L_overlay_start_1:
0x0: {  	(tag) =	ssettag $0x1  }
0x1: {  	s0 =	rddreg [dreg:$0x0]  }
0x2: {  	s2 =	rddreg [dreg:$0x1]  }
0x3: {  	s1 =	srdreg.scid;
	s11 =	stileid.u32;
	s4 =	simm.s32 $0x0  }
0x4: {  	s29 =	simm.s32 $0x3000;
	s31 =	simm.s32 $0x5000;
	s30 =	simm.s32 $0x5  }
0x5: {  	s28 =	simm.s32 $0x8;
	s1 =	sand.u32 $0x1, s1;
	s3 =	smul.u32 $0xA000, s11  }
0x6: {  	[smem:$0x7FF] =	sst s4;
	s4 =	sadd.s32 $0x2A00, s0;
	s14 =	smul.u32 $0x28000, s11  }
0x7: {  	s6 =	sadd.s32 $0x29C00, s0;
	s7 =	sadd.s32 $0x3DC00, s0;
	s10 =	smul.u32 $0x5000, s11  }
0x8: {  	s8 =	sadd.s32 $0x47C00, s0;
	s21 =	smul.u32 $0xA00, s11;
	s11 =	simm.s32 $0xF000  }
0x9: {  	s5 =	smul.u32 $0xA0000, s1;
	_ =	strace $0x8000004A;
	s15 =	ssub.s32 $0x2, s1  }
0xa: {  	[dreg:$0x3] =	wrdreg s8;
	s1 =	smul.u32 $0x50000, s1;
	s9 =	sshrl.u32 s15, $0x1  }
0xb: {  	s8 =	sshrl.u32 s14, $0x2;
	s12 =	sadd.s32 s3, s2;
	s20 =	sshrl.u32 s10, $0x3  }
0xc: {  	s23 =	sadd.s32 s21, s7;
	s5 =	sadd.s32 s3, s5;
	s16 =	sadd.s32 s8, s2  }
0xd: {  	s1 =	sadd.s32 s10, s1;
	s10 =	simm.s32 $0xF000;
	[dreg:$0x4] =	wrdreg s12  }
0xe: {  	s5 =	sshrl.u32 s5, $0x3;
	s8 =	sadd.s32 $0x2000, s16;
	s17 =	sadd.s32 $0x4000, s16  }
0xf: {  	s18 =	sadd.s32 $0x6000, s16;
	s3 =	sadd.s32 $0x8000, s16;
	[dreg:$0x5] =	wrdreg s8  }
0x10: {  	s19 =	sshrl.u32 s1, $0x3;
	s24 =	sor.u32 $0x800, s1;
	[dreg:$0x6] =	wrdreg s17  }
0x11: {  	s1 =	sor.u32 $0x400, s1;
	s0 =	sadd.s32 s5, s0;
	[dreg:$0x7] =	wrdreg s18  }
0x12: {  	s5 =	ssub.s32 s15, s9;
	[dreg:$0x8] =	wrdreg s3;
	s3 =	sadd.s32 s6, s19  }
0x13: {  	s25 =	sshrl.u32 s24, $0x3;
	s1 =	sshrl.u32 s1, $0x3;
	s18 =	simm.s32 $0xB000  }
0x14: {  	s9 =	simm.s32 $0xD000;
	s15 =	simm.s32 $0x2;
	s17 =	simm.s32 $0x3  }
0x15: {  	[dreg:$0x9] =	wrdreg s3;
	s3 =	sadd.s32 s7, s20;
	s0 =	sadd.s32 $0x96200, s0  }
0x16: {  	s22 =	smax.u32 s5, $0x1;
	s26 =	sadd.s32 s1, s6;
	[dreg:$0xa] =	wrdreg s3  }
.Ltmp0:
0x17: {  	s1 =	simm.s32 $0x1000;
	[dreg:$0xb] =	wrdreg s0;
	(pc) =	sbr.rel .LBB2_1-.Ltmp0, $4  }
0x18: {  	s7 =	simm.s32 $0x9000;
	[dreg:$0xc] =	wrdreg s22;
	s0 =	sadd.s32 $0x100, s23  }
0x19: {  	[dreg:$0xf] =	wrdreg s26;
	s26 =	simm.s32 $0x800;
	s23 =	simm.s32 $0x80  }
0x1a: {  	[dreg:$0xd] =	wrdreg s0;
	s0 =	sadd.s32 s25, s6;
	s6 =	simm.s32 $0x15  }
0x1b: {  	s25 =	simm.s32 $0x4;
	[dreg:$0xe] =	wrdreg s0;
	s0 =	simm.s32 $0x0  }
.LBB2_6:
0x1c: {  	s3 =	stileid.u32;
	[bflag:$0x0] =	sbarrier.arrive $0xFFFF  }
0x1d: {  	s3 =	sshll.u32 s3, $0x6;
	s12 =	rddreg [dreg:$0x4]  }
0x1e: {  	s16 =	rddreg [dreg:$0xb];
	s3 =	sor.u32 $0x1C15, s3;
	s6 =	sshrl.u32 s12, $0x3  }
0x1f: {  	[hbm:s16], [sflag:s3] =	dma.local [spmem:s6], $0x1400  }
0x20: {  	s6 =	simm.s32 $0x15  }
0x21: {  	_ =	swait.ge [sflag:s6], $0x1400  }
0x22: {  	s0 =	rddreg [dreg:$0x10]  }
0x23: {  	s24 =	rddreg [dreg:$0xc];
	s0 =	sadd.s32 $0x1, s0  }
0x24: {  	p0 =	sne.s32 s0, s24  }
.Ltmp1:
0x25: {  	_ = 	snop;
	(pc) =	sbr.rel @!p0 .LBB2_7-.Ltmp1, $3  }
0x26: {  	_ =	sdelay $0x1  }
0x27: {  	s1 =	simm.s32 $0x1000;
	[sflag:s6] =	ssyncset.done $0x0  }
0x28: {  	s9 =	simm.s32 $0xD000;
	s10 =	simm.s32 $0xF000;
	[sflag:s6] =	ssyncadd.s32 $0xFFFFEC00  }
.LBB2_1:
0x29: {  	[dreg:$0x10] =	wrdreg s0  }
0x2a: {  	s3 =	rddreg [dreg:$0x3];
	s20 =	simm.s32 $0x0  }
0x2b: {  	[tilespmem:s1], [sflag:$0x15] =	stream.linear.gather [hbm4b:s3+s20], $0x2000, $0x38;
	[tilespmem:$0x1B000] =	vst v63  }
0x2c: {  	_ =	swait.ge [sflag:s6], $0x2000  }
0x2d: {  	[sflag:s6] =	ssyncset.done $0x0  }
0x2e: {  	[sflag:s6] =	ssyncadd.s32 $0xFFFFE000  }
0x2f: {  	[spmem:s12] =	stream.linear.scatter [tilespmem:s1], [sflag:$0x15], $0x2000, $0x38;
	[tilespmem:$0x1B000] =	vst v63  }
0x30: {  	_ =	swait.ge [sflag:s6], $0x2000  }
0x31: {  	[sflag:s6] =	ssyncset.done $0x0  }
0x32: {  	s21 =	rddreg [dreg:$0x5];
	[sflag:s6] =	ssyncadd.s32 $0xFFFFE000  }
0x33: {  	[spmem:s21] =	stream.linear.scatter [tilespmem:s1], [sflag:$0x15], $0x2000, $0x38;
	[tilespmem:$0x1B000] =	vst v63  }
0x34: {  	_ =	swait.ge [sflag:s6], $0x2000  }
0x35: {  	[sflag:s6] =	ssyncset.done $0x0  }
0x36: {  	s22 =	rddreg [dreg:$0x6];
	[sflag:s6] =	ssyncadd.s32 $0xFFFFE000  }
0x37: {  	[spmem:s22] =	stream.linear.scatter [tilespmem:s1], [sflag:$0x15], $0x2000, $0x38;
	[tilespmem:$0x1B000] =	vst v63  }
0x38: {  	_ =	swait.ge [sflag:s6], $0x2000  }
0x39: {  	[sflag:s6] =	ssyncset.done $0x0  }
0x3a: {  	s24 =	rddreg [dreg:$0x7];
	[sflag:s6] =	ssyncadd.s32 $0xFFFFE000  }
0x3b: {  	[spmem:s24] =	stream.linear.scatter [tilespmem:s1], [sflag:$0x15], $0x2000, $0x38;
	[tilespmem:$0x1B000] =	vst v63  }
0x3c: {  	_ =	swait.ge [sflag:s6], $0x2000  }
0x3d: {  	[sflag:s6] =	ssyncset.done $0x0  }
0x3e: {  	s5 =	rddreg [dreg:$0x8];
	[sflag:s6] =	ssyncadd.s32 $0xFFFFE000  }
0x3f: {  	[spmem:s5] =	stream.linear.scatter [tilespmem:s1], [sflag:$0x15], $0x2000, $0x38;
	[tilespmem:$0x1B000] =	vst v63  }
0x40: {  	_ =	swait.ge [sflag:s6], $0x2000  }
0x41: {  	[sflag:s6] =	ssyncset.done $0x0  }
0x42: {  	[sflag:s6] =	ssyncadd.s32 $0xFFFFE000  }
0x43: {  	[bflag:$0x0] =	sbarrier.arrive $0xFFFF  }
0x44: {  	s6 =	rddreg [dreg:$0x9]  }
0x45: {  	[tilespmem:s20], [sflag:$0x11] =	stream.linear.gather [hbm4b:s6+s20], $0x400, $0x38;
	[tilespmem:$0x1B000] =	vst v63  }
0x46: {  	s12 =	simm.s32 $0x11;
	s8 =	rddreg [dreg:$0xa]  }
0x47: {  	[tilespmem:s26], [sflag:$0x12] =	stream.linear.gather [hbm4b:s8+s20], $0x400, $0x38;
	[tilespmem:$0x1B000] =	vst v63  }
0x48: {  	_ =	swait.ge [sflag:s12], $0x400  }
0x49: {  	[sflag:s12] =	ssyncset.done $0x0  }
0x4a: {  	s13 =	simm.s32 $0x12;
	[sflag:s12] =	ssyncadd.s32 $0xFFFFFC00  }
0x4b: {  	_ =	swait.ge [sflag:s13], $0x400  }
0x4c: {  	[sflag:s13] =	ssyncset.done $0x0  }
0x4d: {  	[sflag:s13] =	ssyncadd.s32 $0xFFFFFC00  }
0x4e: {  	[tilespmem:s1], [sflag:$0x1] =	stream.indirect.gather [hbm4b:s4+s23], $0x40, s20, s23, $0xb8;
	[tilespmem:$0x1B000] =	vst v63  }
0x4f: {  	_ = 	snop  }
0x50: {  	[tilespmem:s29], [sflag:$0x2] =	stream.indirect.gather [hbm4b:s4+s23], $0x40, s23, s23, $0xb8;
	[tilespmem:$0x1B000] =	vst v63  }
0x51: {  	s14 =	simm.s32 $0x100  }
0x52: {  	[tilespmem:s31], [sflag:$0x3] =	stream.indirect.gather [hbm4b:s4+s23], $0x40, s14, s23, $0xb8;
	[tilespmem:$0x1B000] =	vst v63  }
0x53: {  	s16 =	simm.s32 $0x7000;
	s19 =	simm.s32 $0x180  }
0x54: {  	[tilespmem:s16], [sflag:$0x4] =	stream.indirect.gather [hbm4b:s4+s23], $0x40, s19, s23, $0xb8;
	[tilespmem:$0x1B000] =	vst v63  }
0x55: {  	s20 =	simm.s32 $0x200  }
0x56: {  	[tilespmem:s7], [sflag:$0x5] =	stream.indirect.gather [hbm4b:s4+s23], $0x40, s20, s23, $0xb8;
	[tilespmem:$0x1B000] =	vst v63  }
0x57: {  	s21 =	simm.s32 $0x280  }
0x58: {  	[tilespmem:s18], [sflag:$0x6] =	stream.indirect.gather [hbm4b:s4+s23], $0x40, s21, s23, $0xb8;
	[tilespmem:$0x1B000] =	vst v63  }
.Ltmp2:
0x59: {  	s12 =	rddreg [dreg:$0xf];
	(pc) =	sbr.rel .LBB2_2-.Ltmp2, $4  }
0x5a: {  	s22 =	simm.s32 $0x300;
	s24 =	simm.s32 $0x380;
	s3 =	rddreg [dreg:$0xe]  }
0x5b: {  	[tilespmem:s9], [sflag:$0x7] =	stream.indirect.gather [hbm4b:s4+s23], $0x40, s22, s23, $0xb8;
	[tilespmem:$0x1B000] =	vst v63  }
0x5c: {  	s6 =	simm.s32 $0x0;
	s1 =	simm.s32 $0x7000;
	s16 =	rddreg [dreg:$0xd]  }
0x5d: {  	[tilespmem:s10], [sflag:$0x8] =	stream.indirect.gather [hbm4b:s4+s23], $0x40, s24, s23, $0xb8;
	[tilespmem:$0x1B000] =	vst v63  }
.LBB2_4:
0x5e: {  	s0 =	simm.s32 $0x0  }
0x5f: {  	[tilespmem:s0], [sflag:$0x11] =	stream.linear.gather [hbm4b:s3+s0], $0x400, $0x38;
	[tilespmem:$0x1B000] =	vst v63  }
0x60: {  	s14 =	simm.s32 $0x800  }
0x61: {  	[tilespmem:s14], [sflag:$0x12] =	stream.linear.gather [hbm4b:s16+s0], $0x400, $0x38;
	[tilespmem:$0x1B000] =	vst v63  }
0x62: {  	_ =	swait.ge [sflag:s26], $0x2000  }
0x63: {  	[sflag:s26] =	ssyncset.done $0x0  }
0x64: {  	s14 =	simm.s32 $0x11;
	[sflag:s26] =	ssyncadd.s32 $0xFFFFE000  }
0x65: {  	_ =	swait.ge [sflag:s14], $0x400  }
0x66: {  	[sflag:s14] =	ssyncset.done $0x0  }
0x67: {  	s18 =	simm.s32 $0x12;
	[sflag:s14] =	ssyncadd.s32 $0xFFFFFC00  }
0x68: {  	_ =	swait.ge [sflag:s18], $0x400  }
0x69: {  	[sflag:s18] =	ssyncset.done $0x0  }
0x6a: {  	[sflag:s18] =	ssyncadd.s32 $0xFFFFFC00  }
0x6b: {  	[tilespmem:s9], [sflag:$0x1] =	stream.indirect.gather [hbm4b:s4+s23], $0x40, s0, s23, $0xb8;
	[tilespmem:$0x1B000] =	vst v63  }
0x6c: {  	_ =	swait.ge [sflag:s8], $0x2000  }
0x6d: {  	[sflag:s8] =	ssyncset.done $0x0  }
0x6e: {  	[sflag:s8] =	ssyncadd.s32 $0xFFFFE000  }
0x6f: {  	[tilespmem:s31], [sflag:$0x2] =	stream.indirect.gather [hbm4b:s4+s23], $0x40, s23, s23, $0xb8;
	[tilespmem:$0x1B000] =	vst v63  }
0x70: {  	_ =	swait.ge [sflag:s24], $0x2000  }
0x71: {  	[sflag:s24] =	ssyncset.done $0x0  }
0x72: {  	s14 =	simm.s32 $0x100;
	[sflag:s24] =	ssyncadd.s32 $0xFFFFE000  }
0x73: {  	[tilespmem:s1], [sflag:$0x3] =	stream.indirect.gather [hbm4b:s4+s23], $0x40, s14, s23, $0xb8;
	[tilespmem:$0x1B000] =	vst v63  }
0x74: {  	_ =	swait.ge [sflag:s21], $0x2000  }
0x75: {  	[sflag:s21] =	ssyncset.done $0x0  }
0x76: {  	s18 =	simm.s32 $0x180;
	[sflag:s21] =	ssyncadd.s32 $0xFFFFE000  }
0x77: {  	[tilespmem:s7], [sflag:$0x4] =	stream.indirect.gather [hbm4b:s4+s23], $0x40, s18, s23, $0xb8;
	[tilespmem:$0x1B000] =	vst v63  }
0x78: {  	_ =	swait.ge [sflag:s22], $0x2000  }
0x79: {  	[sflag:s22] =	ssyncset.done $0x0  }
0x7a: {  	s21 =	simm.s32 $0x200;
	[sflag:s22] =	ssyncadd.s32 $0xFFFFE000  }
0x7b: {  	[tilespmem:s13], [sflag:$0x5] =	stream.indirect.gather [hbm4b:s4+s23], $0x40, s21, s23, $0xb8;
	[tilespmem:$0x1B000] =	vst v63  }
0x7c: {  	_ =	swait.ge [sflag:s19], $0x2000  }
0x7d: {  	[sflag:s19] =	ssyncset.done $0x0  }
0x7e: {  	s22 =	simm.s32 $0x280;
	[sflag:s19] =	ssyncadd.s32 $0xFFFFE000  }
0x7f: {  	[tilespmem:s5], [sflag:$0x6] =	stream.indirect.gather [hbm4b:s4+s23], $0x40, s22, s23, $0xb8;
	[tilespmem:$0x1B000] =	vst v63  }
0x80: {  	_ =	swait.ge [sflag:s20], $0x2000  }
0x81: {  	[sflag:s20] =	ssyncset.done $0x0  }
0x82: {  	s24 =	simm.s32 $0x300;
	[sflag:s20] =	ssyncadd.s32 $0xFFFFE000  }
0x83: {  	[tilespmem:s10], [sflag:$0x7] =	stream.indirect.gather [hbm4b:s4+s23], $0x40, s24, s23, $0xb8;
	[tilespmem:$0x1B000] =	vst v63  }
0x84: {  	_ =	swait.ge [sflag:s29], $0x2000  }
0x85: {  	s26 =	simm.s32 $0x380;
	s31 =	simm.s32 $0x5000;
	[sflag:s29] =	ssyncset.done $0x0  }
0x86: {  	s1 =	simm.s32 $0x7000;
	s7 =	simm.s32 $0x9000;
	[sflag:s29] =	ssyncadd.s32 $0xFFFFE000  }
0x87: {  	[tilespmem:s11], [sflag:$0x8] =	stream.indirect.gather [hbm4b:s4+s23], $0x40, s26, s23, $0xb8;
	[tilespmem:$0x1B000] =	vst v63  }
0x88: {  	s18 =	simm.s32 $0xB000;
	s29 =	simm.s32 $0x3000;
	s26 =	simm.s32 $0x800  }
.LBB2_5:
0x89: {  	s6 =	sadd.s32 $0x1, s6  }
0x8a: {  	p0 =	sne.s32 s6, $0xA  }
.Ltmp3:
0x8b: {  	_ = 	snop;
	(pc) =	sbr.rel @!p0 .LBB2_6-.Ltmp3, $2  }
0x8c: {  	_ =	sdelay $0x2  }
0x8d: {  	s16 =	sadd.s32 $0x100, s16;
	s3 =	sadd.s32 $0x100, s3;
	s12 =	sadd.s32 $0x100, s12  }
.LBB2_2:
0x8e: {  	s13 =	simm.s32 $0x1  }
0x8f: {  	_ =	swait.ge [sflag:s13], $0x2000  }
0x90: {  	[sflag:s13] =	ssyncset.done $0x0  }
0x91: {  	s9 =	simm.s32 $0x1000;
	[sflag:s13] =	ssyncadd.s32 $0xFFFFE000  }
0x92: {  	[spmem:s2] =	stream.indirect.scatter.add.f32 [tilespmem:s9], [sflag:$0x9], $0x40, s26, s23, $0xb8;
	[tilespmem:$0x1B000] =	vst v63  }
0x93: {  	_ =	swait.ge [sflag:s15], $0x2000  }
0x94: {  	[sflag:s15] =	ssyncset.done $0x0  }
0x95: {  	s10 =	simm.s32 $0x880;
	[sflag:s15] =	ssyncadd.s32 $0xFFFFE000  }
0x96: {  	[spmem:s2] =	stream.indirect.scatter.add.f32 [tilespmem:s29], [sflag:$0xA], $0x40, s10, s23, $0xb8;
	[tilespmem:$0x1B000] =	vst v63  }
0x97: {  	_ =	swait.ge [sflag:s17], $0x2000  }
0x98: {  	[sflag:s17] =	ssyncset.done $0x0  }
0x99: {  	s5 =	simm.s32 $0x900;
	[sflag:s17] =	ssyncadd.s32 $0xFFFFE000  }
0x9a: {  	[spmem:s2] =	stream.indirect.scatter.add.f32 [tilespmem:s31], [sflag:$0xB], $0x40, s5, s23, $0xb8;
	[tilespmem:$0x1B000] =	vst v63  }
0x9b: {  	_ =	swait.ge [sflag:s25], $0x2000  }
0x9c: {  	[sflag:s25] =	ssyncset.done $0x0  }
0x9d: {  	s8 =	simm.s32 $0x980;
	[sflag:s25] =	ssyncadd.s32 $0xFFFFE000  }
0x9e: {  	[spmem:s2] =	stream.indirect.scatter.add.f32 [tilespmem:s1], [sflag:$0xC], $0x40, s8, s23, $0xb8;
	[tilespmem:$0x1B000] =	vst v63  }
0x9f: {  	_ =	swait.ge [sflag:s30], $0x2000  }
0xa0: {  	[sflag:s30] =	ssyncset.done $0x0  }
0xa1: {  	s14 =	simm.s32 $0xA00;
	s5 =	simm.s32 $0x6;
	[sflag:s30] =	ssyncadd.s32 $0xFFFFE000  }
0xa2: {  	[spmem:s2] =	stream.indirect.scatter.add.f32 [tilespmem:s7], [sflag:$0xD], $0x40, s14, s23, $0xb8;
	[tilespmem:$0x1B000] =	vst v63  }
0xa3: {  	_ =	swait.ge [sflag:s5], $0x2000  }
0xa4: {  	[sflag:s5] =	ssyncset.done $0x0  }
0xa5: {  	s19 =	simm.s32 $0xA80;
	s14 =	simm.s32 $0x7;
	[sflag:s5] =	ssyncadd.s32 $0xFFFFE000  }
0xa6: {  	[spmem:s2] =	stream.indirect.scatter.add.f32 [tilespmem:s18], [sflag:$0xE], $0x40, s19, s23, $0xb8;
	[tilespmem:$0x1B000] =	vst v63  }
0xa7: {  	_ =	swait.ge [sflag:s14], $0x2000  }
0xa8: {  	[sflag:s14] =	ssyncset.done $0x0  }
0xa9: {  	s20 =	simm.s32 $0xB00;
	s10 =	simm.s32 $0xD000;
	[sflag:s14] =	ssyncadd.s32 $0xFFFFE000  }
0xaa: {  	[spmem:s2] =	stream.indirect.scatter.add.f32 [tilespmem:s10], [sflag:$0xF], $0x40, s20, s23, $0xb8;
	[tilespmem:$0x1B000] =	vst v63  }
0xab: {  	_ =	swait.ge [sflag:s28], $0x2000  }
0xac: {  	[sflag:s28] =	ssyncset.done $0x0  }
0xad: {  	s21 =	simm.s32 $0xB80;
	[sflag:s28] =	ssyncadd.s32 $0xFFFFE000  }
0xae: {  	[spmem:s2] =	stream.indirect.scatter.add.f32 [tilespmem:s11], [sflag:$0x10], $0x40, s21, s23, $0xb8;
	[tilespmem:$0x1B000] =	vst v63  }
0xaf: {  	s0 =	simm.s32 $0x0;
	s22 =	simm.s32 $0x0;
	s8 =	simm.s32 $0x400  }
0xb0: {  	[tilespmem:s8], [sflag:$0x13] =	stream.linear.gather [hbm4b:s12+s0], $0x400, $0x38;
	[tilespmem:$0x1B000] =	vst v63  }
0xb1: {  	s24 =	sadd.s32 $0xFFFFFF80, s16;
	s26 =	simm.s32 $0x9;
	s0 =	simm.s32 $0xC00  }
0xb2: {  	[tilespmem:s0], [sflag:$0x14] =	stream.linear.gather [hbm4b:s24+s22], $0x400, $0x38;
	[tilespmem:$0x1B000] =	vst v63  }
0xb3: {  	_ =	swait.ge [sflag:s26], $0x2000  }
0xb4: {  	[sflag:s26] =	ssyncset.done $0x0  }
0xb5: {  	s19 =	simm.s32 $0x13;
	[sflag:s26] =	ssyncadd.s32 $0xFFFFE000  }
0xb6: {  	_ =	swait.ge [sflag:s19], $0x400  }
0xb7: {  	[sflag:s19] =	ssyncset.done $0x0  }
0xb8: {  	s21 =	simm.s32 $0x14;
	[sflag:s19] =	ssyncadd.s32 $0xFFFFFC00  }
0xb9: {  	_ =	swait.ge [sflag:s21], $0x400  }
0xba: {  	[sflag:s21] =	ssyncset.done $0x0  }
0xbb: {  	[sflag:s21] =	ssyncadd.s32 $0xFFFFFC00  }
0xbc: {  	[tilespmem:s9], [sflag:$0x1] =	stream.indirect.gather [hbm4b:s4+s23], $0x40, s8, s23, $0xb8;
	[tilespmem:$0x1B000] =	vst v63  }
0xbd: {  	s8 =	simm.s32 $0xA  }
0xbe: {  	_ =	swait.ge [sflag:s8], $0x2000  }
0xbf: {  	s31 =	simm.s32 $0x3000;
	[sflag:s8] =	ssyncset.done $0x0  }
0xc0: {  	s22 =	simm.s32 $0x480;
	s24 =	simm.s32 $0xB;
	[sflag:s8] =	ssyncadd.s32 $0xFFFFE000  }
0xc1: {  	[tilespmem:s31], [sflag:$0x2] =	stream.indirect.gather [hbm4b:s4+s23], $0x40, s22, s23, $0xb8;
	[tilespmem:$0x1B000] =	vst v63  }
0xc2: {  	_ =	swait.ge [sflag:s24], $0x2000  }
0xc3: {  	[sflag:s24] =	ssyncset.done $0x0  }
0xc4: {  	s1 =	simm.s32 $0x5000;
	s21 =	simm.s32 $0x500;
	[sflag:s24] =	ssyncadd.s32 $0xFFFFE000  }
0xc5: {  	[tilespmem:s1], [sflag:$0x3] =	stream.indirect.gather [hbm4b:s4+s23], $0x40, s21, s23, $0xb8;
	[tilespmem:$0x1B000] =	vst v63  }
0xc6: {  	s21 =	simm.s32 $0xC  }
0xc7: {  	_ =	swait.ge [sflag:s21], $0x2000  }
0xc8: {  	[sflag:s21] =	ssyncset.done $0x0  }
0xc9: {  	s7 =	simm.s32 $0x7000;
	s22 =	simm.s32 $0x580;
	[sflag:s21] =	ssyncadd.s32 $0xFFFFE000  }
0xca: {  	[tilespmem:s7], [sflag:$0x4] =	stream.indirect.gather [hbm4b:s4+s23], $0x40, s22, s23, $0xb8;
	[tilespmem:$0x1B000] =	vst v63  }
0xcb: {  	s22 =	simm.s32 $0xD  }
0xcc: {  	_ =	swait.ge [sflag:s22], $0x2000  }
0xcd: {  	[sflag:s22] =	ssyncset.done $0x0  }
0xce: {  	s20 =	simm.s32 $0x9000;
	s19 =	simm.s32 $0x600;
	[sflag:s22] =	ssyncadd.s32 $0xFFFFE000  }
0xcf: {  	[tilespmem:s20], [sflag:$0x5] =	stream.indirect.gather [hbm4b:s4+s23], $0x40, s19, s23, $0xb8;
	[tilespmem:$0x1B000] =	vst v63  }
0xd0: {  	s19 =	simm.s32 $0xE  }
0xd1: {  	_ =	swait.ge [sflag:s19], $0x2000  }
0xd2: {  	[sflag:s19] =	ssyncset.done $0x0  }
0xd3: {  	s18 =	simm.s32 $0xB000;
	s20 =	simm.s32 $0x680;
	[sflag:s19] =	ssyncadd.s32 $0xFFFFE000  }
0xd4: {  	[tilespmem:s18], [sflag:$0x6] =	stream.indirect.gather [hbm4b:s4+s23], $0x40, s20, s23, $0xb8;
	[tilespmem:$0x1B000] =	vst v63  }
0xd5: {  	s20 =	simm.s32 $0xF  }
0xd6: {  	_ =	swait.ge [sflag:s20], $0x2000  }
0xd7: {  	[sflag:s20] =	ssyncset.done $0x0  }
0xd8: {  	s29 =	simm.s32 $0x700;
	[sflag:s20] =	ssyncadd.s32 $0xFFFFE000  }
0xd9: {  	[tilespmem:s10], [sflag:$0x7] =	stream.indirect.gather [hbm4b:s4+s23], $0x40, s29, s23, $0xb8;
	[tilespmem:$0x1B000] =	vst v63  }
0xda: {  	s29 =	simm.s32 $0x10  }
0xdb: {  	_ =	swait.ge [sflag:s29], $0x2000  }
0xdc: {  	[sflag:s29] =	ssyncset.done $0x0  }
0xdd: {  	s18 =	simm.s32 $0x780;
	[sflag:s29] =	ssyncadd.s32 $0xFFFFE000  }
0xde: {  	[tilespmem:s11], [sflag:$0x8] =	stream.indirect.gather [hbm4b:s4+s23], $0x40, s18, s23, $0xb8;
	[tilespmem:$0x1B000] =	vst v63  }
0xdf: {  	_ =	swait.ge [sflag:s13], $0x2000  }
0xe0: {  	[sflag:s13] =	ssyncset.done $0x0  }
0xe1: {  	[sflag:s13] =	ssyncadd.s32 $0xFFFFE000  }
0xe2: {  	[spmem:s2] =	stream.indirect.scatter.add.f32 [tilespmem:s9], [sflag:$0x9], $0x40, s0, s23, $0xb8;
	[tilespmem:$0x1B000] =	vst v63  }
0xe3: {  	_ =	swait.ge [sflag:s15], $0x2000  }
0xe4: {  	[sflag:s15] =	ssyncset.done $0x0  }
0xe5: {  	s18 =	simm.s32 $0xC80;
	[sflag:s15] =	ssyncadd.s32 $0xFFFFE000  }
0xe6: {  	[spmem:s2] =	stream.indirect.scatter.add.f32 [tilespmem:s31], [sflag:$0xA], $0x40, s18, s23, $0xb8;
	[tilespmem:$0x1B000] =	vst v63  }
0xe7: {  	_ =	swait.ge [sflag:s17], $0x2000  }
0xe8: {  	[sflag:s17] =	ssyncset.done $0x0  }
0xe9: {  	s18 =	simm.s32 $0xD00;
	[sflag:s17] =	ssyncadd.s32 $0xFFFFE000  }
0xea: {  	[spmem:s2] =	stream.indirect.scatter.add.f32 [tilespmem:s1], [sflag:$0xB], $0x40, s18, s23, $0xb8;
	[tilespmem:$0x1B000] =	vst v63  }
0xeb: {  	_ =	swait.ge [sflag:s25], $0x2000  }
0xec: {  	[sflag:s25] =	ssyncset.done $0x0  }
0xed: {  	s18 =	simm.s32 $0xD80;
	[sflag:s25] =	ssyncadd.s32 $0xFFFFE000  }
0xee: {  	[spmem:s2] =	stream.indirect.scatter.add.f32 [tilespmem:s7], [sflag:$0xC], $0x40, s18, s23, $0xb8;
	[tilespmem:$0x1B000] =	vst v63  }
0xef: {  	_ =	swait.ge [sflag:s30], $0x2000  }
0xf0: {  	[sflag:s30] =	ssyncset.done $0x0  }
0xf1: {  	s13 =	simm.s32 $0x9000;
	s18 =	simm.s32 $0xE00;
	[sflag:s30] =	ssyncadd.s32 $0xFFFFE000  }
0xf2: {  	[spmem:s2] =	stream.indirect.scatter.add.f32 [tilespmem:s13], [sflag:$0xD], $0x40, s18, s23, $0xb8;
	[tilespmem:$0x1B000] =	vst v63  }
0xf3: {  	_ =	swait.ge [sflag:s5], $0x2000  }
0xf4: {  	[sflag:s5] =	ssyncset.done $0x0  }
0xf5: {  	s18 =	simm.s32 $0xE80;
	[sflag:s5] =	ssyncadd.s32 $0xFFFFE000;
	s5 =	simm.s32 $0xB000  }
0xf6: {  	[spmem:s2] =	stream.indirect.scatter.add.f32 [tilespmem:s5], [sflag:$0xE], $0x40, s18, s23, $0xb8;
	[tilespmem:$0x1B000] =	vst v63  }
0xf7: {  	_ =	swait.ge [sflag:s14], $0x2000  }
0xf8: {  	[sflag:s14] =	ssyncset.done $0x0  }
0xf9: {  	p0 =	slt.u32 s6, $0x9;
	[sflag:s14] =	ssyncadd.s32 $0xFFFFE000;
	s14 =	simm.s32 $0xF00  }
0xfa: {  	[spmem:s2] =	stream.indirect.scatter.add.f32 [tilespmem:s10], [sflag:$0xF], $0x40, s14, s23, $0xb8;
	[tilespmem:$0x1B000] =	vst v63  }
.Ltmp4:
0xfb: {  	_ = 	snop;
	(pc) =	sbr.rel @p0 .LBB2_4-.Ltmp4, $4  }
0xfc: {  	_ =	swait.ge [sflag:s28], $0x2000  }
0xfd: {  	[sflag:s28] =	ssyncset.done $0x0  }
0xfe: {  	s18 =	simm.s32 $0xF80;
	[sflag:s28] =	ssyncadd.s32 $0xFFFFE000  }
0xff: {  	[spmem:s2] =	stream.indirect.scatter.add.f32 [tilespmem:s11], [sflag:$0x10], $0x40, s18, s23, $0xb8;
	[tilespmem:$0x1B000] =	vst v63  }
0x100: {  	_ =	swait.ge [sflag:s26], $0x2000  }
0x101: {  	[sflag:s26] =	ssyncset.done $0x0  }
0x102: {  	[sflag:s26] =	ssyncadd.s32 $0xFFFFE000  }
0x103: {  	_ =	swait.ge [sflag:s8], $0x2000  }
0x104: {  	[sflag:s8] =	ssyncset.done $0x0  }
0x105: {  	[sflag:s8] =	ssyncadd.s32 $0xFFFFE000  }
0x106: {  	_ =	swait.ge [sflag:s24], $0x2000  }
0x107: {  	[sflag:s24] =	ssyncset.done $0x0  }
0x108: {  	[sflag:s24] =	ssyncadd.s32 $0xFFFFE000  }
0x109: {  	_ =	swait.ge [sflag:s21], $0x2000  }
0x10a: {  	[sflag:s21] =	ssyncset.done $0x0  }
0x10b: {  	[sflag:s21] =	ssyncadd.s32 $0xFFFFE000  }
0x10c: {  	_ =	swait.ge [sflag:s22], $0x2000  }
0x10d: {  	[sflag:s22] =	ssyncset.done $0x0  }
0x10e: {  	[sflag:s22] =	ssyncadd.s32 $0xFFFFE000  }
0x10f: {  	_ =	swait.ge [sflag:s19], $0x2000  }
0x110: {  	[sflag:s19] =	ssyncset.done $0x0  }
0x111: {  	[sflag:s19] =	ssyncadd.s32 $0xFFFFE000  }
0x112: {  	_ =	swait.ge [sflag:s20], $0x2000  }
.Ltmp5:
0x113: {  	[sflag:s20] =	ssyncset.done $0x0;
	(pc) =	sbr.rel .LBB2_5-.Ltmp5, $4  }
0x114: {  	[sflag:s20] =	ssyncadd.s32 $0xFFFFE000  }
0x115: {  	s31 =	simm.s32 $0x5000;
	s1 =	simm.s32 $0x7000;
	_ =	swait.ge [sflag:s29], $0x2000  }
0x116: {  	s7 =	simm.s32 $0x9000;
	s18 =	simm.s32 $0xB000;
	[sflag:s29] =	ssyncset.done $0x0  }
0x117: {  	s26 =	simm.s32 $0x800;
	[sflag:s29] =	ssyncadd.s32 $0xFFFFE000;
	s29 =	simm.s32 $0x3000  }
.LBB2_7:
0x118: {  	_ =	sfence.sel $0x180000  }
0x119: {  	[bflag:$0x0] =	sbarrier.arrive $0xFFFF  }
0x11a: {  	_ =	strace $0x9000004A  }
0x11b: {  	s0 =	stileid.u32;
	[bflag:$0x2] =	sbarrier.arrive $0xFFFF  }
0x11c: {  	p0 =	sne.s32 s0, $0x0;
	s0 =	rddreg [dreg:$0x2]  }
0x11d: {  	s0 =	sadd.s32 @!p0 $0x100000, s0  }
0x11e: {  	[sflag:s0] =	ssyncadd.tile.s32 @!p0 $0x1;
	_ =	shalt  }
.Lfunc_end2:
_tile_overlayer_lowered:
.L_overlay_start_2:
0x11f: {  	(tag) =	ssettag $0x2  }
0x120: {  	s0 =	rddreg [dreg:$0x0];
	s2 =	stileid.u32  }
0x121: {  	s1 =	rddreg [dreg:$0x1];
	p0 =	sne.s32 s2, $0x0  }
0x122: {  	s3 =	rddreg [dreg:$0x2];
	[bflag:$0x3] =	sbarrier.arrive $0xFFFF;
	s2 =	simm.s32 @!p0 $0x1C15  }
0x123: {  	[timem:s3], [sflag:s2] =	dma.local @!p0 [hbm:s0], s1  }
0x124: {  	s0 =	simm.s32 @!p0 $0x15  }
0x125: {  	_ =	swait.ge @!p0 [sflag:s0], s1  }
0x126: {  	s1 =	ssub.s32 @!p0 $0x0, s1;
	[sflag:s0] =	ssyncset.done @!p0 $0x0  }
0x127: {  	[sflag:s0] =	ssyncadd.s32 @!p0 s1  }
0x128: {  	[bflag:$0x3] =	sbarrier.arrive $0xFFFF  }
0x129: {  	_ =	shalt  }

// kernel: kernel.9.cloned.1.call-start
scs
__scs_entry_jumppad:
0x0: {  	(pc) =	sbr.rel $0x88, $3  }
0x1: {  	(tag) =	ssettag $0x0;
	lr =	simm.s32 $0x1  }
0x2: {  	[smem:$0x3F8E] =	sst lr;
	_ =	strace $0xD0000000  }
0x3: {  	_ = 	snop  }
0x4: {  	_ = 	snop  }
0x5: {  	_ = 	snop  }
0x6: {  	_ = 	snop  }
0x7: {  	_ = 	snop  }
__scs_overlays_trampoline_lowered:
0x8: {  	[smem:$0x3F9D] =	sst s0  }
0x9: {  	[smem:$0x3F9E] =	sst s1  }
0xa: {  	[smem:$0x3F9F] =	sst s2  }
0xb: {  	[smem:$0x3FA0] =	sst s3  }
0xc: {  	[smem:$0x3FA1] =	sst s4  }
0xd: {  	[smem:$0x3FA2] =	sst s5  }
0xe: {  	[smem:$0x3FA3] =	sst s6  }
0xf: {  	[smem:$0x3FA4] =	sst s7  }
0x10: {  	[smem:$0x3FA5] =	sst s8  }
0x11: {  	[smem:$0x3FA6] =	sst s9;
	s0 =	simm.s32 @!p0 $0x0  }
0x12: {  	s1 =	sld [smem:$0x3F8C];
	s0 =	simm.s32 @p0 $0x1  }
0x13: {  	[smem:$0x3FA7] =	sst s0;
	s0 =	simm.s32 @!p1 $0x0  }
0x14: {  	s2 =	sld [smem:$0x3F8B];
	s0 =	simm.s32 @p1 $0x1  }
0x15: {  	[smem:$0x3FA8] =	sst s0;
	s0 =	simm.s32 @!p2 $0x0  }
0x16: {  	s3 =	sld [smem:$0x3FDB];
	s0 =	simm.s32 @p2 $0x1  }
0x17: {  	s4 =	simm.s32 $0x1BF5;
	[smem:$0x3FAA] =	sst s0  }
0x18: {  	s0 =	sld [smem:$0x3F8D];
	_ =	swait.ge [sflag:s4], $0x0  }
0x19: {  	s7 =	sld [smem:$0x3F8E]  }
0x1a: {  	s8 =	sadd.s32 $0xFFFFE003, lr  }
0x1b: {  	s9 =	sadd.s32 $0xFFFFFEF7, lr;
	s5 =	simm.s32 $0xFFFFFFFF;
	p2 =	slt.u32 s8, $0xFFFFF086  }
0x1c: {  	p1 =	slt.u32 s9, $0xF7A;
	s5 =	simm.s32 @!p2 $0x0  }
0x1d: {  	s5 =	simm.s32 @p1 $0x1;
	p0 =	seq.s32 s7, s2  }
0x1e: {  	s7 =	smul.u32 @!p0 $0xF7A, s2;
	p2 =	seq.s32 @!p0 s5, $0x0  }
0x1f: {  	s9 =	smul.u32 $0xF7A, s1;
	s8 =	simm.s32 @!p0 $0x1BF5;
	p2 =	por !p2, p0  }
0x20: {  	[sflag:s8] =	ssyncset.s32 @!p0 $0xFFFFF086;
	s6 =	sadd.s32 @!p0 s3, s7;
	s7 =	simm.s32 @!p0 $0x108  }
0x21: {  	s3 =	sadd.s32 s3, s9;
	s6 =	sadd.s32 @!p0 $0x88, s6;
	s7 =	simm.s32 @p2 $0x1082  }
0x22: {  	[simem:s7], [sflag:s8] =	dma.local @!p0 [hbm:s6], $0xF7A  }
0x23: {  	s9 =	sor.u32 $0xD0000000, s2;
	s6 =	simm.s32 $0x108;
	_ =	swait.ge @!p0 [sflag:s8], $0x0  }
0x24: {  	s3 =	sadd.s32 $0x88, s3;
	s6 =	simm.s32 @!p1 $0x1082;
	[sflag:s4] =	ssyncset.s32 $0xFFFFF086  }
0x25: {  	[simem:s6], [sflag:s4] =	dma.local [hbm:s3], $0xF7A  }
0x26: {  	[smem:$0x3F8E] =	sst s1;
	(tag) =	ssettag s2;
	_ =	strace s9  }
0x27: {  	s1 =	sld [smem:$0x3F9E]  }
0x28: {  	s2 =	sld [smem:$0x3F9F]  }
0x29: {  	s4 =	sld [smem:$0x3FA1]  }
0x2a: {  	p0 =	seq.s32 s5, $0x0;
	s5 =	sld [smem:$0x3FA2]  }
0x2b: {  	s6 =	sld [smem:$0x3FA3]  }
0x2c: {  	s7 =	sld [smem:$0x3FA4]  }
0x2d: {  	s3 =	simm.s32 $0x108;
	s8 =	sld [smem:$0x3FA5]  }
0x2e: {  	s3 =	simm.s32 @!p0 $0x1082;
	s9 =	sld [smem:$0x3FA6]  }
0x2f: {  	lr =	sadd.s32 s0, s3;
	s0 =	sld [smem:$0x3F9D]  }
0x30: {  	s3 =	sld [smem:$0x3FA0]  }
0x31: {  	[smem:$0x3FA9] =	sst s10  }
0x32: {  	s10 =	sld [smem:$0x3FA7];
	_ =	sdelay $0x3  }
0x33: {  	p0 =	seq.s32 s10, $0x1;
	s10 =	sld [smem:$0x3FA9];
	_ =	sdelay $0x3  }
0x34: {  	[smem:$0x3FA9] =	sst s10  }
0x35: {  	s10 =	sld [smem:$0x3FA8];
	_ =	sdelay $0x3  }
0x36: {  	p1 =	seq.s32 s10, $0x1;
	s10 =	sld [smem:$0x3FA9];
	_ =	sdelay $0x3  }
0x37: {  	[smem:$0x3FA9] =	sst s10  }
0x38: {  	s10 =	sld [smem:$0x3FAA]  }
0x39: {  	_ = 	snop;
	(pc) =	sbr.ind lr, $3  }
0x3a: {  	_ = 	snop  }
0x3b: {  	_ = 	snop  }
0x3c: {  	p2 =	seq.s32 s10, $0x1;
	s10 =	sld [smem:$0x3FA9]  }
0x3d: {  	_ =	shalt  }
0x3e: {  	_ =	shalt  }
0x3f: {  	_ =	shalt  }
0x40: {  	_ =	shalt  }
0x41: {  	_ =	shalt  }
0x42: {  	_ =	shalt  }
0x43: {  	_ =	shalt  }
0x44: {  	_ =	shalt  }
0x45: {  	_ =	shalt  }
0x46: {  	_ =	shalt  }
0x47: {  	_ =	shalt  }
0x48: {  	_ =	shalt  }
0x49: {  	_ =	shalt  }
0x4a: {  	_ =	shalt  }
0x4b: {  	_ =	shalt  }
0x4c: {  	_ =	shalt  }
0x4d: {  	_ =	shalt  }
0x4e: {  	_ =	shalt  }
0x4f: {  	_ =	shalt  }
0x50: {  	_ =	shalt  }
0x51: {  	_ =	shalt  }
0x52: {  	_ =	shalt  }
0x53: {  	_ =	shalt  }
0x54: {  	_ =	shalt  }
0x55: {  	_ =	shalt  }
0x56: {  	_ =	shalt  }
0x57: {  	_ =	shalt  }
0x58: {  	_ =	shalt  }
0x59: {  	_ =	shalt  }
0x5a: {  	_ =	shalt  }
0x5b: {  	_ =	shalt  }
0x5c: {  	_ =	shalt  }
0x5d: {  	_ =	shalt  }
0x5e: {  	_ =	shalt  }
0x5f: {  	_ =	shalt  }
0x60: {  	_ =	shalt  }
0x61: {  	_ =	shalt  }
0x62: {  	_ =	shalt  }
0x63: {  	_ =	shalt  }
0x64: {  	_ =	shalt  }
0x65: {  	_ =	shalt  }
0x66: {  	_ =	shalt  }
0x67: {  	_ =	shalt  }
0x68: {  	_ =	shalt  }
0x69: {  	_ =	shalt  }
0x6a: {  	_ =	shalt  }
0x6b: {  	_ =	shalt  }
0x6c: {  	_ =	shalt  }
0x6d: {  	_ =	shalt  }
0x6e: {  	_ =	shalt  }
0x6f: {  	_ =	shalt  }
0x70: {  	_ =	shalt  }
0x71: {  	_ =	shalt  }
0x72: {  	_ =	shalt  }
0x73: {  	_ =	shalt  }
0x74: {  	_ =	shalt  }
0x75: {  	_ =	shalt  }
0x76: {  	_ =	shalt  }
0x77: {  	_ =	shalt  }
0x78: {  	_ =	shalt  }
0x79: {  	_ =	shalt  }
0x7a: {  	_ =	shalt  }
0x7b: {  	_ =	shalt  }
0x7c: {  	_ =	shalt  }
0x7d: {  	_ =	shalt  }
0x7e: {  	_ =	shalt  }
0x7f: {  	_ =	shalt  }
0x80: {  	_ =	shalt  }
0x81: {  	_ =	shalt  }
0x82: {  	_ =	shalt  }
0x83: {  	_ =	shalt  }
0x84: {  	_ =	shalt  }
0x85: {  	_ =	shalt  }
0x86: {  	_ =	shalt  }
0x87: {  	_ =	shalt  }
.Lfunc_end0:
.L_simem_size_0:
called_computation_lowered:
.L_overlay_start_0:
0x88: {  	s2 =	sld [smem:$0x3FD9]  }
0x89: {  	s3 =	sld [smem:$0x3FFE];
	_ =	sdelay $0x1  }
0x8a: {  	s1 =	srdreg.scid  }
0x8b: {  	s0 =	sand.u32 $0x1, s1  }
0x8c: {  	s16 =	sshll.u32 s0, $0xA;
	s2 =	sadd.s32 s3, s2  }
0x8d: {  	s2 =	sadd.s32 s2, s16  }
0x8e: {  	[smem:$0x3FB5] =	sst s2  }
0x8f: {  	_ = 	snop  }
0x90: {  	(tm) =	ssettm $0x1  }
0x91: {  	s17 =	sld [smem:$0x3FFB];
	_ =	sdelay $0x3  }
0x92: {  	_ =	strace s17  }
0x93: {  	s2 =	sld [smem:$0x3FFC];
	_ =	sdelay $0x3  }
0x94: {  	_ =	strace s2  }
0x95: {  	s2 =	sld [smem:$0x3FFD];
	_ =	sdelay $0x3  }
0x96: {  	_ =	strace s2  }
0x97: {  	_ =	strace $0x8FFFFFFF  }
0x98: {  	s18 =	sld [smem:$0x3FDB];
	_ =	sdelay $0x1  }
0x99: {  	s19 =	simm.s32 $_scs_section_size  }
0x9a: {  	s4 =	simm.s32 $_size__tile_overlayer_lowered;
	s5 =	simm.s32 $_tile_overlayer_lowered  }
0x9b: {  	s22 =	simm.s32 $0x1BFF;
	s21 =	sshll.u32 s5, $0x1;
	s2 =	sadd.s32 s19, s18  }
0x9c: {  	s6 =	simm.s32 $0x0;
	s20 =	sshll.u32 s4, $0x1;
	s4 =	sadd.s32 s21, s2  }
0x9d: {  	[timem:s6], [sflag:s22] =	dma.local [hbm:s4], s20  }
0x9e: {  	_ =	swait.ge [sflag:s22], s20  }
0x9f: {  	s3 =	ssub.s32 $0x0, s20;
	[sflag:s22] =	ssyncset.done $0x0  }
0xa0: {  	[sflag:s22] =	ssyncadd.s32 s3;
	_ =	sdelay $0x1  }
0xa1: {  	s23 =	simm.s32 $0x1B8B  }
0xa2: {  	_ =	swait.ge [sflag:s23], $0x1  }
0xa3: {  	[sflag:s23] =	ssyncset.done $0x0  }
0xa4: {  	s25 =	simm.s32 $0x1B8E;
	s24 =	sld [smem:$0x3FFE];
	[sflag:s23] =	ssyncadd.s32 $0xFFFFFFFF  }
0xa5: {  	s26 =	simm.s32 $execute0_lowered;
	[smem:$0x3FD2] =	sst s25  }
0xa6: {  	s4 =	sshll.u32 s26, $0x1;
	_ =	strace $0x80000046;
	[dreg:$0x1] =	wrdreg $0xFFFFFFFF  }
0xa7: {  	s28 =	simm.s32 $_size_execute0_lowered;
	s2 =	sadd.s32 s2, s4;
	[dreg:$0x0] =	wrdreg $0x0  }
0xa8: {  	s4 =	sshll.u32 s28, $0x1;
	[dreg:$0x2] =	wrdreg s2  }
0xa9: {  	[dreg:$0x3] =	wrdreg s4  }
0xaa: {  	[dreg:$0x4] =	wrdreg $0xC0  }
0xab: {  	_ =	task [dreg:s6], $0x5FFFF  }
0xac: {  	[dreg:$0x1] =	wrdreg $0xFFFFFFFF  }
0xad: {  	[dreg:$0x0] =	wrdreg $0x60  }
0xae: {  	[dreg:$0x2] =	wrdreg s24  }
0xaf: {  	[dreg:$0x3] =	wrdreg $0x110000  }
0xb0: {  	[dreg:$0x4] =	wrdreg $0x9  }
0xb1: {  	_ =	task.clear_ibuf [dreg:s6], $0x5FFFF;
	_ =	strace $0x90000046  }
0xb2: {  	s29 =	simm.s32 $0x9;
	_ =	strace $0x80000048  }
0xb3: {  	_ =	swait.ge [sflag:s29], $0x1  }
0xb4: {  	[sflag:s29] =	ssyncadd.s32 $0xFFFFFFFF  }
0xb5: {  	_ =	strace $0x90000048  }
0xb6: {  	_ =	sfence  }
0xb7: {  	s30 =	sld [smem:$0x0];
	_ =	sdelay $0x2  }
0xb8: {  	s31 =	sshll.u32 s1, $0xD;
	s1 =	sshrl.u32 s1, $0x2  }
0xb9: {  	s3 =	sand.u32 $0x4000, s31;
	s1 =	sadd.s32 s1, s30  }
0xba: {  	s0 =	sor.u32 s3, s0;
	s1 =	sshll.u32 s1, $0x11  }
0xbb: {  	s0 =	sor.u32 s1, s0  }
0xbc: {  	s0 =	sadd.s32 $0x8F2B, s0  }
0xbd: {  	[sflag:s0] =	ssyncadd.remote.s32 $0x1  }
0xbe: {  	_ =	sfence.sel $0xFFFF  }
0xbf: {  	[dreg:$0x0] =	wrdreg $0xFFFFFFFF;
	(pc) =	sbr.abs _section_cstart, $3  }
0xc0: {  	[dreg:$0x1] =	wrdreg $0xFFFFFFFF  }
0xc1: {  	_ =	task.clear_ibuf [dreg:s6], $0x2FFFF;
	_ =	strace $0x9FFFFFFF  }
0xc2: {  	(tm) =	ssettm $0x7FFFFFFF  }
0xc3: {  	_ =	shalt  }
tec
execute0_lowered:
.L_overlay_start_1:
0x0: {  	(tag) =	ssettag $0x1  }
0x1: {  	s0 =	rddreg [dreg:$0x0]  }
0x2: {  	s2 =	rddreg [dreg:$0x1]  }
0x3: {  	s1 =	srdreg.scid;
	s11 =	stileid.u32;
	s4 =	simm.s32 $0x0  }
0x4: {  	s29 =	simm.s32 $0x3000;
	s31 =	simm.s32 $0x5000;
	s30 =	simm.s32 $0x5  }
0x5: {  	s28 =	simm.s32 $0x8;
	s1 =	sand.u32 $0x1, s1;
	s3 =	smul.u32 $0xA000, s11  }
0x6: {  	[smem:$0x7FF] =	sst s4;
	s4 =	sadd.s32 $0x2A00, s0;
	s14 =	smul.u32 $0x28000, s11  }
0x7: {  	s6 =	sadd.s32 $0x29C00, s0;
	s7 =	sadd.s32 $0x3DC00, s0;
	s10 =	smul.u32 $0x5000, s11  }
0x8: {  	s8 =	sadd.s32 $0x47C00, s0;
	s21 =	smul.u32 $0xA00, s11;
	s11 =	simm.s32 $0xF000  }
0x9: {  	s5 =	smul.u32 $0xA0000, s1;
	_ =	strace $0x80000047;
	s15 =	ssub.s32 $0x2, s1  }
0xa: {  	[dreg:$0x3] =	wrdreg s8;
	s1 =	smul.u32 $0x50000, s1;
	s9 =	sshrl.u32 s15, $0x1  }
0xb: {  	s8 =	sshrl.u32 s14, $0x2;
	s12 =	sadd.s32 s3, s2;
	s20 =	sshrl.u32 s10, $0x3  }
0xc: {  	s23 =	sadd.s32 s21, s7;
	s5 =	sadd.s32 s3, s5;
	s16 =	sadd.s32 s8, s2  }
0xd: {  	s1 =	sadd.s32 s10, s1;
	s10 =	simm.s32 $0xF000;
	[dreg:$0x4] =	wrdreg s12  }
0xe: {  	s5 =	sshrl.u32 s5, $0x3;
	s8 =	sadd.s32 $0x2000, s16;
	s17 =	sadd.s32 $0x4000, s16  }
0xf: {  	s18 =	sadd.s32 $0x6000, s16;
	s3 =	sadd.s32 $0x8000, s16;
	[dreg:$0x5] =	wrdreg s8  }
0x10: {  	s19 =	sshrl.u32 s1, $0x3;
	s24 =	sor.u32 $0x800, s1;
	[dreg:$0x6] =	wrdreg s17  }
0x11: {  	s1 =	sor.u32 $0x400, s1;
	s0 =	sadd.s32 s5, s0;
	[dreg:$0x7] =	wrdreg s18  }
0x12: {  	s5 =	ssub.s32 s15, s9;
	[dreg:$0x8] =	wrdreg s3;
	s3 =	sadd.s32 s6, s19  }
0x13: {  	s25 =	sshrl.u32 s24, $0x3;
	s1 =	sshrl.u32 s1, $0x3;
	s18 =	simm.s32 $0xB000  }
0x14: {  	s9 =	simm.s32 $0xD000;
	s15 =	simm.s32 $0x2;
	s17 =	simm.s32 $0x3  }
0x15: {  	[dreg:$0x9] =	wrdreg s3;
	s3 =	sadd.s32 s7, s20;
	s0 =	sadd.s32 $0x48000, s0  }
0x16: {  	s22 =	smax.u32 s5, $0x1;
	s26 =	sadd.s32 s1, s6;
	[dreg:$0xa] =	wrdreg s3  }
.Ltmp0:
0x17: {  	s1 =	simm.s32 $0x1000;
	[dreg:$0xb] =	wrdreg s0;
	(pc) =	sbr.rel .LBB2_1-.Ltmp0, $4  }
0x18: {  	s7 =	simm.s32 $0x9000;
	[dreg:$0xc] =	wrdreg s22;
	s0 =	sadd.s32 $0x100, s23  }
0x19: {  	[dreg:$0xf] =	wrdreg s26;
	s26 =	simm.s32 $0x800;
	s23 =	simm.s32 $0x80  }
0x1a: {  	[dreg:$0xd] =	wrdreg s0;
	s0 =	sadd.s32 s25, s6;
	s6 =	simm.s32 $0x15  }
0x1b: {  	s25 =	simm.s32 $0x4;
	[dreg:$0xe] =	wrdreg s0;
	s0 =	simm.s32 $0x0  }
.LBB2_6:
0x1c: {  	s3 =	stileid.u32;
	[bflag:$0x0] =	sbarrier.arrive $0xFFFF  }
0x1d: {  	s3 =	sshll.u32 s3, $0x6;
	s12 =	rddreg [dreg:$0x4]  }
0x1e: {  	s16 =	rddreg [dreg:$0xb];
	s3 =	sor.u32 $0x1C15, s3;
	s6 =	sshrl.u32 s12, $0x3  }
0x1f: {  	[hbm:s16], [sflag:s3] =	dma.local [spmem:s6], $0x1400  }
0x20: {  	s6 =	simm.s32 $0x15  }
0x21: {  	_ =	swait.ge [sflag:s6], $0x1400  }
0x22: {  	s0 =	rddreg [dreg:$0x10]  }
0x23: {  	s24 =	rddreg [dreg:$0xc];
	s0 =	sadd.s32 $0x1, s0  }
0x24: {  	p0 =	sne.s32 s0, s24  }
.Ltmp1:
0x25: {  	_ = 	snop;
	(pc) =	sbr.rel @!p0 .LBB2_7-.Ltmp1, $3  }
0x26: {  	_ =	sdelay $0x1  }
0x27: {  	s1 =	simm.s32 $0x1000;
	[sflag:s6] =	ssyncset.done $0x0  }
0x28: {  	s9 =	simm.s32 $0xD000;
	s10 =	simm.s32 $0xF000;
	[sflag:s6] =	ssyncadd.s32 $0xFFFFEC00  }
.LBB2_1:
0x29: {  	[dreg:$0x10] =	wrdreg s0  }
0x2a: {  	s3 =	rddreg [dreg:$0x3];
	s20 =	simm.s32 $0x0  }
0x2b: {  	[tilespmem:s1], [sflag:$0x15] =	stream.linear.gather [hbm4b:s3+s20], $0x2000, $0x38;
	[tilespmem:$0x1B000] =	vst v63  }
0x2c: {  	_ =	swait.ge [sflag:s6], $0x2000  }
0x2d: {  	[sflag:s6] =	ssyncset.done $0x0  }
0x2e: {  	[sflag:s6] =	ssyncadd.s32 $0xFFFFE000  }
0x2f: {  	[spmem:s12] =	stream.linear.scatter [tilespmem:s1], [sflag:$0x15], $0x2000, $0x38;
	[tilespmem:$0x1B000] =	vst v63  }
0x30: {  	_ =	swait.ge [sflag:s6], $0x2000  }
0x31: {  	[sflag:s6] =	ssyncset.done $0x0  }
0x32: {  	s21 =	rddreg [dreg:$0x5];
	[sflag:s6] =	ssyncadd.s32 $0xFFFFE000  }
0x33: {  	[spmem:s21] =	stream.linear.scatter [tilespmem:s1], [sflag:$0x15], $0x2000, $0x38;
	[tilespmem:$0x1B000] =	vst v63  }
0x34: {  	_ =	swait.ge [sflag:s6], $0x2000  }
0x35: {  	[sflag:s6] =	ssyncset.done $0x0  }
0x36: {  	s22 =	rddreg [dreg:$0x6];
	[sflag:s6] =	ssyncadd.s32 $0xFFFFE000  }
0x37: {  	[spmem:s22] =	stream.linear.scatter [tilespmem:s1], [sflag:$0x15], $0x2000, $0x38;
	[tilespmem:$0x1B000] =	vst v63  }
0x38: {  	_ =	swait.ge [sflag:s6], $0x2000  }
0x39: {  	[sflag:s6] =	ssyncset.done $0x0  }
0x3a: {  	s24 =	rddreg [dreg:$0x7];
	[sflag:s6] =	ssyncadd.s32 $0xFFFFE000  }
0x3b: {  	[spmem:s24] =	stream.linear.scatter [tilespmem:s1], [sflag:$0x15], $0x2000, $0x38;
	[tilespmem:$0x1B000] =	vst v63  }
0x3c: {  	_ =	swait.ge [sflag:s6], $0x2000  }
0x3d: {  	[sflag:s6] =	ssyncset.done $0x0  }
0x3e: {  	s5 =	rddreg [dreg:$0x8];
	[sflag:s6] =	ssyncadd.s32 $0xFFFFE000  }
0x3f: {  	[spmem:s5] =	stream.linear.scatter [tilespmem:s1], [sflag:$0x15], $0x2000, $0x38;
	[tilespmem:$0x1B000] =	vst v63  }
0x40: {  	_ =	swait.ge [sflag:s6], $0x2000  }
0x41: {  	[sflag:s6] =	ssyncset.done $0x0  }
0x42: {  	[sflag:s6] =	ssyncadd.s32 $0xFFFFE000  }
0x43: {  	[bflag:$0x0] =	sbarrier.arrive $0xFFFF  }
0x44: {  	s6 =	rddreg [dreg:$0x9]  }
0x45: {  	[tilespmem:s20], [sflag:$0x11] =	stream.linear.gather [hbm4b:s6+s20], $0x400, $0x38;
	[tilespmem:$0x1B000] =	vst v63  }
0x46: {  	s12 =	simm.s32 $0x11;
	s8 =	rddreg [dreg:$0xa]  }
0x47: {  	[tilespmem:s26], [sflag:$0x12] =	stream.linear.gather [hbm4b:s8+s20], $0x400, $0x38;
	[tilespmem:$0x1B000] =	vst v63  }
0x48: {  	_ =	swait.ge [sflag:s12], $0x400  }
0x49: {  	[sflag:s12] =	ssyncset.done $0x0  }
0x4a: {  	s13 =	simm.s32 $0x12;
	[sflag:s12] =	ssyncadd.s32 $0xFFFFFC00  }
0x4b: {  	_ =	swait.ge [sflag:s13], $0x400  }
0x4c: {  	[sflag:s13] =	ssyncset.done $0x0  }
0x4d: {  	[sflag:s13] =	ssyncadd.s32 $0xFFFFFC00  }
0x4e: {  	[tilespmem:s1], [sflag:$0x1] =	stream.indirect.gather [hbm4b:s4+s23], $0x40, s20, s23, $0xb8;
	[tilespmem:$0x1B000] =	vst v63  }
0x4f: {  	_ = 	snop  }
0x50: {  	[tilespmem:s29], [sflag:$0x2] =	stream.indirect.gather [hbm4b:s4+s23], $0x40, s23, s23, $0xb8;
	[tilespmem:$0x1B000] =	vst v63  }
0x51: {  	s14 =	simm.s32 $0x100  }
0x52: {  	[tilespmem:s31], [sflag:$0x3] =	stream.indirect.gather [hbm4b:s4+s23], $0x40, s14, s23, $0xb8;
	[tilespmem:$0x1B000] =	vst v63  }
0x53: {  	s16 =	simm.s32 $0x7000;
	s19 =	simm.s32 $0x180  }
0x54: {  	[tilespmem:s16], [sflag:$0x4] =	stream.indirect.gather [hbm4b:s4+s23], $0x40, s19, s23, $0xb8;
	[tilespmem:$0x1B000] =	vst v63  }
0x55: {  	s20 =	simm.s32 $0x200  }
0x56: {  	[tilespmem:s7], [sflag:$0x5] =	stream.indirect.gather [hbm4b:s4+s23], $0x40, s20, s23, $0xb8;
	[tilespmem:$0x1B000] =	vst v63  }
0x57: {  	s21 =	simm.s32 $0x280  }
0x58: {  	[tilespmem:s18], [sflag:$0x6] =	stream.indirect.gather [hbm4b:s4+s23], $0x40, s21, s23, $0xb8;
	[tilespmem:$0x1B000] =	vst v63  }
.Ltmp2:
0x59: {  	s12 =	rddreg [dreg:$0xf];
	(pc) =	sbr.rel .LBB2_2-.Ltmp2, $4  }
0x5a: {  	s22 =	simm.s32 $0x300;
	s24 =	simm.s32 $0x380;
	s3 =	rddreg [dreg:$0xe]  }
0x5b: {  	[tilespmem:s9], [sflag:$0x7] =	stream.indirect.gather [hbm4b:s4+s23], $0x40, s22, s23, $0xb8;
	[tilespmem:$0x1B000] =	vst v63  }
0x5c: {  	s6 =	simm.s32 $0x0;
	s1 =	simm.s32 $0x7000;
	s16 =	rddreg [dreg:$0xd]  }
0x5d: {  	[tilespmem:s10], [sflag:$0x8] =	stream.indirect.gather [hbm4b:s4+s23], $0x40, s24, s23, $0xb8;
	[tilespmem:$0x1B000] =	vst v63  }
.LBB2_4:
0x5e: {  	s0 =	simm.s32 $0x0  }
0x5f: {  	[tilespmem:s0], [sflag:$0x11] =	stream.linear.gather [hbm4b:s3+s0], $0x400, $0x38;
	[tilespmem:$0x1B000] =	vst v63  }
0x60: {  	s14 =	simm.s32 $0x800  }
0x61: {  	[tilespmem:s14], [sflag:$0x12] =	stream.linear.gather [hbm4b:s16+s0], $0x400, $0x38;
	[tilespmem:$0x1B000] =	vst v63  }
0x62: {  	_ =	swait.ge [sflag:s26], $0x2000  }
0x63: {  	[sflag:s26] =	ssyncset.done $0x0  }
0x64: {  	s14 =	simm.s32 $0x11;
	[sflag:s26] =	ssyncadd.s32 $0xFFFFE000  }
0x65: {  	_ =	swait.ge [sflag:s14], $0x400  }
0x66: {  	[sflag:s14] =	ssyncset.done $0x0  }
0x67: {  	s18 =	simm.s32 $0x12;
	[sflag:s14] =	ssyncadd.s32 $0xFFFFFC00  }
0x68: {  	_ =	swait.ge [sflag:s18], $0x400  }
0x69: {  	[sflag:s18] =	ssyncset.done $0x0  }
0x6a: {  	[sflag:s18] =	ssyncadd.s32 $0xFFFFFC00  }
0x6b: {  	[tilespmem:s9], [sflag:$0x1] =	stream.indirect.gather [hbm4b:s4+s23], $0x40, s0, s23, $0xb8;
	[tilespmem:$0x1B000] =	vst v63  }
0x6c: {  	_ =	swait.ge [sflag:s8], $0x2000  }
0x6d: {  	[sflag:s8] =	ssyncset.done $0x0  }
0x6e: {  	[sflag:s8] =	ssyncadd.s32 $0xFFFFE000  }
0x6f: {  	[tilespmem:s31], [sflag:$0x2] =	stream.indirect.gather [hbm4b:s4+s23], $0x40, s23, s23, $0xb8;
	[tilespmem:$0x1B000] =	vst v63  }
0x70: {  	_ =	swait.ge [sflag:s24], $0x2000  }
0x71: {  	[sflag:s24] =	ssyncset.done $0x0  }
0x72: {  	s14 =	simm.s32 $0x100;
	[sflag:s24] =	ssyncadd.s32 $0xFFFFE000  }
0x73: {  	[tilespmem:s1], [sflag:$0x3] =	stream.indirect.gather [hbm4b:s4+s23], $0x40, s14, s23, $0xb8;
	[tilespmem:$0x1B000] =	vst v63  }
0x74: {  	_ =	swait.ge [sflag:s21], $0x2000  }
0x75: {  	[sflag:s21] =	ssyncset.done $0x0  }
0x76: {  	s18 =	simm.s32 $0x180;
	[sflag:s21] =	ssyncadd.s32 $0xFFFFE000  }
0x77: {  	[tilespmem:s7], [sflag:$0x4] =	stream.indirect.gather [hbm4b:s4+s23], $0x40, s18, s23, $0xb8;
	[tilespmem:$0x1B000] =	vst v63  }
0x78: {  	_ =	swait.ge [sflag:s22], $0x2000  }
0x79: {  	[sflag:s22] =	ssyncset.done $0x0  }
0x7a: {  	s21 =	simm.s32 $0x200;
	[sflag:s22] =	ssyncadd.s32 $0xFFFFE000  }
0x7b: {  	[tilespmem:s13], [sflag:$0x5] =	stream.indirect.gather [hbm4b:s4+s23], $0x40, s21, s23, $0xb8;
	[tilespmem:$0x1B000] =	vst v63  }
0x7c: {  	_ =	swait.ge [sflag:s19], $0x2000  }
0x7d: {  	[sflag:s19] =	ssyncset.done $0x0  }
0x7e: {  	s22 =	simm.s32 $0x280;
	[sflag:s19] =	ssyncadd.s32 $0xFFFFE000  }
0x7f: {  	[tilespmem:s5], [sflag:$0x6] =	stream.indirect.gather [hbm4b:s4+s23], $0x40, s22, s23, $0xb8;
	[tilespmem:$0x1B000] =	vst v63  }
0x80: {  	_ =	swait.ge [sflag:s20], $0x2000  }
0x81: {  	[sflag:s20] =	ssyncset.done $0x0  }
0x82: {  	s24 =	simm.s32 $0x300;
	[sflag:s20] =	ssyncadd.s32 $0xFFFFE000  }
0x83: {  	[tilespmem:s10], [sflag:$0x7] =	stream.indirect.gather [hbm4b:s4+s23], $0x40, s24, s23, $0xb8;
	[tilespmem:$0x1B000] =	vst v63  }
0x84: {  	_ =	swait.ge [sflag:s29], $0x2000  }
0x85: {  	s26 =	simm.s32 $0x380;
	s31 =	simm.s32 $0x5000;
	[sflag:s29] =	ssyncset.done $0x0  }
0x86: {  	s1 =	simm.s32 $0x7000;
	s7 =	simm.s32 $0x9000;
	[sflag:s29] =	ssyncadd.s32 $0xFFFFE000  }
0x87: {  	[tilespmem:s11], [sflag:$0x8] =	stream.indirect.gather [hbm4b:s4+s23], $0x40, s26, s23, $0xb8;
	[tilespmem:$0x1B000] =	vst v63  }
0x88: {  	s18 =	simm.s32 $0xB000;
	s29 =	simm.s32 $0x3000;
	s26 =	simm.s32 $0x800  }
.LBB2_5:
0x89: {  	s6 =	sadd.s32 $0x1, s6  }
0x8a: {  	p0 =	sne.s32 s6, $0xA  }
.Ltmp3:
0x8b: {  	_ = 	snop;
	(pc) =	sbr.rel @!p0 .LBB2_6-.Ltmp3, $2  }
0x8c: {  	_ =	sdelay $0x2  }
0x8d: {  	s16 =	sadd.s32 $0x100, s16;
	s3 =	sadd.s32 $0x100, s3;
	s12 =	sadd.s32 $0x100, s12  }
.LBB2_2:
0x8e: {  	s13 =	simm.s32 $0x1  }
0x8f: {  	_ =	swait.ge [sflag:s13], $0x2000  }
0x90: {  	[sflag:s13] =	ssyncset.done $0x0  }
0x91: {  	s9 =	simm.s32 $0x1000;
	[sflag:s13] =	ssyncadd.s32 $0xFFFFE000  }
0x92: {  	[spmem:s2] =	stream.indirect.scatter.add.f32 [tilespmem:s9], [sflag:$0x9], $0x40, s26, s23, $0xb8;
	[tilespmem:$0x1B000] =	vst v63  }
0x93: {  	_ =	swait.ge [sflag:s15], $0x2000  }
0x94: {  	[sflag:s15] =	ssyncset.done $0x0  }
0x95: {  	s10 =	simm.s32 $0x880;
	[sflag:s15] =	ssyncadd.s32 $0xFFFFE000  }
0x96: {  	[spmem:s2] =	stream.indirect.scatter.add.f32 [tilespmem:s29], [sflag:$0xA], $0x40, s10, s23, $0xb8;
	[tilespmem:$0x1B000] =	vst v63  }
0x97: {  	_ =	swait.ge [sflag:s17], $0x2000  }
0x98: {  	[sflag:s17] =	ssyncset.done $0x0  }
0x99: {  	s5 =	simm.s32 $0x900;
	[sflag:s17] =	ssyncadd.s32 $0xFFFFE000  }
0x9a: {  	[spmem:s2] =	stream.indirect.scatter.add.f32 [tilespmem:s31], [sflag:$0xB], $0x40, s5, s23, $0xb8;
	[tilespmem:$0x1B000] =	vst v63  }
0x9b: {  	_ =	swait.ge [sflag:s25], $0x2000  }
0x9c: {  	[sflag:s25] =	ssyncset.done $0x0  }
0x9d: {  	s8 =	simm.s32 $0x980;
	[sflag:s25] =	ssyncadd.s32 $0xFFFFE000  }
0x9e: {  	[spmem:s2] =	stream.indirect.scatter.add.f32 [tilespmem:s1], [sflag:$0xC], $0x40, s8, s23, $0xb8;
	[tilespmem:$0x1B000] =	vst v63  }
0x9f: {  	_ =	swait.ge [sflag:s30], $0x2000  }
0xa0: {  	[sflag:s30] =	ssyncset.done $0x0  }
0xa1: {  	s14 =	simm.s32 $0xA00;
	s5 =	simm.s32 $0x6;
	[sflag:s30] =	ssyncadd.s32 $0xFFFFE000  }
0xa2: {  	[spmem:s2] =	stream.indirect.scatter.add.f32 [tilespmem:s7], [sflag:$0xD], $0x40, s14, s23, $0xb8;
	[tilespmem:$0x1B000] =	vst v63  }
0xa3: {  	_ =	swait.ge [sflag:s5], $0x2000  }
0xa4: {  	[sflag:s5] =	ssyncset.done $0x0  }
0xa5: {  	s19 =	simm.s32 $0xA80;
	s14 =	simm.s32 $0x7;
	[sflag:s5] =	ssyncadd.s32 $0xFFFFE000  }
0xa6: {  	[spmem:s2] =	stream.indirect.scatter.add.f32 [tilespmem:s18], [sflag:$0xE], $0x40, s19, s23, $0xb8;
	[tilespmem:$0x1B000] =	vst v63  }
0xa7: {  	_ =	swait.ge [sflag:s14], $0x2000  }
0xa8: {  	[sflag:s14] =	ssyncset.done $0x0  }
0xa9: {  	s20 =	simm.s32 $0xB00;
	s10 =	simm.s32 $0xD000;
	[sflag:s14] =	ssyncadd.s32 $0xFFFFE000  }
0xaa: {  	[spmem:s2] =	stream.indirect.scatter.add.f32 [tilespmem:s10], [sflag:$0xF], $0x40, s20, s23, $0xb8;
	[tilespmem:$0x1B000] =	vst v63  }
0xab: {  	_ =	swait.ge [sflag:s28], $0x2000  }
0xac: {  	[sflag:s28] =	ssyncset.done $0x0  }
0xad: {  	s21 =	simm.s32 $0xB80;
	[sflag:s28] =	ssyncadd.s32 $0xFFFFE000  }
0xae: {  	[spmem:s2] =	stream.indirect.scatter.add.f32 [tilespmem:s11], [sflag:$0x10], $0x40, s21, s23, $0xb8;
	[tilespmem:$0x1B000] =	vst v63  }
0xaf: {  	s0 =	simm.s32 $0x0;
	s22 =	simm.s32 $0x0;
	s8 =	simm.s32 $0x400  }
0xb0: {  	[tilespmem:s8], [sflag:$0x13] =	stream.linear.gather [hbm4b:s12+s0], $0x400, $0x38;
	[tilespmem:$0x1B000] =	vst v63  }
0xb1: {  	s24 =	sadd.s32 $0xFFFFFF80, s16;
	s26 =	simm.s32 $0x9;
	s0 =	simm.s32 $0xC00  }
0xb2: {  	[tilespmem:s0], [sflag:$0x14] =	stream.linear.gather [hbm4b:s24+s22], $0x400, $0x38;
	[tilespmem:$0x1B000] =	vst v63  }
0xb3: {  	_ =	swait.ge [sflag:s26], $0x2000  }
0xb4: {  	[sflag:s26] =	ssyncset.done $0x0  }
0xb5: {  	s19 =	simm.s32 $0x13;
	[sflag:s26] =	ssyncadd.s32 $0xFFFFE000  }
0xb6: {  	_ =	swait.ge [sflag:s19], $0x400  }
0xb7: {  	[sflag:s19] =	ssyncset.done $0x0  }
0xb8: {  	s21 =	simm.s32 $0x14;
	[sflag:s19] =	ssyncadd.s32 $0xFFFFFC00  }
0xb9: {  	_ =	swait.ge [sflag:s21], $0x400  }
0xba: {  	[sflag:s21] =	ssyncset.done $0x0  }
0xbb: {  	[sflag:s21] =	ssyncadd.s32 $0xFFFFFC00  }
0xbc: {  	[tilespmem:s9], [sflag:$0x1] =	stream.indirect.gather [hbm4b:s4+s23], $0x40, s8, s23, $0xb8;
	[tilespmem:$0x1B000] =	vst v63  }
0xbd: {  	s8 =	simm.s32 $0xA  }
0xbe: {  	_ =	swait.ge [sflag:s8], $0x2000  }
0xbf: {  	s31 =	simm.s32 $0x3000;
	[sflag:s8] =	ssyncset.done $0x0  }
0xc0: {  	s22 =	simm.s32 $0x480;
	s24 =	simm.s32 $0xB;
	[sflag:s8] =	ssyncadd.s32 $0xFFFFE000  }
0xc1: {  	[tilespmem:s31], [sflag:$0x2] =	stream.indirect.gather [hbm4b:s4+s23], $0x40, s22, s23, $0xb8;
	[tilespmem:$0x1B000] =	vst v63  }
0xc2: {  	_ =	swait.ge [sflag:s24], $0x2000  }
0xc3: {  	[sflag:s24] =	ssyncset.done $0x0  }
0xc4: {  	s1 =	simm.s32 $0x5000;
	s21 =	simm.s32 $0x500;
	[sflag:s24] =	ssyncadd.s32 $0xFFFFE000  }
0xc5: {  	[tilespmem:s1], [sflag:$0x3] =	stream.indirect.gather [hbm4b:s4+s23], $0x40, s21, s23, $0xb8;
	[tilespmem:$0x1B000] =	vst v63  }
0xc6: {  	s21 =	simm.s32 $0xC  }
0xc7: {  	_ =	swait.ge [sflag:s21], $0x2000  }
0xc8: {  	[sflag:s21] =	ssyncset.done $0x0  }
0xc9: {  	s7 =	simm.s32 $0x7000;
	s22 =	simm.s32 $0x580;
	[sflag:s21] =	ssyncadd.s32 $0xFFFFE000  }
0xca: {  	[tilespmem:s7], [sflag:$0x4] =	stream.indirect.gather [hbm4b:s4+s23], $0x40, s22, s23, $0xb8;
	[tilespmem:$0x1B000] =	vst v63  }
0xcb: {  	s22 =	simm.s32 $0xD  }
0xcc: {  	_ =	swait.ge [sflag:s22], $0x2000  }
0xcd: {  	[sflag:s22] =	ssyncset.done $0x0  }
0xce: {  	s20 =	simm.s32 $0x9000;
	s19 =	simm.s32 $0x600;
	[sflag:s22] =	ssyncadd.s32 $0xFFFFE000  }
0xcf: {  	[tilespmem:s20], [sflag:$0x5] =	stream.indirect.gather [hbm4b:s4+s23], $0x40, s19, s23, $0xb8;
	[tilespmem:$0x1B000] =	vst v63  }
0xd0: {  	s19 =	simm.s32 $0xE  }
0xd1: {  	_ =	swait.ge [sflag:s19], $0x2000  }
0xd2: {  	[sflag:s19] =	ssyncset.done $0x0  }
0xd3: {  	s18 =	simm.s32 $0xB000;
	s20 =	simm.s32 $0x680;
	[sflag:s19] =	ssyncadd.s32 $0xFFFFE000  }
0xd4: {  	[tilespmem:s18], [sflag:$0x6] =	stream.indirect.gather [hbm4b:s4+s23], $0x40, s20, s23, $0xb8;
	[tilespmem:$0x1B000] =	vst v63  }
0xd5: {  	s20 =	simm.s32 $0xF  }
0xd6: {  	_ =	swait.ge [sflag:s20], $0x2000  }
0xd7: {  	[sflag:s20] =	ssyncset.done $0x0  }
0xd8: {  	s29 =	simm.s32 $0x700;
	[sflag:s20] =	ssyncadd.s32 $0xFFFFE000  }
0xd9: {  	[tilespmem:s10], [sflag:$0x7] =	stream.indirect.gather [hbm4b:s4+s23], $0x40, s29, s23, $0xb8;
	[tilespmem:$0x1B000] =	vst v63  }
0xda: {  	s29 =	simm.s32 $0x10  }
0xdb: {  	_ =	swait.ge [sflag:s29], $0x2000  }
0xdc: {  	[sflag:s29] =	ssyncset.done $0x0  }
0xdd: {  	s18 =	simm.s32 $0x780;
	[sflag:s29] =	ssyncadd.s32 $0xFFFFE000  }
0xde: {  	[tilespmem:s11], [sflag:$0x8] =	stream.indirect.gather [hbm4b:s4+s23], $0x40, s18, s23, $0xb8;
	[tilespmem:$0x1B000] =	vst v63  }
0xdf: {  	_ =	swait.ge [sflag:s13], $0x2000  }
0xe0: {  	[sflag:s13] =	ssyncset.done $0x0  }
0xe1: {  	[sflag:s13] =	ssyncadd.s32 $0xFFFFE000  }
0xe2: {  	[spmem:s2] =	stream.indirect.scatter.add.f32 [tilespmem:s9], [sflag:$0x9], $0x40, s0, s23, $0xb8;
	[tilespmem:$0x1B000] =	vst v63  }
0xe3: {  	_ =	swait.ge [sflag:s15], $0x2000  }
0xe4: {  	[sflag:s15] =	ssyncset.done $0x0  }
0xe5: {  	s18 =	simm.s32 $0xC80;
	[sflag:s15] =	ssyncadd.s32 $0xFFFFE000  }
0xe6: {  	[spmem:s2] =	stream.indirect.scatter.add.f32 [tilespmem:s31], [sflag:$0xA], $0x40, s18, s23, $0xb8;
	[tilespmem:$0x1B000] =	vst v63  }
0xe7: {  	_ =	swait.ge [sflag:s17], $0x2000  }
0xe8: {  	[sflag:s17] =	ssyncset.done $0x0  }
0xe9: {  	s18 =	simm.s32 $0xD00;
	[sflag:s17] =	ssyncadd.s32 $0xFFFFE000  }
0xea: {  	[spmem:s2] =	stream.indirect.scatter.add.f32 [tilespmem:s1], [sflag:$0xB], $0x40, s18, s23, $0xb8;
	[tilespmem:$0x1B000] =	vst v63  }
0xeb: {  	_ =	swait.ge [sflag:s25], $0x2000  }
0xec: {  	[sflag:s25] =	ssyncset.done $0x0  }
0xed: {  	s18 =	simm.s32 $0xD80;
	[sflag:s25] =	ssyncadd.s32 $0xFFFFE000  }
0xee: {  	[spmem:s2] =	stream.indirect.scatter.add.f32 [tilespmem:s7], [sflag:$0xC], $0x40, s18, s23, $0xb8;
	[tilespmem:$0x1B000] =	vst v63  }
0xef: {  	_ =	swait.ge [sflag:s30], $0x2000  }
0xf0: {  	[sflag:s30] =	ssyncset.done $0x0  }
0xf1: {  	s13 =	simm.s32 $0x9000;
	s18 =	simm.s32 $0xE00;
	[sflag:s30] =	ssyncadd.s32 $0xFFFFE000  }
0xf2: {  	[spmem:s2] =	stream.indirect.scatter.add.f32 [tilespmem:s13], [sflag:$0xD], $0x40, s18, s23, $0xb8;
	[tilespmem:$0x1B000] =	vst v63  }
0xf3: {  	_ =	swait.ge [sflag:s5], $0x2000  }
0xf4: {  	[sflag:s5] =	ssyncset.done $0x0  }
0xf5: {  	s18 =	simm.s32 $0xE80;
	[sflag:s5] =	ssyncadd.s32 $0xFFFFE000;
	s5 =	simm.s32 $0xB000  }
0xf6: {  	[spmem:s2] =	stream.indirect.scatter.add.f32 [tilespmem:s5], [sflag:$0xE], $0x40, s18, s23, $0xb8;
	[tilespmem:$0x1B000] =	vst v63  }
0xf7: {  	_ =	swait.ge [sflag:s14], $0x2000  }
0xf8: {  	[sflag:s14] =	ssyncset.done $0x0  }
0xf9: {  	p0 =	slt.u32 s6, $0x9;
	[sflag:s14] =	ssyncadd.s32 $0xFFFFE000;
	s14 =	simm.s32 $0xF00  }
0xfa: {  	[spmem:s2] =	stream.indirect.scatter.add.f32 [tilespmem:s10], [sflag:$0xF], $0x40, s14, s23, $0xb8;
	[tilespmem:$0x1B000] =	vst v63  }
.Ltmp4:
0xfb: {  	_ = 	snop;
	(pc) =	sbr.rel @p0 .LBB2_4-.Ltmp4, $4  }
0xfc: {  	_ =	swait.ge [sflag:s28], $0x2000  }
0xfd: {  	[sflag:s28] =	ssyncset.done $0x0  }
0xfe: {  	s18 =	simm.s32 $0xF80;
	[sflag:s28] =	ssyncadd.s32 $0xFFFFE000  }
0xff: {  	[spmem:s2] =	stream.indirect.scatter.add.f32 [tilespmem:s11], [sflag:$0x10], $0x40, s18, s23, $0xb8;
	[tilespmem:$0x1B000] =	vst v63  }
0x100: {  	_ =	swait.ge [sflag:s26], $0x2000  }
0x101: {  	[sflag:s26] =	ssyncset.done $0x0  }
0x102: {  	[sflag:s26] =	ssyncadd.s32 $0xFFFFE000  }
0x103: {  	_ =	swait.ge [sflag:s8], $0x2000  }
0x104: {  	[sflag:s8] =	ssyncset.done $0x0  }
0x105: {  	[sflag:s8] =	ssyncadd.s32 $0xFFFFE000  }
0x106: {  	_ =	swait.ge [sflag:s24], $0x2000  }
0x107: {  	[sflag:s24] =	ssyncset.done $0x0  }
0x108: {  	[sflag:s24] =	ssyncadd.s32 $0xFFFFE000  }
0x109: {  	_ =	swait.ge [sflag:s21], $0x2000  }
0x10a: {  	[sflag:s21] =	ssyncset.done $0x0  }
0x10b: {  	[sflag:s21] =	ssyncadd.s32 $0xFFFFE000  }
0x10c: {  	_ =	swait.ge [sflag:s22], $0x2000  }
0x10d: {  	[sflag:s22] =	ssyncset.done $0x0  }
0x10e: {  	[sflag:s22] =	ssyncadd.s32 $0xFFFFE000  }
0x10f: {  	_ =	swait.ge [sflag:s19], $0x2000  }
0x110: {  	[sflag:s19] =	ssyncset.done $0x0  }
0x111: {  	[sflag:s19] =	ssyncadd.s32 $0xFFFFE000  }
0x112: {  	_ =	swait.ge [sflag:s20], $0x2000  }
.Ltmp5:
0x113: {  	[sflag:s20] =	ssyncset.done $0x0;
	(pc) =	sbr.rel .LBB2_5-.Ltmp5, $4  }
0x114: {  	[sflag:s20] =	ssyncadd.s32 $0xFFFFE000  }
0x115: {  	s31 =	simm.s32 $0x5000;
	s1 =	simm.s32 $0x7000;
	_ =	swait.ge [sflag:s29], $0x2000  }
0x116: {  	s7 =	simm.s32 $0x9000;
	s18 =	simm.s32 $0xB000;
	[sflag:s29] =	ssyncset.done $0x0  }
0x117: {  	s26 =	simm.s32 $0x800;
	[sflag:s29] =	ssyncadd.s32 $0xFFFFE000;
	s29 =	simm.s32 $0x3000  }
.LBB2_7:
0x118: {  	_ =	sfence.sel $0x180000  }
0x119: {  	[bflag:$0x0] =	sbarrier.arrive $0xFFFF  }
0x11a: {  	_ =	strace $0x90000047  }
0x11b: {  	s0 =	stileid.u32;
	[bflag:$0x2] =	sbarrier.arrive $0xFFFF  }
0x11c: {  	p0 =	sne.s32 s0, $0x0;
	s0 =	rddreg [dreg:$0x2]  }
0x11d: {  	s0 =	sadd.s32 @!p0 $0x100000, s0  }
0x11e: {  	[sflag:s0] =	ssyncadd.tile.s32 @!p0 $0x1;
	_ =	shalt  }
.Lfunc_end2:
_tile_overlayer_lowered:
.L_overlay_start_2:
0x11f: {  	(tag) =	ssettag $0x2  }
0x120: {  	s0 =	rddreg [dreg:$0x0];
	s2 =	stileid.u32  }
0x121: {  	s1 =	rddreg [dreg:$0x1];
	p0 =	sne.s32 s2, $0x0  }
0x122: {  	s3 =	rddreg [dreg:$0x2];
	[bflag:$0x3] =	sbarrier.arrive $0xFFFF;
	s2 =	simm.s32 @!p0 $0x1C15  }
0x123: {  	[timem:s3], [sflag:s2] =	dma.local @!p0 [hbm:s0], s1  }
0x124: {  	s0 =	simm.s32 @!p0 $0x15  }
0x125: {  	_ =	swait.ge @!p0 [sflag:s0], s1  }
0x126: {  	s1 =	ssub.s32 @!p0 $0x0, s1;
	[sflag:s0] =	ssyncset.done @!p0 $0x0  }
0x127: {  	[sflag:s0] =	ssyncadd.s32 @!p0 s1  }
0x128: {  	[bflag:$0x3] =	sbarrier.arrive $0xFFFF  }
0x129: {  	_ =	shalt  }

</sc_bundles>
